<compile_context>
chip_gen: v7x
topology: tpu7x:2x2x1
jax: 0.10.2.dev20260603
libtpu: 0.0.44.dev20260713+nightly
codegen_flags: <defaults>
</compile_context>

<pallas_src>
import functools

import jax
import jax.numpy as jnp
from jax import lax
from jax.experimental import pallas as pl
from jax.experimental.pallas import tpu as pltpu
from jax.experimental.pallas import tpu_sc as plsc

B, X, Y, Z, C = 2, 96, 96, 96, 2
ZP = 128
N = X * Y * Z
TOT = B * N
NC, NS = 2, 16
PPW = X // NS
_SX, _SY = Y * Z, Z

NPEN = 12
BL = NPEN * Z
GRPS = BL // 16
NCH = BL // 128

VROWS = B * X * Y * C
DROWS = B * X * 3 * Y
OROWS = B * X * Y


def _sc_call(body, interpret=False):
    return pl.kernel(
        body,
        out_type=(
            jax.ShapeDtypeStruct((OROWS * 2 * ZP,), jnp.float32),
            jax.ShapeDtypeStruct((TOT, 8), jnp.float32),
        ),
        mesh=plsc.VectorSubcoreMesh(core_axis_name="c", subcore_axis_name="s",
                                    num_cores=NC, num_subcores=NS),
        compiler_params=pltpu.CompilerParams(needs_layout_passes=False,
                                             use_tc_tiling_on_sc=False),
        scratch_types=[
            pltpu.VMEM((50, ZP), jnp.float32),
            pltpu.VMEM((2, 24 * Z, 8), jnp.float32),
            pltpu.VMEM((3, 48, ZP), jnp.float32),
            pltpu.VMEM((2, 2, BL), jnp.int32),
            pltpu.VMEM((2, 8, BL), jnp.float32),
            pltpu.VMEM((2, 2, BL, 8), jnp.float32),
            pltpu.VMEM((2, NPEN * 2 * ZP), jnp.float32),
            pltpu.SemaphoreType.DMA,
            pltpu.SemaphoreType.DMA,
            pltpu.SemaphoreType.DMA,
            pltpu.SemaphoreType.DMA,
            pltpu.SemaphoreType.DMA,
            pltpu.SemaphoreType.DMA,
        ],
        interpret=interpret,
    )


def _resample_body(volp, defp, out_hbm, table_hbm, stag_v, tbuf_v, coords_v,
                   idx_v, w_v, rows_v, out_v, sem, sem2, semta, semtb,
                   semoa, semob):
    core = lax.axis_index("c")
    sub = lax.axis_index("s")
    batch_row0 = core * N
    lanes = lax.iota(jnp.int32, 16)

    a_row = ((lanes % 8) // 4) * 2 + (lanes % 2)
    a_col = lanes // 8 + (lanes % 4) // 2
    t_row = lanes // 8
    t_col = lanes % 8

    def build_plane(xi, _):
        x = sub * PPW + xi
        vrow0 = (core * X + x) * (Y * C)
        for k in range(4):
            y0 = 24 * k
            tb = k % 2
            semt = (semta, semtb)[tb]
            nstage = 50 if k < 3 else 48
            pltpu.sync_copy(volp.at[pl.ds(vrow0 + 48 * k, nstage), :],
                            stag_v.at[pl.ds(0, nstage), :])

            def _wait_tb():
                pltpu.make_async_copy(
                    tbuf_v.at[tb], table_hbm.at[pl.ds(0, 24 * Z), :],
                    semt).wait()

            if k < 2:
                @pl.when(xi > 0)
                def _d():
                    _wait_tb()
            else:
                _wait_tb()

            def build_pencil(yl, _):
                rowc = a_row + 2 * yl
                trowc = t_row + yl * Z

                def build_grp(i, c2):
                    for u in range(4):
                        g = i * 4 + u
                        vals = plsc.load_gather(stag_v, [rowc, a_col + 2 * g])
                        plsc.store_scatter(tbuf_v.at[tb],
                                           [trowc + 2 * g, t_col], vals)
                    return c2

                lax.fori_loop(0, Z // 8, build_grp, 0)
                return _

            lax.fori_loop(0, 24, build_pencil, 0)
            t0 = batch_row0 + x * _SX + y0 * _SY
            pltpu.async_copy(tbuf_v.at[tb],
                             table_hbm.at[pl.ds(t0, 24 * Z), :], semt)
        return _

    lax.fori_loop(0, PPW, build_plane, 0)
    for tb in range(2):
        pltpu.make_async_copy(tbuf_v.at[tb],
                              table_hbm.at[pl.ds(0, 24 * Z), :],
                              (semta, semtb)[tb]).wait()
    plsc.subcore_barrier()

    zero = jnp.zeros((16,), jnp.int32)
    NBLK = PPW * (Y // NPEN)

    def blk_xy(t):
        x = sub * PPW + t // (Y // NPEN)
        y0 = (t % (Y // NPEN)) * NPEN
        return x, y0

    def stage_coords(t, pb):
        @pl.when(t % 4 == 0)
        def _stage():
            x = sub * PPW + t // (Y // NPEN)
            half = (t // 4) % 2
            drow0 = (core * X + x) * (3 * Y) + half * 48
            for comp in range(3):
                pltpu.sync_copy(defp.at[pl.ds(drow0 + comp * Y, 48), :],
                                coords_v.at[comp])

    def compute_idx(pb, t):
        ybase = (t % 4) * NPEN

        def grp_index(g, c2):
            yl = ybase + g // (Z // 16)
            zoff = (g % (Z // 16)) * 16
            xs = coords_v[0, yl, pl.ds(zoff, 16)]
            ys = coords_v[1, yl, pl.ds(zoff, 16)]
            zs = coords_v[2, yl, pl.ds(zoff, 16)]
            ix = jnp.minimum(xs.astype(jnp.int32), X - 2)
            iy = jnp.minimum(ys.astype(jnp.int32), Y - 2)
            iz = jnp.minimum(zs.astype(jnp.int32), Z - 2)
            fx = xs - ix.astype(jnp.float32)
            fy = ys - iy.astype(jnp.float32)
            fz = zs - iz.astype(jnp.float32)
            gx = 1.0 - fx
            gy = 1.0 - fy
            gz = 1.0 - fz
            v = batch_row0 + ix * _SX + iy * _SY + iz
            b16 = g * 16
            idx_v[pb, 0, pl.ds(b16, 16)] = v
            idx_v[pb, 1, pl.ds(b16, 16)] = v + _SX
            wyz = (gy * gz, gy * fz, fy * gz, fy * fz)
            for dy in (0, 1):
                for dz in (0, 1):
                    w_v[pb, dy * 2 + dz, pl.ds(b16, 16)] = gx * wyz[dy * 2 + dz]
                    w_v[pb, 4 + dy * 2 + dz, pl.ds(b16, 16)] = fx * wyz[dy * 2 + dz]
            return c2

        def grp_index2(i, c2):
            grp_index(i * 2, c2)
            grp_index(i * 2 + 1, c2)
            return c2

        lax.fori_loop(0, GRPS // 2, grp_index2, 0)

    def fire(pb, s):
        for dx in range(2):
            pltpu.async_copy(table_hbm.at[idx_v.at[pb, dx]],
                             rows_v.at[pb, dx], s)

    def drain(pb, s):
        for dx in range(2):
            pltpu.make_async_copy(table_hbm.at[idx_v.at[pb, dx]],
                                  rows_v.at[pb, dx], s).wait()

    def extract(t, pb):
        semo = (semoa, semob)[pb]

        @pl.when(t >= 2)
        def _wait_out():
            pltpu.make_async_copy(out_v.at[pb],
                                  out_hbm.at[pl.ds(0, NPEN * 2 * ZP)],
                                  semo).wait()

        def grp_acc(g, c2):
            yl = g // (Z // 16)
            zoff = (g % (Z // 16)) * 16
            b16 = g * 16
            posv = b16 + lanes
            acc0 = jnp.zeros((16,), jnp.float32)
            acc1 = jnp.zeros((16,), jnp.float32)
            for dx in range(2):
                rv = rows_v.at[pb, dx]
                for dy in range(2):
                    for dz in range(2):
                        w = w_v[pb, dx * 4 + dy * 2 + dz, pl.ds(b16, 16)]
                        f = dy * 4 + dz * 2
                        v0 = plsc.load_gather(rv, [posv, zero + f])
                        v1 = plsc.load_gather(rv, [posv, zero + f + 1])
                        acc0 = acc0 + w * v0
                        acc1 = acc1 + w * v1
            out_v[pb, pl.ds(yl * (2 * ZP) + zoff, 16)] = acc0
            out_v[pb, pl.ds(yl * (2 * ZP) + ZP + zoff, 16)] = acc1
            return c2

        def grp_acc2(i, c2):
            grp_acc(i * 2, c2)
            grp_acc(i * 2 + 1, c2)
            return c2

        lax.fori_loop(0, GRPS // 2, grp_acc2, 0)
        x, y0 = blk_xy(t)
        o0 = ((core * X + x) * Y + y0) * (2 * ZP)
        pltpu.async_copy(out_v.at[pb], out_hbm.at[pl.ds(o0, NPEN * 2 * ZP)],
                         semo)

    stage_coords(0, 0)
    compute_idx(0, 0)
    fire(0, sem)

    def pair(tt, _):
        t0 = tt * 2
        stage_coords(t0 + 1, 1)
        compute_idx(1, t0 + 1)
        fire(1, sem2)
        drain(0, sem)
        extract(t0, 0)

        @pl.when(t0 + 2 < NBLK)
        def _prep():
            stage_coords(t0 + 2, 0)
            compute_idx(0, t0 + 2)
            fire(0, sem)

        drain(1, sem2)
        extract(t0 + 1, 1)
        return _

    lax.fori_loop(0, NBLK // 2, pair, 0)
    for pb in range(2):
        pltpu.make_async_copy(out_v.at[pb],
                              out_hbm.at[pl.ds(0, NPEN * 2 * ZP)],
                              (semoa, semob)[pb]).wait()


_resample_sc = _sc_call(_resample_body)


def kernel(inputs, deformation):
    volp = jnp.pad(
        jnp.transpose(inputs, (0, 1, 2, 4, 3)).reshape(VROWS, Z),
        ((0, 0), (0, ZP - Z)))
    defp = jnp.pad(
        jnp.transpose(deformation, (0, 1, 4, 2, 3)).reshape(DROWS, Z),
        ((0, 0), (0, ZP - Z)))
    out_flat, _ = _resample_sc(volp, defp)
    out = out_flat.reshape(B, X, Y, C, ZP)[..., :Z]
    return jnp.transpose(out, (0, 1, 2, 4, 3))

# --- scband reference (transcript-rebuilt; emitter-appended) ---
"""Pipeline reference for scband-niftyreg-image-resampling-layer-13606456393817 (READ-ONLY COPY).

The authoritative reference and input builder live on the scoring server;
editing this copy changes nothing except your own understanding.
"""

import jax, jax.numpy as jnp
import numpy as np


def setup_inputs(seed: int = 0) -> dict:
    key = jax.random.key(seed)
    k1, k2 = jax.random.split(key)
    B, X, Y, Z, C = 2, 96, 96, 96, 2
    inputs = jax.random.normal(k1, (B, X, Y, Z, C), dtype=jnp.float32)
    # deformation gives absolute sampling coordinates (voxel space) per output voxel
    scale = jnp.asarray([X - 1, Y - 1, Z - 1], dtype=jnp.float32)
    deformation = jax.random.uniform(k2, (B, X, Y, Z, 3), dtype=jnp.float32) * scale
    return {"inputs": inputs, "deformation": deformation}


def _trilinear_zero(vol, coords):
    # vol: [X, Y, Z, C]; coords: [X', Y', Z', 3] absolute voxel coordinates.
    # LINEAR interpolation with ZERO boundary (out-of-bounds contributions are zero),
    # matching niftyreg_image_resampling(interpolation=1, boundary=0).
    X, Y, Z, C = vol.shape
    cf = jnp.floor(coords)
    frac = coords - cf
    i0 = cf.astype(jnp.int32)
    out = jnp.zeros(coords.shape[:-1] + (C,), dtype=vol.dtype)
    for dx in (0, 1):
        for dy in (0, 1):
            for dz in (0, 1):
                ix = i0[..., 0] + dx
                iy = i0[..., 1] + dy
                iz = i0[..., 2] + dz
                valid = (ix >= 0) & (ix < X) & (iy >= 0) & (iy < Y) & (iz >= 0) & (iz < Z)
                ixc = jnp.clip(ix, 0, X - 1)
                iyc = jnp.clip(iy, 0, Y - 1)
                izc = jnp.clip(iz, 0, Z - 1)
                v = vol[ixc, iyc, izc, :]  # gather: [X', Y', Z', C]
                wx = frac[..., 0] if dx else 1.0 - frac[..., 0]
                wy = frac[..., 1] if dy else 1.0 - frac[..., 1]
                wz = frac[..., 2] if dz else 1.0 - frac[..., 2]
                w = (wx * wy * wz) * valid.astype(vol.dtype)
                out = out + v * w[..., None]
    return out


def reference(inputs, deformation):
    # Layer semantics: output[b, i, j, k, c] = interp(inputs[b, :, :, :, c], deformation[b, i, j, k, :])
    # (the TF layer's _transpose round-trip only reorders axes for the CUDA op; net effect is this).
    return jax.vmap(_trilinear_zero)(inputs, deformation)

if __name__ == "__main__":
    import jax
    _d = setup_inputs()
    print(jax.jit(kernel)(*tuple(_d.values())))

</pallas_src>

<mosaic_0001>
#map = affine_map<(d0, d1) -> (0, 0)>
#map1 = affine_map<(d0, d1) -> (0)>
module attributes {stable_mosaic.version = 14 : i64} {
  func.func @_resample_body(%arg0: i32, %arg1: i32, %arg2: memref<36864x128xf32, #tpu.memory_space<hbm>>, %arg3: memref<55296x128xf32, #tpu.memory_space<hbm>>, %arg4: memref<4718592xf32, #tpu.memory_space<hbm>>, %arg5: memref<1769472x8xf32, #tpu.memory_space<hbm>>, %arg6: memref<50x128xf32, #tpu.memory_space<vmem>>, %arg7: memref<2x2304x8xf32, #tpu.memory_space<vmem>>, %arg8: memref<3x48x128xf32, #tpu.memory_space<vmem>>, %arg9: memref<2x2x1152xi32, #tpu.memory_space<vmem>>, %arg10: memref<2x8x1152xf32, #tpu.memory_space<vmem>>, %arg11: memref<2x2x1152x8xf32, #tpu.memory_space<vmem>>, %arg12: memref<2x3072xf32, #tpu.memory_space<vmem>>, %arg13: memref<!tpu.dma_semaphore, #tpu.memory_space<semaphore_mem>>, %arg14: memref<!tpu.dma_semaphore, #tpu.memory_space<semaphore_mem>>, %arg15: memref<!tpu.dma_semaphore, #tpu.memory_space<semaphore_mem>>, %arg16: memref<!tpu.dma_semaphore, #tpu.memory_space<semaphore_mem>>, %arg17: memref<!tpu.dma_semaphore, #tpu.memory_space<semaphore_mem>>, %arg18: memref<!tpu.dma_semaphore, #tpu.memory_space<semaphore_mem>>) attributes {dimension_semantics = [#tpu.dimension_semantics<core_parallel>, #tpu.dimension_semantics<subcore_parallel>], iteration_bounds = array<i64: 2, 16>, scalar_prefetch = 0 : i64, scratch_operands = 13 : i64, tpu.core_type = #tpu.core_type<sc_vector_subcore>, window_params = [{transform_indices = #map}, {transform_indices = #map}, {transform_indices = #map1}, {transform_indices = #map}]} {
    %mul3A = arith.constant 884736 : i32
    %mul3A_0 = arith.muli %arg0, %mul3A : i32
    %iota3A = tpu.iota {dimensions = array<i32: 0>} : vector<16xi32>
    %jit3A = arith.constant 8 : i32
    %eq3A = arith.constant 0 : i32
    %eq3A_1 = arith.cmpi eq, %jit3A, %eq3A : i32
    %jit3A_2 = arith.constant 1 : i32
    %select_n3A = arith.select %eq3A_1, %jit3A_2, %jit3A : i32
    %rem3A = vector.broadcast %select_n3A : i32 to vector<16xi32>
    %rem3A_3 = arith.remsi %iota3A, %rem3A : vector<16xi32>
    %ne3A = arith.constant 0 : i32
    %ne3A_4 = vector.broadcast %ne3A : i32 to vector<16xi32>
    %ne3A_5 = arith.cmpi ne, %rem3A_3, %ne3A_4 : vector<16xi32>
    %lt3A = arith.constant 0 : i32
    %lt3A_6 = vector.broadcast %lt3A : i32 to vector<16xi32>
    %lt3A_7 = arith.cmpi slt, %rem3A_3, %lt3A_6 : vector<16xi32>
    %lt3A_8 = arith.constant 0 : i32
    %lt3A_9 = arith.cmpi slt, %select_n3A, %lt3A_8 : i32
    %ne3A_10 = vector.broadcast %lt3A_9 : i1 to vector<16xi1>
    %ne3A_11 = vector.broadcast %ne3A_10 : vector<16xi1> to vector<16xi1>
    %ne3A_12 = arith.xori %lt3A_7, %ne3A_11 : vector<16xi1>
    %and3A = arith.andi %ne3A_12, %ne3A_5 : vector<16xi1>
    %add3A = vector.broadcast %select_n3A : i32 to vector<16xi32>
    %add3A_13 = arith.addi %rem3A_3, %add3A : vector<16xi32>
    %select_n3A_14 = arith.select %and3A, %add3A_13, %rem3A_3 : vector<16xi1>, vector<16xi32>
    %jit3A_15 = arith.constant 4 : i32
    %div3A = vector.broadcast %jit3A_15 : i32 to vector<16xi32>
    %div3A_16 = arith.divsi %select_n3A_14, %div3A : vector<16xi32>
    %sign3A = arith.constant 0 : i32
    %sign3A_17 = vector.broadcast %sign3A : i32 to vector<16xi32>
    %sign3A_18 = arith.cmpi sgt, %select_n3A_14, %sign3A_17 : vector<16xi32>
    %sign3A_19 = arith.extui %sign3A_18 : vector<16xi1> to vector<16xi32>
    %sign3A_20 = arith.constant 0 : i32
    %sign3A_21 = vector.broadcast %sign3A_20 : i32 to vector<16xi32>
    %sign3A_22 = arith.cmpi slt, %select_n3A_14, %sign3A_21 : vector<16xi32>
    %sign3A_23 = arith.extui %sign3A_22 : vector<16xi1> to vector<16xi32>
    %sign3A_24 = arith.subi %sign3A_19, %sign3A_23 : vector<16xi32>
    %sign3A_25 = arith.constant 0 : i32
    %sign3A_26 = arith.cmpi sgt, %jit3A_15, %sign3A_25 : i32
    %sign3A_27 = arith.extui %sign3A_26 : i1 to i32
    %sign3A_28 = arith.constant 0 : i32
    %sign3A_29 = arith.cmpi slt, %jit3A_15, %sign3A_28 : i32
    %sign3A_30 = arith.extui %sign3A_29 : i1 to i32
    %sign3A_31 = arith.subi %sign3A_27, %sign3A_30 : i32
    %ne3A_32 = vector.broadcast %sign3A_31 : i32 to vector<16xi32>
    %ne3A_33 = arith.cmpi ne, %sign3A_24, %ne3A_32 : vector<16xi32>
    %rem3A_34 = vector.broadcast %jit3A_15 : i32 to vector<16xi32>
    %rem3A_35 = arith.remsi %select_n3A_14, %rem3A_34 : vector<16xi32>
    %ne3A_36 = arith.constant 0 : i32
    %ne3A_37 = vector.broadcast %ne3A_36 : i32 to vector<16xi32>
    %ne3A_38 = arith.cmpi ne, %rem3A_35, %ne3A_37 : vector<16xi32>
    %and3A_39 = arith.andi %ne3A_33, %ne3A_38 : vector<16xi1>
    %sub3A = arith.constant 1 : i32
    %sub3A_40 = vector.broadcast %sub3A : i32 to vector<16xi32>
    %sub3A_41 = arith.subi %div3A_16, %sub3A_40 : vector<16xi32>
    %select_n3A_42 = arith.select %and3A_39, %sub3A_41, %div3A_16 : vector<16xi1>, vector<16xi32>
    %mul3A_43 = arith.constant 2 : i32
    %mul3A_44 = vector.broadcast %mul3A_43 : i32 to vector<16xi32>
    %mul3A_45 = arith.muli %select_n3A_42, %mul3A_44 : vector<16xi32>
    %jit3A_46 = arith.constant 2 : i32
    %eq3A_47 = arith.constant 0 : i32
    %eq3A_48 = arith.cmpi eq, %jit3A_46, %eq3A_47 : i32
    %jit3A_49 = arith.constant 1 : i32
    %select_n3A_50 = arith.select %eq3A_48, %jit3A_49, %jit3A_46 : i32
    %rem3A_51 = vector.broadcast %select_n3A_50 : i32 to vector<16xi32>
    %rem3A_52 = arith.remsi %iota3A, %rem3A_51 : vector<16xi32>
    %ne3A_53 = arith.constant 0 : i32
    %ne3A_54 = vector.broadcast %ne3A_53 : i32 to vector<16xi32>
    %ne3A_55 = arith.cmpi ne, %rem3A_52, %ne3A_54 : vector<16xi32>
    %lt3A_56 = arith.constant 0 : i32
    %lt3A_57 = vector.broadcast %lt3A_56 : i32 to vector<16xi32>
    %lt3A_58 = arith.cmpi slt, %rem3A_52, %lt3A_57 : vector<16xi32>
    %lt3A_59 = arith.constant 0 : i32
    %lt3A_60 = arith.cmpi slt, %select_n3A_50, %lt3A_59 : i32
    %ne3A_61 = vector.broadcast %lt3A_60 : i1 to vector<16xi1>
    %ne3A_62 = vector.broadcast %ne3A_61 : vector<16xi1> to vector<16xi1>
    %ne3A_63 = arith.xori %lt3A_58, %ne3A_62 : vector<16xi1>
    %and3A_64 = arith.andi %ne3A_63, %ne3A_55 : vector<16xi1>
    %add3A_65 = vector.broadcast %select_n3A_50 : i32 to vector<16xi32>
    %add3A_66 = arith.addi %rem3A_52, %add3A_65 : vector<16xi32>
    %select_n3A_67 = arith.select %and3A_64, %add3A_66, %rem3A_52 : vector<16xi1>, vector<16xi32>
    %add3A_68 = arith.addi %mul3A_45, %select_n3A_67 : vector<16xi32>
    %jit3A_69 = arith.constant 8 : i32
    %div3A_70 = vector.broadcast %jit3A_69 : i32 to vector<16xi32>
    %div3A_71 = arith.divsi %iota3A, %div3A_70 : vector<16xi32>
    %sign3A_72 = arith.constant 0 : i32
    %sign3A_73 = vector.broadcast %sign3A_72 : i32 to vector<16xi32>
    %sign3A_74 = arith.cmpi sgt, %iota3A, %sign3A_73 : vector<16xi32>
    %sign3A_75 = arith.extui %sign3A_74 : vector<16xi1> to vector<16xi32>
    %sign3A_76 = arith.constant 0 : i32
    %sign3A_77 = vector.broadcast %sign3A_76 : i32 to vector<16xi32>
    %sign3A_78 = arith.cmpi slt, %iota3A, %sign3A_77 : vector<16xi32>
    %sign3A_79 = arith.extui %sign3A_78 : vector<16xi1> to vector<16xi32>
    %sign3A_80 = arith.subi %sign3A_75, %sign3A_79 : vector<16xi32>
    %sign3A_81 = arith.constant 0 : i32
    %sign3A_82 = arith.cmpi sgt, %jit3A_69, %sign3A_81 : i32
    %sign3A_83 = arith.extui %sign3A_82 : i1 to i32
    %sign3A_84 = arith.constant 0 : i32
    %sign3A_85 = arith.cmpi slt, %jit3A_69, %sign3A_84 : i32
    %sign3A_86 = arith.extui %sign3A_85 : i1 to i32
    %sign3A_87 = arith.subi %sign3A_83, %sign3A_86 : i32
    %ne3A_88 = vector.broadcast %sign3A_87 : i32 to vector<16xi32>
    %ne3A_89 = arith.cmpi ne, %sign3A_80, %ne3A_88 : vector<16xi32>
    %rem3A_90 = vector.broadcast %jit3A_69 : i32 to vector<16xi32>
    %rem3A_91 = arith.remsi %iota3A, %rem3A_90 : vector<16xi32>
    %ne3A_92 = arith.constant 0 : i32
    %ne3A_93 = vector.broadcast %ne3A_92 : i32 to vector<16xi32>
    %ne3A_94 = arith.cmpi ne, %rem3A_91, %ne3A_93 : vector<16xi32>
    %and3A_95 = arith.andi %ne3A_89, %ne3A_94 : vector<16xi1>
    %sub3A_96 = arith.constant 1 : i32
    %sub3A_97 = vector.broadcast %sub3A_96 : i32 to vector<16xi32>
    %sub3A_98 = arith.subi %div3A_71, %sub3A_97 : vector<16xi32>
    %select_n3A_99 = arith.select %and3A_95, %sub3A_98, %div3A_71 : vector<16xi1>, vector<16xi32>
    %jit3A_100 = arith.constant 4 : i32
    %eq3A_101 = arith.constant 0 : i32
    %eq3A_102 = arith.cmpi eq, %jit3A_100, %eq3A_101 : i32
    %jit3A_103 = arith.constant 1 : i32
    %select_n3A_104 = arith.select %eq3A_102, %jit3A_103, %jit3A_100 : i32
    %rem3A_105 = vector.broadcast %select_n3A_104 : i32 to vector<16xi32>
    %rem3A_106 = arith.remsi %iota3A, %rem3A_105 : vector<16xi32>
    %ne3A_107 = arith.constant 0 : i32
    %ne3A_108 = vector.broadcast %ne3A_107 : i32 to vector<16xi32>
    %ne3A_109 = arith.cmpi ne, %rem3A_106, %ne3A_108 : vector<16xi32>
    %lt3A_110 = arith.constant 0 : i32
    %lt3A_111 = vector.broadcast %lt3A_110 : i32 to vector<16xi32>
    %lt3A_112 = arith.cmpi slt, %rem3A_106, %lt3A_111 : vector<16xi32>
    %lt3A_113 = arith.constant 0 : i32
    %lt3A_114 = arith.cmpi slt, %select_n3A_104, %lt3A_113 : i32
    %ne3A_115 = vector.broadcast %lt3A_114 : i1 to vector<16xi1>
    %ne3A_116 = vector.broadcast %ne3A_115 : vector<16xi1> to vector<16xi1>
    %ne3A_117 = arith.xori %lt3A_112, %ne3A_116 : vector<16xi1>
    %and3A_118 = arith.andi %ne3A_117, %ne3A_109 : vector<16xi1>
    %add3A_119 = vector.broadcast %select_n3A_104 : i32 to vector<16xi32>
    %add3A_120 = arith.addi %rem3A_106, %add3A_119 : vector<16xi32>
    %select_n3A_121 = arith.select %and3A_118, %add3A_120, %rem3A_106 : vector<16xi1>, vector<16xi32>
    %jit3A_122 = arith.constant 2 : i32
    %div3A_123 = vector.broadcast %jit3A_122 : i32 to vector<16xi32>
    %div3A_124 = arith.divsi %select_n3A_121, %div3A_123 : vector<16xi32>
    %sign3A_125 = arith.constant 0 : i32
    %sign3A_126 = vector.broadcast %sign3A_125 : i32 to vector<16xi32>
    %sign3A_127 = arith.cmpi sgt, %select_n3A_121, %sign3A_126 : vector<16xi32>
    %sign3A_128 = arith.extui %sign3A_127 : vector<16xi1> to vector<16xi32>
    %sign3A_129 = arith.constant 0 : i32
    %sign3A_130 = vector.broadcast %sign3A_129 : i32 to vector<16xi32>
    %sign3A_131 = arith.cmpi slt, %select_n3A_121, %sign3A_130 : vector<16xi32>
    %sign3A_132 = arith.extui %sign3A_131 : vector<16xi1> to vector<16xi32>
    %sign3A_133 = arith.subi %sign3A_128, %sign3A_132 : vector<16xi32>
    %sign3A_134 = arith.constant 0 : i32
    %sign3A_135 = arith.cmpi sgt, %jit3A_122, %sign3A_134 : i32
    %sign3A_136 = arith.extui %sign3A_135 : i1 to i32
    %sign3A_137 = arith.constant 0 : i32
    %sign3A_138 = arith.cmpi slt, %jit3A_122, %sign3A_137 : i32
    %sign3A_139 = arith.extui %sign3A_138 : i1 to i32
    %sign3A_140 = arith.subi %sign3A_136, %sign3A_139 : i32
    %ne3A_141 = vector.broadcast %sign3A_140 : i32 to vector<16xi32>
    %ne3A_142 = arith.cmpi ne, %sign3A_133, %ne3A_141 : vector<16xi32>
    %rem3A_143 = vector.broadcast %jit3A_122 : i32 to vector<16xi32>
    %rem3A_144 = arith.remsi %select_n3A_121, %rem3A_143 : vector<16xi32>
    %ne3A_145 = arith.constant 0 : i32
    %ne3A_146 = vector.broadcast %ne3A_145 : i32 to vector<16xi32>
    %ne3A_147 = arith.cmpi ne, %rem3A_144, %ne3A_146 : vector<16xi32>
    %and3A_148 = arith.andi %ne3A_142, %ne3A_147 : vector<16xi1>
    %sub3A_149 = arith.constant 1 : i32
    %sub3A_150 = vector.broadcast %sub3A_149 : i32 to vector<16xi32>
    %sub3A_151 = arith.subi %div3A_124, %sub3A_150 : vector<16xi32>
    %select_n3A_152 = arith.select %and3A_148, %sub3A_151, %div3A_124 : vector<16xi1>, vector<16xi32>
    %add3A_153 = arith.addi %select_n3A_99, %select_n3A_152 : vector<16xi32>
    %jit3A_154 = arith.constant 8 : i32
    %div3A_155 = vector.broadcast %jit3A_154 : i32 to vector<16xi32>
    %div3A_156 = arith.divsi %iota3A, %div3A_155 : vector<16xi32>
    %sign3A_157 = arith.constant 0 : i32
    %sign3A_158 = vector.broadcast %sign3A_157 : i32 to vector<16xi32>
    %sign3A_159 = arith.cmpi sgt, %iota3A, %sign3A_158 : vector<16xi32>
    %sign3A_160 = arith.extui %sign3A_159 : vector<16xi1> to vector<16xi32>
    %sign3A_161 = arith.constant 0 : i32
    %sign3A_162 = vector.broadcast %sign3A_161 : i32 to vector<16xi32>
    %sign3A_163 = arith.cmpi slt, %iota3A, %sign3A_162 : vector<16xi32>
    %sign3A_164 = arith.extui %sign3A_163 : vector<16xi1> to vector<16xi32>
    %sign3A_165 = arith.subi %sign3A_160, %sign3A_164 : vector<16xi32>
    %sign3A_166 = arith.constant 0 : i32
    %sign3A_167 = arith.cmpi sgt, %jit3A_154, %sign3A_166 : i32
    %sign3A_168 = arith.extui %sign3A_167 : i1 to i32
    %sign3A_169 = arith.constant 0 : i32
    %sign3A_170 = arith.cmpi slt, %jit3A_154, %sign3A_169 : i32
    %sign3A_171 = arith.extui %sign3A_170 : i1 to i32
    %sign3A_172 = arith.subi %sign3A_168, %sign3A_171 : i32
    %ne3A_173 = vector.broadcast %sign3A_172 : i32 to vector<16xi32>
    %ne3A_174 = arith.cmpi ne, %sign3A_165, %ne3A_173 : vector<16xi32>
    %rem3A_175 = vector.broadcast %jit3A_154 : i32 to vector<16xi32>
    %rem3A_176 = arith.remsi %iota3A, %rem3A_175 : vector<16xi32>
    %ne3A_177 = arith.constant 0 : i32
    %ne3A_178 = vector.broadcast %ne3A_177 : i32 to vector<16xi32>
    %ne3A_179 = arith.cmpi ne, %rem3A_176, %ne3A_178 : vector<16xi32>
    %and3A_180 = arith.andi %ne3A_174, %ne3A_179 : vector<16xi1>
    %sub3A_181 = arith.constant 1 : i32
    %sub3A_182 = vector.broadcast %sub3A_181 : i32 to vector<16xi32>
    %sub3A_183 = arith.subi %div3A_156, %sub3A_182 : vector<16xi32>
    %select_n3A_184 = arith.select %and3A_180, %sub3A_183, %div3A_156 : vector<16xi1>, vector<16xi32>
    %jit3A_185 = arith.constant 8 : i32
    %eq3A_186 = arith.constant 0 : i32
    %eq3A_187 = arith.cmpi eq, %jit3A_185, %eq3A_186 : i32
    %jit3A_188 = arith.constant 1 : i32
    %select_n3A_189 = arith.select %eq3A_187, %jit3A_188, %jit3A_185 : i32
    %rem3A_190 = vector.broadcast %select_n3A_189 : i32 to vector<16xi32>
    %rem3A_191 = arith.remsi %iota3A, %rem3A_190 : vector<16xi32>
    %ne3A_192 = arith.constant 0 : i32
    %ne3A_193 = vector.broadcast %ne3A_192 : i32 to vector<16xi32>
    %ne3A_194 = arith.cmpi ne, %rem3A_191, %ne3A_193 : vector<16xi32>
    %lt3A_195 = arith.constant 0 : i32
    %lt3A_196 = vector.broadcast %lt3A_195 : i32 to vector<16xi32>
    %lt3A_197 = arith.cmpi slt, %rem3A_191, %lt3A_196 : vector<16xi32>
    %lt3A_198 = arith.constant 0 : i32
    %lt3A_199 = arith.cmpi slt, %select_n3A_189, %lt3A_198 : i32
    %ne3A_200 = vector.broadcast %lt3A_199 : i1 to vector<16xi1>
    %ne3A_201 = vector.broadcast %ne3A_200 : vector<16xi1> to vector<16xi1>
    %ne3A_202 = arith.xori %lt3A_197, %ne3A_201 : vector<16xi1>
    %and3A_203 = arith.andi %ne3A_202, %ne3A_194 : vector<16xi1>
    %add3A_204 = vector.broadcast %select_n3A_189 : i32 to vector<16xi32>
    %add3A_205 = arith.addi %rem3A_191, %add3A_204 : vector<16xi32>
    %select_n3A_206 = arith.select %and3A_203, %add3A_205, %rem3A_191 : vector<16xi1>, vector<16xi32>
    %scan3A = arith.constant 0 : i32
    %scan3A_207 = arith.constant 0 : i32
    %scan3A_208 = arith.constant 6 : i32
    %scan3A_209 = arith.addi %scan3A_207, %scan3A_208 : i32
    %scan3A_210 = arith.constant 1 : i32
    scf.for %scan3A_322 = %scan3A_207 to %scan3A_209 step %scan3A_210  : i32 {
      %mul3A_323 = arith.constant 6 : i32
      %mul3A_324 = arith.muli %arg1, %mul3A_323 : i32
      %add3A_325 = arith.addi %mul3A_324, %scan3A_322 : i32
      %mul3A_326 = arith.constant 96 : i32
      %mul3A_327 = arith.muli %arg0, %mul3A_326 : i32
      %add3A_328 = arith.addi %mul3A_327, %add3A_325 : i32
      %mul3A_329 = arith.constant 192 : i32
      %mul3A_330 = arith.muli %add3A_328, %mul3A_329 : i32
      %add3A_331 = arith.constant 0 : i32
      %add3A_332 = arith.addi %mul3A_330, %add3A_331 : i32
      "tpu.region"() ({
        %run_scoped3A_472 = tpu.sem_alloc : memref<!tpu.dma_semaphore, #tpu.memory_space<semaphore_mem>>
        %dma_start3A_473 = arith.constant 0 : i32
        %dma_start3A_474 = arith.constant 0 : i32
        %dma_start3A_475 = tpu.memref_slice %arg6[%dma_start3A_473, %dma_start3A_474] : memref<50x128xf32, #tpu.memory_space<vmem>> -> memref<50x128xf32, #tpu.memory_space<vmem>>
        %dma_start3A_476 = arith.constant 0 : i32
        %dma_start3A_477 = tpu.memref_slice %arg2[%add3A_332, %dma_start3A_476] : memref<36864x128xf32, #tpu.memory_space<hbm>> -> memref<50x128xf32, #tpu.memory_space<hbm>>
        %dma_start3A_478 = arith.constant 0 : i32
        %dma_start3A_479 = arith.constant 0 : i32
        %dma_start3A_480 = tpu.memref_slice %arg6[%dma_start3A_478, %dma_start3A_479] : memref<50x128xf32, #tpu.memory_space<vmem>> -> memref<50x128xf32, #tpu.memory_space<vmem>>
        %dma_start3A_481 = arith.constant 0 : i32
        %dma_start3A_482 = tpu.memref_slice %arg2[%add3A_332, %dma_start3A_481] : memref<36864x128xf32, #tpu.memory_space<hbm>> -> memref<50x128xf32, #tpu.memory_space<hbm>>
        tpu.enqueue_dma source(%dma_start3A_482 : memref<50x128xf32, #tpu.memory_space<hbm>>) target(%dma_start3A_480 : memref<50x128xf32, #tpu.memory_space<vmem>>) target_semaphore(%run_scoped3A_472 : memref<!tpu.dma_semaphore, #tpu.memory_space<semaphore_mem>>)
        %dma_wait3A_483 = arith.constant 0 : i32
        %dma_wait3A_484 = arith.constant 0 : i32
        %dma_wait3A_485 = tpu.memref_slice %arg6[%dma_wait3A_483, %dma_wait3A_484] : memref<50x128xf32, #tpu.memory_space<vmem>> -> memref<50x128xf32, #tpu.memory_space<vmem>>
        %dma_wait3A_486 = arith.constant 0 : i32
        %dma_wait3A_487 = tpu.memref_slice %arg2[%add3A_332, %dma_wait3A_486] : memref<36864x128xf32, #tpu.memory_space<hbm>> -> memref<50x128xf32, #tpu.memory_space<hbm>>
        %dma_wait3A_488 = arith.constant 0 : i32
        %dma_wait3A_489 = arith.constant 0 : i32
        %dma_wait3A_490 = tpu.memref_slice %arg6[%dma_wait3A_488, %dma_wait3A_489] : memref<50x128xf32, #tpu.memory_space<vmem>> -> memref<50x128xf32, #tpu.memory_space<vmem>>
        %dma_wait3A_491 = arith.constant 0 : i32
        %dma_wait3A_492 = tpu.memref_slice %arg2[%add3A_332, %dma_wait3A_491] : memref<36864x128xf32, #tpu.memory_space<hbm>> -> memref<50x128xf32, #tpu.memory_space<hbm>>
        tpu.wait_dma2 semaphore(%run_scoped3A_472 : memref<!tpu.dma_semaphore, #tpu.memory_space<semaphore_mem>>) src(%dma_wait3A_492 : memref<50x128xf32, #tpu.memory_space<hbm>>) dst(%dma_wait3A_490 : memref<50x128xf32, #tpu.memory_space<vmem>>)
        tpu.yield
      }) : () -> ()
      %gt3A = arith.constant 0 : i32
      %gt3A_333 = arith.cmpi sgt, %scan3A_322, %gt3A : i32
      %convert_element_type3A = arith.extui %gt3A_333 : i1 to i32
      %cond3A = arith.constant 0 : i32
      %cond3A_334 = arith.cmpi ne, %convert_element_type3A, %cond3A : i32
      scf.if %cond3A_334 {
        %dma_wait3A_472 = arith.constant 0 : i32
        %dma_wait3A_473 = arith.constant 0 : i32
        %dma_wait3A_474 = arith.constant 0 : i32
        %dma_wait3A_475 = tpu.memref_slice %arg7[%dma_wait3A_472, %dma_wait3A_473, %dma_wait3A_474] : memref<2x2304x8xf32, #tpu.memory_space<vmem>> -> memref<1x2304x8xf32, #tpu.memory_space<vmem>>
        %dma_wait3A_476 = tpu.memref_squeeze %dma_wait3A_475 : memref<1x2304x8xf32, #tpu.memory_space<vmem>> -> memref<2304x8xf32, #tpu.memory_space<vmem>>
        %dma_wait3A_477 = arith.constant 0 : i32
        %dma_wait3A_478 = arith.constant 0 : i32
        %dma_wait3A_479 = tpu.memref_slice %arg5[%dma_wait3A_477, %dma_wait3A_478] : memref<1769472x8xf32, #tpu.memory_space<hbm>> -> memref<2304x8xf32, #tpu.memory_space<hbm>>
        %dma_wait3A_480 = arith.constant 0 : i32
        %dma_wait3A_481 = arith.constant 0 : i32
        %dma_wait3A_482 = tpu.memref_slice %arg5[%dma_wait3A_480, %dma_wait3A_481] : memref<1769472x8xf32, #tpu.memory_space<hbm>> -> memref<2304x8xf32, #tpu.memory_space<hbm>>
        %dma_wait3A_483 = arith.constant 0 : i32
        %dma_wait3A_484 = arith.constant 0 : i32
        %dma_wait3A_485 = tpu.memref_slice %arg7[%dma_wait3A_472, %dma_wait3A_483, %dma_wait3A_484] : memref<2x2304x8xf32, #tpu.memory_space<vmem>> -> memref<1x2304x8xf32, #tpu.memory_space<vmem>>
        %dma_wait3A_486 = tpu.memref_squeeze %dma_wait3A_485 : memref<1x2304x8xf32, #tpu.memory_space<vmem>> -> memref<2304x8xf32, #tpu.memory_space<vmem>>
        tpu.wait_dma2 semaphore(%arg15 : memref<!tpu.dma_semaphore, #tpu.memory_space<semaphore_mem>>) src(%dma_wait3A_486 : memref<2304x8xf32, #tpu.memory_space<vmem>>) dst(%dma_wait3A_482 : memref<2304x8xf32, #tpu.memory_space<hbm>>)
      } else {
      }
      %scan3A_335 = arith.constant 0 : i32
      %scan3A_336 = arith.constant 0 : i32
      %scan3A_337 = arith.constant 24 : i32
      %scan3A_338 = arith.addi %scan3A_336, %scan3A_337 : i32
      %scan3A_339 = arith.constant 1 : i32
      scf.for %scan3A_472 = %scan3A_336 to %scan3A_338 step %scan3A_339  : i32 {
        %mul3A_473 = arith.constant 2 : i32
        %mul3A_474 = arith.muli %mul3A_473, %scan3A_472 : i32
        %add3A_475 = vector.broadcast %mul3A_474 : i32 to vector<16xi32>
        %add3A_476 = arith.addi %add3A_68, %add3A_475 : vector<16xi32>
        %mul3A_477 = arith.constant 96 : i32
        %mul3A_478 = arith.muli %scan3A_472, %mul3A_477 : i32
        %add3A_479 = vector.broadcast %mul3A_478 : i32 to vector<16xi32>
        %add3A_480 = arith.addi %select_n3A_184, %add3A_479 : vector<16xi32>
        %scan3A_481 = arith.constant 0 : i32
        %scan3A_482 = arith.constant 0 : i32
        %scan3A_483 = arith.constant 12 : i32
        %scan3A_484 = arith.addi %scan3A_482, %scan3A_483 : i32
        %scan3A_485 = arith.constant 1 : i32
        scf.for %scan3A_487 = %scan3A_482 to %scan3A_484 step %scan3A_485  : i32 {
          %mul3A_488 = arith.constant 4 : i32
          %mul3A_489 = arith.muli %scan3A_487, %mul3A_488 : i32
          %add3A_490 = arith.constant 0 : i32
          %add3A_491 = arith.addi %mul3A_489, %add3A_490 : i32
          %mul3A_492 = arith.constant 2 : i32
          %mul3A_493 = arith.muli %mul3A_492, %add3A_491 : i32
          %add3A_494 = vector.broadcast %mul3A_493 : i32 to vector<16xi32>
          %add3A_495 = arith.addi %add3A_153, %add3A_494 : vector<16xi32>
          %gather3A = tpu.vector_load_idx %arg6[%add3A_476, %add3A_495] : memref<50x128xf32, #tpu.memory_space<vmem>>[vector<16xi32>, vector<16xi32>], vector<16xf32>,
          %mul3A_496 = arith.constant 2 : i32
          %mul3A_497 = arith.muli %mul3A_496, %add3A_491 : i32
          %add3A_498 = vector.broadcast %mul3A_497 : i32 to vector<16xi32>
          %add3A_499 = arith.addi %add3A_480, %add3A_498 : vector<16xi32>
          %scatter3A = arith.constant 0 : i32
          %scatter3A_500 = arith.constant 0 : i32
          %scatter3A_501 = arith.constant 0 : i32
          %scatter3A_502 = tpu.memref_slice %arg7[%scatter3A, %scatter3A_500, %scatter3A_501] : memref<2x2304x8xf32, #tpu.memory_space<vmem>> -> memref<1x2304x8xf32, #tpu.memory_space<vmem>>
          %scatter3A_503 = tpu.memref_squeeze %scatter3A_502 : memref<1x2304x8xf32, #tpu.memory_space<vmem>> -> memref<2304x8xf32, #tpu.memory_space<vmem>>
          tpu.vector_store_idx %scatter3A_503[%add3A_499, %select_n3A_206], %gather3A : memref<2304x8xf32, #tpu.memory_space<vmem>>[vector<16xi32>, vector<16xi32>], vector<16xf32>,
          %mul3A_504 = arith.constant 4 : i32
          %mul3A_505 = arith.muli %scan3A_487, %mul3A_504 : i32
          %add3A_506 = arith.constant 1 : i32
          %add3A_507 = arith.addi %mul3A_505, %add3A_506 : i32
          %mul3A_508 = arith.constant 2 : i32
          %mul3A_509 = arith.muli %mul3A_508, %add3A_507 : i32
          %add3A_510 = vector.broadcast %mul3A_509 : i32 to vector<16xi32>
          %add3A_511 = arith.addi %add3A_153, %add3A_510 : vector<16xi32>
          %gather3A_512 = tpu.vector_load_idx %arg6[%add3A_476, %add3A_511] : memref<50x128xf32, #tpu.memory_space<vmem>>[vector<16xi32>, vector<16xi32>], vector<16xf32>,
          %mul3A_513 = arith.constant 2 : i32
          %mul3A_514 = arith.muli %mul3A_513, %add3A_507 : i32
          %add3A_515 = vector.broadcast %mul3A_514 : i32 to vector<16xi32>
          %add3A_516 = arith.addi %add3A_480, %add3A_515 : vector<16xi32>
          %scatter3A_517 = arith.constant 0 : i32
          %scatter3A_518 = arith.constant 0 : i32
          %scatter3A_519 = arith.constant 0 : i32
          %scatter3A_520 = tpu.memref_slice %arg7[%scatter3A_517, %scatter3A_518, %scatter3A_519] : memref<2x2304x8xf32, #tpu.memory_space<vmem>> -> memref<1x2304x8xf32, #tpu.memory_space<vmem>>
          %scatter3A_521 = tpu.memref_squeeze %scatter3A_520 : memref<1x2304x8xf32, #tpu.memory_space<vmem>> -> memref<2304x8xf32, #tpu.memory_space<vmem>>
          tpu.vector_store_idx %scatter3A_521[%add3A_516, %select_n3A_206], %gather3A_512 : memref<2304x8xf32, #tpu.memory_space<vmem>>[vector<16xi32>, vector<16xi32>], vector<16xf32>,
          %mul3A_522 = arith.constant 4 : i32
          %mul3A_523 = arith.muli %scan3A_487, %mul3A_522 : i32
          %add3A_524 = arith.constant 2 : i32
          %add3A_525 = arith.addi %mul3A_523, %add3A_524 : i32
          %mul3A_526 = arith.constant 2 : i32
          %mul3A_527 = arith.muli %mul3A_526, %add3A_525 : i32
          %add3A_528 = vector.broadcast %mul3A_527 : i32 to vector<16xi32>
          %add3A_529 = arith.addi %add3A_153, %add3A_528 : vector<16xi32>
          %gather3A_530 = tpu.vector_load_idx %arg6[%add3A_476, %add3A_529] : memref<50x128xf32, #tpu.memory_space<vmem>>[vector<16xi32>, vector<16xi32>], vector<16xf32>,
          %mul3A_531 = arith.constant 2 : i32
          %mul3A_532 = arith.muli %mul3A_531, %add3A_525 : i32
          %add3A_533 = vector.broadcast %mul3A_532 : i32 to vector<16xi32>
          %add3A_534 = arith.addi %add3A_480, %add3A_533 : vector<16xi32>
          %scatter3A_535 = arith.constant 0 : i32
          %scatter3A_536 = arith.constant 0 : i32
          %scatter3A_537 = arith.constant 0 : i32
          %scatter3A_538 = tpu.memref_slice %arg7[%scatter3A_535, %scatter3A_536, %scatter3A_537] : memref<2x2304x8xf32, #tpu.memory_space<vmem>> -> memref<1x2304x8xf32, #tpu.memory_space<vmem>>
          %scatter3A_539 = tpu.memref_squeeze %scatter3A_538 : memref<1x2304x8xf32, #tpu.memory_space<vmem>> -> memref<2304x8xf32, #tpu.memory_space<vmem>>
          tpu.vector_store_idx %scatter3A_539[%add3A_534, %select_n3A_206], %gather3A_530 : memref<2304x8xf32, #tpu.memory_space<vmem>>[vector<16xi32>, vector<16xi32>], vector<16xf32>,
          %mul3A_540 = arith.constant 4 : i32
          %mul3A_541 = arith.muli %scan3A_487, %mul3A_540 : i32
          %add3A_542 = arith.constant 3 : i32
          %add3A_543 = arith.addi %mul3A_541, %add3A_542 : i32
          %mul3A_544 = arith.constant 2 : i32
          %mul3A_545 = arith.muli %mul3A_544, %add3A_543 : i32
          %add3A_546 = vector.broadcast %mul3A_545 : i32 to vector<16xi32>
          %add3A_547 = arith.addi %add3A_153, %add3A_546 : vector<16xi32>
          %gather3A_548 = tpu.vector_load_idx %arg6[%add3A_476, %add3A_547] : memref<50x128xf32, #tpu.memory_space<vmem>>[vector<16xi32>, vector<16xi32>], vector<16xf32>,
          %mul3A_549 = arith.constant 2 : i32
          %mul3A_550 = arith.muli %mul3A_549, %add3A_543 : i32
          %add3A_551 = vector.broadcast %mul3A_550 : i32 to vector<16xi32>
          %add3A_552 = arith.addi %add3A_480, %add3A_551 : vector<16xi32>
          %scatter3A_553 = arith.constant 0 : i32
          %scatter3A_554 = arith.constant 0 : i32
          %scatter3A_555 = arith.constant 0 : i32
          %scatter3A_556 = tpu.memref_slice %arg7[%scatter3A_553, %scatter3A_554, %scatter3A_555] : memref<2x2304x8xf32, #tpu.memory_space<vmem>> -> memref<1x2304x8xf32, #tpu.memory_space<vmem>>
          %scatter3A_557 = tpu.memref_squeeze %scatter3A_556 : memref<1x2304x8xf32, #tpu.memory_space<vmem>> -> memref<2304x8xf32, #tpu.memory_space<vmem>>
          tpu.vector_store_idx %scatter3A_557[%add3A_552, %select_n3A_206], %gather3A_548 : memref<2304x8xf32, #tpu.memory_space<vmem>>[vector<16xi32>, vector<16xi32>], vector<16xf32>,
        }
        %scan3A_486 = arith.constant 12 : i32
      }
      %scan3A_340 = arith.constant 24 : i32
      %mul3A_341 = arith.constant 9216 : i32
      %mul3A_342 = arith.muli %add3A_325, %mul3A_341 : i32
      %add3A_343 = arith.addi %mul3A_0, %mul3A_342 : i32
      %add3A_344 = arith.constant 0 : i32
      %add3A_345 = arith.addi %add3A_343, %add3A_344 : i32
      %dma_start3A_346 = arith.constant 0 : i32
      %dma_start3A_347 = arith.constant 0 : i32
      %dma_start3A_348 = arith.constant 0 : i32
      %dma_start3A_349 = tpu.memref_slice %arg7[%dma_start3A_346, %dma_start3A_347, %dma_start3A_348] : memref<2x2304x8xf32, #tpu.memory_space<vmem>> -> memref<1x2304x8xf32, #tpu.memory_space<vmem>>
      %dma_start3A_350 = tpu.memref_squeeze %dma_start3A_349 : memref<1x2304x8xf32, #tpu.memory_space<vmem>> -> memref<2304x8xf32, #tpu.memory_space<vmem>>
      %dma_start3A_351 = arith.constant 0 : i32
      %dma_start3A_352 = tpu.memref_slice %arg5[%add3A_345, %dma_start3A_351] : memref<1769472x8xf32, #tpu.memory_space<hbm>> -> memref<2304x8xf32, #tpu.memory_space<hbm>>
      %dma_start3A_353 = arith.constant 0 : i32
      %dma_start3A_354 = tpu.memref_slice %arg5[%add3A_345, %dma_start3A_353] : memref<1769472x8xf32, #tpu.memory_space<hbm>> -> memref<2304x8xf32, #tpu.memory_space<hbm>>
      %dma_start3A_355 = arith.constant 0 : i32
      %dma_start3A_356 = arith.constant 0 : i32
      %dma_start3A_357 = tpu.memref_slice %arg7[%dma_start3A_346, %dma_start3A_355, %dma_start3A_356] : memref<2x2304x8xf32, #tpu.memory_space<vmem>> -> memref<1x2304x8xf32, #tpu.memory_space<vmem>>
      %dma_start3A_358 = tpu.memref_squeeze %dma_start3A_357 : memref<1x2304x8xf32, #tpu.memory_space<vmem>> -> memref<2304x8xf32, #tpu.memory_space<vmem>>
      tpu.enqueue_dma source(%dma_start3A_358 : memref<2304x8xf32, #tpu.memory_space<vmem>>) target(%dma_start3A_354 : memref<2304x8xf32, #tpu.memory_space<hbm>>) target_semaphore(%arg15 : memref<!tpu.dma_semaphore, #tpu.memory_space<semaphore_mem>>)
      %add3A_359 = arith.constant 48 : i32
      %add3A_360 = arith.addi %mul3A_330, %add3A_359 : i32
      "tpu.region"() ({
        %run_scoped3A_472 = tpu.sem_alloc : memref<!tpu.dma_semaphore, #tpu.memory_space<semaphore_mem>>
        %dma_start3A_473 = arith.constant 0 : i32
        %dma_start3A_474 = arith.constant 0 : i32
        %dma_start3A_475 = tpu.memref_slice %arg6[%dma_start3A_473, %dma_start3A_474] : memref<50x128xf32, #tpu.memory_space<vmem>> -> memref<50x128xf32, #tpu.memory_space<vmem>>
        %dma_start3A_476 = arith.constant 0 : i32
        %dma_start3A_477 = tpu.memref_slice %arg2[%add3A_360, %dma_start3A_476] : memref<36864x128xf32, #tpu.memory_space<hbm>> -> memref<50x128xf32, #tpu.memory_space<hbm>>
        %dma_start3A_478 = arith.constant 0 : i32
        %dma_start3A_479 = arith.constant 0 : i32
        %dma_start3A_480 = tpu.memref_slice %arg6[%dma_start3A_478, %dma_start3A_479] : memref<50x128xf32, #tpu.memory_space<vmem>> -> memref<50x128xf32, #tpu.memory_space<vmem>>
        %dma_start3A_481 = arith.constant 0 : i32
        %dma_start3A_482 = tpu.memref_slice %arg2[%add3A_360, %dma_start3A_481] : memref<36864x128xf32, #tpu.memory_space<hbm>> -> memref<50x128xf32, #tpu.memory_space<hbm>>
        tpu.enqueue_dma source(%dma_start3A_482 : memref<50x128xf32, #tpu.memory_space<hbm>>) target(%dma_start3A_480 : memref<50x128xf32, #tpu.memory_space<vmem>>) target_semaphore(%run_scoped3A_472 : memref<!tpu.dma_semaphore, #tpu.memory_space<semaphore_mem>>)
        %dma_wait3A_483 = arith.constant 0 : i32
        %dma_wait3A_484 = arith.constant 0 : i32
        %dma_wait3A_485 = tpu.memref_slice %arg6[%dma_wait3A_483, %dma_wait3A_484] : memref<50x128xf32, #tpu.memory_space<vmem>> -> memref<50x128xf32, #tpu.memory_space<vmem>>
        %dma_wait3A_486 = arith.constant 0 : i32
        %dma_wait3A_487 = tpu.memref_slice %arg2[%add3A_360, %dma_wait3A_486] : memref<36864x128xf32, #tpu.memory_space<hbm>> -> memref<50x128xf32, #tpu.memory_space<hbm>>
        %dma_wait3A_488 = arith.constant 0 : i32
        %dma_wait3A_489 = arith.constant 0 : i32
        %dma_wait3A_490 = tpu.memref_slice %arg6[%dma_wait3A_488, %dma_wait3A_489] : memref<50x128xf32, #tpu.memory_space<vmem>> -> memref<50x128xf32, #tpu.memory_space<vmem>>
        %dma_wait3A_491 = arith.constant 0 : i32
        %dma_wait3A_492 = tpu.memref_slice %arg2[%add3A_360, %dma_wait3A_491] : memref<36864x128xf32, #tpu.memory_space<hbm>> -> memref<50x128xf32, #tpu.memory_space<hbm>>
        tpu.wait_dma2 semaphore(%run_scoped3A_472 : memref<!tpu.dma_semaphore, #tpu.memory_space<semaphore_mem>>) src(%dma_wait3A_492 : memref<50x128xf32, #tpu.memory_space<hbm>>) dst(%dma_wait3A_490 : memref<50x128xf32, #tpu.memory_space<vmem>>)
        tpu.yield
      }) : () -> ()
      %gt3A_361 = arith.constant 0 : i32
      %gt3A_362 = arith.cmpi sgt, %scan3A_322, %gt3A_361 : i32
      %convert_element_type3A_363 = arith.extui %gt3A_362 : i1 to i32
      %cond3A_364 = arith.constant 0 : i32
      %cond3A_365 = arith.cmpi ne, %convert_element_type3A_363, %cond3A_364 : i32
      scf.if %cond3A_365 {
        %dma_wait3A_472 = arith.constant 1 : i32
        %dma_wait3A_473 = arith.constant 0 : i32
        %dma_wait3A_474 = arith.constant 0 : i32
        %dma_wait3A_475 = tpu.memref_slice %arg7[%dma_wait3A_472, %dma_wait3A_473, %dma_wait3A_474] : memref<2x2304x8xf32, #tpu.memory_space<vmem>> -> memref<1x2304x8xf32, #tpu.memory_space<vmem>>
        %dma_wait3A_476 = tpu.memref_squeeze %dma_wait3A_475 : memref<1x2304x8xf32, #tpu.memory_space<vmem>> -> memref<2304x8xf32, #tpu.memory_space<vmem>>
        %dma_wait3A_477 = arith.constant 0 : i32
        %dma_wait3A_478 = arith.constant 0 : i32
        %dma_wait3A_479 = tpu.memref_slice %arg5[%dma_wait3A_477, %dma_wait3A_478] : memref<1769472x8xf32, #tpu.memory_space<hbm>> -> memref<2304x8xf32, #tpu.memory_space<hbm>>
        %dma_wait3A_480 = arith.constant 0 : i32
        %dma_wait3A_481 = arith.constant 0 : i32
        %dma_wait3A_482 = tpu.memref_slice %arg5[%dma_wait3A_480, %dma_wait3A_481] : memref<1769472x8xf32, #tpu.memory_space<hbm>> -> memref<2304x8xf32, #tpu.memory_space<hbm>>
        %dma_wait3A_483 = arith.constant 0 : i32
        %dma_wait3A_484 = arith.constant 0 : i32
        %dma_wait3A_485 = tpu.memref_slice %arg7[%dma_wait3A_472, %dma_wait3A_483, %dma_wait3A_484] : memref<2x2304x8xf32, #tpu.memory_space<vmem>> -> memref<1x2304x8xf32, #tpu.memory_space<vmem>>
        %dma_wait3A_486 = tpu.memref_squeeze %dma_wait3A_485 : memref<1x2304x8xf32, #tpu.memory_space<vmem>> -> memref<2304x8xf32, #tpu.memory_space<vmem>>
        tpu.wait_dma2 semaphore(%arg16 : memref<!tpu.dma_semaphore, #tpu.memory_space<semaphore_mem>>) src(%dma_wait3A_486 : memref<2304x8xf32, #tpu.memory_space<vmem>>) dst(%dma_wait3A_482 : memref<2304x8xf32, #tpu.memory_space<hbm>>)
      } else {
      }
      %scan3A_366 = arith.constant 0 : i32
      %scan3A_367 = arith.constant 0 : i32
      %scan3A_368 = arith.constant 24 : i32
      %scan3A_369 = arith.addi %scan3A_367, %scan3A_368 : i32
      %scan3A_370 = arith.constant 1 : i32
      scf.for %scan3A_472 = %scan3A_367 to %scan3A_369 step %scan3A_370  : i32 {
        %mul3A_473 = arith.constant 2 : i32
        %mul3A_474 = arith.muli %mul3A_473, %scan3A_472 : i32
        %add3A_475 = vector.broadcast %mul3A_474 : i32 to vector<16xi32>
        %add3A_476 = arith.addi %add3A_68, %add3A_475 : vector<16xi32>
        %mul3A_477 = arith.constant 96 : i32
        %mul3A_478 = arith.muli %scan3A_472, %mul3A_477 : i32
        %add3A_479 = vector.broadcast %mul3A_478 : i32 to vector<16xi32>
        %add3A_480 = arith.addi %select_n3A_184, %add3A_479 : vector<16xi32>
        %scan3A_481 = arith.constant 0 : i32
        %scan3A_482 = arith.constant 0 : i32
        %scan3A_483 = arith.constant 12 : i32
        %scan3A_484 = arith.addi %scan3A_482, %scan3A_483 : i32
        %scan3A_485 = arith.constant 1 : i32
        scf.for %scan3A_487 = %scan3A_482 to %scan3A_484 step %scan3A_485  : i32 {
          %mul3A_488 = arith.constant 4 : i32
          %mul3A_489 = arith.muli %scan3A_487, %mul3A_488 : i32
          %add3A_490 = arith.constant 0 : i32
          %add3A_491 = arith.addi %mul3A_489, %add3A_490 : i32
          %mul3A_492 = arith.constant 2 : i32
          %mul3A_493 = arith.muli %mul3A_492, %add3A_491 : i32
          %add3A_494 = vector.broadcast %mul3A_493 : i32 to vector<16xi32>
          %add3A_495 = arith.addi %add3A_153, %add3A_494 : vector<16xi32>
          %gather3A = tpu.vector_load_idx %arg6[%add3A_476, %add3A_495] : memref<50x128xf32, #tpu.memory_space<vmem>>[vector<16xi32>, vector<16xi32>], vector<16xf32>,
          %mul3A_496 = arith.constant 2 : i32
          %mul3A_497 = arith.muli %mul3A_496, %add3A_491 : i32
          %add3A_498 = vector.broadcast %mul3A_497 : i32 to vector<16xi32>
          %add3A_499 = arith.addi %add3A_480, %add3A_498 : vector<16xi32>
          %scatter3A = arith.constant 1 : i32
          %scatter3A_500 = arith.constant 0 : i32
          %scatter3A_501 = arith.constant 0 : i32
          %scatter3A_502 = tpu.memref_slice %arg7[%scatter3A, %scatter3A_500, %scatter3A_501] : memref<2x2304x8xf32, #tpu.memory_space<vmem>> -> memref<1x2304x8xf32, #tpu.memory_space<vmem>>
          %scatter3A_503 = tpu.memref_squeeze %scatter3A_502 : memref<1x2304x8xf32, #tpu.memory_space<vmem>> -> memref<2304x8xf32, #tpu.memory_space<vmem>>
          tpu.vector_store_idx %scatter3A_503[%add3A_499, %select_n3A_206], %gather3A : memref<2304x8xf32, #tpu.memory_space<vmem>>[vector<16xi32>, vector<16xi32>], vector<16xf32>,
          %mul3A_504 = arith.constant 4 : i32
          %mul3A_505 = arith.muli %scan3A_487, %mul3A_504 : i32
          %add3A_506 = arith.constant 1 : i32
          %add3A_507 = arith.addi %mul3A_505, %add3A_506 : i32
          %mul3A_508 = arith.constant 2 : i32
          %mul3A_509 = arith.muli %mul3A_508, %add3A_507 : i32
          %add3A_510 = vector.broadcast %mul3A_509 : i32 to vector<16xi32>
          %add3A_511 = arith.addi %add3A_153, %add3A_510 : vector<16xi32>
          %gather3A_512 = tpu.vector_load_idx %arg6[%add3A_476, %add3A_511] : memref<50x128xf32, #tpu.memory_space<vmem>>[vector<16xi32>, vector<16xi32>], vector<16xf32>,
          %mul3A_513 = arith.constant 2 : i32
          %mul3A_514 = arith.muli %mul3A_513, %add3A_507 : i32
          %add3A_515 = vector.broadcast %mul3A_514 : i32 to vector<16xi32>
          %add3A_516 = arith.addi %add3A_480, %add3A_515 : vector<16xi32>
          %scatter3A_517 = arith.constant 1 : i32
          %scatter3A_518 = arith.constant 0 : i32
          %scatter3A_519 = arith.constant 0 : i32
          %scatter3A_520 = tpu.memref_slice %arg7[%scatter3A_517, %scatter3A_518, %scatter3A_519] : memref<2x2304x8xf32, #tpu.memory_space<vmem>> -> memref<1x2304x8xf32, #tpu.memory_space<vmem>>
          %scatter3A_521 = tpu.memref_squeeze %scatter3A_520 : memref<1x2304x8xf32, #tpu.memory_space<vmem>> -> memref<2304x8xf32, #tpu.memory_space<vmem>>
          tpu.vector_store_idx %scatter3A_521[%add3A_516, %select_n3A_206], %gather3A_512 : memref<2304x8xf32, #tpu.memory_space<vmem>>[vector<16xi32>, vector<16xi32>], vector<16xf32>,
          %mul3A_522 = arith.constant 4 : i32
          %mul3A_523 = arith.muli %scan3A_487, %mul3A_522 : i32
          %add3A_524 = arith.constant 2 : i32
          %add3A_525 = arith.addi %mul3A_523, %add3A_524 : i32
          %mul3A_526 = arith.constant 2 : i32
          %mul3A_527 = arith.muli %mul3A_526, %add3A_525 : i32
          %add3A_528 = vector.broadcast %mul3A_527 : i32 to vector<16xi32>
          %add3A_529 = arith.addi %add3A_153, %add3A_528 : vector<16xi32>
          %gather3A_530 = tpu.vector_load_idx %arg6[%add3A_476, %add3A_529] : memref<50x128xf32, #tpu.memory_space<vmem>>[vector<16xi32>, vector<16xi32>], vector<16xf32>,
          %mul3A_531 = arith.constant 2 : i32
          %mul3A_532 = arith.muli %mul3A_531, %add3A_525 : i32
          %add3A_533 = vector.broadcast %mul3A_532 : i32 to vector<16xi32>
          %add3A_534 = arith.addi %add3A_480, %add3A_533 : vector<16xi32>
          %scatter3A_535 = arith.constant 1 : i32
          %scatter3A_536 = arith.constant 0 : i32
          %scatter3A_537 = arith.constant 0 : i32
          %scatter3A_538 = tpu.memref_slice %arg7[%scatter3A_535, %scatter3A_536, %scatter3A_537] : memref<2x2304x8xf32, #tpu.memory_space<vmem>> -> memref<1x2304x8xf32, #tpu.memory_space<vmem>>
          %scatter3A_539 = tpu.memref_squeeze %scatter3A_538 : memref<1x2304x8xf32, #tpu.memory_space<vmem>> -> memref<2304x8xf32, #tpu.memory_space<vmem>>
          tpu.vector_store_idx %scatter3A_539[%add3A_534, %select_n3A_206], %gather3A_530 : memref<2304x8xf32, #tpu.memory_space<vmem>>[vector<16xi32>, vector<16xi32>], vector<16xf32>,
          %mul3A_540 = arith.constant 4 : i32
          %mul3A_541 = arith.muli %scan3A_487, %mul3A_540 : i32
          %add3A_542 = arith.constant 3 : i32
          %add3A_543 = arith.addi %mul3A_541, %add3A_542 : i32
          %mul3A_544 = arith.constant 2 : i32
          %mul3A_545 = arith.muli %mul3A_544, %add3A_543 : i32
          %add3A_546 = vector.broadcast %mul3A_545 : i32 to vector<16xi32>
          %add3A_547 = arith.addi %add3A_153, %add3A_546 : vector<16xi32>
          %gather3A_548 = tpu.vector_load_idx %arg6[%add3A_476, %add3A_547] : memref<50x128xf32, #tpu.memory_space<vmem>>[vector<16xi32>, vector<16xi32>], vector<16xf32>,
          %mul3A_549 = arith.constant 2 : i32
          %mul3A_550 = arith.muli %mul3A_549, %add3A_543 : i32
          %add3A_551 = vector.broadcast %mul3A_550 : i32 to vector<16xi32>
          %add3A_552 = arith.addi %add3A_480, %add3A_551 : vector<16xi32>
          %scatter3A_553 = arith.constant 1 : i32
          %scatter3A_554 = arith.constant 0 : i32
          %scatter3A_555 = arith.constant 0 : i32
          %scatter3A_556 = tpu.memref_slice %arg7[%scatter3A_553, %scatter3A_554, %scatter3A_555] : memref<2x2304x8xf32, #tpu.memory_space<vmem>> -> memref<1x2304x8xf32, #tpu.memory_space<vmem>>
          %scatter3A_557 = tpu.memref_squeeze %scatter3A_556 : memref<1x2304x8xf32, #tpu.memory_space<vmem>> -> memref<2304x8xf32, #tpu.memory_space<vmem>>
          tpu.vector_store_idx %scatter3A_557[%add3A_552, %select_n3A_206], %gather3A_548 : memref<2304x8xf32, #tpu.memory_space<vmem>>[vector<16xi32>, vector<16xi32>], vector<16xf32>,
        }
        %scan3A_486 = arith.constant 12 : i32
      }
      %scan3A_371 = arith.constant 24 : i32
      %mul3A_372 = arith.constant 9216 : i32
      %mul3A_373 = arith.muli %add3A_325, %mul3A_372 : i32
      %add3A_374 = arith.addi %mul3A_0, %mul3A_373 : i32
      %add3A_375 = arith.constant 2304 : i32
      %add3A_376 = arith.addi %add3A_374, %add3A_375 : i32
      %dma_start3A_377 = arith.constant 1 : i32
      %dma_start3A_378 = arith.constant 0 : i32
      %dma_start3A_379 = arith.constant 0 : i32
      %dma_start3A_380 = tpu.memref_slice %arg7[%dma_start3A_377, %dma_start3A_378, %dma_start3A_379] : memref<2x2304x8xf32, #tpu.memory_space<vmem>> -> memref<1x2304x8xf32, #tpu.memory_space<vmem>>
      %dma_start3A_381 = tpu.memref_squeeze %dma_start3A_380 : memref<1x2304x8xf32, #tpu.memory_space<vmem>> -> memref<2304x8xf32, #tpu.memory_space<vmem>>
      %dma_start3A_382 = arith.constant 0 : i32
      %dma_start3A_383 = tpu.memref_slice %arg5[%add3A_376, %dma_start3A_382] : memref<1769472x8xf32, #tpu.memory_space<hbm>> -> memref<2304x8xf32, #tpu.memory_space<hbm>>
      %dma_start3A_384 = arith.constant 0 : i32
      %dma_start3A_385 = tpu.memref_slice %arg5[%add3A_376, %dma_start3A_384] : memref<1769472x8xf32, #tpu.memory_space<hbm>> -> memref<2304x8xf32, #tpu.memory_space<hbm>>
      %dma_start3A_386 = arith.constant 0 : i32
      %dma_start3A_387 = arith.constant 0 : i32
      %dma_start3A_388 = tpu.memref_slice %arg7[%dma_start3A_377, %dma_start3A_386, %dma_start3A_387] : memref<2x2304x8xf32, #tpu.memory_space<vmem>> -> memref<1x2304x8xf32, #tpu.memory_space<vmem>>
      %dma_start3A_389 = tpu.memref_squeeze %dma_start3A_388 : memref<1x2304x8xf32, #tpu.memory_space<vmem>> -> memref<2304x8xf32, #tpu.memory_space<vmem>>
      tpu.enqueue_dma source(%dma_start3A_389 : memref<2304x8xf32, #tpu.memory_space<vmem>>) target(%dma_start3A_385 : memref<2304x8xf32, #tpu.memory_space<hbm>>) target_semaphore(%arg16 : memref<!tpu.dma_semaphore, #tpu.memory_space<semaphore_mem>>)
      %add3A_390 = arith.constant 96 : i32
      %add3A_391 = arith.addi %mul3A_330, %add3A_390 : i32
      "tpu.region"() ({
        %run_scoped3A_472 = tpu.sem_alloc : memref<!tpu.dma_semaphore, #tpu.memory_space<semaphore_mem>>
        %dma_start3A_473 = arith.constant 0 : i32
        %dma_start3A_474 = arith.constant 0 : i32
        %dma_start3A_475 = tpu.memref_slice %arg6[%dma_start3A_473, %dma_start3A_474] : memref<50x128xf32, #tpu.memory_space<vmem>> -> memref<50x128xf32, #tpu.memory_space<vmem>>
        %dma_start3A_476 = arith.constant 0 : i32
        %dma_start3A_477 = tpu.memref_slice %arg2[%add3A_391, %dma_start3A_476] : memref<36864x128xf32, #tpu.memory_space<hbm>> -> memref<50x128xf32, #tpu.memory_space<hbm>>
        %dma_start3A_478 = arith.constant 0 : i32
        %dma_start3A_479 = arith.constant 0 : i32
        %dma_start3A_480 = tpu.memref_slice %arg6[%dma_start3A_478, %dma_start3A_479] : memref<50x128xf32, #tpu.memory_space<vmem>> -> memref<50x128xf32, #tpu.memory_space<vmem>>
        %dma_start3A_481 = arith.constant 0 : i32
        %dma_start3A_482 = tpu.memref_slice %arg2[%add3A_391, %dma_start3A_481] : memref<36864x128xf32, #tpu.memory_space<hbm>> -> memref<50x128xf32, #tpu.memory_space<hbm>>
        tpu.enqueue_dma source(%dma_start3A_482 : memref<50x128xf32, #tpu.memory_space<hbm>>) target(%dma_start3A_480 : memref<50x128xf32, #tpu.memory_space<vmem>>) target_semaphore(%run_scoped3A_472 : memref<!tpu.dma_semaphore, #tpu.memory_space<semaphore_mem>>)
        %dma_wait3A_483 = arith.constant 0 : i32
        %dma_wait3A_484 = arith.constant 0 : i32
        %dma_wait3A_485 = tpu.memref_slice %arg6[%dma_wait3A_483, %dma_wait3A_484] : memref<50x128xf32, #tpu.memory_space<vmem>> -> memref<50x128xf32, #tpu.memory_space<vmem>>
        %dma_wait3A_486 = arith.constant 0 : i32
        %dma_wait3A_487 = tpu.memref_slice %arg2[%add3A_391, %dma_wait3A_486] : memref<36864x128xf32, #tpu.memory_space<hbm>> -> memref<50x128xf32, #tpu.memory_space<hbm>>
        %dma_wait3A_488 = arith.constant 0 : i32
        %dma_wait3A_489 = arith.constant 0 : i32
        %dma_wait3A_490 = tpu.memref_slice %arg6[%dma_wait3A_488, %dma_wait3A_489] : memref<50x128xf32, #tpu.memory_space<vmem>> -> memref<50x128xf32, #tpu.memory_space<vmem>>
        %dma_wait3A_491 = arith.constant 0 : i32
        %dma_wait3A_492 = tpu.memref_slice %arg2[%add3A_391, %dma_wait3A_491] : memref<36864x128xf32, #tpu.memory_space<hbm>> -> memref<50x128xf32, #tpu.memory_space<hbm>>
        tpu.wait_dma2 semaphore(%run_scoped3A_472 : memref<!tpu.dma_semaphore, #tpu.memory_space<semaphore_mem>>) src(%dma_wait3A_492 : memref<50x128xf32, #tpu.memory_space<hbm>>) dst(%dma_wait3A_490 : memref<50x128xf32, #tpu.memory_space<vmem>>)
        tpu.yield
      }) : () -> ()
      %dma_wait3A_392 = arith.constant 0 : i32
      %dma_wait3A_393 = arith.constant 0 : i32
      %dma_wait3A_394 = arith.constant 0 : i32
      %dma_wait3A_395 = tpu.memref_slice %arg7[%dma_wait3A_392, %dma_wait3A_393, %dma_wait3A_394] : memref<2x2304x8xf32, #tpu.memory_space<vmem>> -> memref<1x2304x8xf32, #tpu.memory_space<vmem>>
      %dma_wait3A_396 = tpu.memref_squeeze %dma_wait3A_395 : memref<1x2304x8xf32, #tpu.memory_space<vmem>> -> memref<2304x8xf32, #tpu.memory_space<vmem>>
      %dma_wait3A_397 = arith.constant 0 : i32
      %dma_wait3A_398 = arith.constant 0 : i32
      %dma_wait3A_399 = tpu.memref_slice %arg5[%dma_wait3A_397, %dma_wait3A_398] : memref<1769472x8xf32, #tpu.memory_space<hbm>> -> memref<2304x8xf32, #tpu.memory_space<hbm>>
      %dma_wait3A_400 = arith.constant 0 : i32
      %dma_wait3A_401 = arith.constant 0 : i32
      %dma_wait3A_402 = tpu.memref_slice %arg5[%dma_wait3A_400, %dma_wait3A_401] : memref<1769472x8xf32, #tpu.memory_space<hbm>> -> memref<2304x8xf32, #tpu.memory_space<hbm>>
      %dma_wait3A_403 = arith.constant 0 : i32
      %dma_wait3A_404 = arith.constant 0 : i32
      %dma_wait3A_405 = tpu.memref_slice %arg7[%dma_wait3A_392, %dma_wait3A_403, %dma_wait3A_404] : memref<2x2304x8xf32, #tpu.memory_space<vmem>> -> memref<1x2304x8xf32, #tpu.memory_space<vmem>>
      %dma_wait3A_406 = tpu.memref_squeeze %dma_wait3A_405 : memref<1x2304x8xf32, #tpu.memory_space<vmem>> -> memref<2304x8xf32, #tpu.memory_space<vmem>>
      tpu.wait_dma2 semaphore(%arg15 : memref<!tpu.dma_semaphore, #tpu.memory_space<semaphore_mem>>) src(%dma_wait3A_406 : memref<2304x8xf32, #tpu.memory_space<vmem>>) dst(%dma_wait3A_402 : memref<2304x8xf32, #tpu.memory_space<hbm>>)
      %scan3A_407 = arith.constant 0 : i32
      %scan3A_408 = arith.constant 0 : i32
      %scan3A_409 = arith.constant 24 : i32
      %scan3A_410 = arith.addi %scan3A_408, %scan3A_409 : i32
      %scan3A_411 = arith.constant 1 : i32
      scf.for %scan3A_472 = %scan3A_408 to %scan3A_410 step %scan3A_411  : i32 {
        %mul3A_473 = arith.constant 2 : i32
        %mul3A_474 = arith.muli %mul3A_473, %scan3A_472 : i32
        %add3A_475 = vector.broadcast %mul3A_474 : i32 to vector<16xi32>
        %add3A_476 = arith.addi %add3A_68, %add3A_475 : vector<16xi32>
        %mul3A_477 = arith.constant 96 : i32
        %mul3A_478 = arith.muli %scan3A_472, %mul3A_477 : i32
        %add3A_479 = vector.broadcast %mul3A_478 : i32 to vector<16xi32>
        %add3A_480 = arith.addi %select_n3A_184, %add3A_479 : vector<16xi32>
        %scan3A_481 = arith.constant 0 : i32
        %scan3A_482 = arith.constant 0 : i32
        %scan3A_483 = arith.constant 12 : i32
        %scan3A_484 = arith.addi %scan3A_482, %scan3A_483 : i32
        %scan3A_485 = arith.constant 1 : i32
        scf.for %scan3A_487 = %scan3A_482 to %scan3A_484 step %scan3A_485  : i32 {
          %mul3A_488 = arith.constant 4 : i32
          %mul3A_489 = arith.muli %scan3A_487, %mul3A_488 : i32
          %add3A_490 = arith.constant 0 : i32
          %add3A_491 = arith.addi %mul3A_489, %add3A_490 : i32
          %mul3A_492 = arith.constant 2 : i32
          %mul3A_493 = arith.muli %mul3A_492, %add3A_491 : i32
          %add3A_494 = vector.broadcast %mul3A_493 : i32 to vector<16xi32>
          %add3A_495 = arith.addi %add3A_153, %add3A_494 : vector<16xi32>
          %gather3A = tpu.vector_load_idx %arg6[%add3A_476, %add3A_495] : memref<50x128xf32, #tpu.memory_space<vmem>>[vector<16xi32>, vector<16xi32>], vector<16xf32>,
          %mul3A_496 = arith.constant 2 : i32
          %mul3A_497 = arith.muli %mul3A_496, %add3A_491 : i32
          %add3A_498 = vector.broadcast %mul3A_497 : i32 to vector<16xi32>
          %add3A_499 = arith.addi %add3A_480, %add3A_498 : vector<16xi32>
          %scatter3A = arith.constant 0 : i32
          %scatter3A_500 = arith.constant 0 : i32
          %scatter3A_501 = arith.constant 0 : i32
          %scatter3A_502 = tpu.memref_slice %arg7[%scatter3A, %scatter3A_500, %scatter3A_501] : memref<2x2304x8xf32, #tpu.memory_space<vmem>> -> memref<1x2304x8xf32, #tpu.memory_space<vmem>>
          %scatter3A_503 = tpu.memref_squeeze %scatter3A_502 : memref<1x2304x8xf32, #tpu.memory_space<vmem>> -> memref<2304x8xf32, #tpu.memory_space<vmem>>
          tpu.vector_store_idx %scatter3A_503[%add3A_499, %select_n3A_206], %gather3A : memref<2304x8xf32, #tpu.memory_space<vmem>>[vector<16xi32>, vector<16xi32>], vector<16xf32>,
          %mul3A_504 = arith.constant 4 : i32
          %mul3A_505 = arith.muli %scan3A_487, %mul3A_504 : i32
          %add3A_506 = arith.constant 1 : i32
          %add3A_507 = arith.addi %mul3A_505, %add3A_506 : i32
          %mul3A_508 = arith.constant 2 : i32
          %mul3A_509 = arith.muli %mul3A_508, %add3A_507 : i32
          %add3A_510 = vector.broadcast %mul3A_509 : i32 to vector<16xi32>
          %add3A_511 = arith.addi %add3A_153, %add3A_510 : vector<16xi32>
          %gather3A_512 = tpu.vector_load_idx %arg6[%add3A_476, %add3A_511] : memref<50x128xf32, #tpu.memory_space<vmem>>[vector<16xi32>, vector<16xi32>], vector<16xf32>,
          %mul3A_513 = arith.constant 2 : i32
          %mul3A_514 = arith.muli %mul3A_513, %add3A_507 : i32
          %add3A_515 = vector.broadcast %mul3A_514 : i32 to vector<16xi32>
          %add3A_516 = arith.addi %add3A_480, %add3A_515 : vector<16xi32>
          %scatter3A_517 = arith.constant 0 : i32
          %scatter3A_518 = arith.constant 0 : i32
          %scatter3A_519 = arith.constant 0 : i32
          %scatter3A_520 = tpu.memref_slice %arg7[%scatter3A_517, %scatter3A_518, %scatter3A_519] : memref<2x2304x8xf32, #tpu.memory_space<vmem>> -> memref<1x2304x8xf32, #tpu.memory_space<vmem>>
          %scatter3A_521 = tpu.memref_squeeze %scatter3A_520 : memref<1x2304x8xf32, #tpu.memory_space<vmem>> -> memref<2304x8xf32, #tpu.memory_space<vmem>>
          tpu.vector_store_idx %scatter3A_521[%add3A_516, %select_n3A_206], %gather3A_512 : memref<2304x8xf32, #tpu.memory_space<vmem>>[vector<16xi32>, vector<16xi32>], vector<16xf32>,
          %mul3A_522 = arith.constant 4 : i32
          %mul3A_523 = arith.muli %scan3A_487, %mul3A_522 : i32
          %add3A_524 = arith.constant 2 : i32
          %add3A_525 = arith.addi %mul3A_523, %add3A_524 : i32
          %mul3A_526 = arith.constant 2 : i32
          %mul3A_527 = arith.muli %mul3A_526, %add3A_525 : i32
          %add3A_528 = vector.broadcast %mul3A_527 : i32 to vector<16xi32>
          %add3A_529 = arith.addi %add3A_153, %add3A_528 : vector<16xi32>
          %gather3A_530 = tpu.vector_load_idx %arg6[%add3A_476, %add3A_529] : memref<50x128xf32, #tpu.memory_space<vmem>>[vector<16xi32>, vector<16xi32>], vector<16xf32>,
          %mul3A_531 = arith.constant 2 : i32
          %mul3A_532 = arith.muli %mul3A_531, %add3A_525 : i32
          %add3A_533 = vector.broadcast %mul3A_532 : i32 to vector<16xi32>
          %add3A_534 = arith.addi %add3A_480, %add3A_533 : vector<16xi32>
          %scatter3A_535 = arith.constant 0 : i32
          %scatter3A_536 = arith.constant 0 : i32
          %scatter3A_537 = arith.constant 0 : i32
          %scatter3A_538 = tpu.memref_slice %arg7[%scatter3A_535, %scatter3A_536, %scatter3A_537] : memref<2x2304x8xf32, #tpu.memory_space<vmem>> -> memref<1x2304x8xf32, #tpu.memory_space<vmem>>
          %scatter3A_539 = tpu.memref_squeeze %scatter3A_538 : memref<1x2304x8xf32, #tpu.memory_space<vmem>> -> memref<2304x8xf32, #tpu.memory_space<vmem>>
          tpu.vector_store_idx %scatter3A_539[%add3A_534, %select_n3A_206], %gather3A_530 : memref<2304x8xf32, #tpu.memory_space<vmem>>[vector<16xi32>, vector<16xi32>], vector<16xf32>,
          %mul3A_540 = arith.constant 4 : i32
          %mul3A_541 = arith.muli %scan3A_487, %mul3A_540 : i32
          %add3A_542 = arith.constant 3 : i32
          %add3A_543 = arith.addi %mul3A_541, %add3A_542 : i32
          %mul3A_544 = arith.constant 2 : i32
          %mul3A_545 = arith.muli %mul3A_544, %add3A_543 : i32
          %add3A_546 = vector.broadcast %mul3A_545 : i32 to vector<16xi32>
          %add3A_547 = arith.addi %add3A_153, %add3A_546 : vector<16xi32>
          %gather3A_548 = tpu.vector_load_idx %arg6[%add3A_476, %add3A_547] : memref<50x128xf32, #tpu.memory_space<vmem>>[vector<16xi32>, vector<16xi32>], vector<16xf32>,
          %mul3A_549 = arith.constant 2 : i32
          %mul3A_550 = arith.muli %mul3A_549, %add3A_543 : i32
          %add3A_551 = vector.broadcast %mul3A_550 : i32 to vector<16xi32>
          %add3A_552 = arith.addi %add3A_480, %add3A_551 : vector<16xi32>
          %scatter3A_553 = arith.constant 0 : i32
          %scatter3A_554 = arith.constant 0 : i32
          %scatter3A_555 = arith.constant 0 : i32
          %scatter3A_556 = tpu.memref_slice %arg7[%scatter3A_553, %scatter3A_554, %scatter3A_555] : memref<2x2304x8xf32, #tpu.memory_space<vmem>> -> memref<1x2304x8xf32, #tpu.memory_space<vmem>>
          %scatter3A_557 = tpu.memref_squeeze %scatter3A_556 : memref<1x2304x8xf32, #tpu.memory_space<vmem>> -> memref<2304x8xf32, #tpu.memory_space<vmem>>
          tpu.vector_store_idx %scatter3A_557[%add3A_552, %select_n3A_206], %gather3A_548 : memref<2304x8xf32, #tpu.memory_space<vmem>>[vector<16xi32>, vector<16xi32>], vector<16xf32>,
        }
        %scan3A_486 = arith.constant 12 : i32
      }
      %scan3A_412 = arith.constant 24 : i32
      %mul3A_413 = arith.constant 9216 : i32
      %mul3A_414 = arith.muli %add3A_325, %mul3A_413 : i32
      %add3A_415 = arith.addi %mul3A_0, %mul3A_414 : i32
      %add3A_416 = arith.constant 4608 : i32
      %add3A_417 = arith.addi %add3A_415, %add3A_416 : i32
      %dma_start3A_418 = arith.constant 0 : i32
      %dma_start3A_419 = arith.constant 0 : i32
      %dma_start3A_420 = arith.constant 0 : i32
      %dma_start3A_421 = tpu.memref_slice %arg7[%dma_start3A_418, %dma_start3A_419, %dma_start3A_420] : memref<2x2304x8xf32, #tpu.memory_space<vmem>> -> memref<1x2304x8xf32, #tpu.memory_space<vmem>>
      %dma_start3A_422 = tpu.memref_squeeze %dma_start3A_421 : memref<1x2304x8xf32, #tpu.memory_space<vmem>> -> memref<2304x8xf32, #tpu.memory_space<vmem>>
      %dma_start3A_423 = arith.constant 0 : i32
      %dma_start3A_424 = tpu.memref_slice %arg5[%add3A_417, %dma_start3A_423] : memref<1769472x8xf32, #tpu.memory_space<hbm>> -> memref<2304x8xf32, #tpu.memory_space<hbm>>
      %dma_start3A_425 = arith.constant 0 : i32
      %dma_start3A_426 = tpu.memref_slice %arg5[%add3A_417, %dma_start3A_425] : memref<1769472x8xf32, #tpu.memory_space<hbm>> -> memref<2304x8xf32, #tpu.memory_space<hbm>>
      %dma_start3A_427 = arith.constant 0 : i32
      %dma_start3A_428 = arith.constant 0 : i32
      %dma_start3A_429 = tpu.memref_slice %arg7[%dma_start3A_418, %dma_start3A_427, %dma_start3A_428] : memref<2x2304x8xf32, #tpu.memory_space<vmem>> -> memref<1x2304x8xf32, #tpu.memory_space<vmem>>
      %dma_start3A_430 = tpu.memref_squeeze %dma_start3A_429 : memref<1x2304x8xf32, #tpu.memory_space<vmem>> -> memref<2304x8xf32, #tpu.memory_space<vmem>>
      tpu.enqueue_dma source(%dma_start3A_430 : memref<2304x8xf32, #tpu.memory_space<vmem>>) target(%dma_start3A_426 : memref<2304x8xf32, #tpu.memory_space<hbm>>) target_semaphore(%arg15 : memref<!tpu.dma_semaphore, #tpu.memory_space<semaphore_mem>>)
      %add3A_431 = arith.constant 144 : i32
      %add3A_432 = arith.addi %mul3A_330, %add3A_431 : i32
      "tpu.region"() ({
        %run_scoped3A_472 = tpu.sem_alloc : memref<!tpu.dma_semaphore, #tpu.memory_space<semaphore_mem>>
        %dma_start3A_473 = arith.constant 0 : i32
        %dma_start3A_474 = arith.constant 0 : i32
        %dma_start3A_475 = tpu.memref_slice %arg6[%dma_start3A_473, %dma_start3A_474] : memref<50x128xf32, #tpu.memory_space<vmem>> -> memref<48x128xf32, #tpu.memory_space<vmem>>
        %dma_start3A_476 = arith.constant 0 : i32
        %dma_start3A_477 = tpu.memref_slice %arg2[%add3A_432, %dma_start3A_476] : memref<36864x128xf32, #tpu.memory_space<hbm>> -> memref<48x128xf32, #tpu.memory_space<hbm>>
        %dma_start3A_478 = arith.constant 0 : i32
        %dma_start3A_479 = arith.constant 0 : i32
        %dma_start3A_480 = tpu.memref_slice %arg6[%dma_start3A_478, %dma_start3A_479] : memref<50x128xf32, #tpu.memory_space<vmem>> -> memref<48x128xf32, #tpu.memory_space<vmem>>
        %dma_start3A_481 = arith.constant 0 : i32
        %dma_start3A_482 = tpu.memref_slice %arg2[%add3A_432, %dma_start3A_481] : memref<36864x128xf32, #tpu.memory_space<hbm>> -> memref<48x128xf32, #tpu.memory_space<hbm>>
        tpu.enqueue_dma source(%dma_start3A_482 : memref<48x128xf32, #tpu.memory_space<hbm>>) target(%dma_start3A_480 : memref<48x128xf32, #tpu.memory_space<vmem>>) target_semaphore(%run_scoped3A_472 : memref<!tpu.dma_semaphore, #tpu.memory_space<semaphore_mem>>)
        %dma_wait3A_483 = arith.constant 0 : i32
        %dma_wait3A_484 = arith.constant 0 : i32
        %dma_wait3A_485 = tpu.memref_slice %arg6[%dma_wait3A_483, %dma_wait3A_484] : memref<50x128xf32, #tpu.memory_space<vmem>> -> memref<48x128xf32, #tpu.memory_space<vmem>>
        %dma_wait3A_486 = arith.constant 0 : i32
        %dma_wait3A_487 = tpu.memref_slice %arg2[%add3A_432, %dma_wait3A_486] : memref<36864x128xf32, #tpu.memory_space<hbm>> -> memref<48x128xf32, #tpu.memory_space<hbm>>
        %dma_wait3A_488 = arith.constant 0 : i32
        %dma_wait3A_489 = arith.constant 0 : i32
        %dma_wait3A_490 = tpu.memref_slice %arg6[%dma_wait3A_488, %dma_wait3A_489] : memref<50x128xf32, #tpu.memory_space<vmem>> -> memref<48x128xf32, #tpu.memory_space<vmem>>
        %dma_wait3A_491 = arith.constant 0 : i32
        %dma_wait3A_492 = tpu.memref_slice %arg2[%add3A_432, %dma_wait3A_491] : memref<36864x128xf32, #tpu.memory_space<hbm>> -> memref<48x128xf32, #tpu.memory_space<hbm>>
        tpu.wait_dma2 semaphore(%run_scoped3A_472 : memref<!tpu.dma_semaphore, #tpu.memory_space<semaphore_mem>>) src(%dma_wait3A_492 : memref<48x128xf32, #tpu.memory_space<hbm>>) dst(%dma_wait3A_490 : memref<48x128xf32, #tpu.memory_space<vmem>>)
        tpu.yield
      }) : () -> ()
      %dma_wait3A_433 = arith.constant 1 : i32
      %dma_wait3A_434 = arith.constant 0 : i32
      %dma_wait3A_435 = arith.constant 0 : i32
      %dma_wait3A_436 = tpu.memref_slice %arg7[%dma_wait3A_433, %dma_wait3A_434, %dma_wait3A_435] : memref<2x2304x8xf32, #tpu.memory_space<vmem>> -> memref<1x2304x8xf32, #tpu.memory_space<vmem>>
      %dma_wait3A_437 = tpu.memref_squeeze %dma_wait3A_436 : memref<1x2304x8xf32, #tpu.memory_space<vmem>> -> memref<2304x8xf32, #tpu.memory_space<vmem>>
      %dma_wait3A_438 = arith.constant 0 : i32
      %dma_wait3A_439 = arith.constant 0 : i32
      %dma_wait3A_440 = tpu.memref_slice %arg5[%dma_wait3A_438, %dma_wait3A_439] : memref<1769472x8xf32, #tpu.memory_space<hbm>> -> memref<2304x8xf32, #tpu.memory_space<hbm>>
      %dma_wait3A_441 = arith.constant 0 : i32
      %dma_wait3A_442 = arith.constant 0 : i32
      %dma_wait3A_443 = tpu.memref_slice %arg5[%dma_wait3A_441, %dma_wait3A_442] : memref<1769472x8xf32, #tpu.memory_space<hbm>> -> memref<2304x8xf32, #tpu.memory_space<hbm>>
      %dma_wait3A_444 = arith.constant 0 : i32
      %dma_wait3A_445 = arith.constant 0 : i32
      %dma_wait3A_446 = tpu.memref_slice %arg7[%dma_wait3A_433, %dma_wait3A_444, %dma_wait3A_445] : memref<2x2304x8xf32, #tpu.memory_space<vmem>> -> memref<1x2304x8xf32, #tpu.memory_space<vmem>>
      %dma_wait3A_447 = tpu.memref_squeeze %dma_wait3A_446 : memref<1x2304x8xf32, #tpu.memory_space<vmem>> -> memref<2304x8xf32, #tpu.memory_space<vmem>>
      tpu.wait_dma2 semaphore(%arg16 : memref<!tpu.dma_semaphore, #tpu.memory_space<semaphore_mem>>) src(%dma_wait3A_447 : memref<2304x8xf32, #tpu.memory_space<vmem>>) dst(%dma_wait3A_443 : memref<2304x8xf32, #tpu.memory_space<hbm>>)
      %scan3A_448 = arith.constant 0 : i32
      %scan3A_449 = arith.constant 0 : i32
      %scan3A_450 = arith.constant 24 : i32
      %scan3A_451 = arith.addi %scan3A_449, %scan3A_450 : i32
      %scan3A_452 = arith.constant 1 : i32
      scf.for %scan3A_472 = %scan3A_449 to %scan3A_451 step %scan3A_452  : i32 {
        %mul3A_473 = arith.constant 2 : i32
        %mul3A_474 = arith.muli %mul3A_473, %scan3A_472 : i32
        %add3A_475 = vector.broadcast %mul3A_474 : i32 to vector<16xi32>
        %add3A_476 = arith.addi %add3A_68, %add3A_475 : vector<16xi32>
        %mul3A_477 = arith.constant 96 : i32
        %mul3A_478 = arith.muli %scan3A_472, %mul3A_477 : i32
        %add3A_479 = vector.broadcast %mul3A_478 : i32 to vector<16xi32>
        %add3A_480 = arith.addi %select_n3A_184, %add3A_479 : vector<16xi32>
        %scan3A_481 = arith.constant 0 : i32
        %scan3A_482 = arith.constant 0 : i32
        %scan3A_483 = arith.constant 12 : i32
        %scan3A_484 = arith.addi %scan3A_482, %scan3A_483 : i32
        %scan3A_485 = arith.constant 1 : i32
        scf.for %scan3A_487 = %scan3A_482 to %scan3A_484 step %scan3A_485  : i32 {
          %mul3A_488 = arith.constant 4 : i32
          %mul3A_489 = arith.muli %scan3A_487, %mul3A_488 : i32
          %add3A_490 = arith.constant 0 : i32
          %add3A_491 = arith.addi %mul3A_489, %add3A_490 : i32
          %mul3A_492 = arith.constant 2 : i32
          %mul3A_493 = arith.muli %mul3A_492, %add3A_491 : i32
          %add3A_494 = vector.broadcast %mul3A_493 : i32 to vector<16xi32>
          %add3A_495 = arith.addi %add3A_153, %add3A_494 : vector<16xi32>
          %gather3A = tpu.vector_load_idx %arg6[%add3A_476, %add3A_495] : memref<50x128xf32, #tpu.memory_space<vmem>>[vector<16xi32>, vector<16xi32>], vector<16xf32>,
          %mul3A_496 = arith.constant 2 : i32
          %mul3A_497 = arith.muli %mul3A_496, %add3A_491 : i32
          %add3A_498 = vector.broadcast %mul3A_497 : i32 to vector<16xi32>
          %add3A_499 = arith.addi %add3A_480, %add3A_498 : vector<16xi32>
          %scatter3A = arith.constant 1 : i32
          %scatter3A_500 = arith.constant 0 : i32
          %scatter3A_501 = arith.constant 0 : i32
          %scatter3A_502 = tpu.memref_slice %arg7[%scatter3A, %scatter3A_500, %scatter3A_501] : memref<2x2304x8xf32, #tpu.memory_space<vmem>> -> memref<1x2304x8xf32, #tpu.memory_space<vmem>>
          %scatter3A_503 = tpu.memref_squeeze %scatter3A_502 : memref<1x2304x8xf32, #tpu.memory_space<vmem>> -> memref<2304x8xf32, #tpu.memory_space<vmem>>
          tpu.vector_store_idx %scatter3A_503[%add3A_499, %select_n3A_206], %gather3A : memref<2304x8xf32, #tpu.memory_space<vmem>>[vector<16xi32>, vector<16xi32>], vector<16xf32>,
          %mul3A_504 = arith.constant 4 : i32
          %mul3A_505 = arith.muli %scan3A_487, %mul3A_504 : i32
          %add3A_506 = arith.constant 1 : i32
          %add3A_507 = arith.addi %mul3A_505, %add3A_506 : i32
          %mul3A_508 = arith.constant 2 : i32
          %mul3A_509 = arith.muli %mul3A_508, %add3A_507 : i32
          %add3A_510 = vector.broadcast %mul3A_509 : i32 to vector<16xi32>
          %add3A_511 = arith.addi %add3A_153, %add3A_510 : vector<16xi32>
          %gather3A_512 = tpu.vector_load_idx %arg6[%add3A_476, %add3A_511] : memref<50x128xf32, #tpu.memory_space<vmem>>[vector<16xi32>, vector<16xi32>], vector<16xf32>,
          %mul3A_513 = arith.constant 2 : i32
          %mul3A_514 = arith.muli %mul3A_513, %add3A_507 : i32
          %add3A_515 = vector.broadcast %mul3A_514 : i32 to vector<16xi32>
          %add3A_516 = arith.addi %add3A_480, %add3A_515 : vector<16xi32>
          %scatter3A_517 = arith.constant 1 : i32
          %scatter3A_518 = arith.constant 0 : i32
          %scatter3A_519 = arith.constant 0 : i32
          %scatter3A_520 = tpu.memref_slice %arg7[%scatter3A_517, %scatter3A_518, %scatter3A_519] : memref<2x2304x8xf32, #tpu.memory_space<vmem>> -> memref<1x2304x8xf32, #tpu.memory_space<vmem>>
          %scatter3A_521 = tpu.memref_squeeze %scatter3A_520 : memref<1x2304x8xf32, #tpu.memory_space<vmem>> -> memref<2304x8xf32, #tpu.memory_space<vmem>>
          tpu.vector_store_idx %scatter3A_521[%add3A_516, %select_n3A_206], %gather3A_512 : memref<2304x8xf32, #tpu.memory_space<vmem>>[vector<16xi32>, vector<16xi32>], vector<16xf32>,
          %mul3A_522 = arith.constant 4 : i32
          %mul3A_523 = arith.muli %scan3A_487, %mul3A_522 : i32
          %add3A_524 = arith.constant 2 : i32
          %add3A_525 = arith.addi %mul3A_523, %add3A_524 : i32
          %mul3A_526 = arith.constant 2 : i32
          %mul3A_527 = arith.muli %mul3A_526, %add3A_525 : i32
          %add3A_528 = vector.broadcast %mul3A_527 : i32 to vector<16xi32>
          %add3A_529 = arith.addi %add3A_153, %add3A_528 : vector<16xi32>
          %gather3A_530 = tpu.vector_load_idx %arg6[%add3A_476, %add3A_529] : memref<50x128xf32, #tpu.memory_space<vmem>>[vector<16xi32>, vector<16xi32>], vector<16xf32>,
          %mul3A_531 = arith.constant 2 : i32
          %mul3A_532 = arith.muli %mul3A_531, %add3A_525 : i32
          %add3A_533 = vector.broadcast %mul3A_532 : i32 to vector<16xi32>
          %add3A_534 = arith.addi %add3A_480, %add3A_533 : vector<16xi32>
          %scatter3A_535 = arith.constant 1 : i32
          %scatter3A_536 = arith.constant 0 : i32
          %scatter3A_537 = arith.constant 0 : i32
          %scatter3A_538 = tpu.memref_slice %arg7[%scatter3A_535, %scatter3A_536, %scatter3A_537] : memref<2x2304x8xf32, #tpu.memory_space<vmem>> -> memref<1x2304x8xf32, #tpu.memory_space<vmem>>
          %scatter3A_539 = tpu.memref_squeeze %scatter3A_538 : memref<1x2304x8xf32, #tpu.memory_space<vmem>> -> memref<2304x8xf32, #tpu.memory_space<vmem>>
          tpu.vector_store_idx %scatter3A_539[%add3A_534, %select_n3A_206], %gather3A_530 : memref<2304x8xf32, #tpu.memory_space<vmem>>[vector<16xi32>, vector<16xi32>], vector<16xf32>,
          %mul3A_540 = arith.constant 4 : i32
          %mul3A_541 = arith.muli %scan3A_487, %mul3A_540 : i32
          %add3A_542 = arith.constant 3 : i32
          %add3A_543 = arith.addi %mul3A_541, %add3A_542 : i32
          %mul3A_544 = arith.constant 2 : i32
          %mul3A_545 = arith.muli %mul3A_544, %add3A_543 : i32
          %add3A_546 = vector.broadcast %mul3A_545 : i32 to vector<16xi32>
          %add3A_547 = arith.addi %add3A_153, %add3A_546 : vector<16xi32>
          %gather3A_548 = tpu.vector_load_idx %arg6[%add3A_476, %add3A_547] : memref<50x128xf32, #tpu.memory_space<vmem>>[vector<16xi32>, vector<16xi32>], vector<16xf32>,
          %mul3A_549 = arith.constant 2 : i32
          %mul3A_550 = arith.muli %mul3A_549, %add3A_543 : i32
          %add3A_551 = vector.broadcast %mul3A_550 : i32 to vector<16xi32>
          %add3A_552 = arith.addi %add3A_480, %add3A_551 : vector<16xi32>
          %scatter3A_553 = arith.constant 1 : i32
          %scatter3A_554 = arith.constant 0 : i32
          %scatter3A_555 = arith.constant 0 : i32
          %scatter3A_556 = tpu.memref_slice %arg7[%scatter3A_553, %scatter3A_554, %scatter3A_555] : memref<2x2304x8xf32, #tpu.memory_space<vmem>> -> memref<1x2304x8xf32, #tpu.memory_space<vmem>>
          %scatter3A_557 = tpu.memref_squeeze %scatter3A_556 : memref<1x2304x8xf32, #tpu.memory_space<vmem>> -> memref<2304x8xf32, #tpu.memory_space<vmem>>
          tpu.vector_store_idx %scatter3A_557[%add3A_552, %select_n3A_206], %gather3A_548 : memref<2304x8xf32, #tpu.memory_space<vmem>>[vector<16xi32>, vector<16xi32>], vector<16xf32>,
        }
        %scan3A_486 = arith.constant 12 : i32
      }
      %scan3A_453 = arith.constant 24 : i32
      %mul3A_454 = arith.constant 9216 : i32
      %mul3A_455 = arith.muli %add3A_325, %mul3A_454 : i32
      %add3A_456 = arith.addi %mul3A_0, %mul3A_455 : i32
      %add3A_457 = arith.constant 6912 : i32
      %add3A_458 = arith.addi %add3A_456, %add3A_457 : i32
      %dma_start3A_459 = arith.constant 1 : i32
      %dma_start3A_460 = arith.constant 0 : i32
      %dma_start3A_461 = arith.constant 0 : i32
      %dma_start3A_462 = tpu.memref_slice %arg7[%dma_start3A_459, %dma_start3A_460, %dma_start3A_461] : memref<2x2304x8xf32, #tpu.memory_space<vmem>> -> memref<1x2304x8xf32, #tpu.memory_space<vmem>>
      %dma_start3A_463 = tpu.memref_squeeze %dma_start3A_462 : memref<1x2304x8xf32, #tpu.memory_space<vmem>> -> memref<2304x8xf32, #tpu.memory_space<vmem>>
      %dma_start3A_464 = arith.constant 0 : i32
      %dma_start3A_465 = tpu.memref_slice %arg5[%add3A_458, %dma_start3A_464] : memref<1769472x8xf32, #tpu.memory_space<hbm>> -> memref<2304x8xf32, #tpu.memory_space<hbm>>
      %dma_start3A_466 = arith.constant 0 : i32
      %dma_start3A_467 = tpu.memref_slice %arg5[%add3A_458, %dma_start3A_466] : memref<1769472x8xf32, #tpu.memory_space<hbm>> -> memref<2304x8xf32, #tpu.memory_space<hbm>>
      %dma_start3A_468 = arith.constant 0 : i32
      %dma_start3A_469 = arith.constant 0 : i32
      %dma_start3A_470 = tpu.memref_slice %arg7[%dma_start3A_459, %dma_start3A_468, %dma_start3A_469] : memref<2x2304x8xf32, #tpu.memory_space<vmem>> -> memref<1x2304x8xf32, #tpu.memory_space<vmem>>
      %dma_start3A_471 = tpu.memref_squeeze %dma_start3A_470 : memref<1x2304x8xf32, #tpu.memory_space<vmem>> -> memref<2304x8xf32, #tpu.memory_space<vmem>>
      tpu.enqueue_dma source(%dma_start3A_471 : memref<2304x8xf32, #tpu.memory_space<vmem>>) target(%dma_start3A_467 : memref<2304x8xf32, #tpu.memory_space<hbm>>) target_semaphore(%arg16 : memref<!tpu.dma_semaphore, #tpu.memory_space<semaphore_mem>>)
    }
    %scan3A_211 = arith.constant 6 : i32
    %dma_wait3A = arith.constant 0 : i32
    %dma_wait3A_212 = arith.constant 0 : i32
    %dma_wait3A_213 = arith.constant 0 : i32
    %dma_wait3A_214 = tpu.memref_slice %arg7[%dma_wait3A, %dma_wait3A_212, %dma_wait3A_213] : memref<2x2304x8xf32, #tpu.memory_space<vmem>> -> memref<1x2304x8xf32, #tpu.memory_space<vmem>>
    %dma_wait3A_215 = tpu.memref_squeeze %dma_wait3A_214 : memref<1x2304x8xf32, #tpu.memory_space<vmem>> -> memref<2304x8xf32, #tpu.memory_space<vmem>>
    %dma_wait3A_216 = arith.constant 0 : i32
    %dma_wait3A_217 = arith.constant 0 : i32
    %dma_wait3A_218 = tpu.memref_slice %arg5[%dma_wait3A_216, %dma_wait3A_217] : memref<1769472x8xf32, #tpu.memory_space<hbm>> -> memref<2304x8xf32, #tpu.memory_space<hbm>>
    %dma_wait3A_219 = arith.constant 0 : i32
    %dma_wait3A_220 = arith.constant 0 : i32
    %dma_wait3A_221 = tpu.memref_slice %arg5[%dma_wait3A_219, %dma_wait3A_220] : memref<1769472x8xf32, #tpu.memory_space<hbm>> -> memref<2304x8xf32, #tpu.memory_space<hbm>>
    %dma_wait3A_222 = arith.constant 0 : i32
    %dma_wait3A_223 = arith.constant 0 : i32
    %dma_wait3A_224 = tpu.memref_slice %arg7[%dma_wait3A, %dma_wait3A_222, %dma_wait3A_223] : memref<2x2304x8xf32, #tpu.memory_space<vmem>> -> memref<1x2304x8xf32, #tpu.memory_space<vmem>>
    %dma_wait3A_225 = tpu.memref_squeeze %dma_wait3A_224 : memref<1x2304x8xf32, #tpu.memory_space<vmem>> -> memref<2304x8xf32, #tpu.memory_space<vmem>>
    tpu.wait_dma2 semaphore(%arg15 : memref<!tpu.dma_semaphore, #tpu.memory_space<semaphore_mem>>) src(%dma_wait3A_225 : memref<2304x8xf32, #tpu.memory_space<vmem>>) dst(%dma_wait3A_221 : memref<2304x8xf32, #tpu.memory_space<hbm>>)
    %dma_wait3A_226 = arith.constant 1 : i32
    %dma_wait3A_227 = arith.constant 0 : i32
    %dma_wait3A_228 = arith.constant 0 : i32
    %dma_wait3A_229 = tpu.memref_slice %arg7[%dma_wait3A_226, %dma_wait3A_227, %dma_wait3A_228] : memref<2x2304x8xf32, #tpu.memory_space<vmem>> -> memref<1x2304x8xf32, #tpu.memory_space<vmem>>
    %dma_wait3A_230 = tpu.memref_squeeze %dma_wait3A_229 : memref<1x2304x8xf32, #tpu.memory_space<vmem>> -> memref<2304x8xf32, #tpu.memory_space<vmem>>
    %dma_wait3A_231 = arith.constant 0 : i32
    %dma_wait3A_232 = arith.constant 0 : i32
    %dma_wait3A_233 = tpu.memref_slice %arg5[%dma_wait3A_231, %dma_wait3A_232] : memref<1769472x8xf32, #tpu.memory_space<hbm>> -> memref<2304x8xf32, #tpu.memory_space<hbm>>
    %dma_wait3A_234 = arith.constant 0 : i32
    %dma_wait3A_235 = arith.constant 0 : i32
    %dma_wait3A_236 = tpu.memref_slice %arg5[%dma_wait3A_234, %dma_wait3A_235] : memref<1769472x8xf32, #tpu.memory_space<hbm>> -> memref<2304x8xf32, #tpu.memory_space<hbm>>
    %dma_wait3A_237 = arith.constant 0 : i32
    %dma_wait3A_238 = arith.constant 0 : i32
    %dma_wait3A_239 = tpu.memref_slice %arg7[%dma_wait3A_226, %dma_wait3A_237, %dma_wait3A_238] : memref<2x2304x8xf32, #tpu.memory_space<vmem>> -> memref<1x2304x8xf32, #tpu.memory_space<vmem>>
    %dma_wait3A_240 = tpu.memref_squeeze %dma_wait3A_239 : memref<1x2304x8xf32, #tpu.memory_space<vmem>> -> memref<2304x8xf32, #tpu.memory_space<vmem>>
    tpu.wait_dma2 semaphore(%arg16 : memref<!tpu.dma_semaphore, #tpu.memory_space<semaphore_mem>>) src(%dma_wait3A_240 : memref<2304x8xf32, #tpu.memory_space<vmem>>) dst(%dma_wait3A_236 : memref<2304x8xf32, #tpu.memory_space<hbm>>)
    %barrier3A = arith.constant 0 : index
    tpu.barrier barrier_id(%barrier3A)
    %broadcast_in_dim3A = arith.constant 0 : i32
    %broadcast_in_dim3A_241 = vector.broadcast %broadcast_in_dim3A : i32 to vector<16xi32>
    %mul3A_242 = arith.constant 6 : i32
    %mul3A_243 = arith.muli %arg1, %mul3A_242 : i32
    %add3A_244 = arith.constant 0 : i32
    %add3A_245 = arith.addi %mul3A_243, %add3A_244 : i32
    %mul3A_246 = arith.constant 96 : i32
    %mul3A_247 = arith.muli %arg0, %mul3A_246 : i32
    %add3A_248 = arith.addi %mul3A_247, %add3A_245 : i32
    %mul3A_249 = arith.constant 288 : i32
    %mul3A_250 = arith.muli %add3A_248, %mul3A_249 : i32
    %add3A_251 = arith.constant 0 : i32
    %add3A_252 = arith.addi %mul3A_250, %add3A_251 : i32
    %add3A_253 = arith.constant 0 : i32
    %add3A_254 = arith.addi %add3A_252, %add3A_253 : i32
    %run_scoped3A = arith.constant 0 : i32
    "tpu.region"() ({
      %run_scoped3A_322 = tpu.sem_alloc : memref<!tpu.dma_semaphore, #tpu.memory_space<semaphore_mem>>
      %dma_start3A_323 = arith.constant 0 : i32
      %dma_start3A_324 = arith.constant 0 : i32
      %dma_start3A_325 = tpu.memref_slice %arg8[%run_scoped3A, %dma_start3A_323, %dma_start3A_324] : memref<3x48x128xf32, #tpu.memory_space<vmem>> -> memref<1x48x128xf32, #tpu.memory_space<vmem>>
      %dma_start3A_326 = tpu.memref_squeeze %dma_start3A_325 : memref<1x48x128xf32, #tpu.memory_space<vmem>> -> memref<48x128xf32, #tpu.memory_space<vmem>>
      %dma_start3A_327 = arith.constant 0 : i32
      %dma_start3A_328 = tpu.memref_slice %arg3[%add3A_254, %dma_start3A_327] : memref<55296x128xf32, #tpu.memory_space<hbm>> -> memref<48x128xf32, #tpu.memory_space<hbm>>
      %dma_start3A_329 = arith.constant 0 : i32
      %dma_start3A_330 = arith.constant 0 : i32
      %dma_start3A_331 = tpu.memref_slice %arg8[%run_scoped3A, %dma_start3A_329, %dma_start3A_330] : memref<3x48x128xf32, #tpu.memory_space<vmem>> -> memref<1x48x128xf32, #tpu.memory_space<vmem>>
      %dma_start3A_332 = tpu.memref_squeeze %dma_start3A_331 : memref<1x48x128xf32, #tpu.memory_space<vmem>> -> memref<48x128xf32, #tpu.memory_space<vmem>>
      %dma_start3A_333 = arith.constant 0 : i32
      %dma_start3A_334 = tpu.memref_slice %arg3[%add3A_254, %dma_start3A_333] : memref<55296x128xf32, #tpu.memory_space<hbm>> -> memref<48x128xf32, #tpu.memory_space<hbm>>
      tpu.enqueue_dma source(%dma_start3A_334 : memref<48x128xf32, #tpu.memory_space<hbm>>) target(%dma_start3A_332 : memref<48x128xf32, #tpu.memory_space<vmem>>) target_semaphore(%run_scoped3A_322 : memref<!tpu.dma_semaphore, #tpu.memory_space<semaphore_mem>>)
      %dma_wait3A_335 = arith.constant 0 : i32
      %dma_wait3A_336 = arith.constant 0 : i32
      %dma_wait3A_337 = tpu.memref_slice %arg8[%run_scoped3A, %dma_wait3A_335, %dma_wait3A_336] : memref<3x48x128xf32, #tpu.memory_space<vmem>> -> memref<1x48x128xf32, #tpu.memory_space<vmem>>
      %dma_wait3A_338 = tpu.memref_squeeze %dma_wait3A_337 : memref<1x48x128xf32, #tpu.memory_space<vmem>> -> memref<48x128xf32, #tpu.memory_space<vmem>>
      %dma_wait3A_339 = arith.constant 0 : i32
      %dma_wait3A_340 = tpu.memref_slice %arg3[%add3A_254, %dma_wait3A_339] : memref<55296x128xf32, #tpu.memory_space<hbm>> -> memref<48x128xf32, #tpu.memory_space<hbm>>
      %dma_wait3A_341 = arith.constant 0 : i32
      %dma_wait3A_342 = arith.constant 0 : i32
      %dma_wait3A_343 = tpu.memref_slice %arg8[%run_scoped3A, %dma_wait3A_341, %dma_wait3A_342] : memref<3x48x128xf32, #tpu.memory_space<vmem>> -> memref<1x48x128xf32, #tpu.memory_space<vmem>>
      %dma_wait3A_344 = tpu.memref_squeeze %dma_wait3A_343 : memref<1x48x128xf32, #tpu.memory_space<vmem>> -> memref<48x128xf32, #tpu.memory_space<vmem>>
      %dma_wait3A_345 = arith.constant 0 : i32
      %dma_wait3A_346 = tpu.memref_slice %arg3[%add3A_254, %dma_wait3A_345] : memref<55296x128xf32, #tpu.memory_space<hbm>> -> memref<48x128xf32, #tpu.memory_space<hbm>>
      tpu.wait_dma2 semaphore(%run_scoped3A_322 : memref<!tpu.dma_semaphore, #tpu.memory_space<semaphore_mem>>) src(%dma_wait3A_346 : memref<48x128xf32, #tpu.memory_space<hbm>>) dst(%dma_wait3A_344 : memref<48x128xf32, #tpu.memory_space<vmem>>)
      tpu.yield
    }) : () -> ()
    %add3A_255 = arith.constant 96 : i32
    %add3A_256 = arith.addi %add3A_252, %add3A_255 : i32
    %run_scoped3A_257 = arith.constant 1 : i32
    "tpu.region"() ({
      %run_scoped3A_322 = tpu.sem_alloc : memref<!tpu.dma_semaphore, #tpu.memory_space<semaphore_mem>>
      %dma_start3A_323 = arith.constant 0 : i32
      %dma_start3A_324 = arith.constant 0 : i32
      %dma_start3A_325 = tpu.memref_slice %arg8[%run_scoped3A_257, %dma_start3A_323, %dma_start3A_324] : memref<3x48x128xf32, #tpu.memory_space<vmem>> -> memref<1x48x128xf32, #tpu.memory_space<vmem>>
      %dma_start3A_326 = tpu.memref_squeeze %dma_start3A_325 : memref<1x48x128xf32, #tpu.memory_space<vmem>> -> memref<48x128xf32, #tpu.memory_space<vmem>>
      %dma_start3A_327 = arith.constant 0 : i32
      %dma_start3A_328 = tpu.memref_slice %arg3[%add3A_256, %dma_start3A_327] : memref<55296x128xf32, #tpu.memory_space<hbm>> -> memref<48x128xf32, #tpu.memory_space<hbm>>
      %dma_start3A_329 = arith.constant 0 : i32
      %dma_start3A_330 = arith.constant 0 : i32
      %dma_start3A_331 = tpu.memref_slice %arg8[%run_scoped3A_257, %dma_start3A_329, %dma_start3A_330] : memref<3x48x128xf32, #tpu.memory_space<vmem>> -> memref<1x48x128xf32, #tpu.memory_space<vmem>>
      %dma_start3A_332 = tpu.memref_squeeze %dma_start3A_331 : memref<1x48x128xf32, #tpu.memory_space<vmem>> -> memref<48x128xf32, #tpu.memory_space<vmem>>
      %dma_start3A_333 = arith.constant 0 : i32
      %dma_start3A_334 = tpu.memref_slice %arg3[%add3A_256, %dma_start3A_333] : memref<55296x128xf32, #tpu.memory_space<hbm>> -> memref<48x128xf32, #tpu.memory_space<hbm>>
      tpu.enqueue_dma source(%dma_start3A_334 : memref<48x128xf32, #tpu.memory_space<hbm>>) target(%dma_start3A_332 : memref<48x128xf32, #tpu.memory_space<vmem>>) target_semaphore(%run_scoped3A_322 : memref<!tpu.dma_semaphore, #tpu.memory_space<semaphore_mem>>)
      %dma_wait3A_335 = arith.constant 0 : i32
      %dma_wait3A_336 = arith.constant 0 : i32
      %dma_wait3A_337 = tpu.memref_slice %arg8[%run_scoped3A_257, %dma_wait3A_335, %dma_wait3A_336] : memref<3x48x128xf32, #tpu.memory_space<vmem>> -> memref<1x48x128xf32, #tpu.memory_space<vmem>>
      %dma_wait3A_338 = tpu.memref_squeeze %dma_wait3A_337 : memref<1x48x128xf32, #tpu.memory_space<vmem>> -> memref<48x128xf32, #tpu.memory_space<vmem>>
      %dma_wait3A_339 = arith.constant 0 : i32
      %dma_wait3A_340 = tpu.memref_slice %arg3[%add3A_256, %dma_wait3A_339] : memref<55296x128xf32, #tpu.memory_space<hbm>> -> memref<48x128xf32, #tpu.memory_space<hbm>>
      %dma_wait3A_341 = arith.constant 0 : i32
      %dma_wait3A_342 = arith.constant 0 : i32
      %dma_wait3A_343 = tpu.memref_slice %arg8[%run_scoped3A_257, %dma_wait3A_341, %dma_wait3A_342] : memref<3x48x128xf32, #tpu.memory_space<vmem>> -> memref<1x48x128xf32, #tpu.memory_space<vmem>>
      %dma_wait3A_344 = tpu.memref_squeeze %dma_wait3A_343 : memref<1x48x128xf32, #tpu.memory_space<vmem>> -> memref<48x128xf32, #tpu.memory_space<vmem>>
      %dma_wait3A_345 = arith.constant 0 : i32
      %dma_wait3A_346 = tpu.memref_slice %arg3[%add3A_256, %dma_wait3A_345] : memref<55296x128xf32, #tpu.memory_space<hbm>> -> memref<48x128xf32, #tpu.memory_space<hbm>>
      tpu.wait_dma2 semaphore(%run_scoped3A_322 : memref<!tpu.dma_semaphore, #tpu.memory_space<semaphore_mem>>) src(%dma_wait3A_346 : memref<48x128xf32, #tpu.memory_space<hbm>>) dst(%dma_wait3A_344 : memref<48x128xf32, #tpu.memory_space<vmem>>)
      tpu.yield
    }) : () -> ()
    %add3A_258 = arith.constant 192 : i32
    %add3A_259 = arith.addi %add3A_252, %add3A_258 : i32
    %run_scoped3A_260 = arith.constant 2 : i32
    "tpu.region"() ({
      %run_scoped3A_322 = tpu.sem_alloc : memref<!tpu.dma_semaphore, #tpu.memory_space<semaphore_mem>>
      %dma_start3A_323 = arith.constant 0 : i32
      %dma_start3A_324 = arith.constant 0 : i32
      %dma_start3A_325 = tpu.memref_slice %arg8[%run_scoped3A_260, %dma_start3A_323, %dma_start3A_324] : memref<3x48x128xf32, #tpu.memory_space<vmem>> -> memref<1x48x128xf32, #tpu.memory_space<vmem>>
      %dma_start3A_326 = tpu.memref_squeeze %dma_start3A_325 : memref<1x48x128xf32, #tpu.memory_space<vmem>> -> memref<48x128xf32, #tpu.memory_space<vmem>>
      %dma_start3A_327 = arith.constant 0 : i32
      %dma_start3A_328 = tpu.memref_slice %arg3[%add3A_259, %dma_start3A_327] : memref<55296x128xf32, #tpu.memory_space<hbm>> -> memref<48x128xf32, #tpu.memory_space<hbm>>
      %dma_start3A_329 = arith.constant 0 : i32
      %dma_start3A_330 = arith.constant 0 : i32
      %dma_start3A_331 = tpu.memref_slice %arg8[%run_scoped3A_260, %dma_start3A_329, %dma_start3A_330] : memref<3x48x128xf32, #tpu.memory_space<vmem>> -> memref<1x48x128xf32, #tpu.memory_space<vmem>>
      %dma_start3A_332 = tpu.memref_squeeze %dma_start3A_331 : memref<1x48x128xf32, #tpu.memory_space<vmem>> -> memref<48x128xf32, #tpu.memory_space<vmem>>
      %dma_start3A_333 = arith.constant 0 : i32
      %dma_start3A_334 = tpu.memref_slice %arg3[%add3A_259, %dma_start3A_333] : memref<55296x128xf32, #tpu.memory_space<hbm>> -> memref<48x128xf32, #tpu.memory_space<hbm>>
      tpu.enqueue_dma source(%dma_start3A_334 : memref<48x128xf32, #tpu.memory_space<hbm>>) target(%dma_start3A_332 : memref<48x128xf32, #tpu.memory_space<vmem>>) target_semaphore(%run_scoped3A_322 : memref<!tpu.dma_semaphore, #tpu.memory_space<semaphore_mem>>)
      %dma_wait3A_335 = arith.constant 0 : i32
      %dma_wait3A_336 = arith.constant 0 : i32
      %dma_wait3A_337 = tpu.memref_slice %arg8[%run_scoped3A_260, %dma_wait3A_335, %dma_wait3A_336] : memref<3x48x128xf32, #tpu.memory_space<vmem>> -> memref<1x48x128xf32, #tpu.memory_space<vmem>>
      %dma_wait3A_338 = tpu.memref_squeeze %dma_wait3A_337 : memref<1x48x128xf32, #tpu.memory_space<vmem>> -> memref<48x128xf32, #tpu.memory_space<vmem>>
      %dma_wait3A_339 = arith.constant 0 : i32
      %dma_wait3A_340 = tpu.memref_slice %arg3[%add3A_259, %dma_wait3A_339] : memref<55296x128xf32, #tpu.memory_space<hbm>> -> memref<48x128xf32, #tpu.memory_space<hbm>>
      %dma_wait3A_341 = arith.constant 0 : i32
      %dma_wait3A_342 = arith.constant 0 : i32
      %dma_wait3A_343 = tpu.memref_slice %arg8[%run_scoped3A_260, %dma_wait3A_341, %dma_wait3A_342] : memref<3x48x128xf32, #tpu.memory_space<vmem>> -> memref<1x48x128xf32, #tpu.memory_space<vmem>>
      %dma_wait3A_344 = tpu.memref_squeeze %dma_wait3A_343 : memref<1x48x128xf32, #tpu.memory_space<vmem>> -> memref<48x128xf32, #tpu.memory_space<vmem>>
      %dma_wait3A_345 = arith.constant 0 : i32
      %dma_wait3A_346 = tpu.memref_slice %arg3[%add3A_259, %dma_wait3A_345] : memref<55296x128xf32, #tpu.memory_space<hbm>> -> memref<48x128xf32, #tpu.memory_space<hbm>>
      tpu.wait_dma2 semaphore(%run_scoped3A_322 : memref<!tpu.dma_semaphore, #tpu.memory_space<semaphore_mem>>) src(%dma_wait3A_346 : memref<48x128xf32, #tpu.memory_space<hbm>>) dst(%dma_wait3A_344 : memref<48x128xf32, #tpu.memory_space<vmem>>)
      tpu.yield
    }) : () -> ()
    %scan3A_261 = arith.constant 0 : i32
    %scan3A_262 = arith.constant 0 : i32
    %scan3A_263 = arith.constant 36 : i32
    %scan3A_264 = arith.addi %scan3A_262, %scan3A_263 : i32
    %scan3A_265 = arith.constant 1 : i32
    scf.for %scan3A_322 = %scan3A_262 to %scan3A_264 step %scan3A_265  : i32 {
      %mul3A_323 = arith.constant 2 : i32
      %mul3A_324 = arith.muli %scan3A_322, %mul3A_323 : i32
      %jit3A_325 = arith.constant 6 : i32
      %div3A_326 = arith.divsi %mul3A_324, %jit3A_325 : i32
      %sign3A_327 = arith.constant 0 : i32
      %sign3A_328 = arith.cmpi sgt, %mul3A_324, %sign3A_327 : i32
      %sign3A_329 = arith.extui %sign3A_328 : i1 to i32
      %sign3A_330 = arith.constant 0 : i32
      %sign3A_331 = arith.cmpi slt, %mul3A_324, %sign3A_330 : i32
      %sign3A_332 = arith.extui %sign3A_331 : i1 to i32
      %sign3A_333 = arith.subi %sign3A_329, %sign3A_332 : i32
      %sign3A_334 = arith.constant 0 : i32
      %sign3A_335 = arith.cmpi sgt, %jit3A_325, %sign3A_334 : i32
      %sign3A_336 = arith.extui %sign3A_335 : i1 to i32
      %sign3A_337 = arith.constant 0 : i32
      %sign3A_338 = arith.cmpi slt, %jit3A_325, %sign3A_337 : i32
      %sign3A_339 = arith.extui %sign3A_338 : i1 to i32
      %sign3A_340 = arith.subi %sign3A_336, %sign3A_339 : i32
      %ne3A_341 = arith.cmpi ne, %sign3A_333, %sign3A_340 : i32
      %rem3A_342 = arith.remsi %mul3A_324, %jit3A_325 : i32
      %ne3A_343 = arith.constant 0 : i32
      %ne3A_344 = arith.cmpi ne, %rem3A_342, %ne3A_343 : i32
      %and3A_345 = arith.andi %ne3A_341, %ne3A_344 : i1
      %sub3A_346 = arith.constant 1 : i32
      %sub3A_347 = arith.subi %div3A_326, %sub3A_346 : i32
      %select_n3A_348 = arith.select %and3A_345, %sub3A_347, %div3A_326 : i32
      %add3A_349 = arith.constant 0 : i32
      %add3A_350 = arith.addi %add3A_349, %select_n3A_348 : i32
      %jit3A_351 = arith.constant 6 : i32
      %eq3A_352 = arith.constant 0 : i32
      %eq3A_353 = arith.cmpi eq, %jit3A_351, %eq3A_352 : i32
      %jit3A_354 = arith.constant 1 : i32
      %select_n3A_355 = arith.select %eq3A_353, %jit3A_354, %jit3A_351 : i32
      %rem3A_356 = arith.remsi %mul3A_324, %select_n3A_355 : i32
      %ne3A_357 = arith.constant 0 : i32
      %ne3A_358 = arith.cmpi ne, %rem3A_356, %ne3A_357 : i32
      %lt3A_359 = arith.constant 0 : i32
      %lt3A_360 = arith.cmpi slt, %rem3A_356, %lt3A_359 : i32
      %lt3A_361 = arith.constant 0 : i32
      %lt3A_362 = arith.cmpi slt, %select_n3A_355, %lt3A_361 : i32
      %ne3A_363 = arith.xori %lt3A_360, %lt3A_362 : i1
      %and3A_364 = arith.andi %ne3A_363, %ne3A_358 : i1
      %add3A_365 = arith.addi %rem3A_356, %select_n3A_355 : i32
      %select_n3A_366 = arith.select %and3A_364, %add3A_365, %rem3A_356 : i32
      %mul3A_367 = arith.constant 16 : i32
      %mul3A_368 = arith.muli %select_n3A_366, %mul3A_367 : i32
      %get3A = arith.constant 0 : i32
      %get3A_369 = arith.index_cast %get3A : i32 to index
      %get3A_370 = arith.index_cast %add3A_350 : i32 to index
      %get3A_371 = arith.index_cast %mul3A_368 : i32 to index
      %get3A_372 = tpu.vector_load %arg8[%get3A_369, %get3A_370, %get3A_371] {strides = array<i32>} : memref<3x48x128xf32, #tpu.memory_space<vmem>>, vector<16xf32>,
      %get3A_373 = arith.constant 1 : i32
      %get3A_374 = arith.index_cast %get3A_373 : i32 to index
      %get3A_375 = arith.index_cast %add3A_350 : i32 to index
      %get3A_376 = arith.index_cast %mul3A_368 : i32 to index
      %get3A_377 = tpu.vector_load %arg8[%get3A_374, %get3A_375, %get3A_376] {strides = array<i32>} : memref<3x48x128xf32, #tpu.memory_space<vmem>>, vector<16xf32>,
      %get3A_378 = arith.constant 2 : i32
      %get3A_379 = arith.index_cast %get3A_378 : i32 to index
      %get3A_380 = arith.index_cast %add3A_350 : i32 to index
      %get3A_381 = arith.index_cast %mul3A_368 : i32 to index
      %get3A_382 = tpu.vector_load %arg8[%get3A_379, %get3A_380, %get3A_381] {strides = array<i32>} : memref<3x48x128xf32, #tpu.memory_space<vmem>>, vector<16xf32>,
      %convert_element_type3A = arith.fptosi %get3A_372 : vector<16xf32> to vector<16xi32>
      %min3A = arith.constant 94 : i32
      %min3A_383 = vector.broadcast %min3A : i32 to vector<16xi32>
      %min3A_384 = arith.minsi %convert_element_type3A, %min3A_383 : vector<16xi32>
      %convert_element_type3A_385 = arith.fptosi %get3A_377 : vector<16xf32> to vector<16xi32>
      %min3A_386 = arith.constant 94 : i32
      %min3A_387 = vector.broadcast %min3A_386 : i32 to vector<16xi32>
      %min3A_388 = arith.minsi %convert_element_type3A_385, %min3A_387 : vector<16xi32>
      %convert_element_type3A_389 = arith.fptosi %get3A_382 : vector<16xf32> to vector<16xi32>
      %min3A_390 = arith.constant 94 : i32
      %min3A_391 = vector.broadcast %min3A_390 : i32 to vector<16xi32>
      %min3A_392 = arith.minsi %convert_element_type3A_389, %min3A_391 : vector<16xi32>
      %convert_element_type3A_393 = arith.sitofp %min3A_384 : vector<16xi32> to vector<16xf32>
      %sub3A_394 = arith.subf %get3A_372, %convert_element_type3A_393 : vector<16xf32>
      %convert_element_type3A_395 = arith.sitofp %min3A_388 : vector<16xi32> to vector<16xf32>
      %sub3A_396 = arith.subf %get3A_377, %convert_element_type3A_395 : vector<16xf32>
      %convert_element_type3A_397 = arith.sitofp %min3A_392 : vector<16xi32> to vector<16xf32>
      %sub3A_398 = arith.subf %get3A_382, %convert_element_type3A_397 : vector<16xf32>
      %sub3A_399 = arith.constant 1.000000e+00 : f32
      %sub3A_400 = vector.broadcast %sub3A_399 : f32 to vector<16xf32>
      %sub3A_401 = arith.subf %sub3A_400, %sub3A_394 : vector<16xf32>
      %sub3A_402 = arith.constant 1.000000e+00 : f32
      %sub3A_403 = vector.broadcast %sub3A_402 : f32 to vector<16xf32>
      %sub3A_404 = arith.subf %sub3A_403, %sub3A_396 : vector<16xf32>
      %sub3A_405 = arith.constant 1.000000e+00 : f32
      %sub3A_406 = vector.broadcast %sub3A_405 : f32 to vector<16xf32>
      %sub3A_407 = arith.subf %sub3A_406, %sub3A_398 : vector<16xf32>
      %mul3A_408 = arith.constant 9216 : i32
      %mul3A_409 = vector.broadcast %mul3A_408 : i32 to vector<16xi32>
      %mul3A_410 = arith.muli %min3A_384, %mul3A_409 : vector<16xi32>
      %add3A_411 = vector.broadcast %mul3A_0 : i32 to vector<16xi32>
      %add3A_412 = arith.addi %add3A_411, %mul3A_410 : vector<16xi32>
      %mul3A_413 = arith.constant 96 : i32
      %mul3A_414 = vector.broadcast %mul3A_413 : i32 to vector<16xi32>
      %mul3A_415 = arith.muli %min3A_388, %mul3A_414 : vector<16xi32>
      %add3A_416 = arith.addi %add3A_412, %mul3A_415 : vector<16xi32>
      %add3A_417 = arith.addi %add3A_416, %min3A_392 : vector<16xi32>
      %mul3A_418 = arith.constant 16 : i32
      %mul3A_419 = arith.muli %mul3A_324, %mul3A_418 : i32
      %swap3A = arith.constant 0 : i32
      %swap3A_420 = arith.constant 0 : i32
      %swap3A_421 = arith.index_cast %swap3A : i32 to index
      %swap3A_422 = arith.index_cast %swap3A_420 : i32 to index
      %swap3A_423 = arith.index_cast %mul3A_419 : i32 to index
      %swap3A_424 = tpu.vector_load %arg9[%swap3A_421, %swap3A_422, %swap3A_423] {strides = array<i32>} : memref<2x2x1152xi32, #tpu.memory_space<vmem>>, vector<16xi32>,
      tpu.vector_store %arg9[%swap3A_421, %swap3A_422, %swap3A_423], %add3A_417 {strides = array<i32>} : memref<2x2x1152xi32, #tpu.memory_space<vmem>>, vector<16xi32>,
      %add3A_425 = arith.constant 9216 : i32
      %add3A_426 = vector.broadcast %add3A_425 : i32 to vector<16xi32>
      %add3A_427 = arith.addi %add3A_417, %add3A_426 : vector<16xi32>
      %swap3A_428 = arith.constant 0 : i32
      %swap3A_429 = arith.constant 1 : i32
      %swap3A_430 = arith.index_cast %swap3A_428 : i32 to index
      %swap3A_431 = arith.index_cast %swap3A_429 : i32 to index
      %swap3A_432 = arith.index_cast %mul3A_419 : i32 to index
      %swap3A_433 = tpu.vector_load %arg9[%swap3A_430, %swap3A_431, %swap3A_432] {strides = array<i32>} : memref<2x2x1152xi32, #tpu.memory_space<vmem>>, vector<16xi32>,
      tpu.vector_store %arg9[%swap3A_430, %swap3A_431, %swap3A_432], %add3A_427 {strides = array<i32>} : memref<2x2x1152xi32, #tpu.memory_space<vmem>>, vector<16xi32>,
      %mul3A_434 = arith.mulf %sub3A_404, %sub3A_407 : vector<16xf32>
      %mul3A_435 = arith.mulf %sub3A_404, %sub3A_398 : vector<16xf32>
      %mul3A_436 = arith.mulf %sub3A_396, %sub3A_407 : vector<16xf32>
      %mul3A_437 = arith.mulf %sub3A_396, %sub3A_398 : vector<16xf32>
      %mul3A_438 = arith.mulf %sub3A_401, %mul3A_434 : vector<16xf32>
      %swap3A_439 = arith.constant 0 : i32
      %swap3A_440 = arith.constant 0 : i32
      %swap3A_441 = arith.index_cast %swap3A_439 : i32 to index
      %swap3A_442 = arith.index_cast %swap3A_440 : i32 to index
      %swap3A_443 = arith.index_cast %mul3A_419 : i32 to index
      %swap3A_444 = tpu.vector_load %arg10[%swap3A_441, %swap3A_442, %swap3A_443] {strides = array<i32>} : memref<2x8x1152xf32, #tpu.memory_space<vmem>>, vector<16xf32>,
      tpu.vector_store %arg10[%swap3A_441, %swap3A_442, %swap3A_443], %mul3A_438 {strides = array<i32>} : memref<2x8x1152xf32, #tpu.memory_space<vmem>>, vector<16xf32>,
      %mul3A_445 = arith.mulf %sub3A_394, %mul3A_434 : vector<16xf32>
      %swap3A_446 = arith.constant 0 : i32
      %swap3A_447 = arith.constant 4 : i32
      %swap3A_448 = arith.index_cast %swap3A_446 : i32 to index
      %swap3A_449 = arith.index_cast %swap3A_447 : i32 to index
      %swap3A_450 = arith.index_cast %mul3A_419 : i32 to index
      %swap3A_451 = tpu.vector_load %arg10[%swap3A_448, %swap3A_449, %swap3A_450] {strides = array<i32>} : memref<2x8x1152xf32, #tpu.memory_space<vmem>>, vector<16xf32>,
      tpu.vector_store %arg10[%swap3A_448, %swap3A_449, %swap3A_450], %mul3A_445 {strides = array<i32>} : memref<2x8x1152xf32, #tpu.memory_space<vmem>>, vector<16xf32>,
      %mul3A_452 = arith.mulf %sub3A_401, %mul3A_435 : vector<16xf32>
      %swap3A_453 = arith.constant 0 : i32
      %swap3A_454 = arith.constant 1 : i32
      %swap3A_455 = arith.index_cast %swap3A_453 : i32 to index
      %swap3A_456 = arith.index_cast %swap3A_454 : i32 to index
      %swap3A_457 = arith.index_cast %mul3A_419 : i32 to index
      %swap3A_458 = tpu.vector_load %arg10[%swap3A_455, %swap3A_456, %swap3A_457] {strides = array<i32>} : memref<2x8x1152xf32, #tpu.memory_space<vmem>>, vector<16xf32>,
      tpu.vector_store %arg10[%swap3A_455, %swap3A_456, %swap3A_457], %mul3A_452 {strides = array<i32>} : memref<2x8x1152xf32, #tpu.memory_space<vmem>>, vector<16xf32>,
      %mul3A_459 = arith.mulf %sub3A_394, %mul3A_435 : vector<16xf32>
      %swap3A_460 = arith.constant 0 : i32
      %swap3A_461 = arith.constant 5 : i32
      %swap3A_462 = arith.index_cast %swap3A_460 : i32 to index
      %swap3A_463 = arith.index_cast %swap3A_461 : i32 to index
      %swap3A_464 = arith.index_cast %mul3A_419 : i32 to index
      %swap3A_465 = tpu.vector_load %arg10[%swap3A_462, %swap3A_463, %swap3A_464] {strides = array<i32>} : memref<2x8x1152xf32, #tpu.memory_space<vmem>>, vector<16xf32>,
      tpu.vector_store %arg10[%swap3A_462, %swap3A_463, %swap3A_464], %mul3A_459 {strides = array<i32>} : memref<2x8x1152xf32, #tpu.memory_space<vmem>>, vector<16xf32>,
      %mul3A_466 = arith.mulf %sub3A_401, %mul3A_436 : vector<16xf32>
      %swap3A_467 = arith.constant 0 : i32
      %swap3A_468 = arith.constant 2 : i32
      %swap3A_469 = arith.index_cast %swap3A_467 : i32 to index
      %swap3A_470 = arith.index_cast %swap3A_468 : i32 to index
      %swap3A_471 = arith.index_cast %mul3A_419 : i32 to index
      %swap3A_472 = tpu.vector_load %arg10[%swap3A_469, %swap3A_470, %swap3A_471] {strides = array<i32>} : memref<2x8x1152xf32, #tpu.memory_space<vmem>>, vector<16xf32>,
      tpu.vector_store %arg10[%swap3A_469, %swap3A_470, %swap3A_471], %mul3A_466 {strides = array<i32>} : memref<2x8x1152xf32, #tpu.memory_space<vmem>>, vector<16xf32>,
      %mul3A_473 = arith.mulf %sub3A_394, %mul3A_436 : vector<16xf32>
      %swap3A_474 = arith.constant 0 : i32
      %swap3A_475 = arith.constant 6 : i32
      %swap3A_476 = arith.index_cast %swap3A_474 : i32 to index
      %swap3A_477 = arith.index_cast %swap3A_475 : i32 to index
      %swap3A_478 = arith.index_cast %mul3A_419 : i32 to index
      %swap3A_479 = tpu.vector_load %arg10[%swap3A_476, %swap3A_477, %swap3A_478] {strides = array<i32>} : memref<2x8x1152xf32, #tpu.memory_space<vmem>>, vector<16xf32>,
      tpu.vector_store %arg10[%swap3A_476, %swap3A_477, %swap3A_478], %mul3A_473 {strides = array<i32>} : memref<2x8x1152xf32, #tpu.memory_space<vmem>>, vector<16xf32>,
      %mul3A_480 = arith.mulf %sub3A_401, %mul3A_437 : vector<16xf32>
      %swap3A_481 = arith.constant 0 : i32
      %swap3A_482 = arith.constant 3 : i32
      %swap3A_483 = arith.index_cast %swap3A_481 : i32 to index
      %swap3A_484 = arith.index_cast %swap3A_482 : i32 to index
      %swap3A_485 = arith.index_cast %mul3A_419 : i32 to index
      %swap3A_486 = tpu.vector_load %arg10[%swap3A_483, %swap3A_484, %swap3A_485] {strides = array<i32>} : memref<2x8x1152xf32, #tpu.memory_space<vmem>>, vector<16xf32>,
      tpu.vector_store %arg10[%swap3A_483, %swap3A_484, %swap3A_485], %mul3A_480 {strides = array<i32>} : memref<2x8x1152xf32, #tpu.memory_space<vmem>>, vector<16xf32>,
      %mul3A_487 = arith.mulf %sub3A_394, %mul3A_437 : vector<16xf32>
      %swap3A_488 = arith.constant 0 : i32
      %swap3A_489 = arith.constant 7 : i32
      %swap3A_490 = arith.index_cast %swap3A_488 : i32 to index
      %swap3A_491 = arith.index_cast %swap3A_489 : i32 to index
      %swap3A_492 = arith.index_cast %mul3A_419 : i32 to index
      %swap3A_493 = tpu.vector_load %arg10[%swap3A_490, %swap3A_491, %swap3A_492] {strides = array<i32>} : memref<2x8x1152xf32, #tpu.memory_space<vmem>>, vector<16xf32>,
      tpu.vector_store %arg10[%swap3A_490, %swap3A_491, %swap3A_492], %mul3A_487 {strides = array<i32>} : memref<2x8x1152xf32, #tpu.memory_space<vmem>>, vector<16xf32>,
      %mul3A_494 = arith.constant 2 : i32
      %mul3A_495 = arith.muli %scan3A_322, %mul3A_494 : i32
      %add3A_496 = arith.constant 1 : i32
      %add3A_497 = arith.addi %mul3A_495, %add3A_496 : i32
      %jit3A_498 = arith.constant 6 : i32
      %div3A_499 = arith.divsi %add3A_497, %jit3A_498 : i32
      %sign3A_500 = arith.constant 0 : i32
      %sign3A_501 = arith.cmpi sgt, %add3A_497, %sign3A_500 : i32
      %sign3A_502 = arith.extui %sign3A_501 : i1 to i32
      %sign3A_503 = arith.constant 0 : i32
      %sign3A_504 = arith.cmpi slt, %add3A_497, %sign3A_503 : i32
      %sign3A_505 = arith.extui %sign3A_504 : i1 to i32
      %sign3A_506 = arith.subi %sign3A_502, %sign3A_505 : i32
      %sign3A_507 = arith.constant 0 : i32
      %sign3A_508 = arith.cmpi sgt, %jit3A_498, %sign3A_507 : i32
      %sign3A_509 = arith.extui %sign3A_508 : i1 to i32
      %sign3A_510 = arith.constant 0 : i32
      %sign3A_511 = arith.cmpi slt, %jit3A_498, %sign3A_510 : i32
      %sign3A_512 = arith.extui %sign3A_511 : i1 to i32
      %sign3A_513 = arith.subi %sign3A_509, %sign3A_512 : i32
      %ne3A_514 = arith.cmpi ne, %sign3A_506, %sign3A_513 : i32
      %rem3A_515 = arith.remsi %add3A_497, %jit3A_498 : i32
      %ne3A_516 = arith.constant 0 : i32
      %ne3A_517 = arith.cmpi ne, %rem3A_515, %ne3A_516 : i32
      %and3A_518 = arith.andi %ne3A_514, %ne3A_517 : i1
      %sub3A_519 = arith.constant 1 : i32
      %sub3A_520 = arith.subi %div3A_499, %sub3A_519 : i32
      %select_n3A_521 = arith.select %and3A_518, %sub3A_520, %div3A_499 : i32
      %add3A_522 = arith.constant 0 : i32
      %add3A_523 = arith.addi %add3A_522, %select_n3A_521 : i32
      %jit3A_524 = arith.constant 6 : i32
      %eq3A_525 = arith.constant 0 : i32
      %eq3A_526 = arith.cmpi eq, %jit3A_524, %eq3A_525 : i32
      %jit3A_527 = arith.constant 1 : i32
      %select_n3A_528 = arith.select %eq3A_526, %jit3A_527, %jit3A_524 : i32
      %rem3A_529 = arith.remsi %add3A_497, %select_n3A_528 : i32
      %ne3A_530 = arith.constant 0 : i32
      %ne3A_531 = arith.cmpi ne, %rem3A_529, %ne3A_530 : i32
      %lt3A_532 = arith.constant 0 : i32
      %lt3A_533 = arith.cmpi slt, %rem3A_529, %lt3A_532 : i32
      %lt3A_534 = arith.constant 0 : i32
      %lt3A_535 = arith.cmpi slt, %select_n3A_528, %lt3A_534 : i32
      %ne3A_536 = arith.xori %lt3A_533, %lt3A_535 : i1
      %and3A_537 = arith.andi %ne3A_536, %ne3A_531 : i1
      %add3A_538 = arith.addi %rem3A_529, %select_n3A_528 : i32
      %select_n3A_539 = arith.select %and3A_537, %add3A_538, %rem3A_529 : i32
      %mul3A_540 = arith.constant 16 : i32
      %mul3A_541 = arith.muli %select_n3A_539, %mul3A_540 : i32
      %get3A_542 = arith.constant 0 : i32
      %get3A_543 = arith.index_cast %get3A_542 : i32 to index
      %get3A_544 = arith.index_cast %add3A_523 : i32 to index
      %get3A_545 = arith.index_cast %mul3A_541 : i32 to index
      %get3A_546 = tpu.vector_load %arg8[%get3A_543, %get3A_544, %get3A_545] {strides = array<i32>} : memref<3x48x128xf32, #tpu.memory_space<vmem>>, vector<16xf32>,
      %get3A_547 = arith.constant 1 : i32
      %get3A_548 = arith.index_cast %get3A_547 : i32 to index
      %get3A_549 = arith.index_cast %add3A_523 : i32 to index
      %get3A_550 = arith.index_cast %mul3A_541 : i32 to index
      %get3A_551 = tpu.vector_load %arg8[%get3A_548, %get3A_549, %get3A_550] {strides = array<i32>} : memref<3x48x128xf32, #tpu.memory_space<vmem>>, vector<16xf32>,
      %get3A_552 = arith.constant 2 : i32
      %get3A_553 = arith.index_cast %get3A_552 : i32 to index
      %get3A_554 = arith.index_cast %add3A_523 : i32 to index
      %get3A_555 = arith.index_cast %mul3A_541 : i32 to index
      %get3A_556 = tpu.vector_load %arg8[%get3A_553, %get3A_554, %get3A_555] {strides = array<i32>} : memref<3x48x128xf32, #tpu.memory_space<vmem>>, vector<16xf32>,
      %convert_element_type3A_557 = arith.fptosi %get3A_546 : vector<16xf32> to vector<16xi32>
      %min3A_558 = arith.constant 94 : i32
      %min3A_559 = vector.broadcast %min3A_558 : i32 to vector<16xi32>
      %min3A_560 = arith.minsi %convert_element_type3A_557, %min3A_559 : vector<16xi32>
      %convert_element_type3A_561 = arith.fptosi %get3A_551 : vector<16xf32> to vector<16xi32>
      %min3A_562 = arith.constant 94 : i32
      %min3A_563 = vector.broadcast %min3A_562 : i32 to vector<16xi32>
      %min3A_564 = arith.minsi %convert_element_type3A_561, %min3A_563 : vector<16xi32>
      %convert_element_type3A_565 = arith.fptosi %get3A_556 : vector<16xf32> to vector<16xi32>
      %min3A_566 = arith.constant 94 : i32
      %min3A_567 = vector.broadcast %min3A_566 : i32 to vector<16xi32>
      %min3A_568 = arith.minsi %convert_element_type3A_565, %min3A_567 : vector<16xi32>
      %convert_element_type3A_569 = arith.sitofp %min3A_560 : vector<16xi32> to vector<16xf32>
      %sub3A_570 = arith.subf %get3A_546, %convert_element_type3A_569 : vector<16xf32>
      %convert_element_type3A_571 = arith.sitofp %min3A_564 : vector<16xi32> to vector<16xf32>
      %sub3A_572 = arith.subf %get3A_551, %convert_element_type3A_571 : vector<16xf32>
      %convert_element_type3A_573 = arith.sitofp %min3A_568 : vector<16xi32> to vector<16xf32>
      %sub3A_574 = arith.subf %get3A_556, %convert_element_type3A_573 : vector<16xf32>
      %sub3A_575 = arith.constant 1.000000e+00 : f32
      %sub3A_576 = vector.broadcast %sub3A_575 : f32 to vector<16xf32>
      %sub3A_577 = arith.subf %sub3A_576, %sub3A_570 : vector<16xf32>
      %sub3A_578 = arith.constant 1.000000e+00 : f32
      %sub3A_579 = vector.broadcast %sub3A_578 : f32 to vector<16xf32>
      %sub3A_580 = arith.subf %sub3A_579, %sub3A_572 : vector<16xf32>
      %sub3A_581 = arith.constant 1.000000e+00 : f32
      %sub3A_582 = vector.broadcast %sub3A_581 : f32 to vector<16xf32>
      %sub3A_583 = arith.subf %sub3A_582, %sub3A_574 : vector<16xf32>
      %mul3A_584 = arith.constant 9216 : i32
      %mul3A_585 = vector.broadcast %mul3A_584 : i32 to vector<16xi32>
      %mul3A_586 = arith.muli %min3A_560, %mul3A_585 : vector<16xi32>
      %add3A_587 = vector.broadcast %mul3A_0 : i32 to vector<16xi32>
      %add3A_588 = arith.addi %add3A_587, %mul3A_586 : vector<16xi32>
      %mul3A_589 = arith.constant 96 : i32
      %mul3A_590 = vector.broadcast %mul3A_589 : i32 to vector<16xi32>
      %mul3A_591 = arith.muli %min3A_564, %mul3A_590 : vector<16xi32>
      %add3A_592 = arith.addi %add3A_588, %mul3A_591 : vector<16xi32>
      %add3A_593 = arith.addi %add3A_592, %min3A_568 : vector<16xi32>
      %mul3A_594 = arith.constant 16 : i32
      %mul3A_595 = arith.muli %add3A_497, %mul3A_594 : i32
      %swap3A_596 = arith.constant 0 : i32
      %swap3A_597 = arith.constant 0 : i32
      %swap3A_598 = arith.index_cast %swap3A_596 : i32 to index
      %swap3A_599 = arith.index_cast %swap3A_597 : i32 to index
      %swap3A_600 = arith.index_cast %mul3A_595 : i32 to index
      %swap3A_601 = tpu.vector_load %arg9[%swap3A_598, %swap3A_599, %swap3A_600] {strides = array<i32>} : memref<2x2x1152xi32, #tpu.memory_space<vmem>>, vector<16xi32>,
      tpu.vector_store %arg9[%swap3A_598, %swap3A_599, %swap3A_600], %add3A_593 {strides = array<i32>} : memref<2x2x1152xi32, #tpu.memory_space<vmem>>, vector<16xi32>,
      %add3A_602 = arith.constant 9216 : i32
      %add3A_603 = vector.broadcast %add3A_602 : i32 to vector<16xi32>
      %add3A_604 = arith.addi %add3A_593, %add3A_603 : vector<16xi32>
      %swap3A_605 = arith.constant 0 : i32
      %swap3A_606 = arith.constant 1 : i32
      %swap3A_607 = arith.index_cast %swap3A_605 : i32 to index
      %swap3A_608 = arith.index_cast %swap3A_606 : i32 to index
      %swap3A_609 = arith.index_cast %mul3A_595 : i32 to index
      %swap3A_610 = tpu.vector_load %arg9[%swap3A_607, %swap3A_608, %swap3A_609] {strides = array<i32>} : memref<2x2x1152xi32, #tpu.memory_space<vmem>>, vector<16xi32>,
      tpu.vector_store %arg9[%swap3A_607, %swap3A_608, %swap3A_609], %add3A_604 {strides = array<i32>} : memref<2x2x1152xi32, #tpu.memory_space<vmem>>, vector<16xi32>,
      %mul3A_611 = arith.mulf %sub3A_580, %sub3A_583 : vector<16xf32>
      %mul3A_612 = arith.mulf %sub3A_580, %sub3A_574 : vector<16xf32>
      %mul3A_613 = arith.mulf %sub3A_572, %sub3A_583 : vector<16xf32>
      %mul3A_614 = arith.mulf %sub3A_572, %sub3A_574 : vector<16xf32>
      %mul3A_615 = arith.mulf %sub3A_577, %mul3A_611 : vector<16xf32>
      %swap3A_616 = arith.constant 0 : i32
      %swap3A_617 = arith.constant 0 : i32
      %swap3A_618 = arith.index_cast %swap3A_616 : i32 to index
      %swap3A_619 = arith.index_cast %swap3A_617 : i32 to index
      %swap3A_620 = arith.index_cast %mul3A_595 : i32 to index
      %swap3A_621 = tpu.vector_load %arg10[%swap3A_618, %swap3A_619, %swap3A_620] {strides = array<i32>} : memref<2x8x1152xf32, #tpu.memory_space<vmem>>, vector<16xf32>,
      tpu.vector_store %arg10[%swap3A_618, %swap3A_619, %swap3A_620], %mul3A_615 {strides = array<i32>} : memref<2x8x1152xf32, #tpu.memory_space<vmem>>, vector<16xf32>,
      %mul3A_622 = arith.mulf %sub3A_570, %mul3A_611 : vector<16xf32>
      %swap3A_623 = arith.constant 0 : i32
      %swap3A_624 = arith.constant 4 : i32
      %swap3A_625 = arith.index_cast %swap3A_623 : i32 to index
      %swap3A_626 = arith.index_cast %swap3A_624 : i32 to index
      %swap3A_627 = arith.index_cast %mul3A_595 : i32 to index
      %swap3A_628 = tpu.vector_load %arg10[%swap3A_625, %swap3A_626, %swap3A_627] {strides = array<i32>} : memref<2x8x1152xf32, #tpu.memory_space<vmem>>, vector<16xf32>,
      tpu.vector_store %arg10[%swap3A_625, %swap3A_626, %swap3A_627], %mul3A_622 {strides = array<i32>} : memref<2x8x1152xf32, #tpu.memory_space<vmem>>, vector<16xf32>,
      %mul3A_629 = arith.mulf %sub3A_577, %mul3A_612 : vector<16xf32>
      %swap3A_630 = arith.constant 0 : i32
      %swap3A_631 = arith.constant 1 : i32
      %swap3A_632 = arith.index_cast %swap3A_630 : i32 to index
      %swap3A_633 = arith.index_cast %swap3A_631 : i32 to index
      %swap3A_634 = arith.index_cast %mul3A_595 : i32 to index
      %swap3A_635 = tpu.vector_load %arg10[%swap3A_632, %swap3A_633, %swap3A_634] {strides = array<i32>} : memref<2x8x1152xf32, #tpu.memory_space<vmem>>, vector<16xf32>,
      tpu.vector_store %arg10[%swap3A_632, %swap3A_633, %swap3A_634], %mul3A_629 {strides = array<i32>} : memref<2x8x1152xf32, #tpu.memory_space<vmem>>, vector<16xf32>,
      %mul3A_636 = arith.mulf %sub3A_570, %mul3A_612 : vector<16xf32>
      %swap3A_637 = arith.constant 0 : i32
      %swap3A_638 = arith.constant 5 : i32
      %swap3A_639 = arith.index_cast %swap3A_637 : i32 to index
      %swap3A_640 = arith.index_cast %swap3A_638 : i32 to index
      %swap3A_641 = arith.index_cast %mul3A_595 : i32 to index
      %swap3A_642 = tpu.vector_load %arg10[%swap3A_639, %swap3A_640, %swap3A_641] {strides = array<i32>} : memref<2x8x1152xf32, #tpu.memory_space<vmem>>, vector<16xf32>,
      tpu.vector_store %arg10[%swap3A_639, %swap3A_640, %swap3A_641], %mul3A_636 {strides = array<i32>} : memref<2x8x1152xf32, #tpu.memory_space<vmem>>, vector<16xf32>,
      %mul3A_643 = arith.mulf %sub3A_577, %mul3A_613 : vector<16xf32>
      %swap3A_644 = arith.constant 0 : i32
      %swap3A_645 = arith.constant 2 : i32
      %swap3A_646 = arith.index_cast %swap3A_644 : i32 to index
      %swap3A_647 = arith.index_cast %swap3A_645 : i32 to index
      %swap3A_648 = arith.index_cast %mul3A_595 : i32 to index
      %swap3A_649 = tpu.vector_load %arg10[%swap3A_646, %swap3A_647, %swap3A_648] {strides = array<i32>} : memref<2x8x1152xf32, #tpu.memory_space<vmem>>, vector<16xf32>,
      tpu.vector_store %arg10[%swap3A_646, %swap3A_647, %swap3A_648], %mul3A_643 {strides = array<i32>} : memref<2x8x1152xf32, #tpu.memory_space<vmem>>, vector<16xf32>,
      %mul3A_650 = arith.mulf %sub3A_570, %mul3A_613 : vector<16xf32>
      %swap3A_651 = arith.constant 0 : i32
      %swap3A_652 = arith.constant 6 : i32
      %swap3A_653 = arith.index_cast %swap3A_651 : i32 to index
      %swap3A_654 = arith.index_cast %swap3A_652 : i32 to index
      %swap3A_655 = arith.index_cast %mul3A_595 : i32 to index
      %swap3A_656 = tpu.vector_load %arg10[%swap3A_653, %swap3A_654, %swap3A_655] {strides = array<i32>} : memref<2x8x1152xf32, #tpu.memory_space<vmem>>, vector<16xf32>,
      tpu.vector_store %arg10[%swap3A_653, %swap3A_654, %swap3A_655], %mul3A_650 {strides = array<i32>} : memref<2x8x1152xf32, #tpu.memory_space<vmem>>, vector<16xf32>,
      %mul3A_657 = arith.mulf %sub3A_577, %mul3A_614 : vector<16xf32>
      %swap3A_658 = arith.constant 0 : i32
      %swap3A_659 = arith.constant 3 : i32
      %swap3A_660 = arith.index_cast %swap3A_658 : i32 to index
      %swap3A_661 = arith.index_cast %swap3A_659 : i32 to index
      %swap3A_662 = arith.index_cast %mul3A_595 : i32 to index
      %swap3A_663 = tpu.vector_load %arg10[%swap3A_660, %swap3A_661, %swap3A_662] {strides = array<i32>} : memref<2x8x1152xf32, #tpu.memory_space<vmem>>, vector<16xf32>,
      tpu.vector_store %arg10[%swap3A_660, %swap3A_661, %swap3A_662], %mul3A_657 {strides = array<i32>} : memref<2x8x1152xf32, #tpu.memory_space<vmem>>, vector<16xf32>,
      %mul3A_664 = arith.mulf %sub3A_570, %mul3A_614 : vector<16xf32>
      %swap3A_665 = arith.constant 0 : i32
      %swap3A_666 = arith.constant 7 : i32
      %swap3A_667 = arith.index_cast %swap3A_665 : i32 to index
      %swap3A_668 = arith.index_cast %swap3A_666 : i32 to index
      %swap3A_669 = arith.index_cast %mul3A_595 : i32 to index
      %swap3A_670 = tpu.vector_load %arg10[%swap3A_667, %swap3A_668, %swap3A_669] {strides = array<i32>} : memref<2x8x1152xf32, #tpu.memory_space<vmem>>, vector<16xf32>,
      tpu.vector_store %arg10[%swap3A_667, %swap3A_668, %swap3A_669], %mul3A_664 {strides = array<i32>} : memref<2x8x1152xf32, #tpu.memory_space<vmem>>, vector<16xf32>,
    }
    %scan3A_266 = arith.constant 36 : i32
    %dma_start3A = arith.constant 0 : i32
    %dma_start3A_267 = arith.constant 0 : i32
    %dma_start3A_268 = arith.constant 0 : i32
    %dma_start3A_269 = arith.constant 0 : i32
    %dma_start3A_270 = arith.constant 0 : i32
    %dma_start3A_271 = arith.constant 0 : i32
    %dma_start3A_272 = tpu.memref_slice %arg11[%dma_start3A_268, %dma_start3A_269, %dma_start3A_270, %dma_start3A_271] : memref<2x2x1152x8xf32, #tpu.memory_space<vmem>> -> memref<1x1x1152x8xf32, #tpu.memory_space<vmem>>
    %dma_start3A_273 = tpu.memref_squeeze %dma_start3A_272 : memref<1x1x1152x8xf32, #tpu.memory_space<vmem>> -> memref<1152x8xf32, #tpu.memory_space<vmem>>
    %dma_start3A_274 = arith.constant 0 : i32
    %dma_start3A_275 = tpu.memref_slice %arg9[%dma_start3A, %dma_start3A_267, %dma_start3A_274] : memref<2x2x1152xi32, #tpu.memory_space<vmem>> -> memref<1x1x1152xi32, #tpu.memory_space<vmem>>
    %dma_start3A_276 = tpu.memref_squeeze %dma_start3A_275 : memref<1x1x1152xi32, #tpu.memory_space<vmem>> -> memref<1152xi32, #tpu.memory_space<vmem>>
    %dma_start3A_277 = arith.constant 0 : i32
    %dma_start3A_278 = arith.constant 0 : i32
    %dma_start3A_279 = tpu.memref_slice %arg5[%dma_start3A_277, %dma_start3A_278] : memref<1769472x8xf32, #tpu.memory_space<hbm>> -> memref<1769472x8xf32, #tpu.memory_space<hbm>>
    tpu.enqueue_indirect_dma source(%dma_start3A_279 : memref<1769472x8xf32, #tpu.memory_space<hbm>>) target(%dma_start3A_273 : memref<1152x8xf32, #tpu.memory_space<vmem>>) offsets(%dma_start3A_276 : memref<1152xi32, #tpu.memory_space<vmem>>) semaphore(%arg13 : memref<!tpu.dma_semaphore, #tpu.memory_space<semaphore_mem>>)
    %dma_start3A_280 = arith.constant 0 : i32
    %dma_start3A_281 = arith.constant 1 : i32
    %dma_start3A_282 = arith.constant 0 : i32
    %dma_start3A_283 = arith.constant 1 : i32
    %dma_start3A_284 = arith.constant 0 : i32
    %dma_start3A_285 = arith.constant 0 : i32
    %dma_start3A_286 = tpu.memref_slice %arg11[%dma_start3A_282, %dma_start3A_283, %dma_start3A_284, %dma_start3A_285] : memref<2x2x1152x8xf32, #tpu.memory_space<vmem>> -> memref<1x1x1152x8xf32, #tpu.memory_space<vmem>>
    %dma_start3A_287 = tpu.memref_squeeze %dma_start3A_286 : memref<1x1x1152x8xf32, #tpu.memory_space<vmem>> -> memref<1152x8xf32, #tpu.memory_space<vmem>>
    %dma_start3A_288 = arith.constant 0 : i32
    %dma_start3A_289 = tpu.memref_slice %arg9[%dma_start3A_280, %dma_start3A_281, %dma_start3A_288] : memref<2x2x1152xi32, #tpu.memory_space<vmem>> -> memref<1x1x1152xi32, #tpu.memory_space<vmem>>
    %dma_start3A_290 = tpu.memref_squeeze %dma_start3A_289 : memref<1x1x1152xi32, #tpu.memory_space<vmem>> -> memref<1152xi32, #tpu.memory_space<vmem>>
    %dma_start3A_291 = arith.constant 0 : i32
    %dma_start3A_292 = arith.constant 0 : i32
    %dma_start3A_293 = tpu.memref_slice %arg5[%dma_start3A_291, %dma_start3A_292] : memref<1769472x8xf32, #tpu.memory_space<hbm>> -> memref<1769472x8xf32, #tpu.memory_space<hbm>>
    tpu.enqueue_indirect_dma source(%dma_start3A_293 : memref<1769472x8xf32, #tpu.memory_space<hbm>>) target(%dma_start3A_287 : memref<1152x8xf32, #tpu.memory_space<vmem>>) offsets(%dma_start3A_290 : memref<1152xi32, #tpu.memory_space<vmem>>) semaphore(%arg13 : memref<!tpu.dma_semaphore, #tpu.memory_space<semaphore_mem>>)
    %scan3A_294 = arith.constant 0 : i32
    %scan3A_295 = arith.constant 0 : i32
    %scan3A_296 = arith.constant 24 : i32
    %scan3A_297 = arith.addi %scan3A_295, %scan3A_296 : i32
    %scan3A_298 = arith.constant 1 : i32
    scf.for %scan3A_322 = %scan3A_295 to %scan3A_297 step %scan3A_298  : i32 {
      %mul3A_323 = arith.constant 2 : i32
      %mul3A_324 = arith.muli %scan3A_322, %mul3A_323 : i32
      %add3A_325 = arith.constant 1 : i32
      %add3A_326 = arith.addi %mul3A_324, %add3A_325 : i32
      %jit3A_327 = arith.constant 4 : i32
      %eq3A_328 = arith.constant 0 : i32
      %eq3A_329 = arith.cmpi eq, %jit3A_327, %eq3A_328 : i32
      %jit3A_330 = arith.constant 1 : i32
      %select_n3A_331 = arith.select %eq3A_329, %jit3A_330, %jit3A_327 : i32
      %rem3A_332 = arith.remsi %add3A_326, %select_n3A_331 : i32
      %ne3A_333 = arith.constant 0 : i32
      %ne3A_334 = arith.cmpi ne, %rem3A_332, %ne3A_333 : i32
      %lt3A_335 = arith.constant 0 : i32
      %lt3A_336 = arith.cmpi slt, %rem3A_332, %lt3A_335 : i32
      %lt3A_337 = arith.constant 0 : i32
      %lt3A_338 = arith.cmpi slt, %select_n3A_331, %lt3A_337 : i32
      %ne3A_339 = arith.xori %lt3A_336, %lt3A_338 : i1
      %and3A_340 = arith.andi %ne3A_339, %ne3A_334 : i1
      %add3A_341 = arith.addi %rem3A_332, %select_n3A_331 : i32
      %select_n3A_342 = arith.select %and3A_340, %add3A_341, %rem3A_332 : i32
      %eq3A_343 = arith.constant 0 : i32
      %eq3A_344 = arith.cmpi eq, %select_n3A_342, %eq3A_343 : i32
      %convert_element_type3A = arith.extui %eq3A_344 : i1 to i32
      %cond3A = arith.constant 0 : i32
      %cond3A_345 = arith.cmpi ne, %convert_element_type3A, %cond3A : i32
      scf.if %cond3A_345 {
        %mul3A_610 = arith.constant 6 : i32
        %mul3A_611 = arith.muli %arg1, %mul3A_610 : i32
        %jit3A_612 = arith.constant 8 : i32
        %div3A_613 = arith.divsi %add3A_326, %jit3A_612 : i32
        %sign3A_614 = arith.constant 0 : i32
        %sign3A_615 = arith.cmpi sgt, %add3A_326, %sign3A_614 : i32
        %sign3A_616 = arith.extui %sign3A_615 : i1 to i32
        %sign3A_617 = arith.constant 0 : i32
        %sign3A_618 = arith.cmpi slt, %add3A_326, %sign3A_617 : i32
        %sign3A_619 = arith.extui %sign3A_618 : i1 to i32
        %sign3A_620 = arith.subi %sign3A_616, %sign3A_619 : i32
        %sign3A_621 = arith.constant 0 : i32
        %sign3A_622 = arith.cmpi sgt, %jit3A_612, %sign3A_621 : i32
        %sign3A_623 = arith.extui %sign3A_622 : i1 to i32
        %sign3A_624 = arith.constant 0 : i32
        %sign3A_625 = arith.cmpi slt, %jit3A_612, %sign3A_624 : i32
        %sign3A_626 = arith.extui %sign3A_625 : i1 to i32
        %sign3A_627 = arith.subi %sign3A_623, %sign3A_626 : i32
        %ne3A_628 = arith.cmpi ne, %sign3A_620, %sign3A_627 : i32
        %rem3A_629 = arith.remsi %add3A_326, %jit3A_612 : i32
        %ne3A_630 = arith.constant 0 : i32
        %ne3A_631 = arith.cmpi ne, %rem3A_629, %ne3A_630 : i32
        %and3A_632 = arith.andi %ne3A_628, %ne3A_631 : i1
        %sub3A_633 = arith.constant 1 : i32
        %sub3A_634 = arith.subi %div3A_613, %sub3A_633 : i32
        %select_n3A_635 = arith.select %and3A_632, %sub3A_634, %div3A_613 : i32
        %add3A_636 = arith.addi %mul3A_611, %select_n3A_635 : i32
        %jit3A_637 = arith.constant 4 : i32
        %div3A_638 = arith.divsi %add3A_326, %jit3A_637 : i32
        %sign3A_639 = arith.constant 0 : i32
        %sign3A_640 = arith.cmpi sgt, %add3A_326, %sign3A_639 : i32
        %sign3A_641 = arith.extui %sign3A_640 : i1 to i32
        %sign3A_642 = arith.constant 0 : i32
        %sign3A_643 = arith.cmpi slt, %add3A_326, %sign3A_642 : i32
        %sign3A_644 = arith.extui %sign3A_643 : i1 to i32
        %sign3A_645 = arith.subi %sign3A_641, %sign3A_644 : i32
        %sign3A_646 = arith.constant 0 : i32
        %sign3A_647 = arith.cmpi sgt, %jit3A_637, %sign3A_646 : i32
        %sign3A_648 = arith.extui %sign3A_647 : i1 to i32
        %sign3A_649 = arith.constant 0 : i32
        %sign3A_650 = arith.cmpi slt, %jit3A_637, %sign3A_649 : i32
        %sign3A_651 = arith.extui %sign3A_650 : i1 to i32
        %sign3A_652 = arith.subi %sign3A_648, %sign3A_651 : i32
        %ne3A_653 = arith.cmpi ne, %sign3A_645, %sign3A_652 : i32
        %rem3A_654 = arith.remsi %add3A_326, %jit3A_637 : i32
        %ne3A_655 = arith.constant 0 : i32
        %ne3A_656 = arith.cmpi ne, %rem3A_654, %ne3A_655 : i32
        %and3A_657 = arith.andi %ne3A_653, %ne3A_656 : i1
        %sub3A_658 = arith.constant 1 : i32
        %sub3A_659 = arith.subi %div3A_638, %sub3A_658 : i32
        %select_n3A_660 = arith.select %and3A_657, %sub3A_659, %div3A_638 : i32
        %jit3A_661 = arith.constant 2 : i32
        %eq3A_662 = arith.constant 0 : i32
        %eq3A_663 = arith.cmpi eq, %jit3A_661, %eq3A_662 : i32
        %jit3A_664 = arith.constant 1 : i32
        %select_n3A_665 = arith.select %eq3A_663, %jit3A_664, %jit3A_661 : i32
        %rem3A_666 = arith.remsi %select_n3A_660, %select_n3A_665 : i32
        %ne3A_667 = arith.constant 0 : i32
        %ne3A_668 = arith.cmpi ne, %rem3A_666, %ne3A_667 : i32
        %lt3A_669 = arith.constant 0 : i32
        %lt3A_670 = arith.cmpi slt, %rem3A_666, %lt3A_669 : i32
        %lt3A_671 = arith.constant 0 : i32
        %lt3A_672 = arith.cmpi slt, %select_n3A_665, %lt3A_671 : i32
        %ne3A_673 = arith.xori %lt3A_670, %lt3A_672 : i1
        %and3A_674 = arith.andi %ne3A_673, %ne3A_668 : i1
        %add3A_675 = arith.addi %rem3A_666, %select_n3A_665 : i32
        %select_n3A_676 = arith.select %and3A_674, %add3A_675, %rem3A_666 : i32
        %mul3A_677 = arith.constant 96 : i32
        %mul3A_678 = arith.muli %arg0, %mul3A_677 : i32
        %add3A_679 = arith.addi %mul3A_678, %add3A_636 : i32
        %mul3A_680 = arith.constant 288 : i32
        %mul3A_681 = arith.muli %add3A_679, %mul3A_680 : i32
        %mul3A_682 = arith.constant 48 : i32
        %mul3A_683 = arith.muli %select_n3A_676, %mul3A_682 : i32
        %add3A_684 = arith.addi %mul3A_681, %mul3A_683 : i32
        %add3A_685 = arith.constant 0 : i32
        %add3A_686 = arith.addi %add3A_684, %add3A_685 : i32
        %run_scoped3A_687 = arith.constant 0 : i32
        "tpu.region"() ({
          %run_scoped3A_694 = tpu.sem_alloc : memref<!tpu.dma_semaphore, #tpu.memory_space<semaphore_mem>>
          %dma_start3A_695 = arith.constant 0 : i32
          %dma_start3A_696 = arith.constant 0 : i32
          %dma_start3A_697 = tpu.memref_slice %arg8[%run_scoped3A_687, %dma_start3A_695, %dma_start3A_696] : memref<3x48x128xf32, #tpu.memory_space<vmem>> -> memref<1x48x128xf32, #tpu.memory_space<vmem>>
          %dma_start3A_698 = tpu.memref_squeeze %dma_start3A_697 : memref<1x48x128xf32, #tpu.memory_space<vmem>> -> memref<48x128xf32, #tpu.memory_space<vmem>>
          %dma_start3A_699 = arith.constant 0 : i32
          %dma_start3A_700 = tpu.memref_slice %arg3[%add3A_686, %dma_start3A_699] : memref<55296x128xf32, #tpu.memory_space<hbm>> -> memref<48x128xf32, #tpu.memory_space<hbm>>
          %dma_start3A_701 = arith.constant 0 : i32
          %dma_start3A_702 = arith.constant 0 : i32
          %dma_start3A_703 = tpu.memref_slice %arg8[%run_scoped3A_687, %dma_start3A_701, %dma_start3A_702] : memref<3x48x128xf32, #tpu.memory_space<vmem>> -> memref<1x48x128xf32, #tpu.memory_space<vmem>>
          %dma_start3A_704 = tpu.memref_squeeze %dma_start3A_703 : memref<1x48x128xf32, #tpu.memory_space<vmem>> -> memref<48x128xf32, #tpu.memory_space<vmem>>
          %dma_start3A_705 = arith.constant 0 : i32
          %dma_start3A_706 = tpu.memref_slice %arg3[%add3A_686, %dma_start3A_705] : memref<55296x128xf32, #tpu.memory_space<hbm>> -> memref<48x128xf32, #tpu.memory_space<hbm>>
          tpu.enqueue_dma source(%dma_start3A_706 : memref<48x128xf32, #tpu.memory_space<hbm>>) target(%dma_start3A_704 : memref<48x128xf32, #tpu.memory_space<vmem>>) target_semaphore(%run_scoped3A_694 : memref<!tpu.dma_semaphore, #tpu.memory_space<semaphore_mem>>)
          %dma_wait3A_707 = arith.constant 0 : i32
          %dma_wait3A_708 = arith.constant 0 : i32
          %dma_wait3A_709 = tpu.memref_slice %arg8[%run_scoped3A_687, %dma_wait3A_707, %dma_wait3A_708] : memref<3x48x128xf32, #tpu.memory_space<vmem>> -> memref<1x48x128xf32, #tpu.memory_space<vmem>>
          %dma_wait3A_710 = tpu.memref_squeeze %dma_wait3A_709 : memref<1x48x128xf32, #tpu.memory_space<vmem>> -> memref<48x128xf32, #tpu.memory_space<vmem>>
          %dma_wait3A_711 = arith.constant 0 : i32
          %dma_wait3A_712 = tpu.memref_slice %arg3[%add3A_686, %dma_wait3A_711] : memref<55296x128xf32, #tpu.memory_space<hbm>> -> memref<48x128xf32, #tpu.memory_space<hbm>>
          %dma_wait3A_713 = arith.constant 0 : i32
          %dma_wait3A_714 = arith.constant 0 : i32
          %dma_wait3A_715 = tpu.memref_slice %arg8[%run_scoped3A_687, %dma_wait3A_713, %dma_wait3A_714] : memref<3x48x128xf32, #tpu.memory_space<vmem>> -> memref<1x48x128xf32, #tpu.memory_space<vmem>>
          %dma_wait3A_716 = tpu.memref_squeeze %dma_wait3A_715 : memref<1x48x128xf32, #tpu.memory_space<vmem>> -> memref<48x128xf32, #tpu.memory_space<vmem>>
          %dma_wait3A_717 = arith.constant 0 : i32
          %dma_wait3A_718 = tpu.memref_slice %arg3[%add3A_686, %dma_wait3A_717] : memref<55296x128xf32, #tpu.memory_space<hbm>> -> memref<48x128xf32, #tpu.memory_space<hbm>>
          tpu.wait_dma2 semaphore(%run_scoped3A_694 : memref<!tpu.dma_semaphore, #tpu.memory_space<semaphore_mem>>) src(%dma_wait3A_718 : memref<48x128xf32, #tpu.memory_space<hbm>>) dst(%dma_wait3A_716 : memref<48x128xf32, #tpu.memory_space<vmem>>)
          tpu.yield
        }) : () -> ()
        %add3A_688 = arith.constant 96 : i32
        %add3A_689 = arith.addi %add3A_684, %add3A_688 : i32
        %run_scoped3A_690 = arith.constant 1 : i32
        "tpu.region"() ({
          %run_scoped3A_694 = tpu.sem_alloc : memref<!tpu.dma_semaphore, #tpu.memory_space<semaphore_mem>>
          %dma_start3A_695 = arith.constant 0 : i32
          %dma_start3A_696 = arith.constant 0 : i32
          %dma_start3A_697 = tpu.memref_slice %arg8[%run_scoped3A_690, %dma_start3A_695, %dma_start3A_696] : memref<3x48x128xf32, #tpu.memory_space<vmem>> -> memref<1x48x128xf32, #tpu.memory_space<vmem>>
          %dma_start3A_698 = tpu.memref_squeeze %dma_start3A_697 : memref<1x48x128xf32, #tpu.memory_space<vmem>> -> memref<48x128xf32, #tpu.memory_space<vmem>>
          %dma_start3A_699 = arith.constant 0 : i32
          %dma_start3A_700 = tpu.memref_slice %arg3[%add3A_689, %dma_start3A_699] : memref<55296x128xf32, #tpu.memory_space<hbm>> -> memref<48x128xf32, #tpu.memory_space<hbm>>
          %dma_start3A_701 = arith.constant 0 : i32
          %dma_start3A_702 = arith.constant 0 : i32
          %dma_start3A_703 = tpu.memref_slice %arg8[%run_scoped3A_690, %dma_start3A_701, %dma_start3A_702] : memref<3x48x128xf32, #tpu.memory_space<vmem>> -> memref<1x48x128xf32, #tpu.memory_space<vmem>>
          %dma_start3A_704 = tpu.memref_squeeze %dma_start3A_703 : memref<1x48x128xf32, #tpu.memory_space<vmem>> -> memref<48x128xf32, #tpu.memory_space<vmem>>
          %dma_start3A_705 = arith.constant 0 : i32
          %dma_start3A_706 = tpu.memref_slice %arg3[%add3A_689, %dma_start3A_705] : memref<55296x128xf32, #tpu.memory_space<hbm>> -> memref<48x128xf32, #tpu.memory_space<hbm>>
          tpu.enqueue_dma source(%dma_start3A_706 : memref<48x128xf32, #tpu.memory_space<hbm>>) target(%dma_start3A_704 : memref<48x128xf32, #tpu.memory_space<vmem>>) target_semaphore(%run_scoped3A_694 : memref<!tpu.dma_semaphore, #tpu.memory_space<semaphore_mem>>)
          %dma_wait3A_707 = arith.constant 0 : i32
          %dma_wait3A_708 = arith.constant 0 : i32
          %dma_wait3A_709 = tpu.memref_slice %arg8[%run_scoped3A_690, %dma_wait3A_707, %dma_wait3A_708] : memref<3x48x128xf32, #tpu.memory_space<vmem>> -> memref<1x48x128xf32, #tpu.memory_space<vmem>>
          %dma_wait3A_710 = tpu.memref_squeeze %dma_wait3A_709 : memref<1x48x128xf32, #tpu.memory_space<vmem>> -> memref<48x128xf32, #tpu.memory_space<vmem>>
          %dma_wait3A_711 = arith.constant 0 : i32
          %dma_wait3A_712 = tpu.memref_slice %arg3[%add3A_689, %dma_wait3A_711] : memref<55296x128xf32, #tpu.memory_space<hbm>> -> memref<48x128xf32, #tpu.memory_space<hbm>>
          %dma_wait3A_713 = arith.constant 0 : i32
          %dma_wait3A_714 = arith.constant 0 : i32
          %dma_wait3A_715 = tpu.memref_slice %arg8[%run_scoped3A_690, %dma_wait3A_713, %dma_wait3A_714] : memref<3x48x128xf32, #tpu.memory_space<vmem>> -> memref<1x48x128xf32, #tpu.memory_space<vmem>>
          %dma_wait3A_716 = tpu.memref_squeeze %dma_wait3A_715 : memref<1x48x128xf32, #tpu.memory_space<vmem>> -> memref<48x128xf32, #tpu.memory_space<vmem>>
          %dma_wait3A_717 = arith.constant 0 : i32
          %dma_wait3A_718 = tpu.memref_slice %arg3[%add3A_689, %dma_wait3A_717] : memref<55296x128xf32, #tpu.memory_space<hbm>> -> memref<48x128xf32, #tpu.memory_space<hbm>>
          tpu.wait_dma2 semaphore(%run_scoped3A_694 : memref<!tpu.dma_semaphore, #tpu.memory_space<semaphore_mem>>) src(%dma_wait3A_718 : memref<48x128xf32, #tpu.memory_space<hbm>>) dst(%dma_wait3A_716 : memref<48x128xf32, #tpu.memory_space<vmem>>)
          tpu.yield
        }) : () -> ()
        %add3A_691 = arith.constant 192 : i32
        %add3A_692 = arith.addi %add3A_684, %add3A_691 : i32
        %run_scoped3A_693 = arith.constant 2 : i32
        "tpu.region"() ({
          %run_scoped3A_694 = tpu.sem_alloc : memref<!tpu.dma_semaphore, #tpu.memory_space<semaphore_mem>>
          %dma_start3A_695 = arith.constant 0 : i32
          %dma_start3A_696 = arith.constant 0 : i32
          %dma_start3A_697 = tpu.memref_slice %arg8[%run_scoped3A_693, %dma_start3A_695, %dma_start3A_696] : memref<3x48x128xf32, #tpu.memory_space<vmem>> -> memref<1x48x128xf32, #tpu.memory_space<vmem>>
          %dma_start3A_698 = tpu.memref_squeeze %dma_start3A_697 : memref<1x48x128xf32, #tpu.memory_space<vmem>> -> memref<48x128xf32, #tpu.memory_space<vmem>>
          %dma_start3A_699 = arith.constant 0 : i32
          %dma_start3A_700 = tpu.memref_slice %arg3[%add3A_692, %dma_start3A_699] : memref<55296x128xf32, #tpu.memory_space<hbm>> -> memref<48x128xf32, #tpu.memory_space<hbm>>
          %dma_start3A_701 = arith.constant 0 : i32
          %dma_start3A_702 = arith.constant 0 : i32
          %dma_start3A_703 = tpu.memref_slice %arg8[%run_scoped3A_693, %dma_start3A_701, %dma_start3A_702] : memref<3x48x128xf32, #tpu.memory_space<vmem>> -> memref<1x48x128xf32, #tpu.memory_space<vmem>>
          %dma_start3A_704 = tpu.memref_squeeze %dma_start3A_703 : memref<1x48x128xf32, #tpu.memory_space<vmem>> -> memref<48x128xf32, #tpu.memory_space<vmem>>
          %dma_start3A_705 = arith.constant 0 : i32
          %dma_start3A_706 = tpu.memref_slice %arg3[%add3A_692, %dma_start3A_705] : memref<55296x128xf32, #tpu.memory_space<hbm>> -> memref<48x128xf32, #tpu.memory_space<hbm>>
          tpu.enqueue_dma source(%dma_start3A_706 : memref<48x128xf32, #tpu.memory_space<hbm>>) target(%dma_start3A_704 : memref<48x128xf32, #tpu.memory_space<vmem>>) target_semaphore(%run_scoped3A_694 : memref<!tpu.dma_semaphore, #tpu.memory_space<semaphore_mem>>)
          %dma_wait3A_707 = arith.constant 0 : i32
          %dma_wait3A_708 = arith.constant 0 : i32
          %dma_wait3A_709 = tpu.memref_slice %arg8[%run_scoped3A_693, %dma_wait3A_707, %dma_wait3A_708] : memref<3x48x128xf32, #tpu.memory_space<vmem>> -> memref<1x48x128xf32, #tpu.memory_space<vmem>>
          %dma_wait3A_710 = tpu.memref_squeeze %dma_wait3A_709 : memref<1x48x128xf32, #tpu.memory_space<vmem>> -> memref<48x128xf32, #tpu.memory_space<vmem>>
          %dma_wait3A_711 = arith.constant 0 : i32
          %dma_wait3A_712 = tpu.memref_slice %arg3[%add3A_692, %dma_wait3A_711] : memref<55296x128xf32, #tpu.memory_space<hbm>> -> memref<48x128xf32, #tpu.memory_space<hbm>>
          %dma_wait3A_713 = arith.constant 0 : i32
          %dma_wait3A_714 = arith.constant 0 : i32
          %dma_wait3A_715 = tpu.memref_slice %arg8[%run_scoped3A_693, %dma_wait3A_713, %dma_wait3A_714] : memref<3x48x128xf32, #tpu.memory_space<vmem>> -> memref<1x48x128xf32, #tpu.memory_space<vmem>>
          %dma_wait3A_716 = tpu.memref_squeeze %dma_wait3A_715 : memref<1x48x128xf32, #tpu.memory_space<vmem>> -> memref<48x128xf32, #tpu.memory_space<vmem>>
          %dma_wait3A_717 = arith.constant 0 : i32
          %dma_wait3A_718 = tpu.memref_slice %arg3[%add3A_692, %dma_wait3A_717] : memref<55296x128xf32, #tpu.memory_space<hbm>> -> memref<48x128xf32, #tpu.memory_space<hbm>>
          tpu.wait_dma2 semaphore(%run_scoped3A_694 : memref<!tpu.dma_semaphore, #tpu.memory_space<semaphore_mem>>) src(%dma_wait3A_718 : memref<48x128xf32, #tpu.memory_space<hbm>>) dst(%dma_wait3A_716 : memref<48x128xf32, #tpu.memory_space<vmem>>)
          tpu.yield
        }) : () -> ()
      } else {
      }
      %add3A_346 = arith.constant 1 : i32
      %add3A_347 = arith.addi %mul3A_324, %add3A_346 : i32
      %jit3A_348 = arith.constant 4 : i32
      %eq3A_349 = arith.constant 0 : i32
      %eq3A_350 = arith.cmpi eq, %jit3A_348, %eq3A_349 : i32
      %jit3A_351 = arith.constant 1 : i32
      %select_n3A_352 = arith.select %eq3A_350, %jit3A_351, %jit3A_348 : i32
      %rem3A_353 = arith.remsi %add3A_347, %select_n3A_352 : i32
      %ne3A_354 = arith.constant 0 : i32
      %ne3A_355 = arith.cmpi ne, %rem3A_353, %ne3A_354 : i32
      %lt3A_356 = arith.constant 0 : i32
      %lt3A_357 = arith.cmpi slt, %rem3A_353, %lt3A_356 : i32
      %lt3A_358 = arith.constant 0 : i32
      %lt3A_359 = arith.cmpi slt, %select_n3A_352, %lt3A_358 : i32
      %ne3A_360 = arith.xori %lt3A_357, %lt3A_359 : i1
      %and3A_361 = arith.andi %ne3A_360, %ne3A_355 : i1
      %add3A_362 = arith.addi %rem3A_353, %select_n3A_352 : i32
      %select_n3A_363 = arith.select %and3A_361, %add3A_362, %rem3A_353 : i32
      %mul3A_364 = arith.constant 12 : i32
      %mul3A_365 = arith.muli %select_n3A_363, %mul3A_364 : i32
      %scan3A_366 = arith.constant 0 : i32
      %scan3A_367 = arith.constant 0 : i32
      %scan3A_368 = arith.constant 36 : i32
      %scan3A_369 = arith.addi %scan3A_367, %scan3A_368 : i32
      %scan3A_370 = arith.constant 1 : i32
      scf.for %scan3A_610 = %scan3A_367 to %scan3A_369 step %scan3A_370  : i32 {
        %mul3A_611 = arith.constant 2 : i32
        %mul3A_612 = arith.muli %scan3A_610, %mul3A_611 : i32
        %jit3A_613 = arith.constant 6 : i32
        %div3A_614 = arith.divsi %mul3A_612, %jit3A_613 : i32
        %sign3A_615 = arith.constant 0 : i32
        %sign3A_616 = arith.cmpi sgt, %mul3A_612, %sign3A_615 : i32
        %sign3A_617 = arith.extui %sign3A_616 : i1 to i32
        %sign3A_618 = arith.constant 0 : i32
        %sign3A_619 = arith.cmpi slt, %mul3A_612, %sign3A_618 : i32
        %sign3A_620 = arith.extui %sign3A_619 : i1 to i32
        %sign3A_621 = arith.subi %sign3A_617, %sign3A_620 : i32
        %sign3A_622 = arith.constant 0 : i32
        %sign3A_623 = arith.cmpi sgt, %jit3A_613, %sign3A_622 : i32
        %sign3A_624 = arith.extui %sign3A_623 : i1 to i32
        %sign3A_625 = arith.constant 0 : i32
        %sign3A_626 = arith.cmpi slt, %jit3A_613, %sign3A_625 : i32
        %sign3A_627 = arith.extui %sign3A_626 : i1 to i32
        %sign3A_628 = arith.subi %sign3A_624, %sign3A_627 : i32
        %ne3A_629 = arith.cmpi ne, %sign3A_621, %sign3A_628 : i32
        %rem3A_630 = arith.remsi %mul3A_612, %jit3A_613 : i32
        %ne3A_631 = arith.constant 0 : i32
        %ne3A_632 = arith.cmpi ne, %rem3A_630, %ne3A_631 : i32
        %and3A_633 = arith.andi %ne3A_629, %ne3A_632 : i1
        %sub3A_634 = arith.constant 1 : i32
        %sub3A_635 = arith.subi %div3A_614, %sub3A_634 : i32
        %select_n3A_636 = arith.select %and3A_633, %sub3A_635, %div3A_614 : i32
        %add3A_637 = arith.addi %mul3A_365, %select_n3A_636 : i32
        %jit3A_638 = arith.constant 6 : i32
        %eq3A_639 = arith.constant 0 : i32
        %eq3A_640 = arith.cmpi eq, %jit3A_638, %eq3A_639 : i32
        %jit3A_641 = arith.constant 1 : i32
        %select_n3A_642 = arith.select %eq3A_640, %jit3A_641, %jit3A_638 : i32
        %rem3A_643 = arith.remsi %mul3A_612, %select_n3A_642 : i32
        %ne3A_644 = arith.constant 0 : i32
        %ne3A_645 = arith.cmpi ne, %rem3A_643, %ne3A_644 : i32
        %lt3A_646 = arith.constant 0 : i32
        %lt3A_647 = arith.cmpi slt, %rem3A_643, %lt3A_646 : i32
        %lt3A_648 = arith.constant 0 : i32
        %lt3A_649 = arith.cmpi slt, %select_n3A_642, %lt3A_648 : i32
        %ne3A_650 = arith.xori %lt3A_647, %lt3A_649 : i1
        %and3A_651 = arith.andi %ne3A_650, %ne3A_645 : i1
        %add3A_652 = arith.addi %rem3A_643, %select_n3A_642 : i32
        %select_n3A_653 = arith.select %and3A_651, %add3A_652, %rem3A_643 : i32
        %mul3A_654 = arith.constant 16 : i32
        %mul3A_655 = arith.muli %select_n3A_653, %mul3A_654 : i32
        %get3A = arith.constant 0 : i32
        %get3A_656 = arith.index_cast %get3A : i32 to index
        %get3A_657 = arith.index_cast %add3A_637 : i32 to index
        %get3A_658 = arith.index_cast %mul3A_655 : i32 to index
        %get3A_659 = tpu.vector_load %arg8[%get3A_656, %get3A_657, %get3A_658] {strides = array<i32>} : memref<3x48x128xf32, #tpu.memory_space<vmem>>, vector<16xf32>,
        %get3A_660 = arith.constant 1 : i32
        %get3A_661 = arith.index_cast %get3A_660 : i32 to index
        %get3A_662 = arith.index_cast %add3A_637 : i32 to index
        %get3A_663 = arith.index_cast %mul3A_655 : i32 to index
        %get3A_664 = tpu.vector_load %arg8[%get3A_661, %get3A_662, %get3A_663] {strides = array<i32>} : memref<3x48x128xf32, #tpu.memory_space<vmem>>, vector<16xf32>,
        %get3A_665 = arith.constant 2 : i32
        %get3A_666 = arith.index_cast %get3A_665 : i32 to index
        %get3A_667 = arith.index_cast %add3A_637 : i32 to index
        %get3A_668 = arith.index_cast %mul3A_655 : i32 to index
        %get3A_669 = tpu.vector_load %arg8[%get3A_666, %get3A_667, %get3A_668] {strides = array<i32>} : memref<3x48x128xf32, #tpu.memory_space<vmem>>, vector<16xf32>,
        %convert_element_type3A_670 = arith.fptosi %get3A_659 : vector<16xf32> to vector<16xi32>
        %min3A = arith.constant 94 : i32
        %min3A_671 = vector.broadcast %min3A : i32 to vector<16xi32>
        %min3A_672 = arith.minsi %convert_element_type3A_670, %min3A_671 : vector<16xi32>
        %convert_element_type3A_673 = arith.fptosi %get3A_664 : vector<16xf32> to vector<16xi32>
        %min3A_674 = arith.constant 94 : i32
        %min3A_675 = vector.broadcast %min3A_674 : i32 to vector<16xi32>
        %min3A_676 = arith.minsi %convert_element_type3A_673, %min3A_675 : vector<16xi32>
        %convert_element_type3A_677 = arith.fptosi %get3A_669 : vector<16xf32> to vector<16xi32>
        %min3A_678 = arith.constant 94 : i32
        %min3A_679 = vector.broadcast %min3A_678 : i32 to vector<16xi32>
        %min3A_680 = arith.minsi %convert_element_type3A_677, %min3A_679 : vector<16xi32>
        %convert_element_type3A_681 = arith.sitofp %min3A_672 : vector<16xi32> to vector<16xf32>
        %sub3A_682 = arith.subf %get3A_659, %convert_element_type3A_681 : vector<16xf32>
        %convert_element_type3A_683 = arith.sitofp %min3A_676 : vector<16xi32> to vector<16xf32>
        %sub3A_684 = arith.subf %get3A_664, %convert_element_type3A_683 : vector<16xf32>
        %convert_element_type3A_685 = arith.sitofp %min3A_680 : vector<16xi32> to vector<16xf32>
        %sub3A_686 = arith.subf %get3A_669, %convert_element_type3A_685 : vector<16xf32>
        %sub3A_687 = arith.constant 1.000000e+00 : f32
        %sub3A_688 = vector.broadcast %sub3A_687 : f32 to vector<16xf32>
        %sub3A_689 = arith.subf %sub3A_688, %sub3A_682 : vector<16xf32>
        %sub3A_690 = arith.constant 1.000000e+00 : f32
        %sub3A_691 = vector.broadcast %sub3A_690 : f32 to vector<16xf32>
        %sub3A_692 = arith.subf %sub3A_691, %sub3A_684 : vector<16xf32>
        %sub3A_693 = arith.constant 1.000000e+00 : f32
        %sub3A_694 = vector.broadcast %sub3A_693 : f32 to vector<16xf32>
        %sub3A_695 = arith.subf %sub3A_694, %sub3A_686 : vector<16xf32>
        %mul3A_696 = arith.constant 9216 : i32
        %mul3A_697 = vector.broadcast %mul3A_696 : i32 to vector<16xi32>
        %mul3A_698 = arith.muli %min3A_672, %mul3A_697 : vector<16xi32>
        %add3A_699 = vector.broadcast %mul3A_0 : i32 to vector<16xi32>
        %add3A_700 = arith.addi %add3A_699, %mul3A_698 : vector<16xi32>
        %mul3A_701 = arith.constant 96 : i32
        %mul3A_702 = vector.broadcast %mul3A_701 : i32 to vector<16xi32>
        %mul3A_703 = arith.muli %min3A_676, %mul3A_702 : vector<16xi32>
        %add3A_704 = arith.addi %add3A_700, %mul3A_703 : vector<16xi32>
        %add3A_705 = arith.addi %add3A_704, %min3A_680 : vector<16xi32>
        %mul3A_706 = arith.constant 16 : i32
        %mul3A_707 = arith.muli %mul3A_612, %mul3A_706 : i32
        %swap3A = arith.constant 1 : i32
        %swap3A_708 = arith.constant 0 : i32
        %swap3A_709 = arith.index_cast %swap3A : i32 to index
        %swap3A_710 = arith.index_cast %swap3A_708 : i32 to index
        %swap3A_711 = arith.index_cast %mul3A_707 : i32 to index
        %swap3A_712 = tpu.vector_load %arg9[%swap3A_709, %swap3A_710, %swap3A_711] {strides = array<i32>} : memref<2x2x1152xi32, #tpu.memory_space<vmem>>, vector<16xi32>,
        tpu.vector_store %arg9[%swap3A_709, %swap3A_710, %swap3A_711], %add3A_705 {strides = array<i32>} : memref<2x2x1152xi32, #tpu.memory_space<vmem>>, vector<16xi32>,
        %add3A_713 = arith.constant 9216 : i32
        %add3A_714 = vector.broadcast %add3A_713 : i32 to vector<16xi32>
        %add3A_715 = arith.addi %add3A_705, %add3A_714 : vector<16xi32>
        %swap3A_716 = arith.constant 1 : i32
        %swap3A_717 = arith.constant 1 : i32
        %swap3A_718 = arith.index_cast %swap3A_716 : i32 to index
        %swap3A_719 = arith.index_cast %swap3A_717 : i32 to index
        %swap3A_720 = arith.index_cast %mul3A_707 : i32 to index
        %swap3A_721 = tpu.vector_load %arg9[%swap3A_718, %swap3A_719, %swap3A_720] {strides = array<i32>} : memref<2x2x1152xi32, #tpu.memory_space<vmem>>, vector<16xi32>,
        tpu.vector_store %arg9[%swap3A_718, %swap3A_719, %swap3A_720], %add3A_715 {strides = array<i32>} : memref<2x2x1152xi32, #tpu.memory_space<vmem>>, vector<16xi32>,
        %mul3A_722 = arith.mulf %sub3A_692, %sub3A_695 : vector<16xf32>
        %mul3A_723 = arith.mulf %sub3A_692, %sub3A_686 : vector<16xf32>
        %mul3A_724 = arith.mulf %sub3A_684, %sub3A_695 : vector<16xf32>
        %mul3A_725 = arith.mulf %sub3A_684, %sub3A_686 : vector<16xf32>
        %mul3A_726 = arith.mulf %sub3A_689, %mul3A_722 : vector<16xf32>
        %swap3A_727 = arith.constant 1 : i32
        %swap3A_728 = arith.constant 0 : i32
        %swap3A_729 = arith.index_cast %swap3A_727 : i32 to index
        %swap3A_730 = arith.index_cast %swap3A_728 : i32 to index
        %swap3A_731 = arith.index_cast %mul3A_707 : i32 to index
        %swap3A_732 = tpu.vector_load %arg10[%swap3A_729, %swap3A_730, %swap3A_731] {strides = array<i32>} : memref<2x8x1152xf32, #tpu.memory_space<vmem>>, vector<16xf32>,
        tpu.vector_store %arg10[%swap3A_729, %swap3A_730, %swap3A_731], %mul3A_726 {strides = array<i32>} : memref<2x8x1152xf32, #tpu.memory_space<vmem>>, vector<16xf32>,
        %mul3A_733 = arith.mulf %sub3A_682, %mul3A_722 : vector<16xf32>
        %swap3A_734 = arith.constant 1 : i32
        %swap3A_735 = arith.constant 4 : i32
        %swap3A_736 = arith.index_cast %swap3A_734 : i32 to index
        %swap3A_737 = arith.index_cast %swap3A_735 : i32 to index
        %swap3A_738 = arith.index_cast %mul3A_707 : i32 to index
        %swap3A_739 = tpu.vector_load %arg10[%swap3A_736, %swap3A_737, %swap3A_738] {strides = array<i32>} : memref<2x8x1152xf32, #tpu.memory_space<vmem>>, vector<16xf32>,
        tpu.vector_store %arg10[%swap3A_736, %swap3A_737, %swap3A_738], %mul3A_733 {strides = array<i32>} : memref<2x8x1152xf32, #tpu.memory_space<vmem>>, vector<16xf32>,
        %mul3A_740 = arith.mulf %sub3A_689, %mul3A_723 : vector<16xf32>
        %swap3A_741 = arith.constant 1 : i32
        %swap3A_742 = arith.constant 1 : i32
        %swap3A_743 = arith.index_cast %swap3A_741 : i32 to index
        %swap3A_744 = arith.index_cast %swap3A_742 : i32 to index
        %swap3A_745 = arith.index_cast %mul3A_707 : i32 to index
        %swap3A_746 = tpu.vector_load %arg10[%swap3A_743, %swap3A_744, %swap3A_745] {strides = array<i32>} : memref<2x8x1152xf32, #tpu.memory_space<vmem>>, vector<16xf32>,
        tpu.vector_store %arg10[%swap3A_743, %swap3A_744, %swap3A_745], %mul3A_740 {strides = array<i32>} : memref<2x8x1152xf32, #tpu.memory_space<vmem>>, vector<16xf32>,
        %mul3A_747 = arith.mulf %sub3A_682, %mul3A_723 : vector<16xf32>
        %swap3A_748 = arith.constant 1 : i32
        %swap3A_749 = arith.constant 5 : i32
        %swap3A_750 = arith.index_cast %swap3A_748 : i32 to index
        %swap3A_751 = arith.index_cast %swap3A_749 : i32 to index
        %swap3A_752 = arith.index_cast %mul3A_707 : i32 to index
        %swap3A_753 = tpu.vector_load %arg10[%swap3A_750, %swap3A_751, %swap3A_752] {strides = array<i32>} : memref<2x8x1152xf32, #tpu.memory_space<vmem>>, vector<16xf32>,
        tpu.vector_store %arg10[%swap3A_750, %swap3A_751, %swap3A_752], %mul3A_747 {strides = array<i32>} : memref<2x8x1152xf32, #tpu.memory_space<vmem>>, vector<16xf32>,
        %mul3A_754 = arith.mulf %sub3A_689, %mul3A_724 : vector<16xf32>
        %swap3A_755 = arith.constant 1 : i32
        %swap3A_756 = arith.constant 2 : i32
        %swap3A_757 = arith.index_cast %swap3A_755 : i32 to index
        %swap3A_758 = arith.index_cast %swap3A_756 : i32 to index
        %swap3A_759 = arith.index_cast %mul3A_707 : i32 to index
        %swap3A_760 = tpu.vector_load %arg10[%swap3A_757, %swap3A_758, %swap3A_759] {strides = array<i32>} : memref<2x8x1152xf32, #tpu.memory_space<vmem>>, vector<16xf32>,
        tpu.vector_store %arg10[%swap3A_757, %swap3A_758, %swap3A_759], %mul3A_754 {strides = array<i32>} : memref<2x8x1152xf32, #tpu.memory_space<vmem>>, vector<16xf32>,
        %mul3A_761 = arith.mulf %sub3A_682, %mul3A_724 : vector<16xf32>
        %swap3A_762 = arith.constant 1 : i32
        %swap3A_763 = arith.constant 6 : i32
        %swap3A_764 = arith.index_cast %swap3A_762 : i32 to index
        %swap3A_765 = arith.index_cast %swap3A_763 : i32 to index
        %swap3A_766 = arith.index_cast %mul3A_707 : i32 to index
        %swap3A_767 = tpu.vector_load %arg10[%swap3A_764, %swap3A_765, %swap3A_766] {strides = array<i32>} : memref<2x8x1152xf32, #tpu.memory_space<vmem>>, vector<16xf32>,
        tpu.vector_store %arg10[%swap3A_764, %swap3A_765, %swap3A_766], %mul3A_761 {strides = array<i32>} : memref<2x8x1152xf32, #tpu.memory_space<vmem>>, vector<16xf32>,
        %mul3A_768 = arith.mulf %sub3A_689, %mul3A_725 : vector<16xf32>
        %swap3A_769 = arith.constant 1 : i32
        %swap3A_770 = arith.constant 3 : i32
        %swap3A_771 = arith.index_cast %swap3A_769 : i32 to index
        %swap3A_772 = arith.index_cast %swap3A_770 : i32 to index
        %swap3A_773 = arith.index_cast %mul3A_707 : i32 to index
        %swap3A_774 = tpu.vector_load %arg10[%swap3A_771, %swap3A_772, %swap3A_773] {strides = array<i32>} : memref<2x8x1152xf32, #tpu.memory_space<vmem>>, vector<16xf32>,
        tpu.vector_store %arg10[%swap3A_771, %swap3A_772, %swap3A_773], %mul3A_768 {strides = array<i32>} : memref<2x8x1152xf32, #tpu.memory_space<vmem>>, vector<16xf32>,
        %mul3A_775 = arith.mulf %sub3A_682, %mul3A_725 : vector<16xf32>
        %swap3A_776 = arith.constant 1 : i32
        %swap3A_777 = arith.constant 7 : i32
        %swap3A_778 = arith.index_cast %swap3A_776 : i32 to index
        %swap3A_779 = arith.index_cast %swap3A_777 : i32 to index
        %swap3A_780 = arith.index_cast %mul3A_707 : i32 to index
        %swap3A_781 = tpu.vector_load %arg10[%swap3A_778, %swap3A_779, %swap3A_780] {strides = array<i32>} : memref<2x8x1152xf32, #tpu.memory_space<vmem>>, vector<16xf32>,
        tpu.vector_store %arg10[%swap3A_778, %swap3A_779, %swap3A_780], %mul3A_775 {strides = array<i32>} : memref<2x8x1152xf32, #tpu.memory_space<vmem>>, vector<16xf32>,
        %mul3A_782 = arith.constant 2 : i32
        %mul3A_783 = arith.muli %scan3A_610, %mul3A_782 : i32
        %add3A_784 = arith.constant 1 : i32
        %add3A_785 = arith.addi %mul3A_783, %add3A_784 : i32
        %jit3A_786 = arith.constant 6 : i32
        %div3A_787 = arith.divsi %add3A_785, %jit3A_786 : i32
        %sign3A_788 = arith.constant 0 : i32
        %sign3A_789 = arith.cmpi sgt, %add3A_785, %sign3A_788 : i32
        %sign3A_790 = arith.extui %sign3A_789 : i1 to i32
        %sign3A_791 = arith.constant 0 : i32
        %sign3A_792 = arith.cmpi slt, %add3A_785, %sign3A_791 : i32
        %sign3A_793 = arith.extui %sign3A_792 : i1 to i32
        %sign3A_794 = arith.subi %sign3A_790, %sign3A_793 : i32
        %sign3A_795 = arith.constant 0 : i32
        %sign3A_796 = arith.cmpi sgt, %jit3A_786, %sign3A_795 : i32
        %sign3A_797 = arith.extui %sign3A_796 : i1 to i32
        %sign3A_798 = arith.constant 0 : i32
        %sign3A_799 = arith.cmpi slt, %jit3A_786, %sign3A_798 : i32
        %sign3A_800 = arith.extui %sign3A_799 : i1 to i32
        %sign3A_801 = arith.subi %sign3A_797, %sign3A_800 : i32
        %ne3A_802 = arith.cmpi ne, %sign3A_794, %sign3A_801 : i32
        %rem3A_803 = arith.remsi %add3A_785, %jit3A_786 : i32
        %ne3A_804 = arith.constant 0 : i32
        %ne3A_805 = arith.cmpi ne, %rem3A_803, %ne3A_804 : i32
        %and3A_806 = arith.andi %ne3A_802, %ne3A_805 : i1
        %sub3A_807 = arith.constant 1 : i32
        %sub3A_808 = arith.subi %div3A_787, %sub3A_807 : i32
        %select_n3A_809 = arith.select %and3A_806, %sub3A_808, %div3A_787 : i32
        %add3A_810 = arith.addi %mul3A_365, %select_n3A_809 : i32
        %jit3A_811 = arith.constant 6 : i32
        %eq3A_812 = arith.constant 0 : i32
        %eq3A_813 = arith.cmpi eq, %jit3A_811, %eq3A_812 : i32
        %jit3A_814 = arith.constant 1 : i32
        %select_n3A_815 = arith.select %eq3A_813, %jit3A_814, %jit3A_811 : i32
        %rem3A_816 = arith.remsi %add3A_785, %select_n3A_815 : i32
        %ne3A_817 = arith.constant 0 : i32
        %ne3A_818 = arith.cmpi ne, %rem3A_816, %ne3A_817 : i32
        %lt3A_819 = arith.constant 0 : i32
        %lt3A_820 = arith.cmpi slt, %rem3A_816, %lt3A_819 : i32
        %lt3A_821 = arith.constant 0 : i32
        %lt3A_822 = arith.cmpi slt, %select_n3A_815, %lt3A_821 : i32
        %ne3A_823 = arith.xori %lt3A_820, %lt3A_822 : i1
        %and3A_824 = arith.andi %ne3A_823, %ne3A_818 : i1
        %add3A_825 = arith.addi %rem3A_816, %select_n3A_815 : i32
        %select_n3A_826 = arith.select %and3A_824, %add3A_825, %rem3A_816 : i32
        %mul3A_827 = arith.constant 16 : i32
        %mul3A_828 = arith.muli %select_n3A_826, %mul3A_827 : i32
        %get3A_829 = arith.constant 0 : i32
        %get3A_830 = arith.index_cast %get3A_829 : i32 to index
        %get3A_831 = arith.index_cast %add3A_810 : i32 to index
        %get3A_832 = arith.index_cast %mul3A_828 : i32 to index
        %get3A_833 = tpu.vector_load %arg8[%get3A_830, %get3A_831, %get3A_832] {strides = array<i32>} : memref<3x48x128xf32, #tpu.memory_space<vmem>>, vector<16xf32>,
        %get3A_834 = arith.constant 1 : i32
        %get3A_835 = arith.index_cast %get3A_834 : i32 to index
        %get3A_836 = arith.index_cast %add3A_810 : i32 to index
        %get3A_837 = arith.index_cast %mul3A_828 : i32 to index
        %get3A_838 = tpu.vector_load %arg8[%get3A_835, %get3A_836, %get3A_837] {strides = array<i32>} : memref<3x48x128xf32, #tpu.memory_space<vmem>>, vector<16xf32>,
        %get3A_839 = arith.constant 2 : i32
        %get3A_840 = arith.index_cast %get3A_839 : i32 to index
        %get3A_841 = arith.index_cast %add3A_810 : i32 to index
        %get3A_842 = arith.index_cast %mul3A_828 : i32 to index
        %get3A_843 = tpu.vector_load %arg8[%get3A_840, %get3A_841, %get3A_842] {strides = array<i32>} : memref<3x48x128xf32, #tpu.memory_space<vmem>>, vector<16xf32>,
        %convert_element_type3A_844 = arith.fptosi %get3A_833 : vector<16xf32> to vector<16xi32>
        %min3A_845 = arith.constant 94 : i32
        %min3A_846 = vector.broadcast %min3A_845 : i32 to vector<16xi32>
        %min3A_847 = arith.minsi %convert_element_type3A_844, %min3A_846 : vector<16xi32>
        %convert_element_type3A_848 = arith.fptosi %get3A_838 : vector<16xf32> to vector<16xi32>
        %min3A_849 = arith.constant 94 : i32
        %min3A_850 = vector.broadcast %min3A_849 : i32 to vector<16xi32>
        %min3A_851 = arith.minsi %convert_element_type3A_848, %min3A_850 : vector<16xi32>
        %convert_element_type3A_852 = arith.fptosi %get3A_843 : vector<16xf32> to vector<16xi32>
        %min3A_853 = arith.constant 94 : i32
        %min3A_854 = vector.broadcast %min3A_853 : i32 to vector<16xi32>
        %min3A_855 = arith.minsi %convert_element_type3A_852, %min3A_854 : vector<16xi32>
        %convert_element_type3A_856 = arith.sitofp %min3A_847 : vector<16xi32> to vector<16xf32>
        %sub3A_857 = arith.subf %get3A_833, %convert_element_type3A_856 : vector<16xf32>
        %convert_element_type3A_858 = arith.sitofp %min3A_851 : vector<16xi32> to vector<16xf32>
        %sub3A_859 = arith.subf %get3A_838, %convert_element_type3A_858 : vector<16xf32>
        %convert_element_type3A_860 = arith.sitofp %min3A_855 : vector<16xi32> to vector<16xf32>
        %sub3A_861 = arith.subf %get3A_843, %convert_element_type3A_860 : vector<16xf32>
        %sub3A_862 = arith.constant 1.000000e+00 : f32
        %sub3A_863 = vector.broadcast %sub3A_862 : f32 to vector<16xf32>
        %sub3A_864 = arith.subf %sub3A_863, %sub3A_857 : vector<16xf32>
        %sub3A_865 = arith.constant 1.000000e+00 : f32
        %sub3A_866 = vector.broadcast %sub3A_865 : f32 to vector<16xf32>
        %sub3A_867 = arith.subf %sub3A_866, %sub3A_859 : vector<16xf32>
        %sub3A_868 = arith.constant 1.000000e+00 : f32
        %sub3A_869 = vector.broadcast %sub3A_868 : f32 to vector<16xf32>
        %sub3A_870 = arith.subf %sub3A_869, %sub3A_861 : vector<16xf32>
        %mul3A_871 = arith.constant 9216 : i32
        %mul3A_872 = vector.broadcast %mul3A_871 : i32 to vector<16xi32>
        %mul3A_873 = arith.muli %min3A_847, %mul3A_872 : vector<16xi32>
        %add3A_874 = vector.broadcast %mul3A_0 : i32 to vector<16xi32>
        %add3A_875 = arith.addi %add3A_874, %mul3A_873 : vector<16xi32>
        %mul3A_876 = arith.constant 96 : i32
        %mul3A_877 = vector.broadcast %mul3A_876 : i32 to vector<16xi32>
        %mul3A_878 = arith.muli %min3A_851, %mul3A_877 : vector<16xi32>
        %add3A_879 = arith.addi %add3A_875, %mul3A_878 : vector<16xi32>
        %add3A_880 = arith.addi %add3A_879, %min3A_855 : vector<16xi32>
        %mul3A_881 = arith.constant 16 : i32
        %mul3A_882 = arith.muli %add3A_785, %mul3A_881 : i32
        %swap3A_883 = arith.constant 1 : i32
        %swap3A_884 = arith.constant 0 : i32
        %swap3A_885 = arith.index_cast %swap3A_883 : i32 to index
        %swap3A_886 = arith.index_cast %swap3A_884 : i32 to index
        %swap3A_887 = arith.index_cast %mul3A_882 : i32 to index
        %swap3A_888 = tpu.vector_load %arg9[%swap3A_885, %swap3A_886, %swap3A_887] {strides = array<i32>} : memref<2x2x1152xi32, #tpu.memory_space<vmem>>, vector<16xi32>,
        tpu.vector_store %arg9[%swap3A_885, %swap3A_886, %swap3A_887], %add3A_880 {strides = array<i32>} : memref<2x2x1152xi32, #tpu.memory_space<vmem>>, vector<16xi32>,
        %add3A_889 = arith.constant 9216 : i32
        %add3A_890 = vector.broadcast %add3A_889 : i32 to vector<16xi32>
        %add3A_891 = arith.addi %add3A_880, %add3A_890 : vector<16xi32>
        %swap3A_892 = arith.constant 1 : i32
        %swap3A_893 = arith.constant 1 : i32
        %swap3A_894 = arith.index_cast %swap3A_892 : i32 to index
        %swap3A_895 = arith.index_cast %swap3A_893 : i32 to index
        %swap3A_896 = arith.index_cast %mul3A_882 : i32 to index
        %swap3A_897 = tpu.vector_load %arg9[%swap3A_894, %swap3A_895, %swap3A_896] {strides = array<i32>} : memref<2x2x1152xi32, #tpu.memory_space<vmem>>, vector<16xi32>,
        tpu.vector_store %arg9[%swap3A_894, %swap3A_895, %swap3A_896], %add3A_891 {strides = array<i32>} : memref<2x2x1152xi32, #tpu.memory_space<vmem>>, vector<16xi32>,
        %mul3A_898 = arith.mulf %sub3A_867, %sub3A_870 : vector<16xf32>
        %mul3A_899 = arith.mulf %sub3A_867, %sub3A_861 : vector<16xf32>
        %mul3A_900 = arith.mulf %sub3A_859, %sub3A_870 : vector<16xf32>
        %mul3A_901 = arith.mulf %sub3A_859, %sub3A_861 : vector<16xf32>
        %mul3A_902 = arith.mulf %sub3A_864, %mul3A_898 : vector<16xf32>
        %swap3A_903 = arith.constant 1 : i32
        %swap3A_904 = arith.constant 0 : i32
        %swap3A_905 = arith.index_cast %swap3A_903 : i32 to index
        %swap3A_906 = arith.index_cast %swap3A_904 : i32 to index
        %swap3A_907 = arith.index_cast %mul3A_882 : i32 to index
        %swap3A_908 = tpu.vector_load %arg10[%swap3A_905, %swap3A_906, %swap3A_907] {strides = array<i32>} : memref<2x8x1152xf32, #tpu.memory_space<vmem>>, vector<16xf32>,
        tpu.vector_store %arg10[%swap3A_905, %swap3A_906, %swap3A_907], %mul3A_902 {strides = array<i32>} : memref<2x8x1152xf32, #tpu.memory_space<vmem>>, vector<16xf32>,
        %mul3A_909 = arith.mulf %sub3A_857, %mul3A_898 : vector<16xf32>
        %swap3A_910 = arith.constant 1 : i32
        %swap3A_911 = arith.constant 4 : i32
        %swap3A_912 = arith.index_cast %swap3A_910 : i32 to index
        %swap3A_913 = arith.index_cast %swap3A_911 : i32 to index
        %swap3A_914 = arith.index_cast %mul3A_882 : i32 to index
        %swap3A_915 = tpu.vector_load %arg10[%swap3A_912, %swap3A_913, %swap3A_914] {strides = array<i32>} : memref<2x8x1152xf32, #tpu.memory_space<vmem>>, vector<16xf32>,
        tpu.vector_store %arg10[%swap3A_912, %swap3A_913, %swap3A_914], %mul3A_909 {strides = array<i32>} : memref<2x8x1152xf32, #tpu.memory_space<vmem>>, vector<16xf32>,
        %mul3A_916 = arith.mulf %sub3A_864, %mul3A_899 : vector<16xf32>
        %swap3A_917 = arith.constant 1 : i32
        %swap3A_918 = arith.constant 1 : i32
        %swap3A_919 = arith.index_cast %swap3A_917 : i32 to index
        %swap3A_920 = arith.index_cast %swap3A_918 : i32 to index
        %swap3A_921 = arith.index_cast %mul3A_882 : i32 to index
        %swap3A_922 = tpu.vector_load %arg10[%swap3A_919, %swap3A_920, %swap3A_921] {strides = array<i32>} : memref<2x8x1152xf32, #tpu.memory_space<vmem>>, vector<16xf32>,
        tpu.vector_store %arg10[%swap3A_919, %swap3A_920, %swap3A_921], %mul3A_916 {strides = array<i32>} : memref<2x8x1152xf32, #tpu.memory_space<vmem>>, vector<16xf32>,
        %mul3A_923 = arith.mulf %sub3A_857, %mul3A_899 : vector<16xf32>
        %swap3A_924 = arith.constant 1 : i32
        %swap3A_925 = arith.constant 5 : i32
        %swap3A_926 = arith.index_cast %swap3A_924 : i32 to index
        %swap3A_927 = arith.index_cast %swap3A_925 : i32 to index
        %swap3A_928 = arith.index_cast %mul3A_882 : i32 to index
        %swap3A_929 = tpu.vector_load %arg10[%swap3A_926, %swap3A_927, %swap3A_928] {strides = array<i32>} : memref<2x8x1152xf32, #tpu.memory_space<vmem>>, vector<16xf32>,
        tpu.vector_store %arg10[%swap3A_926, %swap3A_927, %swap3A_928], %mul3A_923 {strides = array<i32>} : memref<2x8x1152xf32, #tpu.memory_space<vmem>>, vector<16xf32>,
        %mul3A_930 = arith.mulf %sub3A_864, %mul3A_900 : vector<16xf32>
        %swap3A_931 = arith.constant 1 : i32
        %swap3A_932 = arith.constant 2 : i32
        %swap3A_933 = arith.index_cast %swap3A_931 : i32 to index
        %swap3A_934 = arith.index_cast %swap3A_932 : i32 to index
        %swap3A_935 = arith.index_cast %mul3A_882 : i32 to index
        %swap3A_936 = tpu.vector_load %arg10[%swap3A_933, %swap3A_934, %swap3A_935] {strides = array<i32>} : memref<2x8x1152xf32, #tpu.memory_space<vmem>>, vector<16xf32>,
        tpu.vector_store %arg10[%swap3A_933, %swap3A_934, %swap3A_935], %mul3A_930 {strides = array<i32>} : memref<2x8x1152xf32, #tpu.memory_space<vmem>>, vector<16xf32>,
        %mul3A_937 = arith.mulf %sub3A_857, %mul3A_900 : vector<16xf32>
        %swap3A_938 = arith.constant 1 : i32
        %swap3A_939 = arith.constant 6 : i32
        %swap3A_940 = arith.index_cast %swap3A_938 : i32 to index
        %swap3A_941 = arith.index_cast %swap3A_939 : i32 to index
        %swap3A_942 = arith.index_cast %mul3A_882 : i32 to index
        %swap3A_943 = tpu.vector_load %arg10[%swap3A_940, %swap3A_941, %swap3A_942] {strides = array<i32>} : memref<2x8x1152xf32, #tpu.memory_space<vmem>>, vector<16xf32>,
        tpu.vector_store %arg10[%swap3A_940, %swap3A_941, %swap3A_942], %mul3A_937 {strides = array<i32>} : memref<2x8x1152xf32, #tpu.memory_space<vmem>>, vector<16xf32>,
        %mul3A_944 = arith.mulf %sub3A_864, %mul3A_901 : vector<16xf32>
        %swap3A_945 = arith.constant 1 : i32
        %swap3A_946 = arith.constant 3 : i32
        %swap3A_947 = arith.index_cast %swap3A_945 : i32 to index
        %swap3A_948 = arith.index_cast %swap3A_946 : i32 to index
        %swap3A_949 = arith.index_cast %mul3A_882 : i32 to index
        %swap3A_950 = tpu.vector_load %arg10[%swap3A_947, %swap3A_948, %swap3A_949] {strides = array<i32>} : memref<2x8x1152xf32, #tpu.memory_space<vmem>>, vector<16xf32>,
        tpu.vector_store %arg10[%swap3A_947, %swap3A_948, %swap3A_949], %mul3A_944 {strides = array<i32>} : memref<2x8x1152xf32, #tpu.memory_space<vmem>>, vector<16xf32>,
        %mul3A_951 = arith.mulf %sub3A_857, %mul3A_901 : vector<16xf32>
        %swap3A_952 = arith.constant 1 : i32
        %swap3A_953 = arith.constant 7 : i32
        %swap3A_954 = arith.index_cast %swap3A_952 : i32 to index
        %swap3A_955 = arith.index_cast %swap3A_953 : i32 to index
        %swap3A_956 = arith.index_cast %mul3A_882 : i32 to index
        %swap3A_957 = tpu.vector_load %arg10[%swap3A_954, %swap3A_955, %swap3A_956] {strides = array<i32>} : memref<2x8x1152xf32, #tpu.memory_space<vmem>>, vector<16xf32>,
        tpu.vector_store %arg10[%swap3A_954, %swap3A_955, %swap3A_956], %mul3A_951 {strides = array<i32>} : memref<2x8x1152xf32, #tpu.memory_space<vmem>>, vector<16xf32>,
      }
      %scan3A_371 = arith.constant 36 : i32
      %dma_start3A_372 = arith.constant 1 : i32
      %dma_start3A_373 = arith.constant 0 : i32
      %dma_start3A_374 = arith.constant 1 : i32
      %dma_start3A_375 = arith.constant 0 : i32
      %dma_start3A_376 = arith.constant 0 : i32
      %dma_start3A_377 = arith.constant 0 : i32
      %dma_start3A_378 = tpu.memref_slice %arg11[%dma_start3A_374, %dma_start3A_375, %dma_start3A_376, %dma_start3A_377] : memref<2x2x1152x8xf32, #tpu.memory_space<vmem>> -> memref<1x1x1152x8xf32, #tpu.memory_space<vmem>>
      %dma_start3A_379 = tpu.memref_squeeze %dma_start3A_378 : memref<1x1x1152x8xf32, #tpu.memory_space<vmem>> -> memref<1152x8xf32, #tpu.memory_space<vmem>>
      %dma_start3A_380 = arith.constant 0 : i32
      %dma_start3A_381 = tpu.memref_slice %arg9[%dma_start3A_372, %dma_start3A_373, %dma_start3A_380] : memref<2x2x1152xi32, #tpu.memory_space<vmem>> -> memref<1x1x1152xi32, #tpu.memory_space<vmem>>
      %dma_start3A_382 = tpu.memref_squeeze %dma_start3A_381 : memref<1x1x1152xi32, #tpu.memory_space<vmem>> -> memref<1152xi32, #tpu.memory_space<vmem>>
      %dma_start3A_383 = arith.constant 0 : i32
      %dma_start3A_384 = arith.constant 0 : i32
      %dma_start3A_385 = tpu.memref_slice %arg5[%dma_start3A_383, %dma_start3A_384] : memref<1769472x8xf32, #tpu.memory_space<hbm>> -> memref<1769472x8xf32, #tpu.memory_space<hbm>>
      tpu.enqueue_indirect_dma source(%dma_start3A_385 : memref<1769472x8xf32, #tpu.memory_space<hbm>>) target(%dma_start3A_379 : memref<1152x8xf32, #tpu.memory_space<vmem>>) offsets(%dma_start3A_382 : memref<1152xi32, #tpu.memory_space<vmem>>) semaphore(%arg14 : memref<!tpu.dma_semaphore, #tpu.memory_space<semaphore_mem>>)
      %dma_start3A_386 = arith.constant 1 : i32
      %dma_start3A_387 = arith.constant 1 : i32
      %dma_start3A_388 = arith.constant 1 : i32
      %dma_start3A_389 = arith.constant 1 : i32
      %dma_start3A_390 = arith.constant 0 : i32
      %dma_start3A_391 = arith.constant 0 : i32
      %dma_start3A_392 = tpu.memref_slice %arg11[%dma_start3A_388, %dma_start3A_389, %dma_start3A_390, %dma_start3A_391] : memref<2x2x1152x8xf32, #tpu.memory_space<vmem>> -> memref<1x1x1152x8xf32, #tpu.memory_space<vmem>>
      %dma_start3A_393 = tpu.memref_squeeze %dma_start3A_392 : memref<1x1x1152x8xf32, #tpu.memory_space<vmem>> -> memref<1152x8xf32, #tpu.memory_space<vmem>>
      %dma_start3A_394 = arith.constant 0 : i32
      %dma_start3A_395 = tpu.memref_slice %arg9[%dma_start3A_386, %dma_start3A_387, %dma_start3A_394] : memref<2x2x1152xi32, #tpu.memory_space<vmem>> -> memref<1x1x1152xi32, #tpu.memory_space<vmem>>
      %dma_start3A_396 = tpu.memref_squeeze %dma_start3A_395 : memref<1x1x1152xi32, #tpu.memory_space<vmem>> -> memref<1152xi32, #tpu.memory_space<vmem>>
      %dma_start3A_397 = arith.constant 0 : i32
      %dma_start3A_398 = arith.constant 0 : i32
      %dma_start3A_399 = tpu.memref_slice %arg5[%dma_start3A_397, %dma_start3A_398] : memref<1769472x8xf32, #tpu.memory_space<hbm>> -> memref<1769472x8xf32, #tpu.memory_space<hbm>>
      tpu.enqueue_indirect_dma source(%dma_start3A_399 : memref<1769472x8xf32, #tpu.memory_space<hbm>>) target(%dma_start3A_393 : memref<1152x8xf32, #tpu.memory_space<vmem>>) offsets(%dma_start3A_396 : memref<1152xi32, #tpu.memory_space<vmem>>) semaphore(%arg14 : memref<!tpu.dma_semaphore, #tpu.memory_space<semaphore_mem>>)
      %dma_wait3A_400 = arith.constant 0 : i32
      %dma_wait3A_401 = arith.constant 0 : i32
      %dma_wait3A_402 = arith.constant 0 : i32
      %dma_wait3A_403 = arith.constant 0 : i32
      %dma_wait3A_404 = arith.constant 0 : i32
      %dma_wait3A_405 = arith.constant 0 : i32
      %dma_wait3A_406 = tpu.memref_slice %arg11[%dma_wait3A_402, %dma_wait3A_403, %dma_wait3A_404, %dma_wait3A_405] : memref<2x2x1152x8xf32, #tpu.memory_space<vmem>> -> memref<1x1x1152x8xf32, #tpu.memory_space<vmem>>
      %dma_wait3A_407 = tpu.memref_squeeze %dma_wait3A_406 : memref<1x1x1152x8xf32, #tpu.memory_space<vmem>> -> memref<1152x8xf32, #tpu.memory_space<vmem>>
      %dma_wait3A_408 = arith.constant 0 : i32
      %dma_wait3A_409 = tpu.memref_slice %arg9[%dma_wait3A_400, %dma_wait3A_401, %dma_wait3A_408] : memref<2x2x1152xi32, #tpu.memory_space<vmem>> -> memref<1x1x1152xi32, #tpu.memory_space<vmem>>
      %dma_wait3A_410 = tpu.memref_squeeze %dma_wait3A_409 : memref<1x1x1152xi32, #tpu.memory_space<vmem>> -> memref<1152xi32, #tpu.memory_space<vmem>>
      %dma_wait3A_411 = arith.constant 0 : i32
      %dma_wait3A_412 = arith.constant 0 : i32
      %dma_wait3A_413 = tpu.memref_slice %arg5[%dma_wait3A_411, %dma_wait3A_412] : memref<1769472x8xf32, #tpu.memory_space<hbm>> -> memref<1769472x8xf32, #tpu.memory_space<hbm>>
      tpu.wait_indirect_dma semaphore(%arg13 : memref<!tpu.dma_semaphore, #tpu.memory_space<semaphore_mem>>) src(%dma_wait3A_413 : memref<1769472x8xf32, #tpu.memory_space<hbm>>) dst(%dma_wait3A_407 : memref<1152x8xf32, #tpu.memory_space<vmem>>)
      %dma_wait3A_414 = arith.constant 0 : i32
      %dma_wait3A_415 = arith.constant 1 : i32
      %dma_wait3A_416 = arith.constant 0 : i32
      %dma_wait3A_417 = arith.constant 1 : i32
      %dma_wait3A_418 = arith.constant 0 : i32
      %dma_wait3A_419 = arith.constant 0 : i32
      %dma_wait3A_420 = tpu.memref_slice %arg11[%dma_wait3A_416, %dma_wait3A_417, %dma_wait3A_418, %dma_wait3A_419] : memref<2x2x1152x8xf32, #tpu.memory_space<vmem>> -> memref<1x1x1152x8xf32, #tpu.memory_space<vmem>>
      %dma_wait3A_421 = tpu.memref_squeeze %dma_wait3A_420 : memref<1x1x1152x8xf32, #tpu.memory_space<vmem>> -> memref<1152x8xf32, #tpu.memory_space<vmem>>
      %dma_wait3A_422 = arith.constant 0 : i32
      %dma_wait3A_423 = tpu.memref_slice %arg9[%dma_wait3A_414, %dma_wait3A_415, %dma_wait3A_422] : memref<2x2x1152xi32, #tpu.memory_space<vmem>> -> memref<1x1x1152xi32, #tpu.memory_space<vmem>>
      %dma_wait3A_424 = tpu.memref_squeeze %dma_wait3A_423 : memref<1x1x1152xi32, #tpu.memory_space<vmem>> -> memref<1152xi32, #tpu.memory_space<vmem>>
      %dma_wait3A_425 = arith.constant 0 : i32
      %dma_wait3A_426 = arith.constant 0 : i32
      %dma_wait3A_427 = tpu.memref_slice %arg5[%dma_wait3A_425, %dma_wait3A_426] : memref<1769472x8xf32, #tpu.memory_space<hbm>> -> memref<1769472x8xf32, #tpu.memory_space<hbm>>
      tpu.wait_indirect_dma semaphore(%arg13 : memref<!tpu.dma_semaphore, #tpu.memory_space<semaphore_mem>>) src(%dma_wait3A_427 : memref<1769472x8xf32, #tpu.memory_space<hbm>>) dst(%dma_wait3A_421 : memref<1152x8xf32, #tpu.memory_space<vmem>>)
      %ge3A = arith.constant 2 : i32
      %ge3A_428 = arith.cmpi sge, %mul3A_324, %ge3A : i32
      %convert_element_type3A_429 = arith.extui %ge3A_428 : i1 to i32
      %cond3A_430 = arith.constant 0 : i32
      %cond3A_431 = arith.cmpi ne, %convert_element_type3A_429, %cond3A_430 : i32
      scf.if %cond3A_431 {
        %dma_wait3A_610 = arith.constant 0 : i32
        %dma_wait3A_611 = arith.constant 0 : i32
        %dma_wait3A_612 = tpu.memref_slice %arg12[%dma_wait3A_610, %dma_wait3A_611] : memref<2x3072xf32, #tpu.memory_space<vmem>> -> memref<1x3072xf32, #tpu.memory_space<vmem>>
        %dma_wait3A_613 = tpu.memref_squeeze %dma_wait3A_612 : memref<1x3072xf32, #tpu.memory_space<vmem>> -> memref<3072xf32, #tpu.memory_space<vmem>>
        %dma_wait3A_614 = arith.constant 0 : i32
        %dma_wait3A_615 = tpu.memref_slice %arg4[%dma_wait3A_614] : memref<4718592xf32, #tpu.memory_space<hbm>> -> memref<3072xf32, #tpu.memory_space<hbm>>
        %dma_wait3A_616 = arith.constant 0 : i32
        %dma_wait3A_617 = tpu.memref_slice %arg4[%dma_wait3A_616] : memref<4718592xf32, #tpu.memory_space<hbm>> -> memref<3072xf32, #tpu.memory_space<hbm>>
        %dma_wait3A_618 = arith.constant 0 : i32
        %dma_wait3A_619 = tpu.memref_slice %arg12[%dma_wait3A_610, %dma_wait3A_618] : memref<2x3072xf32, #tpu.memory_space<vmem>> -> memref<1x3072xf32, #tpu.memory_space<vmem>>
        %dma_wait3A_620 = tpu.memref_squeeze %dma_wait3A_619 : memref<1x3072xf32, #tpu.memory_space<vmem>> -> memref<3072xf32, #tpu.memory_space<vmem>>
        tpu.wait_dma2 semaphore(%arg17 : memref<!tpu.dma_semaphore, #tpu.memory_space<semaphore_mem>>) src(%dma_wait3A_620 : memref<3072xf32, #tpu.memory_space<vmem>>) dst(%dma_wait3A_617 : memref<3072xf32, #tpu.memory_space<hbm>>)
      } else {
      }
      %scan3A_432 = arith.constant 0 : i32
      %scan3A_433 = arith.constant 0 : i32
      %scan3A_434 = arith.constant 36 : i32
      %scan3A_435 = arith.addi %scan3A_433, %scan3A_434 : i32
      %scan3A_436 = arith.constant 1 : i32
      scf.for %scan3A_610 = %scan3A_433 to %scan3A_435 step %scan3A_436  : i32 {
        %mul3A_611 = arith.constant 2 : i32
        %mul3A_612 = arith.muli %scan3A_610, %mul3A_611 : i32
        %jit3A_613 = arith.constant 6 : i32
        %div3A_614 = arith.divsi %mul3A_612, %jit3A_613 : i32
        %sign3A_615 = arith.constant 0 : i32
        %sign3A_616 = arith.cmpi sgt, %mul3A_612, %sign3A_615 : i32
        %sign3A_617 = arith.extui %sign3A_616 : i1 to i32
        %sign3A_618 = arith.constant 0 : i32
        %sign3A_619 = arith.cmpi slt, %mul3A_612, %sign3A_618 : i32
        %sign3A_620 = arith.extui %sign3A_619 : i1 to i32
        %sign3A_621 = arith.subi %sign3A_617, %sign3A_620 : i32
        %sign3A_622 = arith.constant 0 : i32
        %sign3A_623 = arith.cmpi sgt, %jit3A_613, %sign3A_622 : i32
        %sign3A_624 = arith.extui %sign3A_623 : i1 to i32
        %sign3A_625 = arith.constant 0 : i32
        %sign3A_626 = arith.cmpi slt, %jit3A_613, %sign3A_625 : i32
        %sign3A_627 = arith.extui %sign3A_626 : i1 to i32
        %sign3A_628 = arith.subi %sign3A_624, %sign3A_627 : i32
        %ne3A_629 = arith.cmpi ne, %sign3A_621, %sign3A_628 : i32
        %rem3A_630 = arith.remsi %mul3A_612, %jit3A_613 : i32
        %ne3A_631 = arith.constant 0 : i32
        %ne3A_632 = arith.cmpi ne, %rem3A_630, %ne3A_631 : i32
        %and3A_633 = arith.andi %ne3A_629, %ne3A_632 : i1
        %sub3A_634 = arith.constant 1 : i32
        %sub3A_635 = arith.subi %div3A_614, %sub3A_634 : i32
        %select_n3A_636 = arith.select %and3A_633, %sub3A_635, %div3A_614 : i32
        %jit3A_637 = arith.constant 6 : i32
        %eq3A_638 = arith.constant 0 : i32
        %eq3A_639 = arith.cmpi eq, %jit3A_637, %eq3A_638 : i32
        %jit3A_640 = arith.constant 1 : i32
        %select_n3A_641 = arith.select %eq3A_639, %jit3A_640, %jit3A_637 : i32
        %rem3A_642 = arith.remsi %mul3A_612, %select_n3A_641 : i32
        %ne3A_643 = arith.constant 0 : i32
        %ne3A_644 = arith.cmpi ne, %rem3A_642, %ne3A_643 : i32
        %lt3A_645 = arith.constant 0 : i32
        %lt3A_646 = arith.cmpi slt, %rem3A_642, %lt3A_645 : i32
        %lt3A_647 = arith.constant 0 : i32
        %lt3A_648 = arith.cmpi slt, %select_n3A_641, %lt3A_647 : i32
        %ne3A_649 = arith.xori %lt3A_646, %lt3A_648 : i1
        %and3A_650 = arith.andi %ne3A_649, %ne3A_644 : i1
        %add3A_651 = arith.addi %rem3A_642, %select_n3A_641 : i32
        %select_n3A_652 = arith.select %and3A_650, %add3A_651, %rem3A_642 : i32
        %mul3A_653 = arith.constant 16 : i32
        %mul3A_654 = arith.muli %select_n3A_652, %mul3A_653 : i32
        %mul3A_655 = arith.constant 16 : i32
        %mul3A_656 = arith.muli %mul3A_612, %mul3A_655 : i32
        %add3A_657 = vector.broadcast %mul3A_656 : i32 to vector<16xi32>
        %add3A_658 = arith.addi %add3A_657, %iota3A : vector<16xi32>
        %broadcast_in_dim3A_659 = arith.constant 0.000000e+00 : f32
        %broadcast_in_dim3A_660 = vector.broadcast %broadcast_in_dim3A_659 : f32 to vector<16xf32>
        %broadcast_in_dim3A_661 = arith.constant 0.000000e+00 : f32
        %broadcast_in_dim3A_662 = vector.broadcast %broadcast_in_dim3A_661 : f32 to vector<16xf32>
        %get3A = arith.constant 0 : i32
        %get3A_663 = arith.constant 0 : i32
        %get3A_664 = arith.index_cast %get3A : i32 to index
        %get3A_665 = arith.index_cast %get3A_663 : i32 to index
        %get3A_666 = arith.index_cast %mul3A_656 : i32 to index
        %get3A_667 = tpu.vector_load %arg10[%get3A_664, %get3A_665, %get3A_666] {strides = array<i32>} : memref<2x8x1152xf32, #tpu.memory_space<vmem>>, vector<16xf32>,
        %add3A_668 = arith.constant 0 : i32
        %add3A_669 = vector.broadcast %add3A_668 : i32 to vector<16xi32>
        %add3A_670 = arith.addi %broadcast_in_dim3A_241, %add3A_669 : vector<16xi32>
        %gather3A = arith.constant 0 : i32
        %gather3A_671 = arith.constant 0 : i32
        %gather3A_672 = arith.constant 0 : i32
        %gather3A_673 = arith.constant 0 : i32
        %gather3A_674 = tpu.memref_slice %arg11[%gather3A, %gather3A_671, %gather3A_672, %gather3A_673] : memref<2x2x1152x8xf32, #tpu.memory_space<vmem>> -> memref<1x1x1152x8xf32, #tpu.memory_space<vmem>>
        %gather3A_675 = tpu.memref_squeeze %gather3A_674 : memref<1x1x1152x8xf32, #tpu.memory_space<vmem>> -> memref<1152x8xf32, #tpu.memory_space<vmem>>
        %gather3A_676 = tpu.vector_load_idx %gather3A_675[%add3A_658, %add3A_670] : memref<1152x8xf32, #tpu.memory_space<vmem>>[vector<16xi32>, vector<16xi32>], vector<16xf32>,
        %add3A_677 = arith.constant 0 : i32
        %add3A_678 = vector.broadcast %add3A_677 : i32 to vector<16xi32>
        %add3A_679 = arith.addi %broadcast_in_dim3A_241, %add3A_678 : vector<16xi32>
        %add3A_680 = arith.constant 1 : i32
        %add3A_681 = vector.broadcast %add3A_680 : i32 to vector<16xi32>
        %add3A_682 = arith.addi %add3A_679, %add3A_681 : vector<16xi32>
        %gather3A_683 = arith.constant 0 : i32
        %gather3A_684 = arith.constant 0 : i32
        %gather3A_685 = arith.constant 0 : i32
        %gather3A_686 = arith.constant 0 : i32
        %gather3A_687 = tpu.memref_slice %arg11[%gather3A_683, %gather3A_684, %gather3A_685, %gather3A_686] : memref<2x2x1152x8xf32, #tpu.memory_space<vmem>> -> memref<1x1x1152x8xf32, #tpu.memory_space<vmem>>
        %gather3A_688 = tpu.memref_squeeze %gather3A_687 : memref<1x1x1152x8xf32, #tpu.memory_space<vmem>> -> memref<1152x8xf32, #tpu.memory_space<vmem>>
        %gather3A_689 = tpu.vector_load_idx %gather3A_688[%add3A_658, %add3A_682] : memref<1152x8xf32, #tpu.memory_space<vmem>>[vector<16xi32>, vector<16xi32>], vector<16xf32>,
        %mul3A_690 = arith.mulf %get3A_667, %gather3A_676 : vector<16xf32>
        %add3A_691 = arith.addf %broadcast_in_dim3A_660, %mul3A_690 : vector<16xf32>
        %mul3A_692 = arith.mulf %get3A_667, %gather3A_689 : vector<16xf32>
        %add3A_693 = arith.addf %broadcast_in_dim3A_662, %mul3A_692 : vector<16xf32>
        %get3A_694 = arith.constant 0 : i32
        %get3A_695 = arith.constant 1 : i32
        %get3A_696 = arith.index_cast %get3A_694 : i32 to index
        %get3A_697 = arith.index_cast %get3A_695 : i32 to index
        %get3A_698 = arith.index_cast %mul3A_656 : i32 to index
        %get3A_699 = tpu.vector_load %arg10[%get3A_696, %get3A_697, %get3A_698] {strides = array<i32>} : memref<2x8x1152xf32, #tpu.memory_space<vmem>>, vector<16xf32>,
        %add3A_700 = arith.constant 2 : i32
        %add3A_701 = vector.broadcast %add3A_700 : i32 to vector<16xi32>
        %add3A_702 = arith.addi %broadcast_in_dim3A_241, %add3A_701 : vector<16xi32>
        %gather3A_703 = arith.constant 0 : i32
        %gather3A_704 = arith.constant 0 : i32
        %gather3A_705 = arith.constant 0 : i32
        %gather3A_706 = arith.constant 0 : i32
        %gather3A_707 = tpu.memref_slice %arg11[%gather3A_703, %gather3A_704, %gather3A_705, %gather3A_706] : memref<2x2x1152x8xf32, #tpu.memory_space<vmem>> -> memref<1x1x1152x8xf32, #tpu.memory_space<vmem>>
        %gather3A_708 = tpu.memref_squeeze %gather3A_707 : memref<1x1x1152x8xf32, #tpu.memory_space<vmem>> -> memref<1152x8xf32, #tpu.memory_space<vmem>>
        %gather3A_709 = tpu.vector_load_idx %gather3A_708[%add3A_658, %add3A_702] : memref<1152x8xf32, #tpu.memory_space<vmem>>[vector<16xi32>, vector<16xi32>], vector<16xf32>,
        %add3A_710 = arith.constant 2 : i32
        %add3A_711 = vector.broadcast %add3A_710 : i32 to vector<16xi32>
        %add3A_712 = arith.addi %broadcast_in_dim3A_241, %add3A_711 : vector<16xi32>
        %add3A_713 = arith.constant 1 : i32
        %add3A_714 = vector.broadcast %add3A_713 : i32 to vector<16xi32>
        %add3A_715 = arith.addi %add3A_712, %add3A_714 : vector<16xi32>
        %gather3A_716 = arith.constant 0 : i32
        %gather3A_717 = arith.constant 0 : i32
        %gather3A_718 = arith.constant 0 : i32
        %gather3A_719 = arith.constant 0 : i32
        %gather3A_720 = tpu.memref_slice %arg11[%gather3A_716, %gather3A_717, %gather3A_718, %gather3A_719] : memref<2x2x1152x8xf32, #tpu.memory_space<vmem>> -> memref<1x1x1152x8xf32, #tpu.memory_space<vmem>>
        %gather3A_721 = tpu.memref_squeeze %gather3A_720 : memref<1x1x1152x8xf32, #tpu.memory_space<vmem>> -> memref<1152x8xf32, #tpu.memory_space<vmem>>
        %gather3A_722 = tpu.vector_load_idx %gather3A_721[%add3A_658, %add3A_715] : memref<1152x8xf32, #tpu.memory_space<vmem>>[vector<16xi32>, vector<16xi32>], vector<16xf32>,
        %mul3A_723 = arith.mulf %get3A_699, %gather3A_709 : vector<16xf32>
        %add3A_724 = arith.addf %add3A_691, %mul3A_723 : vector<16xf32>
        %mul3A_725 = arith.mulf %get3A_699, %gather3A_722 : vector<16xf32>
        %add3A_726 = arith.addf %add3A_693, %mul3A_725 : vector<16xf32>
        %get3A_727 = arith.constant 0 : i32
        %get3A_728 = arith.constant 2 : i32
        %get3A_729 = arith.index_cast %get3A_727 : i32 to index
        %get3A_730 = arith.index_cast %get3A_728 : i32 to index
        %get3A_731 = arith.index_cast %mul3A_656 : i32 to index
        %get3A_732 = tpu.vector_load %arg10[%get3A_729, %get3A_730, %get3A_731] {strides = array<i32>} : memref<2x8x1152xf32, #tpu.memory_space<vmem>>, vector<16xf32>,
        %add3A_733 = arith.constant 4 : i32
        %add3A_734 = vector.broadcast %add3A_733 : i32 to vector<16xi32>
        %add3A_735 = arith.addi %broadcast_in_dim3A_241, %add3A_734 : vector<16xi32>
        %gather3A_736 = arith.constant 0 : i32
        %gather3A_737 = arith.constant 0 : i32
        %gather3A_738 = arith.constant 0 : i32
        %gather3A_739 = arith.constant 0 : i32
        %gather3A_740 = tpu.memref_slice %arg11[%gather3A_736, %gather3A_737, %gather3A_738, %gather3A_739] : memref<2x2x1152x8xf32, #tpu.memory_space<vmem>> -> memref<1x1x1152x8xf32, #tpu.memory_space<vmem>>
        %gather3A_741 = tpu.memref_squeeze %gather3A_740 : memref<1x1x1152x8xf32, #tpu.memory_space<vmem>> -> memref<1152x8xf32, #tpu.memory_space<vmem>>
        %gather3A_742 = tpu.vector_load_idx %gather3A_741[%add3A_658, %add3A_735] : memref<1152x8xf32, #tpu.memory_space<vmem>>[vector<16xi32>, vector<16xi32>], vector<16xf32>,
        %add3A_743 = arith.constant 4 : i32
        %add3A_744 = vector.broadcast %add3A_743 : i32 to vector<16xi32>
        %add3A_745 = arith.addi %broadcast_in_dim3A_241, %add3A_744 : vector<16xi32>
        %add3A_746 = arith.constant 1 : i32
        %add3A_747 = vector.broadcast %add3A_746 : i32 to vector<16xi32>
        %add3A_748 = arith.addi %add3A_745, %add3A_747 : vector<16xi32>
        %gather3A_749 = arith.constant 0 : i32
        %gather3A_750 = arith.constant 0 : i32
        %gather3A_751 = arith.constant 0 : i32
        %gather3A_752 = arith.constant 0 : i32
        %gather3A_753 = tpu.memref_slice %arg11[%gather3A_749, %gather3A_750, %gather3A_751, %gather3A_752] : memref<2x2x1152x8xf32, #tpu.memory_space<vmem>> -> memref<1x1x1152x8xf32, #tpu.memory_space<vmem>>
        %gather3A_754 = tpu.memref_squeeze %gather3A_753 : memref<1x1x1152x8xf32, #tpu.memory_space<vmem>> -> memref<1152x8xf32, #tpu.memory_space<vmem>>
        %gather3A_755 = tpu.vector_load_idx %gather3A_754[%add3A_658, %add3A_748] : memref<1152x8xf32, #tpu.memory_space<vmem>>[vector<16xi32>, vector<16xi32>], vector<16xf32>,
        %mul3A_756 = arith.mulf %get3A_732, %gather3A_742 : vector<16xf32>
        %add3A_757 = arith.addf %add3A_724, %mul3A_756 : vector<16xf32>
        %mul3A_758 = arith.mulf %get3A_732, %gather3A_755 : vector<16xf32>
        %add3A_759 = arith.addf %add3A_726, %mul3A_758 : vector<16xf32>
        %get3A_760 = arith.constant 0 : i32
        %get3A_761 = arith.constant 3 : i32
        %get3A_762 = arith.index_cast %get3A_760 : i32 to index
        %get3A_763 = arith.index_cast %get3A_761 : i32 to index
        %get3A_764 = arith.index_cast %mul3A_656 : i32 to index
        %get3A_765 = tpu.vector_load %arg10[%get3A_762, %get3A_763, %get3A_764] {strides = array<i32>} : memref<2x8x1152xf32, #tpu.memory_space<vmem>>, vector<16xf32>,
        %add3A_766 = arith.constant 6 : i32
        %add3A_767 = vector.broadcast %add3A_766 : i32 to vector<16xi32>
        %add3A_768 = arith.addi %broadcast_in_dim3A_241, %add3A_767 : vector<16xi32>
        %gather3A_769 = arith.constant 0 : i32
        %gather3A_770 = arith.constant 0 : i32
        %gather3A_771 = arith.constant 0 : i32
        %gather3A_772 = arith.constant 0 : i32
        %gather3A_773 = tpu.memref_slice %arg11[%gather3A_769, %gather3A_770, %gather3A_771, %gather3A_772] : memref<2x2x1152x8xf32, #tpu.memory_space<vmem>> -> memref<1x1x1152x8xf32, #tpu.memory_space<vmem>>
        %gather3A_774 = tpu.memref_squeeze %gather3A_773 : memref<1x1x1152x8xf32, #tpu.memory_space<vmem>> -> memref<1152x8xf32, #tpu.memory_space<vmem>>
        %gather3A_775 = tpu.vector_load_idx %gather3A_774[%add3A_658, %add3A_768] : memref<1152x8xf32, #tpu.memory_space<vmem>>[vector<16xi32>, vector<16xi32>], vector<16xf32>,
        %add3A_776 = arith.constant 6 : i32
        %add3A_777 = vector.broadcast %add3A_776 : i32 to vector<16xi32>
        %add3A_778 = arith.addi %broadcast_in_dim3A_241, %add3A_777 : vector<16xi32>
        %add3A_779 = arith.constant 1 : i32
        %add3A_780 = vector.broadcast %add3A_779 : i32 to vector<16xi32>
        %add3A_781 = arith.addi %add3A_778, %add3A_780 : vector<16xi32>
        %gather3A_782 = arith.constant 0 : i32
        %gather3A_783 = arith.constant 0 : i32
        %gather3A_784 = arith.constant 0 : i32
        %gather3A_785 = arith.constant 0 : i32
        %gather3A_786 = tpu.memref_slice %arg11[%gather3A_782, %gather3A_783, %gather3A_784, %gather3A_785] : memref<2x2x1152x8xf32, #tpu.memory_space<vmem>> -> memref<1x1x1152x8xf32, #tpu.memory_space<vmem>>
        %gather3A_787 = tpu.memref_squeeze %gather3A_786 : memref<1x1x1152x8xf32, #tpu.memory_space<vmem>> -> memref<1152x8xf32, #tpu.memory_space<vmem>>
        %gather3A_788 = tpu.vector_load_idx %gather3A_787[%add3A_658, %add3A_781] : memref<1152x8xf32, #tpu.memory_space<vmem>>[vector<16xi32>, vector<16xi32>], vector<16xf32>,
        %mul3A_789 = arith.mulf %get3A_765, %gather3A_775 : vector<16xf32>
        %add3A_790 = arith.addf %add3A_757, %mul3A_789 : vector<16xf32>
        %mul3A_791 = arith.mulf %get3A_765, %gather3A_788 : vector<16xf32>
        %add3A_792 = arith.addf %add3A_759, %mul3A_791 : vector<16xf32>
        %get3A_793 = arith.constant 0 : i32
        %get3A_794 = arith.constant 4 : i32
        %get3A_795 = arith.index_cast %get3A_793 : i32 to index
        %get3A_796 = arith.index_cast %get3A_794 : i32 to index
        %get3A_797 = arith.index_cast %mul3A_656 : i32 to index
        %get3A_798 = tpu.vector_load %arg10[%get3A_795, %get3A_796, %get3A_797] {strides = array<i32>} : memref<2x8x1152xf32, #tpu.memory_space<vmem>>, vector<16xf32>,
        %add3A_799 = arith.constant 0 : i32
        %add3A_800 = vector.broadcast %add3A_799 : i32 to vector<16xi32>
        %add3A_801 = arith.addi %broadcast_in_dim3A_241, %add3A_800 : vector<16xi32>
        %gather3A_802 = arith.constant 0 : i32
        %gather3A_803 = arith.constant 1 : i32
        %gather3A_804 = arith.constant 0 : i32
        %gather3A_805 = arith.constant 0 : i32
        %gather3A_806 = tpu.memref_slice %arg11[%gather3A_802, %gather3A_803, %gather3A_804, %gather3A_805] : memref<2x2x1152x8xf32, #tpu.memory_space<vmem>> -> memref<1x1x1152x8xf32, #tpu.memory_space<vmem>>
        %gather3A_807 = tpu.memref_squeeze %gather3A_806 : memref<1x1x1152x8xf32, #tpu.memory_space<vmem>> -> memref<1152x8xf32, #tpu.memory_space<vmem>>
        %gather3A_808 = tpu.vector_load_idx %gather3A_807[%add3A_658, %add3A_801] : memref<1152x8xf32, #tpu.memory_space<vmem>>[vector<16xi32>, vector<16xi32>], vector<16xf32>,
        %add3A_809 = arith.constant 0 : i32
        %add3A_810 = vector.broadcast %add3A_809 : i32 to vector<16xi32>
        %add3A_811 = arith.addi %broadcast_in_dim3A_241, %add3A_810 : vector<16xi32>
        %add3A_812 = arith.constant 1 : i32
        %add3A_813 = vector.broadcast %add3A_812 : i32 to vector<16xi32>
        %add3A_814 = arith.addi %add3A_811, %add3A_813 : vector<16xi32>
        %gather3A_815 = arith.constant 0 : i32
        %gather3A_816 = arith.constant 1 : i32
        %gather3A_817 = arith.constant 0 : i32
        %gather3A_818 = arith.constant 0 : i32
        %gather3A_819 = tpu.memref_slice %arg11[%gather3A_815, %gather3A_816, %gather3A_817, %gather3A_818] : memref<2x2x1152x8xf32, #tpu.memory_space<vmem>> -> memref<1x1x1152x8xf32, #tpu.memory_space<vmem>>
        %gather3A_820 = tpu.memref_squeeze %gather3A_819 : memref<1x1x1152x8xf32, #tpu.memory_space<vmem>> -> memref<1152x8xf32, #tpu.memory_space<vmem>>
        %gather3A_821 = tpu.vector_load_idx %gather3A_820[%add3A_658, %add3A_814] : memref<1152x8xf32, #tpu.memory_space<vmem>>[vector<16xi32>, vector<16xi32>], vector<16xf32>,
        %mul3A_822 = arith.mulf %get3A_798, %gather3A_808 : vector<16xf32>
        %add3A_823 = arith.addf %add3A_790, %mul3A_822 : vector<16xf32>
        %mul3A_824 = arith.mulf %get3A_798, %gather3A_821 : vector<16xf32>
        %add3A_825 = arith.addf %add3A_792, %mul3A_824 : vector<16xf32>
        %get3A_826 = arith.constant 0 : i32
        %get3A_827 = arith.constant 5 : i32
        %get3A_828 = arith.index_cast %get3A_826 : i32 to index
        %get3A_829 = arith.index_cast %get3A_827 : i32 to index
        %get3A_830 = arith.index_cast %mul3A_656 : i32 to index
        %get3A_831 = tpu.vector_load %arg10[%get3A_828, %get3A_829, %get3A_830] {strides = array<i32>} : memref<2x8x1152xf32, #tpu.memory_space<vmem>>, vector<16xf32>,
        %add3A_832 = arith.constant 2 : i32
        %add3A_833 = vector.broadcast %add3A_832 : i32 to vector<16xi32>
        %add3A_834 = arith.addi %broadcast_in_dim3A_241, %add3A_833 : vector<16xi32>
        %gather3A_835 = arith.constant 0 : i32
        %gather3A_836 = arith.constant 1 : i32
        %gather3A_837 = arith.constant 0 : i32
        %gather3A_838 = arith.constant 0 : i32
        %gather3A_839 = tpu.memref_slice %arg11[%gather3A_835, %gather3A_836, %gather3A_837, %gather3A_838] : memref<2x2x1152x8xf32, #tpu.memory_space<vmem>> -> memref<1x1x1152x8xf32, #tpu.memory_space<vmem>>
        %gather3A_840 = tpu.memref_squeeze %gather3A_839 : memref<1x1x1152x8xf32, #tpu.memory_space<vmem>> -> memref<1152x8xf32, #tpu.memory_space<vmem>>
        %gather3A_841 = tpu.vector_load_idx %gather3A_840[%add3A_658, %add3A_834] : memref<1152x8xf32, #tpu.memory_space<vmem>>[vector<16xi32>, vector<16xi32>], vector<16xf32>,
        %add3A_842 = arith.constant 2 : i32
        %add3A_843 = vector.broadcast %add3A_842 : i32 to vector<16xi32>
        %add3A_844 = arith.addi %broadcast_in_dim3A_241, %add3A_843 : vector<16xi32>
        %add3A_845 = arith.constant 1 : i32
        %add3A_846 = vector.broadcast %add3A_845 : i32 to vector<16xi32>
        %add3A_847 = arith.addi %add3A_844, %add3A_846 : vector<16xi32>
        %gather3A_848 = arith.constant 0 : i32
        %gather3A_849 = arith.constant 1 : i32
        %gather3A_850 = arith.constant 0 : i32
        %gather3A_851 = arith.constant 0 : i32
        %gather3A_852 = tpu.memref_slice %arg11[%gather3A_848, %gather3A_849, %gather3A_850, %gather3A_851] : memref<2x2x1152x8xf32, #tpu.memory_space<vmem>> -> memref<1x1x1152x8xf32, #tpu.memory_space<vmem>>
        %gather3A_853 = tpu.memref_squeeze %gather3A_852 : memref<1x1x1152x8xf32, #tpu.memory_space<vmem>> -> memref<1152x8xf32, #tpu.memory_space<vmem>>
        %gather3A_854 = tpu.vector_load_idx %gather3A_853[%add3A_658, %add3A_847] : memref<1152x8xf32, #tpu.memory_space<vmem>>[vector<16xi32>, vector<16xi32>], vector<16xf32>,
        %mul3A_855 = arith.mulf %get3A_831, %gather3A_841 : vector<16xf32>
        %add3A_856 = arith.addf %add3A_823, %mul3A_855 : vector<16xf32>
        %mul3A_857 = arith.mulf %get3A_831, %gather3A_854 : vector<16xf32>
        %add3A_858 = arith.addf %add3A_825, %mul3A_857 : vector<16xf32>
        %get3A_859 = arith.constant 0 : i32
        %get3A_860 = arith.constant 6 : i32
        %get3A_861 = arith.index_cast %get3A_859 : i32 to index
        %get3A_862 = arith.index_cast %get3A_860 : i32 to index
        %get3A_863 = arith.index_cast %mul3A_656 : i32 to index
        %get3A_864 = tpu.vector_load %arg10[%get3A_861, %get3A_862, %get3A_863] {strides = array<i32>} : memref<2x8x1152xf32, #tpu.memory_space<vmem>>, vector<16xf32>,
        %add3A_865 = arith.constant 4 : i32
        %add3A_866 = vector.broadcast %add3A_865 : i32 to vector<16xi32>
        %add3A_867 = arith.addi %broadcast_in_dim3A_241, %add3A_866 : vector<16xi32>
        %gather3A_868 = arith.constant 0 : i32
        %gather3A_869 = arith.constant 1 : i32
        %gather3A_870 = arith.constant 0 : i32
        %gather3A_871 = arith.constant 0 : i32
        %gather3A_872 = tpu.memref_slice %arg11[%gather3A_868, %gather3A_869, %gather3A_870, %gather3A_871] : memref<2x2x1152x8xf32, #tpu.memory_space<vmem>> -> memref<1x1x1152x8xf32, #tpu.memory_space<vmem>>
        %gather3A_873 = tpu.memref_squeeze %gather3A_872 : memref<1x1x1152x8xf32, #tpu.memory_space<vmem>> -> memref<1152x8xf32, #tpu.memory_space<vmem>>
        %gather3A_874 = tpu.vector_load_idx %gather3A_873[%add3A_658, %add3A_867] : memref<1152x8xf32, #tpu.memory_space<vmem>>[vector<16xi32>, vector<16xi32>], vector<16xf32>,
        %add3A_875 = arith.constant 4 : i32
        %add3A_876 = vector.broadcast %add3A_875 : i32 to vector<16xi32>
        %add3A_877 = arith.addi %broadcast_in_dim3A_241, %add3A_876 : vector<16xi32>
        %add3A_878 = arith.constant 1 : i32
        %add3A_879 = vector.broadcast %add3A_878 : i32 to vector<16xi32>
        %add3A_880 = arith.addi %add3A_877, %add3A_879 : vector<16xi32>
        %gather3A_881 = arith.constant 0 : i32
        %gather3A_882 = arith.constant 1 : i32
        %gather3A_883 = arith.constant 0 : i32
        %gather3A_884 = arith.constant 0 : i32
        %gather3A_885 = tpu.memref_slice %arg11[%gather3A_881, %gather3A_882, %gather3A_883, %gather3A_884] : memref<2x2x1152x8xf32, #tpu.memory_space<vmem>> -> memref<1x1x1152x8xf32, #tpu.memory_space<vmem>>
        %gather3A_886 = tpu.memref_squeeze %gather3A_885 : memref<1x1x1152x8xf32, #tpu.memory_space<vmem>> -> memref<1152x8xf32, #tpu.memory_space<vmem>>
        %gather3A_887 = tpu.vector_load_idx %gather3A_886[%add3A_658, %add3A_880] : memref<1152x8xf32, #tpu.memory_space<vmem>>[vector<16xi32>, vector<16xi32>], vector<16xf32>,
        %mul3A_888 = arith.mulf %get3A_864, %gather3A_874 : vector<16xf32>
        %add3A_889 = arith.addf %add3A_856, %mul3A_888 : vector<16xf32>
        %mul3A_890 = arith.mulf %get3A_864, %gather3A_887 : vector<16xf32>
        %add3A_891 = arith.addf %add3A_858, %mul3A_890 : vector<16xf32>
        %get3A_892 = arith.constant 0 : i32
        %get3A_893 = arith.constant 7 : i32
        %get3A_894 = arith.index_cast %get3A_892 : i32 to index
        %get3A_895 = arith.index_cast %get3A_893 : i32 to index
        %get3A_896 = arith.index_cast %mul3A_656 : i32 to index
        %get3A_897 = tpu.vector_load %arg10[%get3A_894, %get3A_895, %get3A_896] {strides = array<i32>} : memref<2x8x1152xf32, #tpu.memory_space<vmem>>, vector<16xf32>,
        %add3A_898 = arith.constant 6 : i32
        %add3A_899 = vector.broadcast %add3A_898 : i32 to vector<16xi32>
        %add3A_900 = arith.addi %broadcast_in_dim3A_241, %add3A_899 : vector<16xi32>
        %gather3A_901 = arith.constant 0 : i32
        %gather3A_902 = arith.constant 1 : i32
        %gather3A_903 = arith.constant 0 : i32
        %gather3A_904 = arith.constant 0 : i32
        %gather3A_905 = tpu.memref_slice %arg11[%gather3A_901, %gather3A_902, %gather3A_903, %gather3A_904] : memref<2x2x1152x8xf32, #tpu.memory_space<vmem>> -> memref<1x1x1152x8xf32, #tpu.memory_space<vmem>>
        %gather3A_906 = tpu.memref_squeeze %gather3A_905 : memref<1x1x1152x8xf32, #tpu.memory_space<vmem>> -> memref<1152x8xf32, #tpu.memory_space<vmem>>
        %gather3A_907 = tpu.vector_load_idx %gather3A_906[%add3A_658, %add3A_900] : memref<1152x8xf32, #tpu.memory_space<vmem>>[vector<16xi32>, vector<16xi32>], vector<16xf32>,
        %add3A_908 = arith.constant 6 : i32
        %add3A_909 = vector.broadcast %add3A_908 : i32 to vector<16xi32>
        %add3A_910 = arith.addi %broadcast_in_dim3A_241, %add3A_909 : vector<16xi32>
        %add3A_911 = arith.constant 1 : i32
        %add3A_912 = vector.broadcast %add3A_911 : i32 to vector<16xi32>
        %add3A_913 = arith.addi %add3A_910, %add3A_912 : vector<16xi32>
        %gather3A_914 = arith.constant 0 : i32
        %gather3A_915 = arith.constant 1 : i32
        %gather3A_916 = arith.constant 0 : i32
        %gather3A_917 = arith.constant 0 : i32
        %gather3A_918 = tpu.memref_slice %arg11[%gather3A_914, %gather3A_915, %gather3A_916, %gather3A_917] : memref<2x2x1152x8xf32, #tpu.memory_space<vmem>> -> memref<1x1x1152x8xf32, #tpu.memory_space<vmem>>
        %gather3A_919 = tpu.memref_squeeze %gather3A_918 : memref<1x1x1152x8xf32, #tpu.memory_space<vmem>> -> memref<1152x8xf32, #tpu.memory_space<vmem>>
        %gather3A_920 = tpu.vector_load_idx %gather3A_919[%add3A_658, %add3A_913] : memref<1152x8xf32, #tpu.memory_space<vmem>>[vector<16xi32>, vector<16xi32>], vector<16xf32>,
        %mul3A_921 = arith.mulf %get3A_897, %gather3A_907 : vector<16xf32>
        %add3A_922 = arith.addf %add3A_889, %mul3A_921 : vector<16xf32>
        %mul3A_923 = arith.mulf %get3A_897, %gather3A_920 : vector<16xf32>
        %add3A_924 = arith.addf %add3A_891, %mul3A_923 : vector<16xf32>
        %mul3A_925 = arith.constant 256 : i32
        %mul3A_926 = arith.muli %select_n3A_636, %mul3A_925 : i32
        %add3A_927 = arith.addi %mul3A_926, %mul3A_654 : i32
        %swap3A = arith.constant 0 : i32
        %swap3A_928 = arith.index_cast %swap3A : i32 to index
        %swap3A_929 = arith.index_cast %add3A_927 : i32 to index
        %swap3A_930 = tpu.vector_load %arg12[%swap3A_928, %swap3A_929] {strides = array<i32>} : memref<2x3072xf32, #tpu.memory_space<vmem>>, vector<16xf32>,
        tpu.vector_store %arg12[%swap3A_928, %swap3A_929], %add3A_922 {strides = array<i32>} : memref<2x3072xf32, #tpu.memory_space<vmem>>, vector<16xf32>,
        %mul3A_931 = arith.constant 256 : i32
        %mul3A_932 = arith.muli %select_n3A_636, %mul3A_931 : i32
        %add3A_933 = arith.constant 128 : i32
        %add3A_934 = arith.addi %mul3A_932, %add3A_933 : i32
        %add3A_935 = arith.addi %add3A_934, %mul3A_654 : i32
        %swap3A_936 = arith.constant 0 : i32
        %swap3A_937 = arith.index_cast %swap3A_936 : i32 to index
        %swap3A_938 = arith.index_cast %add3A_935 : i32 to index
        %swap3A_939 = tpu.vector_load %arg12[%swap3A_937, %swap3A_938] {strides = array<i32>} : memref<2x3072xf32, #tpu.memory_space<vmem>>, vector<16xf32>,
        tpu.vector_store %arg12[%swap3A_937, %swap3A_938], %add3A_924 {strides = array<i32>} : memref<2x3072xf32, #tpu.memory_space<vmem>>, vector<16xf32>,
        %mul3A_940 = arith.constant 2 : i32
        %mul3A_941 = arith.muli %scan3A_610, %mul3A_940 : i32
        %add3A_942 = arith.constant 1 : i32
        %add3A_943 = arith.addi %mul3A_941, %add3A_942 : i32
        %jit3A_944 = arith.constant 6 : i32
        %div3A_945 = arith.divsi %add3A_943, %jit3A_944 : i32
        %sign3A_946 = arith.constant 0 : i32
        %sign3A_947 = arith.cmpi sgt, %add3A_943, %sign3A_946 : i32
        %sign3A_948 = arith.extui %sign3A_947 : i1 to i32
        %sign3A_949 = arith.constant 0 : i32
        %sign3A_950 = arith.cmpi slt, %add3A_943, %sign3A_949 : i32
        %sign3A_951 = arith.extui %sign3A_950 : i1 to i32
        %sign3A_952 = arith.subi %sign3A_948, %sign3A_951 : i32
        %sign3A_953 = arith.constant 0 : i32
        %sign3A_954 = arith.cmpi sgt, %jit3A_944, %sign3A_953 : i32
        %sign3A_955 = arith.extui %sign3A_954 : i1 to i32
        %sign3A_956 = arith.constant 0 : i32
        %sign3A_957 = arith.cmpi slt, %jit3A_944, %sign3A_956 : i32
        %sign3A_958 = arith.extui %sign3A_957 : i1 to i32
        %sign3A_959 = arith.subi %sign3A_955, %sign3A_958 : i32
        %ne3A_960 = arith.cmpi ne, %sign3A_952, %sign3A_959 : i32
        %rem3A_961 = arith.remsi %add3A_943, %jit3A_944 : i32
        %ne3A_962 = arith.constant 0 : i32
        %ne3A_963 = arith.cmpi ne, %rem3A_961, %ne3A_962 : i32
        %and3A_964 = arith.andi %ne3A_960, %ne3A_963 : i1
        %sub3A_965 = arith.constant 1 : i32
        %sub3A_966 = arith.subi %div3A_945, %sub3A_965 : i32
        %select_n3A_967 = arith.select %and3A_964, %sub3A_966, %div3A_945 : i32
        %jit3A_968 = arith.constant 6 : i32
        %eq3A_969 = arith.constant 0 : i32
        %eq3A_970 = arith.cmpi eq, %jit3A_968, %eq3A_969 : i32
        %jit3A_971 = arith.constant 1 : i32
        %select_n3A_972 = arith.select %eq3A_970, %jit3A_971, %jit3A_968 : i32
        %rem3A_973 = arith.remsi %add3A_943, %select_n3A_972 : i32
        %ne3A_974 = arith.constant 0 : i32
        %ne3A_975 = arith.cmpi ne, %rem3A_973, %ne3A_974 : i32
        %lt3A_976 = arith.constant 0 : i32
        %lt3A_977 = arith.cmpi slt, %rem3A_973, %lt3A_976 : i32
        %lt3A_978 = arith.constant 0 : i32
        %lt3A_979 = arith.cmpi slt, %select_n3A_972, %lt3A_978 : i32
        %ne3A_980 = arith.xori %lt3A_977, %lt3A_979 : i1
        %and3A_981 = arith.andi %ne3A_980, %ne3A_975 : i1
        %add3A_982 = arith.addi %rem3A_973, %select_n3A_972 : i32
        %select_n3A_983 = arith.select %and3A_981, %add3A_982, %rem3A_973 : i32
        %mul3A_984 = arith.constant 16 : i32
        %mul3A_985 = arith.muli %select_n3A_983, %mul3A_984 : i32
        %mul3A_986 = arith.constant 16 : i32
        %mul3A_987 = arith.muli %add3A_943, %mul3A_986 : i32
        %add3A_988 = vector.broadcast %mul3A_987 : i32 to vector<16xi32>
        %add3A_989 = arith.addi %add3A_988, %iota3A : vector<16xi32>
        %broadcast_in_dim3A_990 = arith.constant 0.000000e+00 : f32
        %broadcast_in_dim3A_991 = vector.broadcast %broadcast_in_dim3A_990 : f32 to vector<16xf32>
        %broadcast_in_dim3A_992 = arith.constant 0.000000e+00 : f32
        %broadcast_in_dim3A_993 = vector.broadcast %broadcast_in_dim3A_992 : f32 to vector<16xf32>
        %get3A_994 = arith.constant 0 : i32
        %get3A_995 = arith.constant 0 : i32
        %get3A_996 = arith.index_cast %get3A_994 : i32 to index
        %get3A_997 = arith.index_cast %get3A_995 : i32 to index
        %get3A_998 = arith.index_cast %mul3A_987 : i32 to index
        %get3A_999 = tpu.vector_load %arg10[%get3A_996, %get3A_997, %get3A_998] {strides = array<i32>} : memref<2x8x1152xf32, #tpu.memory_space<vmem>>, vector<16xf32>,
        %add3A_1000 = arith.constant 0 : i32
        %add3A_1001 = vector.broadcast %add3A_1000 : i32 to vector<16xi32>
        %add3A_1002 = arith.addi %broadcast_in_dim3A_241, %add3A_1001 : vector<16xi32>
        %gather3A_1003 = arith.constant 0 : i32
        %gather3A_1004 = arith.constant 0 : i32
        %gather3A_1005 = arith.constant 0 : i32
        %gather3A_1006 = arith.constant 0 : i32
        %gather3A_1007 = tpu.memref_slice %arg11[%gather3A_1003, %gather3A_1004, %gather3A_1005, %gather3A_1006] : memref<2x2x1152x8xf32, #tpu.memory_space<vmem>> -> memref<1x1x1152x8xf32, #tpu.memory_space<vmem>>
        %gather3A_1008 = tpu.memref_squeeze %gather3A_1007 : memref<1x1x1152x8xf32, #tpu.memory_space<vmem>> -> memref<1152x8xf32, #tpu.memory_space<vmem>>
        %gather3A_1009 = tpu.vector_load_idx %gather3A_1008[%add3A_989, %add3A_1002] : memref<1152x8xf32, #tpu.memory_space<vmem>>[vector<16xi32>, vector<16xi32>], vector<16xf32>,
        %add3A_1010 = arith.constant 0 : i32
        %add3A_1011 = vector.broadcast %add3A_1010 : i32 to vector<16xi32>
        %add3A_1012 = arith.addi %broadcast_in_dim3A_241, %add3A_1011 : vector<16xi32>
        %add3A_1013 = arith.constant 1 : i32
        %add3A_1014 = vector.broadcast %add3A_1013 : i32 to vector<16xi32>
        %add3A_1015 = arith.addi %add3A_1012, %add3A_1014 : vector<16xi32>
        %gather3A_1016 = arith.constant 0 : i32
        %gather3A_1017 = arith.constant 0 : i32
        %gather3A_1018 = arith.constant 0 : i32
        %gather3A_1019 = arith.constant 0 : i32
        %gather3A_1020 = tpu.memref_slice %arg11[%gather3A_1016, %gather3A_1017, %gather3A_1018, %gather3A_1019] : memref<2x2x1152x8xf32, #tpu.memory_space<vmem>> -> memref<1x1x1152x8xf32, #tpu.memory_space<vmem>>
        %gather3A_1021 = tpu.memref_squeeze %gather3A_1020 : memref<1x1x1152x8xf32, #tpu.memory_space<vmem>> -> memref<1152x8xf32, #tpu.memory_space<vmem>>
        %gather3A_1022 = tpu.vector_load_idx %gather3A_1021[%add3A_989, %add3A_1015] : memref<1152x8xf32, #tpu.memory_space<vmem>>[vector<16xi32>, vector<16xi32>], vector<16xf32>,
        %mul3A_1023 = arith.mulf %get3A_999, %gather3A_1009 : vector<16xf32>
        %add3A_1024 = arith.addf %broadcast_in_dim3A_991, %mul3A_1023 : vector<16xf32>
        %mul3A_1025 = arith.mulf %get3A_999, %gather3A_1022 : vector<16xf32>
        %add3A_1026 = arith.addf %broadcast_in_dim3A_993, %mul3A_1025 : vector<16xf32>
        %get3A_1027 = arith.constant 0 : i32
        %get3A_1028 = arith.constant 1 : i32
        %get3A_1029 = arith.index_cast %get3A_1027 : i32 to index
        %get3A_1030 = arith.index_cast %get3A_1028 : i32 to index
        %get3A_1031 = arith.index_cast %mul3A_987 : i32 to index
        %get3A_1032 = tpu.vector_load %arg10[%get3A_1029, %get3A_1030, %get3A_1031] {strides = array<i32>} : memref<2x8x1152xf32, #tpu.memory_space<vmem>>, vector<16xf32>,
        %add3A_1033 = arith.constant 2 : i32
        %add3A_1034 = vector.broadcast %add3A_1033 : i32 to vector<16xi32>
        %add3A_1035 = arith.addi %broadcast_in_dim3A_241, %add3A_1034 : vector<16xi32>
        %gather3A_1036 = arith.constant 0 : i32
        %gather3A_1037 = arith.constant 0 : i32
        %gather3A_1038 = arith.constant 0 : i32
        %gather3A_1039 = arith.constant 0 : i32
        %gather3A_1040 = tpu.memref_slice %arg11[%gather3A_1036, %gather3A_1037, %gather3A_1038, %gather3A_1039] : memref<2x2x1152x8xf32, #tpu.memory_space<vmem>> -> memref<1x1x1152x8xf32, #tpu.memory_space<vmem>>
        %gather3A_1041 = tpu.memref_squeeze %gather3A_1040 : memref<1x1x1152x8xf32, #tpu.memory_space<vmem>> -> memref<1152x8xf32, #tpu.memory_space<vmem>>
        %gather3A_1042 = tpu.vector_load_idx %gather3A_1041[%add3A_989, %add3A_1035] : memref<1152x8xf32, #tpu.memory_space<vmem>>[vector<16xi32>, vector<16xi32>], vector<16xf32>,
        %add3A_1043 = arith.constant 2 : i32
        %add3A_1044 = vector.broadcast %add3A_1043 : i32 to vector<16xi32>
        %add3A_1045 = arith.addi %broadcast_in_dim3A_241, %add3A_1044 : vector<16xi32>
        %add3A_1046 = arith.constant 1 : i32
        %add3A_1047 = vector.broadcast %add3A_1046 : i32 to vector<16xi32>
        %add3A_1048 = arith.addi %add3A_1045, %add3A_1047 : vector<16xi32>
        %gather3A_1049 = arith.constant 0 : i32
        %gather3A_1050 = arith.constant 0 : i32
        %gather3A_1051 = arith.constant 0 : i32
        %gather3A_1052 = arith.constant 0 : i32
        %gather3A_1053 = tpu.memref_slice %arg11[%gather3A_1049, %gather3A_1050, %gather3A_1051, %gather3A_1052] : memref<2x2x1152x8xf32, #tpu.memory_space<vmem>> -> memref<1x1x1152x8xf32, #tpu.memory_space<vmem>>
        %gather3A_1054 = tpu.memref_squeeze %gather3A_1053 : memref<1x1x1152x8xf32, #tpu.memory_space<vmem>> -> memref<1152x8xf32, #tpu.memory_space<vmem>>
        %gather3A_1055 = tpu.vector_load_idx %gather3A_1054[%add3A_989, %add3A_1048] : memref<1152x8xf32, #tpu.memory_space<vmem>>[vector<16xi32>, vector<16xi32>], vector<16xf32>,
        %mul3A_1056 = arith.mulf %get3A_1032, %gather3A_1042 : vector<16xf32>
        %add3A_1057 = arith.addf %add3A_1024, %mul3A_1056 : vector<16xf32>
        %mul3A_1058 = arith.mulf %get3A_1032, %gather3A_1055 : vector<16xf32>
        %add3A_1059 = arith.addf %add3A_1026, %mul3A_1058 : vector<16xf32>
        %get3A_1060 = arith.constant 0 : i32
        %get3A_1061 = arith.constant 2 : i32
        %get3A_1062 = arith.index_cast %get3A_1060 : i32 to index
        %get3A_1063 = arith.index_cast %get3A_1061 : i32 to index
        %get3A_1064 = arith.index_cast %mul3A_987 : i32 to index
        %get3A_1065 = tpu.vector_load %arg10[%get3A_1062, %get3A_1063, %get3A_1064] {strides = array<i32>} : memref<2x8x1152xf32, #tpu.memory_space<vmem>>, vector<16xf32>,
        %add3A_1066 = arith.constant 4 : i32
        %add3A_1067 = vector.broadcast %add3A_1066 : i32 to vector<16xi32>
        %add3A_1068 = arith.addi %broadcast_in_dim3A_241, %add3A_1067 : vector<16xi32>
        %gather3A_1069 = arith.constant 0 : i32
        %gather3A_1070 = arith.constant 0 : i32
        %gather3A_1071 = arith.constant 0 : i32
        %gather3A_1072 = arith.constant 0 : i32
        %gather3A_1073 = tpu.memref_slice %arg11[%gather3A_1069, %gather3A_1070, %gather3A_1071, %gather3A_1072] : memref<2x2x1152x8xf32, #tpu.memory_space<vmem>> -> memref<1x1x1152x8xf32, #tpu.memory_space<vmem>>
        %gather3A_1074 = tpu.memref_squeeze %gather3A_1073 : memref<1x1x1152x8xf32, #tpu.memory_space<vmem>> -> memref<1152x8xf32, #tpu.memory_space<vmem>>
        %gather3A_1075 = tpu.vector_load_idx %gather3A_1074[%add3A_989, %add3A_1068] : memref<1152x8xf32, #tpu.memory_space<vmem>>[vector<16xi32>, vector<16xi32>], vector<16xf32>,
        %add3A_1076 = arith.constant 4 : i32
        %add3A_1077 = vector.broadcast %add3A_1076 : i32 to vector<16xi32>
        %add3A_1078 = arith.addi %broadcast_in_dim3A_241, %add3A_1077 : vector<16xi32>
        %add3A_1079 = arith.constant 1 : i32
        %add3A_1080 = vector.broadcast %add3A_1079 : i32 to vector<16xi32>
        %add3A_1081 = arith.addi %add3A_1078, %add3A_1080 : vector<16xi32>
        %gather3A_1082 = arith.constant 0 : i32
        %gather3A_1083 = arith.constant 0 : i32
        %gather3A_1084 = arith.constant 0 : i32
        %gather3A_1085 = arith.constant 0 : i32
        %gather3A_1086 = tpu.memref_slice %arg11[%gather3A_1082, %gather3A_1083, %gather3A_1084, %gather3A_1085] : memref<2x2x1152x8xf32, #tpu.memory_space<vmem>> -> memref<1x1x1152x8xf32, #tpu.memory_space<vmem>>
        %gather3A_1087 = tpu.memref_squeeze %gather3A_1086 : memref<1x1x1152x8xf32, #tpu.memory_space<vmem>> -> memref<1152x8xf32, #tpu.memory_space<vmem>>
        %gather3A_1088 = tpu.vector_load_idx %gather3A_1087[%add3A_989, %add3A_1081] : memref<1152x8xf32, #tpu.memory_space<vmem>>[vector<16xi32>, vector<16xi32>], vector<16xf32>,
        %mul3A_1089 = arith.mulf %get3A_1065, %gather3A_1075 : vector<16xf32>
        %add3A_1090 = arith.addf %add3A_1057, %mul3A_1089 : vector<16xf32>
        %mul3A_1091 = arith.mulf %get3A_1065, %gather3A_1088 : vector<16xf32>
        %add3A_1092 = arith.addf %add3A_1059, %mul3A_1091 : vector<16xf32>
        %get3A_1093 = arith.constant 0 : i32
        %get3A_1094 = arith.constant 3 : i32
        %get3A_1095 = arith.index_cast %get3A_1093 : i32 to index
        %get3A_1096 = arith.index_cast %get3A_1094 : i32 to index
        %get3A_1097 = arith.index_cast %mul3A_987 : i32 to index
        %get3A_1098 = tpu.vector_load %arg10[%get3A_1095, %get3A_1096, %get3A_1097] {strides = array<i32>} : memref<2x8x1152xf32, #tpu.memory_space<vmem>>, vector<16xf32>,
        %add3A_1099 = arith.constant 6 : i32
        %add3A_1100 = vector.broadcast %add3A_1099 : i32 to vector<16xi32>
        %add3A_1101 = arith.addi %broadcast_in_dim3A_241, %add3A_1100 : vector<16xi32>
        %gather3A_1102 = arith.constant 0 : i32
        %gather3A_1103 = arith.constant 0 : i32
        %gather3A_1104 = arith.constant 0 : i32
        %gather3A_1105 = arith.constant 0 : i32
        %gather3A_1106 = tpu.memref_slice %arg11[%gather3A_1102, %gather3A_1103, %gather3A_1104, %gather3A_1105] : memref<2x2x1152x8xf32, #tpu.memory_space<vmem>> -> memref<1x1x1152x8xf32, #tpu.memory_space<vmem>>
        %gather3A_1107 = tpu.memref_squeeze %gather3A_1106 : memref<1x1x1152x8xf32, #tpu.memory_space<vmem>> -> memref<1152x8xf32, #tpu.memory_space<vmem>>
        %gather3A_1108 = tpu.vector_load_idx %gather3A_1107[%add3A_989, %add3A_1101] : memref<1152x8xf32, #tpu.memory_space<vmem>>[vector<16xi32>, vector<16xi32>], vector<16xf32>,
        %add3A_1109 = arith.constant 6 : i32
        %add3A_1110 = vector.broadcast %add3A_1109 : i32 to vector<16xi32>
        %add3A_1111 = arith.addi %broadcast_in_dim3A_241, %add3A_1110 : vector<16xi32>
        %add3A_1112 = arith.constant 1 : i32
        %add3A_1113 = vector.broadcast %add3A_1112 : i32 to vector<16xi32>
        %add3A_1114 = arith.addi %add3A_1111, %add3A_1113 : vector<16xi32>
        %gather3A_1115 = arith.constant 0 : i32
        %gather3A_1116 = arith.constant 0 : i32
        %gather3A_1117 = arith.constant 0 : i32
        %gather3A_1118 = arith.constant 0 : i32
        %gather3A_1119 = tpu.memref_slice %arg11[%gather3A_1115, %gather3A_1116, %gather3A_1117, %gather3A_1118] : memref<2x2x1152x8xf32, #tpu.memory_space<vmem>> -> memref<1x1x1152x8xf32, #tpu.memory_space<vmem>>
        %gather3A_1120 = tpu.memref_squeeze %gather3A_1119 : memref<1x1x1152x8xf32, #tpu.memory_space<vmem>> -> memref<1152x8xf32, #tpu.memory_space<vmem>>
        %gather3A_1121 = tpu.vector_load_idx %gather3A_1120[%add3A_989, %add3A_1114] : memref<1152x8xf32, #tpu.memory_space<vmem>>[vector<16xi32>, vector<16xi32>], vector<16xf32>,
        %mul3A_1122 = arith.mulf %get3A_1098, %gather3A_1108 : vector<16xf32>
        %add3A_1123 = arith.addf %add3A_1090, %mul3A_1122 : vector<16xf32>
        %mul3A_1124 = arith.mulf %get3A_1098, %gather3A_1121 : vector<16xf32>
        %add3A_1125 = arith.addf %add3A_1092, %mul3A_1124 : vector<16xf32>
        %get3A_1126 = arith.constant 0 : i32
        %get3A_1127 = arith.constant 4 : i32
        %get3A_1128 = arith.index_cast %get3A_1126 : i32 to index
        %get3A_1129 = arith.index_cast %get3A_1127 : i32 to index
        %get3A_1130 = arith.index_cast %mul3A_987 : i32 to index
        %get3A_1131 = tpu.vector_load %arg10[%get3A_1128, %get3A_1129, %get3A_1130] {strides = array<i32>} : memref<2x8x1152xf32, #tpu.memory_space<vmem>>, vector<16xf32>,
        %add3A_1132 = arith.constant 0 : i32
        %add3A_1133 = vector.broadcast %add3A_1132 : i32 to vector<16xi32>
        %add3A_1134 = arith.addi %broadcast_in_dim3A_241, %add3A_1133 : vector<16xi32>
        %gather3A_1135 = arith.constant 0 : i32
        %gather3A_1136 = arith.constant 1 : i32
        %gather3A_1137 = arith.constant 0 : i32
        %gather3A_1138 = arith.constant 0 : i32
        %gather3A_1139 = tpu.memref_slice %arg11[%gather3A_1135, %gather3A_1136, %gather3A_1137, %gather3A_1138] : memref<2x2x1152x8xf32, #tpu.memory_space<vmem>> -> memref<1x1x1152x8xf32, #tpu.memory_space<vmem>>
        %gather3A_1140 = tpu.memref_squeeze %gather3A_1139 : memref<1x1x1152x8xf32, #tpu.memory_space<vmem>> -> memref<1152x8xf32, #tpu.memory_space<vmem>>
        %gather3A_1141 = tpu.vector_load_idx %gather3A_1140[%add3A_989, %add3A_1134] : memref<1152x8xf32, #tpu.memory_space<vmem>>[vector<16xi32>, vector<16xi32>], vector<16xf32>,
        %add3A_1142 = arith.constant 0 : i32
        %add3A_1143 = vector.broadcast %add3A_1142 : i32 to vector<16xi32>
        %add3A_1144 = arith.addi %broadcast_in_dim3A_241, %add3A_1143 : vector<16xi32>
        %add3A_1145 = arith.constant 1 : i32
        %add3A_1146 = vector.broadcast %add3A_1145 : i32 to vector<16xi32>
        %add3A_1147 = arith.addi %add3A_1144, %add3A_1146 : vector<16xi32>
        %gather3A_1148 = arith.constant 0 : i32
        %gather3A_1149 = arith.constant 1 : i32
        %gather3A_1150 = arith.constant 0 : i32
        %gather3A_1151 = arith.constant 0 : i32
        %gather3A_1152 = tpu.memref_slice %arg11[%gather3A_1148, %gather3A_1149, %gather3A_1150, %gather3A_1151] : memref<2x2x1152x8xf32, #tpu.memory_space<vmem>> -> memref<1x1x1152x8xf32, #tpu.memory_space<vmem>>
        %gather3A_1153 = tpu.memref_squeeze %gather3A_1152 : memref<1x1x1152x8xf32, #tpu.memory_space<vmem>> -> memref<1152x8xf32, #tpu.memory_space<vmem>>
        %gather3A_1154 = tpu.vector_load_idx %gather3A_1153[%add3A_989, %add3A_1147] : memref<1152x8xf32, #tpu.memory_space<vmem>>[vector<16xi32>, vector<16xi32>], vector<16xf32>,
        %mul3A_1155 = arith.mulf %get3A_1131, %gather3A_1141 : vector<16xf32>
        %add3A_1156 = arith.addf %add3A_1123, %mul3A_1155 : vector<16xf32>
        %mul3A_1157 = arith.mulf %get3A_1131, %gather3A_1154 : vector<16xf32>
        %add3A_1158 = arith.addf %add3A_1125, %mul3A_1157 : vector<16xf32>
        %get3A_1159 = arith.constant 0 : i32
        %get3A_1160 = arith.constant 5 : i32
        %get3A_1161 = arith.index_cast %get3A_1159 : i32 to index
        %get3A_1162 = arith.index_cast %get3A_1160 : i32 to index
        %get3A_1163 = arith.index_cast %mul3A_987 : i32 to index
        %get3A_1164 = tpu.vector_load %arg10[%get3A_1161, %get3A_1162, %get3A_1163] {strides = array<i32>} : memref<2x8x1152xf32, #tpu.memory_space<vmem>>, vector<16xf32>,
        %add3A_1165 = arith.constant 2 : i32
        %add3A_1166 = vector.broadcast %add3A_1165 : i32 to vector<16xi32>
        %add3A_1167 = arith.addi %broadcast_in_dim3A_241, %add3A_1166 : vector<16xi32>
        %gather3A_1168 = arith.constant 0 : i32
        %gather3A_1169 = arith.constant 1 : i32
        %gather3A_1170 = arith.constant 0 : i32
        %gather3A_1171 = arith.constant 0 : i32
        %gather3A_1172 = tpu.memref_slice %arg11[%gather3A_1168, %gather3A_1169, %gather3A_1170, %gather3A_1171] : memref<2x2x1152x8xf32, #tpu.memory_space<vmem>> -> memref<1x1x1152x8xf32, #tpu.memory_space<vmem>>
        %gather3A_1173 = tpu.memref_squeeze %gather3A_1172 : memref<1x1x1152x8xf32, #tpu.memory_space<vmem>> -> memref<1152x8xf32, #tpu.memory_space<vmem>>
        %gather3A_1174 = tpu.vector_load_idx %gather3A_1173[%add3A_989, %add3A_1167] : memref<1152x8xf32, #tpu.memory_space<vmem>>[vector<16xi32>, vector<16xi32>], vector<16xf32>,
        %add3A_1175 = arith.constant 2 : i32
        %add3A_1176 = vector.broadcast %add3A_1175 : i32 to vector<16xi32>
        %add3A_1177 = arith.addi %broadcast_in_dim3A_241, %add3A_1176 : vector<16xi32>
        %add3A_1178 = arith.constant 1 : i32
        %add3A_1179 = vector.broadcast %add3A_1178 : i32 to vector<16xi32>
        %add3A_1180 = arith.addi %add3A_1177, %add3A_1179 : vector<16xi32>
        %gather3A_1181 = arith.constant 0 : i32
        %gather3A_1182 = arith.constant 1 : i32
        %gather3A_1183 = arith.constant 0 : i32
        %gather3A_1184 = arith.constant 0 : i32
        %gather3A_1185 = tpu.memref_slice %arg11[%gather3A_1181, %gather3A_1182, %gather3A_1183, %gather3A_1184] : memref<2x2x1152x8xf32, #tpu.memory_space<vmem>> -> memref<1x1x1152x8xf32, #tpu.memory_space<vmem>>
        %gather3A_1186 = tpu.memref_squeeze %gather3A_1185 : memref<1x1x1152x8xf32, #tpu.memory_space<vmem>> -> memref<1152x8xf32, #tpu.memory_space<vmem>>
        %gather3A_1187 = tpu.vector_load_idx %gather3A_1186[%add3A_989, %add3A_1180] : memref<1152x8xf32, #tpu.memory_space<vmem>>[vector<16xi32>, vector<16xi32>], vector<16xf32>,
        %mul3A_1188 = arith.mulf %get3A_1164, %gather3A_1174 : vector<16xf32>
        %add3A_1189 = arith.addf %add3A_1156, %mul3A_1188 : vector<16xf32>
        %mul3A_1190 = arith.mulf %get3A_1164, %gather3A_1187 : vector<16xf32>
        %add3A_1191 = arith.addf %add3A_1158, %mul3A_1190 : vector<16xf32>
        %get3A_1192 = arith.constant 0 : i32
        %get3A_1193 = arith.constant 6 : i32
        %get3A_1194 = arith.index_cast %get3A_1192 : i32 to index
        %get3A_1195 = arith.index_cast %get3A_1193 : i32 to index
        %get3A_1196 = arith.index_cast %mul3A_987 : i32 to index
        %get3A_1197 = tpu.vector_load %arg10[%get3A_1194, %get3A_1195, %get3A_1196] {strides = array<i32>} : memref<2x8x1152xf32, #tpu.memory_space<vmem>>, vector<16xf32>,
        %add3A_1198 = arith.constant 4 : i32
        %add3A_1199 = vector.broadcast %add3A_1198 : i32 to vector<16xi32>
        %add3A_1200 = arith.addi %broadcast_in_dim3A_241, %add3A_1199 : vector<16xi32>
        %gather3A_1201 = arith.constant 0 : i32
        %gather3A_1202 = arith.constant 1 : i32
        %gather3A_1203 = arith.constant 0 : i32
        %gather3A_1204 = arith.constant 0 : i32
        %gather3A_1205 = tpu.memref_slice %arg11[%gather3A_1201, %gather3A_1202, %gather3A_1203, %gather3A_1204] : memref<2x2x1152x8xf32, #tpu.memory_space<vmem>> -> memref<1x1x1152x8xf32, #tpu.memory_space<vmem>>
        %gather3A_1206 = tpu.memref_squeeze %gather3A_1205 : memref<1x1x1152x8xf32, #tpu.memory_space<vmem>> -> memref<1152x8xf32, #tpu.memory_space<vmem>>
        %gather3A_1207 = tpu.vector_load_idx %gather3A_1206[%add3A_989, %add3A_1200] : memref<1152x8xf32, #tpu.memory_space<vmem>>[vector<16xi32>, vector<16xi32>], vector<16xf32>,
        %add3A_1208 = arith.constant 4 : i32
        %add3A_1209 = vector.broadcast %add3A_1208 : i32 to vector<16xi32>
        %add3A_1210 = arith.addi %broadcast_in_dim3A_241, %add3A_1209 : vector<16xi32>
        %add3A_1211 = arith.constant 1 : i32
        %add3A_1212 = vector.broadcast %add3A_1211 : i32 to vector<16xi32>
        %add3A_1213 = arith.addi %add3A_1210, %add3A_1212 : vector<16xi32>
        %gather3A_1214 = arith.constant 0 : i32
        %gather3A_1215 = arith.constant 1 : i32
        %gather3A_1216 = arith.constant 0 : i32
        %gather3A_1217 = arith.constant 0 : i32
        %gather3A_1218 = tpu.memref_slice %arg11[%gather3A_1214, %gather3A_1215, %gather3A_1216, %gather3A_1217] : memref<2x2x1152x8xf32, #tpu.memory_space<vmem>> -> memref<1x1x1152x8xf32, #tpu.memory_space<vmem>>
        %gather3A_1219 = tpu.memref_squeeze %gather3A_1218 : memref<1x1x1152x8xf32, #tpu.memory_space<vmem>> -> memref<1152x8xf32, #tpu.memory_space<vmem>>
        %gather3A_1220 = tpu.vector_load_idx %gather3A_1219[%add3A_989, %add3A_1213] : memref<1152x8xf32, #tpu.memory_space<vmem>>[vector<16xi32>, vector<16xi32>], vector<16xf32>,
        %mul3A_1221 = arith.mulf %get3A_1197, %gather3A_1207 : vector<16xf32>
        %add3A_1222 = arith.addf %add3A_1189, %mul3A_1221 : vector<16xf32>
        %mul3A_1223 = arith.mulf %get3A_1197, %gather3A_1220 : vector<16xf32>
        %add3A_1224 = arith.addf %add3A_1191, %mul3A_1223 : vector<16xf32>
        %get3A_1225 = arith.constant 0 : i32
        %get3A_1226 = arith.constant 7 : i32
        %get3A_1227 = arith.index_cast %get3A_1225 : i32 to index
        %get3A_1228 = arith.index_cast %get3A_1226 : i32 to index
        %get3A_1229 = arith.index_cast %mul3A_987 : i32 to index
        %get3A_1230 = tpu.vector_load %arg10[%get3A_1227, %get3A_1228, %get3A_1229] {strides = array<i32>} : memref<2x8x1152xf32, #tpu.memory_space<vmem>>, vector<16xf32>,
        %add3A_1231 = arith.constant 6 : i32
        %add3A_1232 = vector.broadcast %add3A_1231 : i32 to vector<16xi32>
        %add3A_1233 = arith.addi %broadcast_in_dim3A_241, %add3A_1232 : vector<16xi32>
        %gather3A_1234 = arith.constant 0 : i32
        %gather3A_1235 = arith.constant 1 : i32
        %gather3A_1236 = arith.constant 0 : i32
        %gather3A_1237 = arith.constant 0 : i32
        %gather3A_1238 = tpu.memref_slice %arg11[%gather3A_1234, %gather3A_1235, %gather3A_1236, %gather3A_1237] : memref<2x2x1152x8xf32, #tpu.memory_space<vmem>> -> memref<1x1x1152x8xf32, #tpu.memory_space<vmem>>
        %gather3A_1239 = tpu.memref_squeeze %gather3A_1238 : memref<1x1x1152x8xf32, #tpu.memory_space<vmem>> -> memref<1152x8xf32, #tpu.memory_space<vmem>>
        %gather3A_1240 = tpu.vector_load_idx %gather3A_1239[%add3A_989, %add3A_1233] : memref<1152x8xf32, #tpu.memory_space<vmem>>[vector<16xi32>, vector<16xi32>], vector<16xf32>,
        %add3A_1241 = arith.constant 6 : i32
        %add3A_1242 = vector.broadcast %add3A_1241 : i32 to vector<16xi32>
        %add3A_1243 = arith.addi %broadcast_in_dim3A_241, %add3A_1242 : vector<16xi32>
        %add3A_1244 = arith.constant 1 : i32
        %add3A_1245 = vector.broadcast %add3A_1244 : i32 to vector<16xi32>
        %add3A_1246 = arith.addi %add3A_1243, %add3A_1245 : vector<16xi32>
        %gather3A_1247 = arith.constant 0 : i32
        %gather3A_1248 = arith.constant 1 : i32
        %gather3A_1249 = arith.constant 0 : i32
        %gather3A_1250 = arith.constant 0 : i32
        %gather3A_1251 = tpu.memref_slice %arg11[%gather3A_1247, %gather3A_1248, %gather3A_1249, %gather3A_1250] : memref<2x2x1152x8xf32, #tpu.memory_space<vmem>> -> memref<1x1x1152x8xf32, #tpu.memory_space<vmem>>
        %gather3A_1252 = tpu.memref_squeeze %gather3A_1251 : memref<1x1x1152x8xf32, #tpu.memory_space<vmem>> -> memref<1152x8xf32, #tpu.memory_space<vmem>>
        %gather3A_1253 = tpu.vector_load_idx %gather3A_1252[%add3A_989, %add3A_1246] : memref<1152x8xf32, #tpu.memory_space<vmem>>[vector<16xi32>, vector<16xi32>], vector<16xf32>,
        %mul3A_1254 = arith.mulf %get3A_1230, %gather3A_1240 : vector<16xf32>
        %add3A_1255 = arith.addf %add3A_1222, %mul3A_1254 : vector<16xf32>
        %mul3A_1256 = arith.mulf %get3A_1230, %gather3A_1253 : vector<16xf32>
        %add3A_1257 = arith.addf %add3A_1224, %mul3A_1256 : vector<16xf32>
        %mul3A_1258 = arith.constant 256 : i32
        %mul3A_1259 = arith.muli %select_n3A_967, %mul3A_1258 : i32
        %add3A_1260 = arith.addi %mul3A_1259, %mul3A_985 : i32
        %swap3A_1261 = arith.constant 0 : i32
        %swap3A_1262 = arith.index_cast %swap3A_1261 : i32 to index
        %swap3A_1263 = arith.index_cast %add3A_1260 : i32 to index
        %swap3A_1264 = tpu.vector_load %arg12[%swap3A_1262, %swap3A_1263] {strides = array<i32>} : memref<2x3072xf32, #tpu.memory_space<vmem>>, vector<16xf32>,
        tpu.vector_store %arg12[%swap3A_1262, %swap3A_1263], %add3A_1255 {strides = array<i32>} : memref<2x3072xf32, #tpu.memory_space<vmem>>, vector<16xf32>,
        %mul3A_1265 = arith.constant 256 : i32
        %mul3A_1266 = arith.muli %select_n3A_967, %mul3A_1265 : i32
        %add3A_1267 = arith.constant 128 : i32
        %add3A_1268 = arith.addi %mul3A_1266, %add3A_1267 : i32
        %add3A_1269 = arith.addi %add3A_1268, %mul3A_985 : i32
        %swap3A_1270 = arith.constant 0 : i32
        %swap3A_1271 = arith.index_cast %swap3A_1270 : i32 to index
        %swap3A_1272 = arith.index_cast %add3A_1269 : i32 to index
        %swap3A_1273 = tpu.vector_load %arg12[%swap3A_1271, %swap3A_1272] {strides = array<i32>} : memref<2x3072xf32, #tpu.memory_space<vmem>>, vector<16xf32>,
        tpu.vector_store %arg12[%swap3A_1271, %swap3A_1272], %add3A_1257 {strides = array<i32>} : memref<2x3072xf32, #tpu.memory_space<vmem>>, vector<16xf32>,
      }
      %scan3A_437 = arith.constant 36 : i32
      %mul3A_438 = arith.constant 6 : i32
      %mul3A_439 = arith.muli %arg1, %mul3A_438 : i32
      %jit3A_440 = arith.constant 8 : i32
      %div3A_441 = arith.divsi %mul3A_324, %jit3A_440 : i32
      %sign3A_442 = arith.constant 0 : i32
      %sign3A_443 = arith.cmpi sgt, %mul3A_324, %sign3A_442 : i32
      %sign3A_444 = arith.extui %sign3A_443 : i1 to i32
      %sign3A_445 = arith.constant 0 : i32
      %sign3A_446 = arith.cmpi slt, %mul3A_324, %sign3A_445 : i32
      %sign3A_447 = arith.extui %sign3A_446 : i1 to i32
      %sign3A_448 = arith.subi %sign3A_444, %sign3A_447 : i32
      %sign3A_449 = arith.constant 0 : i32
      %sign3A_450 = arith.cmpi sgt, %jit3A_440, %sign3A_449 : i32
      %sign3A_451 = arith.extui %sign3A_450 : i1 to i32
      %sign3A_452 = arith.constant 0 : i32
      %sign3A_453 = arith.cmpi slt, %jit3A_440, %sign3A_452 : i32
      %sign3A_454 = arith.extui %sign3A_453 : i1 to i32
      %sign3A_455 = arith.subi %sign3A_451, %sign3A_454 : i32
      %ne3A_456 = arith.cmpi ne, %sign3A_448, %sign3A_455 : i32
      %rem3A_457 = arith.remsi %mul3A_324, %jit3A_440 : i32
      %ne3A_458 = arith.constant 0 : i32
      %ne3A_459 = arith.cmpi ne, %rem3A_457, %ne3A_458 : i32
      %and3A_460 = arith.andi %ne3A_456, %ne3A_459 : i1
      %sub3A_461 = arith.constant 1 : i32
      %sub3A_462 = arith.subi %div3A_441, %sub3A_461 : i32
      %select_n3A_463 = arith.select %and3A_460, %sub3A_462, %div3A_441 : i32
      %add3A_464 = arith.addi %mul3A_439, %select_n3A_463 : i32
      %jit3A_465 = arith.constant 8 : i32
      %eq3A_466 = arith.constant 0 : i32
      %eq3A_467 = arith.cmpi eq, %jit3A_465, %eq3A_466 : i32
      %jit3A_468 = arith.constant 1 : i32
      %select_n3A_469 = arith.select %eq3A_467, %jit3A_468, %jit3A_465 : i32
      %rem3A_470 = arith.remsi %mul3A_324, %select_n3A_469 : i32
      %ne3A_471 = arith.constant 0 : i32
      %ne3A_472 = arith.cmpi ne, %rem3A_470, %ne3A_471 : i32
      %lt3A_473 = arith.constant 0 : i32
      %lt3A_474 = arith.cmpi slt, %rem3A_470, %lt3A_473 : i32
      %lt3A_475 = arith.constant 0 : i32
      %lt3A_476 = arith.cmpi slt, %select_n3A_469, %lt3A_475 : i32
      %ne3A_477 = arith.xori %lt3A_474, %lt3A_476 : i1
      %and3A_478 = arith.andi %ne3A_477, %ne3A_472 : i1
      %add3A_479 = arith.addi %rem3A_470, %select_n3A_469 : i32
      %select_n3A_480 = arith.select %and3A_478, %add3A_479, %rem3A_470 : i32
      %mul3A_481 = arith.constant 12 : i32
      %mul3A_482 = arith.muli %select_n3A_480, %mul3A_481 : i32
      %mul3A_483 = arith.constant 96 : i32
      %mul3A_484 = arith.muli %arg0, %mul3A_483 : i32
      %add3A_485 = arith.addi %mul3A_484, %add3A_464 : i32
      %mul3A_486 = arith.constant 96 : i32
      %mul3A_487 = arith.muli %add3A_485, %mul3A_486 : i32
      %add3A_488 = arith.addi %mul3A_487, %mul3A_482 : i32
      %mul3A_489 = arith.constant 256 : i32
      %mul3A_490 = arith.muli %add3A_488, %mul3A_489 : i32
      %dma_start3A_491 = arith.constant 0 : i32
      %dma_start3A_492 = arith.constant 0 : i32
      %dma_start3A_493 = tpu.memref_slice %arg12[%dma_start3A_491, %dma_start3A_492] : memref<2x3072xf32, #tpu.memory_space<vmem>> -> memref<1x3072xf32, #tpu.memory_space<vmem>>
      %dma_start3A_494 = tpu.memref_squeeze %dma_start3A_493 : memref<1x3072xf32, #tpu.memory_space<vmem>> -> memref<3072xf32, #tpu.memory_space<vmem>>
      %dma_start3A_495 = tpu.memref_slice %arg4[%mul3A_490] : memref<4718592xf32, #tpu.memory_space<hbm>> -> memref<3072xf32, #tpu.memory_space<hbm>>
      %dma_start3A_496 = tpu.memref_slice %arg4[%mul3A_490] : memref<4718592xf32, #tpu.memory_space<hbm>> -> memref<3072xf32, #tpu.memory_space<hbm>>
      %dma_start3A_497 = arith.constant 0 : i32
      %dma_start3A_498 = tpu.memref_slice %arg12[%dma_start3A_491, %dma_start3A_497] : memref<2x3072xf32, #tpu.memory_space<vmem>> -> memref<1x3072xf32, #tpu.memory_space<vmem>>
      %dma_start3A_499 = tpu.memref_squeeze %dma_start3A_498 : memref<1x3072xf32, #tpu.memory_space<vmem>> -> memref<3072xf32, #tpu.memory_space<vmem>>
      tpu.enqueue_dma source(%dma_start3A_499 : memref<3072xf32, #tpu.memory_space<vmem>>) target(%dma_start3A_496 : memref<3072xf32, #tpu.memory_space<hbm>>) target_semaphore(%arg17 : memref<!tpu.dma_semaphore, #tpu.memory_space<semaphore_mem>>)
      %add3A_500 = arith.constant 2 : i32
      %add3A_501 = arith.addi %mul3A_324, %add3A_500 : i32
      %lt3A_502 = arith.constant 48 : i32
      %lt3A_503 = arith.cmpi slt, %add3A_501, %lt3A_502 : i32
      %convert_element_type3A_504 = arith.extui %lt3A_503 : i1 to i32
      %cond3A_505 = arith.constant 0 : i32
      %cond3A_506 = arith.cmpi ne, %convert_element_type3A_504, %cond3A_505 : i32
      scf.if %cond3A_506 {
        %add3A_610 = arith.constant 2 : i32
        %add3A_611 = arith.addi %mul3A_324, %add3A_610 : i32
        %jit3A_612 = arith.constant 4 : i32
        %eq3A_613 = arith.constant 0 : i32
        %eq3A_614 = arith.cmpi eq, %jit3A_612, %eq3A_613 : i32
        %jit3A_615 = arith.constant 1 : i32
        %select_n3A_616 = arith.select %eq3A_614, %jit3A_615, %jit3A_612 : i32
        %rem3A_617 = arith.remsi %add3A_611, %select_n3A_616 : i32
        %ne3A_618 = arith.constant 0 : i32
        %ne3A_619 = arith.cmpi ne, %rem3A_617, %ne3A_618 : i32
        %lt3A_620 = arith.constant 0 : i32
        %lt3A_621 = arith.cmpi slt, %rem3A_617, %lt3A_620 : i32
        %lt3A_622 = arith.constant 0 : i32
        %lt3A_623 = arith.cmpi slt, %select_n3A_616, %lt3A_622 : i32
        %ne3A_624 = arith.xori %lt3A_621, %lt3A_623 : i1
        %and3A_625 = arith.andi %ne3A_624, %ne3A_619 : i1
        %add3A_626 = arith.addi %rem3A_617, %select_n3A_616 : i32
        %select_n3A_627 = arith.select %and3A_625, %add3A_626, %rem3A_617 : i32
        %eq3A_628 = arith.constant 0 : i32
        %eq3A_629 = arith.cmpi eq, %select_n3A_627, %eq3A_628 : i32
        %convert_element_type3A_630 = arith.extui %eq3A_629 : i1 to i32
        %cond3A_631 = arith.constant 0 : i32
        %cond3A_632 = arith.cmpi ne, %convert_element_type3A_630, %cond3A_631 : i32
        scf.if %cond3A_632 {
          %mul3A_687 = arith.constant 6 : i32
          %mul3A_688 = arith.muli %arg1, %mul3A_687 : i32
          %jit3A_689 = arith.constant 8 : i32
          %div3A_690 = arith.divsi %add3A_611, %jit3A_689 : i32
          %sign3A_691 = arith.constant 0 : i32
          %sign3A_692 = arith.cmpi sgt, %add3A_611, %sign3A_691 : i32
          %sign3A_693 = arith.extui %sign3A_692 : i1 to i32
          %sign3A_694 = arith.constant 0 : i32
          %sign3A_695 = arith.cmpi slt, %add3A_611, %sign3A_694 : i32
          %sign3A_696 = arith.extui %sign3A_695 : i1 to i32
          %sign3A_697 = arith.subi %sign3A_693, %sign3A_696 : i32
          %sign3A_698 = arith.constant 0 : i32
          %sign3A_699 = arith.cmpi sgt, %jit3A_689, %sign3A_698 : i32
          %sign3A_700 = arith.extui %sign3A_699 : i1 to i32
          %sign3A_701 = arith.constant 0 : i32
          %sign3A_702 = arith.cmpi slt, %jit3A_689, %sign3A_701 : i32
          %sign3A_703 = arith.extui %sign3A_702 : i1 to i32
          %sign3A_704 = arith.subi %sign3A_700, %sign3A_703 : i32
          %ne3A_705 = arith.cmpi ne, %sign3A_697, %sign3A_704 : i32
          %rem3A_706 = arith.remsi %add3A_611, %jit3A_689 : i32
          %ne3A_707 = arith.constant 0 : i32
          %ne3A_708 = arith.cmpi ne, %rem3A_706, %ne3A_707 : i32
          %and3A_709 = arith.andi %ne3A_705, %ne3A_708 : i1
          %sub3A_710 = arith.constant 1 : i32
          %sub3A_711 = arith.subi %div3A_690, %sub3A_710 : i32
          %select_n3A_712 = arith.select %and3A_709, %sub3A_711, %div3A_690 : i32
          %add3A_713 = arith.addi %mul3A_688, %select_n3A_712 : i32
          %jit3A_714 = arith.constant 4 : i32
          %div3A_715 = arith.divsi %add3A_611, %jit3A_714 : i32
          %sign3A_716 = arith.constant 0 : i32
          %sign3A_717 = arith.cmpi sgt, %add3A_611, %sign3A_716 : i32
          %sign3A_718 = arith.extui %sign3A_717 : i1 to i32
          %sign3A_719 = arith.constant 0 : i32
          %sign3A_720 = arith.cmpi slt, %add3A_611, %sign3A_719 : i32
          %sign3A_721 = arith.extui %sign3A_720 : i1 to i32
          %sign3A_722 = arith.subi %sign3A_718, %sign3A_721 : i32
          %sign3A_723 = arith.constant 0 : i32
          %sign3A_724 = arith.cmpi sgt, %jit3A_714, %sign3A_723 : i32
          %sign3A_725 = arith.extui %sign3A_724 : i1 to i32
          %sign3A_726 = arith.constant 0 : i32
          %sign3A_727 = arith.cmpi slt, %jit3A_714, %sign3A_726 : i32
          %sign3A_728 = arith.extui %sign3A_727 : i1 to i32
          %sign3A_729 = arith.subi %sign3A_725, %sign3A_728 : i32
          %ne3A_730 = arith.cmpi ne, %sign3A_722, %sign3A_729 : i32
          %rem3A_731 = arith.remsi %add3A_611, %jit3A_714 : i32
          %ne3A_732 = arith.constant 0 : i32
          %ne3A_733 = arith.cmpi ne, %rem3A_731, %ne3A_732 : i32
          %and3A_734 = arith.andi %ne3A_730, %ne3A_733 : i1
          %sub3A_735 = arith.constant 1 : i32
          %sub3A_736 = arith.subi %div3A_715, %sub3A_735 : i32
          %select_n3A_737 = arith.select %and3A_734, %sub3A_736, %div3A_715 : i32
          %jit3A_738 = arith.constant 2 : i32
          %eq3A_739 = arith.constant 0 : i32
          %eq3A_740 = arith.cmpi eq, %jit3A_738, %eq3A_739 : i32
          %jit3A_741 = arith.constant 1 : i32
          %select_n3A_742 = arith.select %eq3A_740, %jit3A_741, %jit3A_738 : i32
          %rem3A_743 = arith.remsi %select_n3A_737, %select_n3A_742 : i32
          %ne3A_744 = arith.constant 0 : i32
          %ne3A_745 = arith.cmpi ne, %rem3A_743, %ne3A_744 : i32
          %lt3A_746 = arith.constant 0 : i32
          %lt3A_747 = arith.cmpi slt, %rem3A_743, %lt3A_746 : i32
          %lt3A_748 = arith.constant 0 : i32
          %lt3A_749 = arith.cmpi slt, %select_n3A_742, %lt3A_748 : i32
          %ne3A_750 = arith.xori %lt3A_747, %lt3A_749 : i1
          %and3A_751 = arith.andi %ne3A_750, %ne3A_745 : i1
          %add3A_752 = arith.addi %rem3A_743, %select_n3A_742 : i32
          %select_n3A_753 = arith.select %and3A_751, %add3A_752, %rem3A_743 : i32
          %mul3A_754 = arith.constant 96 : i32
          %mul3A_755 = arith.muli %arg0, %mul3A_754 : i32
          %add3A_756 = arith.addi %mul3A_755, %add3A_713 : i32
          %mul3A_757 = arith.constant 288 : i32
          %mul3A_758 = arith.muli %add3A_756, %mul3A_757 : i32
          %mul3A_759 = arith.constant 48 : i32
          %mul3A_760 = arith.muli %select_n3A_753, %mul3A_759 : i32
          %add3A_761 = arith.addi %mul3A_758, %mul3A_760 : i32
          %add3A_762 = arith.constant 0 : i32
          %add3A_763 = arith.addi %add3A_761, %add3A_762 : i32
          %run_scoped3A_764 = arith.constant 0 : i32
          "tpu.region"() ({
            %run_scoped3A_771 = tpu.sem_alloc : memref<!tpu.dma_semaphore, #tpu.memory_space<semaphore_mem>>
            %dma_start3A_772 = arith.constant 0 : i32
            %dma_start3A_773 = arith.constant 0 : i32
            %dma_start3A_774 = tpu.memref_slice %arg8[%run_scoped3A_764, %dma_start3A_772, %dma_start3A_773] : memref<3x48x128xf32, #tpu.memory_space<vmem>> -> memref<1x48x128xf32, #tpu.memory_space<vmem>>
            %dma_start3A_775 = tpu.memref_squeeze %dma_start3A_774 : memref<1x48x128xf32, #tpu.memory_space<vmem>> -> memref<48x128xf32, #tpu.memory_space<vmem>>
            %dma_start3A_776 = arith.constant 0 : i32
            %dma_start3A_777 = tpu.memref_slice %arg3[%add3A_763, %dma_start3A_776] : memref<55296x128xf32, #tpu.memory_space<hbm>> -> memref<48x128xf32, #tpu.memory_space<hbm>>
            %dma_start3A_778 = arith.constant 0 : i32
            %dma_start3A_779 = arith.constant 0 : i32
            %dma_start3A_780 = tpu.memref_slice %arg8[%run_scoped3A_764, %dma_start3A_778, %dma_start3A_779] : memref<3x48x128xf32, #tpu.memory_space<vmem>> -> memref<1x48x128xf32, #tpu.memory_space<vmem>>
            %dma_start3A_781 = tpu.memref_squeeze %dma_start3A_780 : memref<1x48x128xf32, #tpu.memory_space<vmem>> -> memref<48x128xf32, #tpu.memory_space<vmem>>
            %dma_start3A_782 = arith.constant 0 : i32
            %dma_start3A_783 = tpu.memref_slice %arg3[%add3A_763, %dma_start3A_782] : memref<55296x128xf32, #tpu.memory_space<hbm>> -> memref<48x128xf32, #tpu.memory_space<hbm>>
            tpu.enqueue_dma source(%dma_start3A_783 : memref<48x128xf32, #tpu.memory_space<hbm>>) target(%dma_start3A_781 : memref<48x128xf32, #tpu.memory_space<vmem>>) target_semaphore(%run_scoped3A_771 : memref<!tpu.dma_semaphore, #tpu.memory_space<semaphore_mem>>)
            %dma_wait3A_784 = arith.constant 0 : i32
            %dma_wait3A_785 = arith.constant 0 : i32
            %dma_wait3A_786 = tpu.memref_slice %arg8[%run_scoped3A_764, %dma_wait3A_784, %dma_wait3A_785] : memref<3x48x128xf32, #tpu.memory_space<vmem>> -> memref<1x48x128xf32, #tpu.memory_space<vmem>>
            %dma_wait3A_787 = tpu.memref_squeeze %dma_wait3A_786 : memref<1x48x128xf32, #tpu.memory_space<vmem>> -> memref<48x128xf32, #tpu.memory_space<vmem>>
            %dma_wait3A_788 = arith.constant 0 : i32
            %dma_wait3A_789 = tpu.memref_slice %arg3[%add3A_763, %dma_wait3A_788] : memref<55296x128xf32, #tpu.memory_space<hbm>> -> memref<48x128xf32, #tpu.memory_space<hbm>>
            %dma_wait3A_790 = arith.constant 0 : i32
            %dma_wait3A_791 = arith.constant 0 : i32
            %dma_wait3A_792 = tpu.memref_slice %arg8[%run_scoped3A_764, %dma_wait3A_790, %dma_wait3A_791] : memref<3x48x128xf32, #tpu.memory_space<vmem>> -> memref<1x48x128xf32, #tpu.memory_space<vmem>>
            %dma_wait3A_793 = tpu.memref_squeeze %dma_wait3A_792 : memref<1x48x128xf32, #tpu.memory_space<vmem>> -> memref<48x128xf32, #tpu.memory_space<vmem>>
            %dma_wait3A_794 = arith.constant 0 : i32
            %dma_wait3A_795 = tpu.memref_slice %arg3[%add3A_763, %dma_wait3A_794] : memref<55296x128xf32, #tpu.memory_space<hbm>> -> memref<48x128xf32, #tpu.memory_space<hbm>>
            tpu.wait_dma2 semaphore(%run_scoped3A_771 : memref<!tpu.dma_semaphore, #tpu.memory_space<semaphore_mem>>) src(%dma_wait3A_795 : memref<48x128xf32, #tpu.memory_space<hbm>>) dst(%dma_wait3A_793 : memref<48x128xf32, #tpu.memory_space<vmem>>)
            tpu.yield
          }) : () -> ()
          %add3A_765 = arith.constant 96 : i32
          %add3A_766 = arith.addi %add3A_761, %add3A_765 : i32
          %run_scoped3A_767 = arith.constant 1 : i32
          "tpu.region"() ({
            %run_scoped3A_771 = tpu.sem_alloc : memref<!tpu.dma_semaphore, #tpu.memory_space<semaphore_mem>>
            %dma_start3A_772 = arith.constant 0 : i32
            %dma_start3A_773 = arith.constant 0 : i32
            %dma_start3A_774 = tpu.memref_slice %arg8[%run_scoped3A_767, %dma_start3A_772, %dma_start3A_773] : memref<3x48x128xf32, #tpu.memory_space<vmem>> -> memref<1x48x128xf32, #tpu.memory_space<vmem>>
            %dma_start3A_775 = tpu.memref_squeeze %dma_start3A_774 : memref<1x48x128xf32, #tpu.memory_space<vmem>> -> memref<48x128xf32, #tpu.memory_space<vmem>>
            %dma_start3A_776 = arith.constant 0 : i32
            %dma_start3A_777 = tpu.memref_slice %arg3[%add3A_766, %dma_start3A_776] : memref<55296x128xf32, #tpu.memory_space<hbm>> -> memref<48x128xf32, #tpu.memory_space<hbm>>
            %dma_start3A_778 = arith.constant 0 : i32
            %dma_start3A_779 = arith.constant 0 : i32
            %dma_start3A_780 = tpu.memref_slice %arg8[%run_scoped3A_767, %dma_start3A_778, %dma_start3A_779] : memref<3x48x128xf32, #tpu.memory_space<vmem>> -> memref<1x48x128xf32, #tpu.memory_space<vmem>>
            %dma_start3A_781 = tpu.memref_squeeze %dma_start3A_780 : memref<1x48x128xf32, #tpu.memory_space<vmem>> -> memref<48x128xf32, #tpu.memory_space<vmem>>
            %dma_start3A_782 = arith.constant 0 : i32
            %dma_start3A_783 = tpu.memref_slice %arg3[%add3A_766, %dma_start3A_782] : memref<55296x128xf32, #tpu.memory_space<hbm>> -> memref<48x128xf32, #tpu.memory_space<hbm>>
            tpu.enqueue_dma source(%dma_start3A_783 : memref<48x128xf32, #tpu.memory_space<hbm>>) target(%dma_start3A_781 : memref<48x128xf32, #tpu.memory_space<vmem>>) target_semaphore(%run_scoped3A_771 : memref<!tpu.dma_semaphore, #tpu.memory_space<semaphore_mem>>)
            %dma_wait3A_784 = arith.constant 0 : i32
            %dma_wait3A_785 = arith.constant 0 : i32
            %dma_wait3A_786 = tpu.memref_slice %arg8[%run_scoped3A_767, %dma_wait3A_784, %dma_wait3A_785] : memref<3x48x128xf32, #tpu.memory_space<vmem>> -> memref<1x48x128xf32, #tpu.memory_space<vmem>>
            %dma_wait3A_787 = tpu.memref_squeeze %dma_wait3A_786 : memref<1x48x128xf32, #tpu.memory_space<vmem>> -> memref<48x128xf32, #tpu.memory_space<vmem>>
            %dma_wait3A_788 = arith.constant 0 : i32
            %dma_wait3A_789 = tpu.memref_slice %arg3[%add3A_766, %dma_wait3A_788] : memref<55296x128xf32, #tpu.memory_space<hbm>> -> memref<48x128xf32, #tpu.memory_space<hbm>>
            %dma_wait3A_790 = arith.constant 0 : i32
            %dma_wait3A_791 = arith.constant 0 : i32
            %dma_wait3A_792 = tpu.memref_slice %arg8[%run_scoped3A_767, %dma_wait3A_790, %dma_wait3A_791] : memref<3x48x128xf32, #tpu.memory_space<vmem>> -> memref<1x48x128xf32, #tpu.memory_space<vmem>>
            %dma_wait3A_793 = tpu.memref_squeeze %dma_wait3A_792 : memref<1x48x128xf32, #tpu.memory_space<vmem>> -> memref<48x128xf32, #tpu.memory_space<vmem>>
            %dma_wait3A_794 = arith.constant 0 : i32
            %dma_wait3A_795 = tpu.memref_slice %arg3[%add3A_766, %dma_wait3A_794] : memref<55296x128xf32, #tpu.memory_space<hbm>> -> memref<48x128xf32, #tpu.memory_space<hbm>>
            tpu.wait_dma2 semaphore(%run_scoped3A_771 : memref<!tpu.dma_semaphore, #tpu.memory_space<semaphore_mem>>) src(%dma_wait3A_795 : memref<48x128xf32, #tpu.memory_space<hbm>>) dst(%dma_wait3A_793 : memref<48x128xf32, #tpu.memory_space<vmem>>)
            tpu.yield
          }) : () -> ()
          %add3A_768 = arith.constant 192 : i32
          %add3A_769 = arith.addi %add3A_761, %add3A_768 : i32
          %run_scoped3A_770 = arith.constant 2 : i32
          "tpu.region"() ({
            %run_scoped3A_771 = tpu.sem_alloc : memref<!tpu.dma_semaphore, #tpu.memory_space<semaphore_mem>>
            %dma_start3A_772 = arith.constant 0 : i32
            %dma_start3A_773 = arith.constant 0 : i32
            %dma_start3A_774 = tpu.memref_slice %arg8[%run_scoped3A_770, %dma_start3A_772, %dma_start3A_773] : memref<3x48x128xf32, #tpu.memory_space<vmem>> -> memref<1x48x128xf32, #tpu.memory_space<vmem>>
            %dma_start3A_775 = tpu.memref_squeeze %dma_start3A_774 : memref<1x48x128xf32, #tpu.memory_space<vmem>> -> memref<48x128xf32, #tpu.memory_space<vmem>>
            %dma_start3A_776 = arith.constant 0 : i32
            %dma_start3A_777 = tpu.memref_slice %arg3[%add3A_769, %dma_start3A_776] : memref<55296x128xf32, #tpu.memory_space<hbm>> -> memref<48x128xf32, #tpu.memory_space<hbm>>
            %dma_start3A_778 = arith.constant 0 : i32
            %dma_start3A_779 = arith.constant 0 : i32
            %dma_start3A_780 = tpu.memref_slice %arg8[%run_scoped3A_770, %dma_start3A_778, %dma_start3A_779] : memref<3x48x128xf32, #tpu.memory_space<vmem>> -> memref<1x48x128xf32, #tpu.memory_space<vmem>>
            %dma_start3A_781 = tpu.memref_squeeze %dma_start3A_780 : memref<1x48x128xf32, #tpu.memory_space<vmem>> -> memref<48x128xf32, #tpu.memory_space<vmem>>
            %dma_start3A_782 = arith.constant 0 : i32
            %dma_start3A_783 = tpu.memref_slice %arg3[%add3A_769, %dma_start3A_782] : memref<55296x128xf32, #tpu.memory_space<hbm>> -> memref<48x128xf32, #tpu.memory_space<hbm>>
            tpu.enqueue_dma source(%dma_start3A_783 : memref<48x128xf32, #tpu.memory_space<hbm>>) target(%dma_start3A_781 : memref<48x128xf32, #tpu.memory_space<vmem>>) target_semaphore(%run_scoped3A_771 : memref<!tpu.dma_semaphore, #tpu.memory_space<semaphore_mem>>)
            %dma_wait3A_784 = arith.constant 0 : i32
            %dma_wait3A_785 = arith.constant 0 : i32
            %dma_wait3A_786 = tpu.memref_slice %arg8[%run_scoped3A_770, %dma_wait3A_784, %dma_wait3A_785] : memref<3x48x128xf32, #tpu.memory_space<vmem>> -> memref<1x48x128xf32, #tpu.memory_space<vmem>>
            %dma_wait3A_787 = tpu.memref_squeeze %dma_wait3A_786 : memref<1x48x128xf32, #tpu.memory_space<vmem>> -> memref<48x128xf32, #tpu.memory_space<vmem>>
            %dma_wait3A_788 = arith.constant 0 : i32
            %dma_wait3A_789 = tpu.memref_slice %arg3[%add3A_769, %dma_wait3A_788] : memref<55296x128xf32, #tpu.memory_space<hbm>> -> memref<48x128xf32, #tpu.memory_space<hbm>>
            %dma_wait3A_790 = arith.constant 0 : i32
            %dma_wait3A_791 = arith.constant 0 : i32
            %dma_wait3A_792 = tpu.memref_slice %arg8[%run_scoped3A_770, %dma_wait3A_790, %dma_wait3A_791] : memref<3x48x128xf32, #tpu.memory_space<vmem>> -> memref<1x48x128xf32, #tpu.memory_space<vmem>>
            %dma_wait3A_793 = tpu.memref_squeeze %dma_wait3A_792 : memref<1x48x128xf32, #tpu.memory_space<vmem>> -> memref<48x128xf32, #tpu.memory_space<vmem>>
            %dma_wait3A_794 = arith.constant 0 : i32
            %dma_wait3A_795 = tpu.memref_slice %arg3[%add3A_769, %dma_wait3A_794] : memref<55296x128xf32, #tpu.memory_space<hbm>> -> memref<48x128xf32, #tpu.memory_space<hbm>>
            tpu.wait_dma2 semaphore(%run_scoped3A_771 : memref<!tpu.dma_semaphore, #tpu.memory_space<semaphore_mem>>) src(%dma_wait3A_795 : memref<48x128xf32, #tpu.memory_space<hbm>>) dst(%dma_wait3A_793 : memref<48x128xf32, #tpu.memory_space<vmem>>)
            tpu.yield
          }) : () -> ()
        } else {
        }
        %add3A_633 = arith.constant 2 : i32
        %add3A_634 = arith.addi %mul3A_324, %add3A_633 : i32
        %jit3A_635 = arith.constant 4 : i32
        %eq3A_636 = arith.constant 0 : i32
        %eq3A_637 = arith.cmpi eq, %jit3A_635, %eq3A_636 : i32
        %jit3A_638 = arith.constant 1 : i32
        %select_n3A_639 = arith.select %eq3A_637, %jit3A_638, %jit3A_635 : i32
        %rem3A_640 = arith.remsi %add3A_634, %select_n3A_639 : i32
        %ne3A_641 = arith.constant 0 : i32
        %ne3A_642 = arith.cmpi ne, %rem3A_640, %ne3A_641 : i32
        %lt3A_643 = arith.constant 0 : i32
        %lt3A_644 = arith.cmpi slt, %rem3A_640, %lt3A_643 : i32
        %lt3A_645 = arith.constant 0 : i32
        %lt3A_646 = arith.cmpi slt, %select_n3A_639, %lt3A_645 : i32
        %ne3A_647 = arith.xori %lt3A_644, %lt3A_646 : i1
        %and3A_648 = arith.andi %ne3A_647, %ne3A_642 : i1
        %add3A_649 = arith.addi %rem3A_640, %select_n3A_639 : i32
        %select_n3A_650 = arith.select %and3A_648, %add3A_649, %rem3A_640 : i32
        %mul3A_651 = arith.constant 12 : i32
        %mul3A_652 = arith.muli %select_n3A_650, %mul3A_651 : i32
        %scan3A_653 = arith.constant 0 : i32
        %scan3A_654 = arith.constant 0 : i32
        %scan3A_655 = arith.constant 36 : i32
        %scan3A_656 = arith.addi %scan3A_654, %scan3A_655 : i32
        %scan3A_657 = arith.constant 1 : i32
        scf.for %scan3A_687 = %scan3A_654 to %scan3A_656 step %scan3A_657  : i32 {
          %mul3A_688 = arith.constant 2 : i32
          %mul3A_689 = arith.muli %scan3A_687, %mul3A_688 : i32
          %jit3A_690 = arith.constant 6 : i32
          %div3A_691 = arith.divsi %mul3A_689, %jit3A_690 : i32
          %sign3A_692 = arith.constant 0 : i32
          %sign3A_693 = arith.cmpi sgt, %mul3A_689, %sign3A_692 : i32
          %sign3A_694 = arith.extui %sign3A_693 : i1 to i32
          %sign3A_695 = arith.constant 0 : i32
          %sign3A_696 = arith.cmpi slt, %mul3A_689, %sign3A_695 : i32
          %sign3A_697 = arith.extui %sign3A_696 : i1 to i32
          %sign3A_698 = arith.subi %sign3A_694, %sign3A_697 : i32
          %sign3A_699 = arith.constant 0 : i32
          %sign3A_700 = arith.cmpi sgt, %jit3A_690, %sign3A_699 : i32
          %sign3A_701 = arith.extui %sign3A_700 : i1 to i32
          %sign3A_702 = arith.constant 0 : i32
          %sign3A_703 = arith.cmpi slt, %jit3A_690, %sign3A_702 : i32
          %sign3A_704 = arith.extui %sign3A_703 : i1 to i32
          %sign3A_705 = arith.subi %sign3A_701, %sign3A_704 : i32
          %ne3A_706 = arith.cmpi ne, %sign3A_698, %sign3A_705 : i32
          %rem3A_707 = arith.remsi %mul3A_689, %jit3A_690 : i32
          %ne3A_708 = arith.constant 0 : i32
          %ne3A_709 = arith.cmpi ne, %rem3A_707, %ne3A_708 : i32
          %and3A_710 = arith.andi %ne3A_706, %ne3A_709 : i1
          %sub3A_711 = arith.constant 1 : i32
          %sub3A_712 = arith.subi %div3A_691, %sub3A_711 : i32
          %select_n3A_713 = arith.select %and3A_710, %sub3A_712, %div3A_691 : i32
          %add3A_714 = arith.addi %mul3A_652, %select_n3A_713 : i32
          %jit3A_715 = arith.constant 6 : i32
          %eq3A_716 = arith.constant 0 : i32
          %eq3A_717 = arith.cmpi eq, %jit3A_715, %eq3A_716 : i32
          %jit3A_718 = arith.constant 1 : i32
          %select_n3A_719 = arith.select %eq3A_717, %jit3A_718, %jit3A_715 : i32
          %rem3A_720 = arith.remsi %mul3A_689, %select_n3A_719 : i32
          %ne3A_721 = arith.constant 0 : i32
          %ne3A_722 = arith.cmpi ne, %rem3A_720, %ne3A_721 : i32
          %lt3A_723 = arith.constant 0 : i32
          %lt3A_724 = arith.cmpi slt, %rem3A_720, %lt3A_723 : i32
          %lt3A_725 = arith.constant 0 : i32
          %lt3A_726 = arith.cmpi slt, %select_n3A_719, %lt3A_725 : i32
          %ne3A_727 = arith.xori %lt3A_724, %lt3A_726 : i1
          %and3A_728 = arith.andi %ne3A_727, %ne3A_722 : i1
          %add3A_729 = arith.addi %rem3A_720, %select_n3A_719 : i32
          %select_n3A_730 = arith.select %and3A_728, %add3A_729, %rem3A_720 : i32
          %mul3A_731 = arith.constant 16 : i32
          %mul3A_732 = arith.muli %select_n3A_730, %mul3A_731 : i32
          %get3A = arith.constant 0 : i32
          %get3A_733 = arith.index_cast %get3A : i32 to index
          %get3A_734 = arith.index_cast %add3A_714 : i32 to index
          %get3A_735 = arith.index_cast %mul3A_732 : i32 to index
          %get3A_736 = tpu.vector_load %arg8[%get3A_733, %get3A_734, %get3A_735] {strides = array<i32>} : memref<3x48x128xf32, #tpu.memory_space<vmem>>, vector<16xf32>,
          %get3A_737 = arith.constant 1 : i32
          %get3A_738 = arith.index_cast %get3A_737 : i32 to index
          %get3A_739 = arith.index_cast %add3A_714 : i32 to index
          %get3A_740 = arith.index_cast %mul3A_732 : i32 to index
          %get3A_741 = tpu.vector_load %arg8[%get3A_738, %get3A_739, %get3A_740] {strides = array<i32>} : memref<3x48x128xf32, #tpu.memory_space<vmem>>, vector<16xf32>,
          %get3A_742 = arith.constant 2 : i32
          %get3A_743 = arith.index_cast %get3A_742 : i32 to index
          %get3A_744 = arith.index_cast %add3A_714 : i32 to index
          %get3A_745 = arith.index_cast %mul3A_732 : i32 to index
          %get3A_746 = tpu.vector_load %arg8[%get3A_743, %get3A_744, %get3A_745] {strides = array<i32>} : memref<3x48x128xf32, #tpu.memory_space<vmem>>, vector<16xf32>,
          %convert_element_type3A_747 = arith.fptosi %get3A_736 : vector<16xf32> to vector<16xi32>
          %min3A = arith.constant 94 : i32
          %min3A_748 = vector.broadcast %min3A : i32 to vector<16xi32>
          %min3A_749 = arith.minsi %convert_element_type3A_747, %min3A_748 : vector<16xi32>
          %convert_element_type3A_750 = arith.fptosi %get3A_741 : vector<16xf32> to vector<16xi32>
          %min3A_751 = arith.constant 94 : i32
          %min3A_752 = vector.broadcast %min3A_751 : i32 to vector<16xi32>
          %min3A_753 = arith.minsi %convert_element_type3A_750, %min3A_752 : vector<16xi32>
          %convert_element_type3A_754 = arith.fptosi %get3A_746 : vector<16xf32> to vector<16xi32>
          %min3A_755 = arith.constant 94 : i32
          %min3A_756 = vector.broadcast %min3A_755 : i32 to vector<16xi32>
          %min3A_757 = arith.minsi %convert_element_type3A_754, %min3A_756 : vector<16xi32>
          %convert_element_type3A_758 = arith.sitofp %min3A_749 : vector<16xi32> to vector<16xf32>
          %sub3A_759 = arith.subf %get3A_736, %convert_element_type3A_758 : vector<16xf32>
          %convert_element_type3A_760 = arith.sitofp %min3A_753 : vector<16xi32> to vector<16xf32>
          %sub3A_761 = arith.subf %get3A_741, %convert_element_type3A_760 : vector<16xf32>
          %convert_element_type3A_762 = arith.sitofp %min3A_757 : vector<16xi32> to vector<16xf32>
          %sub3A_763 = arith.subf %get3A_746, %convert_element_type3A_762 : vector<16xf32>
          %sub3A_764 = arith.constant 1.000000e+00 : f32
          %sub3A_765 = vector.broadcast %sub3A_764 : f32 to vector<16xf32>
          %sub3A_766 = arith.subf %sub3A_765, %sub3A_759 : vector<16xf32>
          %sub3A_767 = arith.constant 1.000000e+00 : f32
          %sub3A_768 = vector.broadcast %sub3A_767 : f32 to vector<16xf32>
          %sub3A_769 = arith.subf %sub3A_768, %sub3A_761 : vector<16xf32>
          %sub3A_770 = arith.constant 1.000000e+00 : f32
          %sub3A_771 = vector.broadcast %sub3A_770 : f32 to vector<16xf32>
          %sub3A_772 = arith.subf %sub3A_771, %sub3A_763 : vector<16xf32>
          %mul3A_773 = arith.constant 9216 : i32
          %mul3A_774 = vector.broadcast %mul3A_773 : i32 to vector<16xi32>
          %mul3A_775 = arith.muli %min3A_749, %mul3A_774 : vector<16xi32>
          %add3A_776 = vector.broadcast %mul3A_0 : i32 to vector<16xi32>
          %add3A_777 = arith.addi %add3A_776, %mul3A_775 : vector<16xi32>
          %mul3A_778 = arith.constant 96 : i32
          %mul3A_779 = vector.broadcast %mul3A_778 : i32 to vector<16xi32>
          %mul3A_780 = arith.muli %min3A_753, %mul3A_779 : vector<16xi32>
          %add3A_781 = arith.addi %add3A_777, %mul3A_780 : vector<16xi32>
          %add3A_782 = arith.addi %add3A_781, %min3A_757 : vector<16xi32>
          %mul3A_783 = arith.constant 16 : i32
          %mul3A_784 = arith.muli %mul3A_689, %mul3A_783 : i32
          %swap3A = arith.constant 0 : i32
          %swap3A_785 = arith.constant 0 : i32
          %swap3A_786 = arith.index_cast %swap3A : i32 to index
          %swap3A_787 = arith.index_cast %swap3A_785 : i32 to index
          %swap3A_788 = arith.index_cast %mul3A_784 : i32 to index
          %swap3A_789 = tpu.vector_load %arg9[%swap3A_786, %swap3A_787, %swap3A_788] {strides = array<i32>} : memref<2x2x1152xi32, #tpu.memory_space<vmem>>, vector<16xi32>,
          tpu.vector_store %arg9[%swap3A_786, %swap3A_787, %swap3A_788], %add3A_782 {strides = array<i32>} : memref<2x2x1152xi32, #tpu.memory_space<vmem>>, vector<16xi32>,
          %add3A_790 = arith.constant 9216 : i32
          %add3A_791 = vector.broadcast %add3A_790 : i32 to vector<16xi32>
          %add3A_792 = arith.addi %add3A_782, %add3A_791 : vector<16xi32>
          %swap3A_793 = arith.constant 0 : i32
          %swap3A_794 = arith.constant 1 : i32
          %swap3A_795 = arith.index_cast %swap3A_793 : i32 to index
          %swap3A_796 = arith.index_cast %swap3A_794 : i32 to index
          %swap3A_797 = arith.index_cast %mul3A_784 : i32 to index
          %swap3A_798 = tpu.vector_load %arg9[%swap3A_795, %swap3A_796, %swap3A_797] {strides = array<i32>} : memref<2x2x1152xi32, #tpu.memory_space<vmem>>, vector<16xi32>,
          tpu.vector_store %arg9[%swap3A_795, %swap3A_796, %swap3A_797], %add3A_792 {strides = array<i32>} : memref<2x2x1152xi32, #tpu.memory_space<vmem>>, vector<16xi32>,
          %mul3A_799 = arith.mulf %sub3A_769, %sub3A_772 : vector<16xf32>
          %mul3A_800 = arith.mulf %sub3A_769, %sub3A_763 : vector<16xf32>
          %mul3A_801 = arith.mulf %sub3A_761, %sub3A_772 : vector<16xf32>
          %mul3A_802 = arith.mulf %sub3A_761, %sub3A_763 : vector<16xf32>
          %mul3A_803 = arith.mulf %sub3A_766, %mul3A_799 : vector<16xf32>
          %swap3A_804 = arith.constant 0 : i32
          %swap3A_805 = arith.constant 0 : i32
          %swap3A_806 = arith.index_cast %swap3A_804 : i32 to index
          %swap3A_807 = arith.index_cast %swap3A_805 : i32 to index
          %swap3A_808 = arith.index_cast %mul3A_784 : i32 to index
          %swap3A_809 = tpu.vector_load %arg10[%swap3A_806, %swap3A_807, %swap3A_808] {strides = array<i32>} : memref<2x8x1152xf32, #tpu.memory_space<vmem>>, vector<16xf32>,
          tpu.vector_store %arg10[%swap3A_806, %swap3A_807, %swap3A_808], %mul3A_803 {strides = array<i32>} : memref<2x8x1152xf32, #tpu.memory_space<vmem>>, vector<16xf32>,
          %mul3A_810 = arith.mulf %sub3A_759, %mul3A_799 : vector<16xf32>
          %swap3A_811 = arith.constant 0 : i32
          %swap3A_812 = arith.constant 4 : i32
          %swap3A_813 = arith.index_cast %swap3A_811 : i32 to index
          %swap3A_814 = arith.index_cast %swap3A_812 : i32 to index
          %swap3A_815 = arith.index_cast %mul3A_784 : i32 to index
          %swap3A_816 = tpu.vector_load %arg10[%swap3A_813, %swap3A_814, %swap3A_815] {strides = array<i32>} : memref<2x8x1152xf32, #tpu.memory_space<vmem>>, vector<16xf32>,
          tpu.vector_store %arg10[%swap3A_813, %swap3A_814, %swap3A_815], %mul3A_810 {strides = array<i32>} : memref<2x8x1152xf32, #tpu.memory_space<vmem>>, vector<16xf32>,
          %mul3A_817 = arith.mulf %sub3A_766, %mul3A_800 : vector<16xf32>
          %swap3A_818 = arith.constant 0 : i32
          %swap3A_819 = arith.constant 1 : i32
          %swap3A_820 = arith.index_cast %swap3A_818 : i32 to index
          %swap3A_821 = arith.index_cast %swap3A_819 : i32 to index
          %swap3A_822 = arith.index_cast %mul3A_784 : i32 to index
          %swap3A_823 = tpu.vector_load %arg10[%swap3A_820, %swap3A_821, %swap3A_822] {strides = array<i32>} : memref<2x8x1152xf32, #tpu.memory_space<vmem>>, vector<16xf32>,
          tpu.vector_store %arg10[%swap3A_820, %swap3A_821, %swap3A_822], %mul3A_817 {strides = array<i32>} : memref<2x8x1152xf32, #tpu.memory_space<vmem>>, vector<16xf32>,
          %mul3A_824 = arith.mulf %sub3A_759, %mul3A_800 : vector<16xf32>
          %swap3A_825 = arith.constant 0 : i32
          %swap3A_826 = arith.constant 5 : i32
          %swap3A_827 = arith.index_cast %swap3A_825 : i32 to index
          %swap3A_828 = arith.index_cast %swap3A_826 : i32 to index
          %swap3A_829 = arith.index_cast %mul3A_784 : i32 to index
          %swap3A_830 = tpu.vector_load %arg10[%swap3A_827, %swap3A_828, %swap3A_829] {strides = array<i32>} : memref<2x8x1152xf32, #tpu.memory_space<vmem>>, vector<16xf32>,
          tpu.vector_store %arg10[%swap3A_827, %swap3A_828, %swap3A_829], %mul3A_824 {strides = array<i32>} : memref<2x8x1152xf32, #tpu.memory_space<vmem>>, vector<16xf32>,
          %mul3A_831 = arith.mulf %sub3A_766, %mul3A_801 : vector<16xf32>
          %swap3A_832 = arith.constant 0 : i32
          %swap3A_833 = arith.constant 2 : i32
          %swap3A_834 = arith.index_cast %swap3A_832 : i32 to index
          %swap3A_835 = arith.index_cast %swap3A_833 : i32 to index
          %swap3A_836 = arith.index_cast %mul3A_784 : i32 to index
          %swap3A_837 = tpu.vector_load %arg10[%swap3A_834, %swap3A_835, %swap3A_836] {strides = array<i32>} : memref<2x8x1152xf32, #tpu.memory_space<vmem>>, vector<16xf32>,
          tpu.vector_store %arg10[%swap3A_834, %swap3A_835, %swap3A_836], %mul3A_831 {strides = array<i32>} : memref<2x8x1152xf32, #tpu.memory_space<vmem>>, vector<16xf32>,
          %mul3A_838 = arith.mulf %sub3A_759, %mul3A_801 : vector<16xf32>
          %swap3A_839 = arith.constant 0 : i32
          %swap3A_840 = arith.constant 6 : i32
          %swap3A_841 = arith.index_cast %swap3A_839 : i32 to index
          %swap3A_842 = arith.index_cast %swap3A_840 : i32 to index
          %swap3A_843 = arith.index_cast %mul3A_784 : i32 to index
          %swap3A_844 = tpu.vector_load %arg10[%swap3A_841, %swap3A_842, %swap3A_843] {strides = array<i32>} : memref<2x8x1152xf32, #tpu.memory_space<vmem>>, vector<16xf32>,
          tpu.vector_store %arg10[%swap3A_841, %swap3A_842, %swap3A_843], %mul3A_838 {strides = array<i32>} : memref<2x8x1152xf32, #tpu.memory_space<vmem>>, vector<16xf32>,
          %mul3A_845 = arith.mulf %sub3A_766, %mul3A_802 : vector<16xf32>
          %swap3A_846 = arith.constant 0 : i32
          %swap3A_847 = arith.constant 3 : i32
          %swap3A_848 = arith.index_cast %swap3A_846 : i32 to index
          %swap3A_849 = arith.index_cast %swap3A_847 : i32 to index
          %swap3A_850 = arith.index_cast %mul3A_784 : i32 to index
          %swap3A_851 = tpu.vector_load %arg10[%swap3A_848, %swap3A_849, %swap3A_850] {strides = array<i32>} : memref<2x8x1152xf32, #tpu.memory_space<vmem>>, vector<16xf32>,
          tpu.vector_store %arg10[%swap3A_848, %swap3A_849, %swap3A_850], %mul3A_845 {strides = array<i32>} : memref<2x8x1152xf32, #tpu.memory_space<vmem>>, vector<16xf32>,
          %mul3A_852 = arith.mulf %sub3A_759, %mul3A_802 : vector<16xf32>
          %swap3A_853 = arith.constant 0 : i32
          %swap3A_854 = arith.constant 7 : i32
          %swap3A_855 = arith.index_cast %swap3A_853 : i32 to index
          %swap3A_856 = arith.index_cast %swap3A_854 : i32 to index
          %swap3A_857 = arith.index_cast %mul3A_784 : i32 to index
          %swap3A_858 = tpu.vector_load %arg10[%swap3A_855, %swap3A_856, %swap3A_857] {strides = array<i32>} : memref<2x8x1152xf32, #tpu.memory_space<vmem>>, vector<16xf32>,
          tpu.vector_store %arg10[%swap3A_855, %swap3A_856, %swap3A_857], %mul3A_852 {strides = array<i32>} : memref<2x8x1152xf32, #tpu.memory_space<vmem>>, vector<16xf32>,
          %mul3A_859 = arith.constant 2 : i32
          %mul3A_860 = arith.muli %scan3A_687, %mul3A_859 : i32
          %add3A_861 = arith.constant 1 : i32
          %add3A_862 = arith.addi %mul3A_860, %add3A_861 : i32
          %jit3A_863 = arith.constant 6 : i32
          %div3A_864 = arith.divsi %add3A_862, %jit3A_863 : i32
          %sign3A_865 = arith.constant 0 : i32
          %sign3A_866 = arith.cmpi sgt, %add3A_862, %sign3A_865 : i32
          %sign3A_867 = arith.extui %sign3A_866 : i1 to i32
          %sign3A_868 = arith.constant 0 : i32
          %sign3A_869 = arith.cmpi slt, %add3A_862, %sign3A_868 : i32
          %sign3A_870 = arith.extui %sign3A_869 : i1 to i32
          %sign3A_871 = arith.subi %sign3A_867, %sign3A_870 : i32
          %sign3A_872 = arith.constant 0 : i32
          %sign3A_873 = arith.cmpi sgt, %jit3A_863, %sign3A_872 : i32
          %sign3A_874 = arith.extui %sign3A_873 : i1 to i32
          %sign3A_875 = arith.constant 0 : i32
          %sign3A_876 = arith.cmpi slt, %jit3A_863, %sign3A_875 : i32
          %sign3A_877 = arith.extui %sign3A_876 : i1 to i32
          %sign3A_878 = arith.subi %sign3A_874, %sign3A_877 : i32
          %ne3A_879 = arith.cmpi ne, %sign3A_871, %sign3A_878 : i32
          %rem3A_880 = arith.remsi %add3A_862, %jit3A_863 : i32
          %ne3A_881 = arith.constant 0 : i32
          %ne3A_882 = arith.cmpi ne, %rem3A_880, %ne3A_881 : i32
          %and3A_883 = arith.andi %ne3A_879, %ne3A_882 : i1
          %sub3A_884 = arith.constant 1 : i32
          %sub3A_885 = arith.subi %div3A_864, %sub3A_884 : i32
          %select_n3A_886 = arith.select %and3A_883, %sub3A_885, %div3A_864 : i32
          %add3A_887 = arith.addi %mul3A_652, %select_n3A_886 : i32
          %jit3A_888 = arith.constant 6 : i32
          %eq3A_889 = arith.constant 0 : i32
          %eq3A_890 = arith.cmpi eq, %jit3A_888, %eq3A_889 : i32
          %jit3A_891 = arith.constant 1 : i32
          %select_n3A_892 = arith.select %eq3A_890, %jit3A_891, %jit3A_888 : i32
          %rem3A_893 = arith.remsi %add3A_862, %select_n3A_892 : i32
          %ne3A_894 = arith.constant 0 : i32
          %ne3A_895 = arith.cmpi ne, %rem3A_893, %ne3A_894 : i32
          %lt3A_896 = arith.constant 0 : i32
          %lt3A_897 = arith.cmpi slt, %rem3A_893, %lt3A_896 : i32
          %lt3A_898 = arith.constant 0 : i32
          %lt3A_899 = arith.cmpi slt, %select_n3A_892, %lt3A_898 : i32
          %ne3A_900 = arith.xori %lt3A_897, %lt3A_899 : i1
          %and3A_901 = arith.andi %ne3A_900, %ne3A_895 : i1
          %add3A_902 = arith.addi %rem3A_893, %select_n3A_892 : i32
          %select_n3A_903 = arith.select %and3A_901, %add3A_902, %rem3A_893 : i32
          %mul3A_904 = arith.constant 16 : i32
          %mul3A_905 = arith.muli %select_n3A_903, %mul3A_904 : i32
          %get3A_906 = arith.constant 0 : i32
          %get3A_907 = arith.index_cast %get3A_906 : i32 to index
          %get3A_908 = arith.index_cast %add3A_887 : i32 to index
          %get3A_909 = arith.index_cast %mul3A_905 : i32 to index
          %get3A_910 = tpu.vector_load %arg8[%get3A_907, %get3A_908, %get3A_909] {strides = array<i32>} : memref<3x48x128xf32, #tpu.memory_space<vmem>>, vector<16xf32>,
          %get3A_911 = arith.constant 1 : i32
          %get3A_912 = arith.index_cast %get3A_911 : i32 to index
          %get3A_913 = arith.index_cast %add3A_887 : i32 to index
          %get3A_914 = arith.index_cast %mul3A_905 : i32 to index
          %get3A_915 = tpu.vector_load %arg8[%get3A_912, %get3A_913, %get3A_914] {strides = array<i32>} : memref<3x48x128xf32, #tpu.memory_space<vmem>>, vector<16xf32>,
          %get3A_916 = arith.constant 2 : i32
          %get3A_917 = arith.index_cast %get3A_916 : i32 to index
          %get3A_918 = arith.index_cast %add3A_887 : i32 to index
          %get3A_919 = arith.index_cast %mul3A_905 : i32 to index
          %get3A_920 = tpu.vector_load %arg8[%get3A_917, %get3A_918, %get3A_919] {strides = array<i32>} : memref<3x48x128xf32, #tpu.memory_space<vmem>>, vector<16xf32>,
          %convert_element_type3A_921 = arith.fptosi %get3A_910 : vector<16xf32> to vector<16xi32>
          %min3A_922 = arith.constant 94 : i32
          %min3A_923 = vector.broadcast %min3A_922 : i32 to vector<16xi32>
          %min3A_924 = arith.minsi %convert_element_type3A_921, %min3A_923 : vector<16xi32>
          %convert_element_type3A_925 = arith.fptosi %get3A_915 : vector<16xf32> to vector<16xi32>
          %min3A_926 = arith.constant 94 : i32
          %min3A_927 = vector.broadcast %min3A_926 : i32 to vector<16xi32>
          %min3A_928 = arith.minsi %convert_element_type3A_925, %min3A_927 : vector<16xi32>
          %convert_element_type3A_929 = arith.fptosi %get3A_920 : vector<16xf32> to vector<16xi32>
          %min3A_930 = arith.constant 94 : i32
          %min3A_931 = vector.broadcast %min3A_930 : i32 to vector<16xi32>
          %min3A_932 = arith.minsi %convert_element_type3A_929, %min3A_931 : vector<16xi32>
          %convert_element_type3A_933 = arith.sitofp %min3A_924 : vector<16xi32> to vector<16xf32>
          %sub3A_934 = arith.subf %get3A_910, %convert_element_type3A_933 : vector<16xf32>
          %convert_element_type3A_935 = arith.sitofp %min3A_928 : vector<16xi32> to vector<16xf32>
          %sub3A_936 = arith.subf %get3A_915, %convert_element_type3A_935 : vector<16xf32>
          %convert_element_type3A_937 = arith.sitofp %min3A_932 : vector<16xi32> to vector<16xf32>
          %sub3A_938 = arith.subf %get3A_920, %convert_element_type3A_937 : vector<16xf32>
          %sub3A_939 = arith.constant 1.000000e+00 : f32
          %sub3A_940 = vector.broadcast %sub3A_939 : f32 to vector<16xf32>
          %sub3A_941 = arith.subf %sub3A_940, %sub3A_934 : vector<16xf32>
          %sub3A_942 = arith.constant 1.000000e+00 : f32
          %sub3A_943 = vector.broadcast %sub3A_942 : f32 to vector<16xf32>
          %sub3A_944 = arith.subf %sub3A_943, %sub3A_936 : vector<16xf32>
          %sub3A_945 = arith.constant 1.000000e+00 : f32
          %sub3A_946 = vector.broadcast %sub3A_945 : f32 to vector<16xf32>
          %sub3A_947 = arith.subf %sub3A_946, %sub3A_938 : vector<16xf32>
          %mul3A_948 = arith.constant 9216 : i32
          %mul3A_949 = vector.broadcast %mul3A_948 : i32 to vector<16xi32>
          %mul3A_950 = arith.muli %min3A_924, %mul3A_949 : vector<16xi32>
          %add3A_951 = vector.broadcast %mul3A_0 : i32 to vector<16xi32>
          %add3A_952 = arith.addi %add3A_951, %mul3A_950 : vector<16xi32>
          %mul3A_953 = arith.constant 96 : i32
          %mul3A_954 = vector.broadcast %mul3A_953 : i32 to vector<16xi32>
          %mul3A_955 = arith.muli %min3A_928, %mul3A_954 : vector<16xi32>
          %add3A_956 = arith.addi %add3A_952, %mul3A_955 : vector<16xi32>
          %add3A_957 = arith.addi %add3A_956, %min3A_932 : vector<16xi32>
          %mul3A_958 = arith.constant 16 : i32
          %mul3A_959 = arith.muli %add3A_862, %mul3A_958 : i32
          %swap3A_960 = arith.constant 0 : i32
          %swap3A_961 = arith.constant 0 : i32
          %swap3A_962 = arith.index_cast %swap3A_960 : i32 to index
          %swap3A_963 = arith.index_cast %swap3A_961 : i32 to index
          %swap3A_964 = arith.index_cast %mul3A_959 : i32 to index
          %swap3A_965 = tpu.vector_load %arg9[%swap3A_962, %swap3A_963, %swap3A_964] {strides = array<i32>} : memref<2x2x1152xi32, #tpu.memory_space<vmem>>, vector<16xi32>,
          tpu.vector_store %arg9[%swap3A_962, %swap3A_963, %swap3A_964], %add3A_957 {strides = array<i32>} : memref<2x2x1152xi32, #tpu.memory_space<vmem>>, vector<16xi32>,
          %add3A_966 = arith.constant 9216 : i32
          %add3A_967 = vector.broadcast %add3A_966 : i32 to vector<16xi32>
          %add3A_968 = arith.addi %add3A_957, %add3A_967 : vector<16xi32>
          %swap3A_969 = arith.constant 0 : i32
          %swap3A_970 = arith.constant 1 : i32
          %swap3A_971 = arith.index_cast %swap3A_969 : i32 to index
          %swap3A_972 = arith.index_cast %swap3A_970 : i32 to index
          %swap3A_973 = arith.index_cast %mul3A_959 : i32 to index
          %swap3A_974 = tpu.vector_load %arg9[%swap3A_971, %swap3A_972, %swap3A_973] {strides = array<i32>} : memref<2x2x1152xi32, #tpu.memory_space<vmem>>, vector<16xi32>,
          tpu.vector_store %arg9[%swap3A_971, %swap3A_972, %swap3A_973], %add3A_968 {strides = array<i32>} : memref<2x2x1152xi32, #tpu.memory_space<vmem>>, vector<16xi32>,
          %mul3A_975 = arith.mulf %sub3A_944, %sub3A_947 : vector<16xf32>
          %mul3A_976 = arith.mulf %sub3A_944, %sub3A_938 : vector<16xf32>
          %mul3A_977 = arith.mulf %sub3A_936, %sub3A_947 : vector<16xf32>
          %mul3A_978 = arith.mulf %sub3A_936, %sub3A_938 : vector<16xf32>
          %mul3A_979 = arith.mulf %sub3A_941, %mul3A_975 : vector<16xf32>
          %swap3A_980 = arith.constant 0 : i32
          %swap3A_981 = arith.constant 0 : i32
          %swap3A_982 = arith.index_cast %swap3A_980 : i32 to index
          %swap3A_983 = arith.index_cast %swap3A_981 : i32 to index
          %swap3A_984 = arith.index_cast %mul3A_959 : i32 to index
          %swap3A_985 = tpu.vector_load %arg10[%swap3A_982, %swap3A_983, %swap3A_984] {strides = array<i32>} : memref<2x8x1152xf32, #tpu.memory_space<vmem>>, vector<16xf32>,
          tpu.vector_store %arg10[%swap3A_982, %swap3A_983, %swap3A_984], %mul3A_979 {strides = array<i32>} : memref<2x8x1152xf32, #tpu.memory_space<vmem>>, vector<16xf32>,
          %mul3A_986 = arith.mulf %sub3A_934, %mul3A_975 : vector<16xf32>
          %swap3A_987 = arith.constant 0 : i32
          %swap3A_988 = arith.constant 4 : i32
          %swap3A_989 = arith.index_cast %swap3A_987 : i32 to index
          %swap3A_990 = arith.index_cast %swap3A_988 : i32 to index
          %swap3A_991 = arith.index_cast %mul3A_959 : i32 to index
          %swap3A_992 = tpu.vector_load %arg10[%swap3A_989, %swap3A_990, %swap3A_991] {strides = array<i32>} : memref<2x8x1152xf32, #tpu.memory_space<vmem>>, vector<16xf32>,
          tpu.vector_store %arg10[%swap3A_989, %swap3A_990, %swap3A_991], %mul3A_986 {strides = array<i32>} : memref<2x8x1152xf32, #tpu.memory_space<vmem>>, vector<16xf32>,
          %mul3A_993 = arith.mulf %sub3A_941, %mul3A_976 : vector<16xf32>
          %swap3A_994 = arith.constant 0 : i32
          %swap3A_995 = arith.constant 1 : i32
          %swap3A_996 = arith.index_cast %swap3A_994 : i32 to index
          %swap3A_997 = arith.index_cast %swap3A_995 : i32 to index
          %swap3A_998 = arith.index_cast %mul3A_959 : i32 to index
          %swap3A_999 = tpu.vector_load %arg10[%swap3A_996, %swap3A_997, %swap3A_998] {strides = array<i32>} : memref<2x8x1152xf32, #tpu.memory_space<vmem>>, vector<16xf32>,
          tpu.vector_store %arg10[%swap3A_996, %swap3A_997, %swap3A_998], %mul3A_993 {strides = array<i32>} : memref<2x8x1152xf32, #tpu.memory_space<vmem>>, vector<16xf32>,
          %mul3A_1000 = arith.mulf %sub3A_934, %mul3A_976 : vector<16xf32>
          %swap3A_1001 = arith.constant 0 : i32
          %swap3A_1002 = arith.constant 5 : i32
          %swap3A_1003 = arith.index_cast %swap3A_1001 : i32 to index
          %swap3A_1004 = arith.index_cast %swap3A_1002 : i32 to index
          %swap3A_1005 = arith.index_cast %mul3A_959 : i32 to index
          %swap3A_1006 = tpu.vector_load %arg10[%swap3A_1003, %swap3A_1004, %swap3A_1005] {strides = array<i32>} : memref<2x8x1152xf32, #tpu.memory_space<vmem>>, vector<16xf32>,
          tpu.vector_store %arg10[%swap3A_1003, %swap3A_1004, %swap3A_1005], %mul3A_1000 {strides = array<i32>} : memref<2x8x1152xf32, #tpu.memory_space<vmem>>, vector<16xf32>,
          %mul3A_1007 = arith.mulf %sub3A_941, %mul3A_977 : vector<16xf32>
          %swap3A_1008 = arith.constant 0 : i32
          %swap3A_1009 = arith.constant 2 : i32
          %swap3A_1010 = arith.index_cast %swap3A_1008 : i32 to index
          %swap3A_1011 = arith.index_cast %swap3A_1009 : i32 to index
          %swap3A_1012 = arith.index_cast %mul3A_959 : i32 to index
          %swap3A_1013 = tpu.vector_load %arg10[%swap3A_1010, %swap3A_1011, %swap3A_1012] {strides = array<i32>} : memref<2x8x1152xf32, #tpu.memory_space<vmem>>, vector<16xf32>,
          tpu.vector_store %arg10[%swap3A_1010, %swap3A_1011, %swap3A_1012], %mul3A_1007 {strides = array<i32>} : memref<2x8x1152xf32, #tpu.memory_space<vmem>>, vector<16xf32>,
          %mul3A_1014 = arith.mulf %sub3A_934, %mul3A_977 : vector<16xf32>
          %swap3A_1015 = arith.constant 0 : i32
          %swap3A_1016 = arith.constant 6 : i32
          %swap3A_1017 = arith.index_cast %swap3A_1015 : i32 to index
          %swap3A_1018 = arith.index_cast %swap3A_1016 : i32 to index
          %swap3A_1019 = arith.index_cast %mul3A_959 : i32 to index
          %swap3A_1020 = tpu.vector_load %arg10[%swap3A_1017, %swap3A_1018, %swap3A_1019] {strides = array<i32>} : memref<2x8x1152xf32, #tpu.memory_space<vmem>>, vector<16xf32>,
          tpu.vector_store %arg10[%swap3A_1017, %swap3A_1018, %swap3A_1019], %mul3A_1014 {strides = array<i32>} : memref<2x8x1152xf32, #tpu.memory_space<vmem>>, vector<16xf32>,
          %mul3A_1021 = arith.mulf %sub3A_941, %mul3A_978 : vector<16xf32>
          %swap3A_1022 = arith.constant 0 : i32
          %swap3A_1023 = arith.constant 3 : i32
          %swap3A_1024 = arith.index_cast %swap3A_1022 : i32 to index
          %swap3A_1025 = arith.index_cast %swap3A_1023 : i32 to index
          %swap3A_1026 = arith.index_cast %mul3A_959 : i32 to index
          %swap3A_1027 = tpu.vector_load %arg10[%swap3A_1024, %swap3A_1025, %swap3A_1026] {strides = array<i32>} : memref<2x8x1152xf32, #tpu.memory_space<vmem>>, vector<16xf32>,
          tpu.vector_store %arg10[%swap3A_1024, %swap3A_1025, %swap3A_1026], %mul3A_1021 {strides = array<i32>} : memref<2x8x1152xf32, #tpu.memory_space<vmem>>, vector<16xf32>,
          %mul3A_1028 = arith.mulf %sub3A_934, %mul3A_978 : vector<16xf32>
          %swap3A_1029 = arith.constant 0 : i32
          %swap3A_1030 = arith.constant 7 : i32
          %swap3A_1031 = arith.index_cast %swap3A_1029 : i32 to index
          %swap3A_1032 = arith.index_cast %swap3A_1030 : i32 to index
          %swap3A_1033 = arith.index_cast %mul3A_959 : i32 to index
          %swap3A_1034 = tpu.vector_load %arg10[%swap3A_1031, %swap3A_1032, %swap3A_1033] {strides = array<i32>} : memref<2x8x1152xf32, #tpu.memory_space<vmem>>, vector<16xf32>,
          tpu.vector_store %arg10[%swap3A_1031, %swap3A_1032, %swap3A_1033], %mul3A_1028 {strides = array<i32>} : memref<2x8x1152xf32, #tpu.memory_space<vmem>>, vector<16xf32>,
        }
        %scan3A_658 = arith.constant 36 : i32
        %dma_start3A_659 = arith.constant 0 : i32
        %dma_start3A_660 = arith.constant 0 : i32
        %dma_start3A_661 = arith.constant 0 : i32
        %dma_start3A_662 = arith.constant 0 : i32
        %dma_start3A_663 = arith.constant 0 : i32
        %dma_start3A_664 = arith.constant 0 : i32
        %dma_start3A_665 = tpu.memref_slice %arg11[%dma_start3A_661, %dma_start3A_662, %dma_start3A_663, %dma_start3A_664] : memref<2x2x1152x8xf32, #tpu.memory_space<vmem>> -> memref<1x1x1152x8xf32, #tpu.memory_space<vmem>>
        %dma_start3A_666 = tpu.memref_squeeze %dma_start3A_665 : memref<1x1x1152x8xf32, #tpu.memory_space<vmem>> -> memref<1152x8xf32, #tpu.memory_space<vmem>>
        %dma_start3A_667 = arith.constant 0 : i32
        %dma_start3A_668 = tpu.memref_slice %arg9[%dma_start3A_659, %dma_start3A_660, %dma_start3A_667] : memref<2x2x1152xi32, #tpu.memory_space<vmem>> -> memref<1x1x1152xi32, #tpu.memory_space<vmem>>
        %dma_start3A_669 = tpu.memref_squeeze %dma_start3A_668 : memref<1x1x1152xi32, #tpu.memory_space<vmem>> -> memref<1152xi32, #tpu.memory_space<vmem>>
        %dma_start3A_670 = arith.constant 0 : i32
        %dma_start3A_671 = arith.constant 0 : i32
        %dma_start3A_672 = tpu.memref_slice %arg5[%dma_start3A_670, %dma_start3A_671] : memref<1769472x8xf32, #tpu.memory_space<hbm>> -> memref<1769472x8xf32, #tpu.memory_space<hbm>>
        tpu.enqueue_indirect_dma source(%dma_start3A_672 : memref<1769472x8xf32, #tpu.memory_space<hbm>>) target(%dma_start3A_666 : memref<1152x8xf32, #tpu.memory_space<vmem>>) offsets(%dma_start3A_669 : memref<1152xi32, #tpu.memory_space<vmem>>) semaphore(%arg13 : memref<!tpu.dma_semaphore, #tpu.memory_space<semaphore_mem>>)
        %dma_start3A_673 = arith.constant 0 : i32
        %dma_start3A_674 = arith.constant 1 : i32
        %dma_start3A_675 = arith.constant 0 : i32
        %dma_start3A_676 = arith.constant 1 : i32
        %dma_start3A_677 = arith.constant 0 : i32
        %dma_start3A_678 = arith.constant 0 : i32
        %dma_start3A_679 = tpu.memref_slice %arg11[%dma_start3A_675, %dma_start3A_676, %dma_start3A_677, %dma_start3A_678] : memref<2x2x1152x8xf32, #tpu.memory_space<vmem>> -> memref<1x1x1152x8xf32, #tpu.memory_space<vmem>>
        %dma_start3A_680 = tpu.memref_squeeze %dma_start3A_679 : memref<1x1x1152x8xf32, #tpu.memory_space<vmem>> -> memref<1152x8xf32, #tpu.memory_space<vmem>>
        %dma_start3A_681 = arith.constant 0 : i32
        %dma_start3A_682 = tpu.memref_slice %arg9[%dma_start3A_673, %dma_start3A_674, %dma_start3A_681] : memref<2x2x1152xi32, #tpu.memory_space<vmem>> -> memref<1x1x1152xi32, #tpu.memory_space<vmem>>
        %dma_start3A_683 = tpu.memref_squeeze %dma_start3A_682 : memref<1x1x1152xi32, #tpu.memory_space<vmem>> -> memref<1152xi32, #tpu.memory_space<vmem>>
        %dma_start3A_684 = arith.constant 0 : i32
        %dma_start3A_685 = arith.constant 0 : i32
        %dma_start3A_686 = tpu.memref_slice %arg5[%dma_start3A_684, %dma_start3A_685] : memref<1769472x8xf32, #tpu.memory_space<hbm>> -> memref<1769472x8xf32, #tpu.memory_space<hbm>>
        tpu.enqueue_indirect_dma source(%dma_start3A_686 : memref<1769472x8xf32, #tpu.memory_space<hbm>>) target(%dma_start3A_680 : memref<1152x8xf32, #tpu.memory_space<vmem>>) offsets(%dma_start3A_683 : memref<1152xi32, #tpu.memory_space<vmem>>) semaphore(%arg13 : memref<!tpu.dma_semaphore, #tpu.memory_space<semaphore_mem>>)
      } else {
      }
      %dma_wait3A_507 = arith.constant 1 : i32
      %dma_wait3A_508 = arith.constant 0 : i32
      %dma_wait3A_509 = arith.constant 1 : i32
      %dma_wait3A_510 = arith.constant 0 : i32
      %dma_wait3A_511 = arith.constant 0 : i32
      %dma_wait3A_512 = arith.constant 0 : i32
      %dma_wait3A_513 = tpu.memref_slice %arg11[%dma_wait3A_509, %dma_wait3A_510, %dma_wait3A_511, %dma_wait3A_512] : memref<2x2x1152x8xf32, #tpu.memory_space<vmem>> -> memref<1x1x1152x8xf32, #tpu.memory_space<vmem>>
      %dma_wait3A_514 = tpu.memref_squeeze %dma_wait3A_513 : memref<1x1x1152x8xf32, #tpu.memory_space<vmem>> -> memref<1152x8xf32, #tpu.memory_space<vmem>>
      %dma_wait3A_515 = arith.constant 0 : i32
      %dma_wait3A_516 = tpu.memref_slice %arg9[%dma_wait3A_507, %dma_wait3A_508, %dma_wait3A_515] : memref<2x2x1152xi32, #tpu.memory_space<vmem>> -> memref<1x1x1152xi32, #tpu.memory_space<vmem>>
      %dma_wait3A_517 = tpu.memref_squeeze %dma_wait3A_516 : memref<1x1x1152xi32, #tpu.memory_space<vmem>> -> memref<1152xi32, #tpu.memory_space<vmem>>
      %dma_wait3A_518 = arith.constant 0 : i32
      %dma_wait3A_519 = arith.constant 0 : i32
      %dma_wait3A_520 = tpu.memref_slice %arg5[%dma_wait3A_518, %dma_wait3A_519] : memref<1769472x8xf32, #tpu.memory_space<hbm>> -> memref<1769472x8xf32, #tpu.memory_space<hbm>>
      tpu.wait_indirect_dma semaphore(%arg14 : memref<!tpu.dma_semaphore, #tpu.memory_space<semaphore_mem>>) src(%dma_wait3A_520 : memref<1769472x8xf32, #tpu.memory_space<hbm>>) dst(%dma_wait3A_514 : memref<1152x8xf32, #tpu.memory_space<vmem>>)
      %dma_wait3A_521 = arith.constant 1 : i32
      %dma_wait3A_522 = arith.constant 1 : i32
      %dma_wait3A_523 = arith.constant 1 : i32
      %dma_wait3A_524 = arith.constant 1 : i32
      %dma_wait3A_525 = arith.constant 0 : i32
      %dma_wait3A_526 = arith.constant 0 : i32
      %dma_wait3A_527 = tpu.memref_slice %arg11[%dma_wait3A_523, %dma_wait3A_524, %dma_wait3A_525, %dma_wait3A_526] : memref<2x2x1152x8xf32, #tpu.memory_space<vmem>> -> memref<1x1x1152x8xf32, #tpu.memory_space<vmem>>
      %dma_wait3A_528 = tpu.memref_squeeze %dma_wait3A_527 : memref<1x1x1152x8xf32, #tpu.memory_space<vmem>> -> memref<1152x8xf32, #tpu.memory_space<vmem>>
      %dma_wait3A_529 = arith.constant 0 : i32
      %dma_wait3A_530 = tpu.memref_slice %arg9[%dma_wait3A_521, %dma_wait3A_522, %dma_wait3A_529] : memref<2x2x1152xi32, #tpu.memory_space<vmem>> -> memref<1x1x1152xi32, #tpu.memory_space<vmem>>
      %dma_wait3A_531 = tpu.memref_squeeze %dma_wait3A_530 : memref<1x1x1152xi32, #tpu.memory_space<vmem>> -> memref<1152xi32, #tpu.memory_space<vmem>>
      %dma_wait3A_532 = arith.constant 0 : i32
      %dma_wait3A_533 = arith.constant 0 : i32
      %dma_wait3A_534 = tpu.memref_slice %arg5[%dma_wait3A_532, %dma_wait3A_533] : memref<1769472x8xf32, #tpu.memory_space<hbm>> -> memref<1769472x8xf32, #tpu.memory_space<hbm>>
      tpu.wait_indirect_dma semaphore(%arg14 : memref<!tpu.dma_semaphore, #tpu.memory_space<semaphore_mem>>) src(%dma_wait3A_534 : memref<1769472x8xf32, #tpu.memory_space<hbm>>) dst(%dma_wait3A_528 : memref<1152x8xf32, #tpu.memory_space<vmem>>)
      %add3A_535 = arith.constant 1 : i32
      %add3A_536 = arith.addi %mul3A_324, %add3A_535 : i32
      %ge3A_537 = arith.constant 2 : i32
      %ge3A_538 = arith.cmpi sge, %add3A_536, %ge3A_537 : i32
      %convert_element_type3A_539 = arith.extui %ge3A_538 : i1 to i32
      %cond3A_540 = arith.constant 0 : i32
      %cond3A_541 = arith.cmpi ne, %convert_element_type3A_539, %cond3A_540 : i32
      scf.if %cond3A_541 {
        %dma_wait3A_610 = arith.constant 1 : i32
        %dma_wait3A_611 = arith.constant 0 : i32
        %dma_wait3A_612 = tpu.memref_slice %arg12[%dma_wait3A_610, %dma_wait3A_611] : memref<2x3072xf32, #tpu.memory_space<vmem>> -> memref<1x3072xf32, #tpu.memory_space<vmem>>
        %dma_wait3A_613 = tpu.memref_squeeze %dma_wait3A_612 : memref<1x3072xf32, #tpu.memory_space<vmem>> -> memref<3072xf32, #tpu.memory_space<vmem>>
        %dma_wait3A_614 = arith.constant 0 : i32
        %dma_wait3A_615 = tpu.memref_slice %arg4[%dma_wait3A_614] : memref<4718592xf32, #tpu.memory_space<hbm>> -> memref<3072xf32, #tpu.memory_space<hbm>>
        %dma_wait3A_616 = arith.constant 0 : i32
        %dma_wait3A_617 = tpu.memref_slice %arg4[%dma_wait3A_616] : memref<4718592xf32, #tpu.memory_space<hbm>> -> memref<3072xf32, #tpu.memory_space<hbm>>
        %dma_wait3A_618 = arith.constant 0 : i32
        %dma_wait3A_619 = tpu.memref_slice %arg12[%dma_wait3A_610, %dma_wait3A_618] : memref<2x3072xf32, #tpu.memory_space<vmem>> -> memref<1x3072xf32, #tpu.memory_space<vmem>>
        %dma_wait3A_620 = tpu.memref_squeeze %dma_wait3A_619 : memref<1x3072xf32, #tpu.memory_space<vmem>> -> memref<3072xf32, #tpu.memory_space<vmem>>
        tpu.wait_dma2 semaphore(%arg18 : memref<!tpu.dma_semaphore, #tpu.memory_space<semaphore_mem>>) src(%dma_wait3A_620 : memref<3072xf32, #tpu.memory_space<vmem>>) dst(%dma_wait3A_617 : memref<3072xf32, #tpu.memory_space<hbm>>)
      } else {
      }
      %scan3A_542 = arith.constant 0 : i32
      %scan3A_543 = arith.constant 0 : i32
      %scan3A_544 = arith.constant 36 : i32
      %scan3A_545 = arith.addi %scan3A_543, %scan3A_544 : i32
      %scan3A_546 = arith.constant 1 : i32
      scf.for %scan3A_610 = %scan3A_543 to %scan3A_545 step %scan3A_546  : i32 {
        %mul3A_611 = arith.constant 2 : i32
        %mul3A_612 = arith.muli %scan3A_610, %mul3A_611 : i32
        %jit3A_613 = arith.constant 6 : i32
        %div3A_614 = arith.divsi %mul3A_612, %jit3A_613 : i32
        %sign3A_615 = arith.constant 0 : i32
        %sign3A_616 = arith.cmpi sgt, %mul3A_612, %sign3A_615 : i32
        %sign3A_617 = arith.extui %sign3A_616 : i1 to i32
        %sign3A_618 = arith.constant 0 : i32
        %sign3A_619 = arith.cmpi slt, %mul3A_612, %sign3A_618 : i32
        %sign3A_620 = arith.extui %sign3A_619 : i1 to i32
        %sign3A_621 = arith.subi %sign3A_617, %sign3A_620 : i32
        %sign3A_622 = arith.constant 0 : i32
        %sign3A_623 = arith.cmpi sgt, %jit3A_613, %sign3A_622 : i32
        %sign3A_624 = arith.extui %sign3A_623 : i1 to i32
        %sign3A_625 = arith.constant 0 : i32
        %sign3A_626 = arith.cmpi slt, %jit3A_613, %sign3A_625 : i32
        %sign3A_627 = arith.extui %sign3A_626 : i1 to i32
        %sign3A_628 = arith.subi %sign3A_624, %sign3A_627 : i32
        %ne3A_629 = arith.cmpi ne, %sign3A_621, %sign3A_628 : i32
        %rem3A_630 = arith.remsi %mul3A_612, %jit3A_613 : i32
        %ne3A_631 = arith.constant 0 : i32
        %ne3A_632 = arith.cmpi ne, %rem3A_630, %ne3A_631 : i32
        %and3A_633 = arith.andi %ne3A_629, %ne3A_632 : i1
        %sub3A_634 = arith.constant 1 : i32
        %sub3A_635 = arith.subi %div3A_614, %sub3A_634 : i32
        %select_n3A_636 = arith.select %and3A_633, %sub3A_635, %div3A_614 : i32
        %jit3A_637 = arith.constant 6 : i32
        %eq3A_638 = arith.constant 0 : i32
        %eq3A_639 = arith.cmpi eq, %jit3A_637, %eq3A_638 : i32
        %jit3A_640 = arith.constant 1 : i32
        %select_n3A_641 = arith.select %eq3A_639, %jit3A_640, %jit3A_637 : i32
        %rem3A_642 = arith.remsi %mul3A_612, %select_n3A_641 : i32
        %ne3A_643 = arith.constant 0 : i32
        %ne3A_644 = arith.cmpi ne, %rem3A_642, %ne3A_643 : i32
        %lt3A_645 = arith.constant 0 : i32
        %lt3A_646 = arith.cmpi slt, %rem3A_642, %lt3A_645 : i32
        %lt3A_647 = arith.constant 0 : i32
        %lt3A_648 = arith.cmpi slt, %select_n3A_641, %lt3A_647 : i32
        %ne3A_649 = arith.xori %lt3A_646, %lt3A_648 : i1
        %and3A_650 = arith.andi %ne3A_649, %ne3A_644 : i1
        %add3A_651 = arith.addi %rem3A_642, %select_n3A_641 : i32
        %select_n3A_652 = arith.select %and3A_650, %add3A_651, %rem3A_642 : i32
        %mul3A_653 = arith.constant 16 : i32
        %mul3A_654 = arith.muli %select_n3A_652, %mul3A_653 : i32
        %mul3A_655 = arith.constant 16 : i32
        %mul3A_656 = arith.muli %mul3A_612, %mul3A_655 : i32
        %add3A_657 = vector.broadcast %mul3A_656 : i32 to vector<16xi32>
        %add3A_658 = arith.addi %add3A_657, %iota3A : vector<16xi32>
        %broadcast_in_dim3A_659 = arith.constant 0.000000e+00 : f32
        %broadcast_in_dim3A_660 = vector.broadcast %broadcast_in_dim3A_659 : f32 to vector<16xf32>
        %broadcast_in_dim3A_661 = arith.constant 0.000000e+00 : f32
        %broadcast_in_dim3A_662 = vector.broadcast %broadcast_in_dim3A_661 : f32 to vector<16xf32>
        %get3A = arith.constant 1 : i32
        %get3A_663 = arith.constant 0 : i32
        %get3A_664 = arith.index_cast %get3A : i32 to index
        %get3A_665 = arith.index_cast %get3A_663 : i32 to index
        %get3A_666 = arith.index_cast %mul3A_656 : i32 to index
        %get3A_667 = tpu.vector_load %arg10[%get3A_664, %get3A_665, %get3A_666] {strides = array<i32>} : memref<2x8x1152xf32, #tpu.memory_space<vmem>>, vector<16xf32>,
        %add3A_668 = arith.constant 0 : i32
        %add3A_669 = vector.broadcast %add3A_668 : i32 to vector<16xi32>
        %add3A_670 = arith.addi %broadcast_in_dim3A_241, %add3A_669 : vector<16xi32>
        %gather3A = arith.constant 1 : i32
        %gather3A_671 = arith.constant 0 : i32
        %gather3A_672 = arith.constant 0 : i32
        %gather3A_673 = arith.constant 0 : i32
        %gather3A_674 = tpu.memref_slice %arg11[%gather3A, %gather3A_671, %gather3A_672, %gather3A_673] : memref<2x2x1152x8xf32, #tpu.memory_space<vmem>> -> memref<1x1x1152x8xf32, #tpu.memory_space<vmem>>
        %gather3A_675 = tpu.memref_squeeze %gather3A_674 : memref<1x1x1152x8xf32, #tpu.memory_space<vmem>> -> memref<1152x8xf32, #tpu.memory_space<vmem>>
        %gather3A_676 = tpu.vector_load_idx %gather3A_675[%add3A_658, %add3A_670] : memref<1152x8xf32, #tpu.memory_space<vmem>>[vector<16xi32>, vector<16xi32>], vector<16xf32>,
        %add3A_677 = arith.constant 0 : i32
        %add3A_678 = vector.broadcast %add3A_677 : i32 to vector<16xi32>
        %add3A_679 = arith.addi %broadcast_in_dim3A_241, %add3A_678 : vector<16xi32>
        %add3A_680 = arith.constant 1 : i32
        %add3A_681 = vector.broadcast %add3A_680 : i32 to vector<16xi32>
        %add3A_682 = arith.addi %add3A_679, %add3A_681 : vector<16xi32>
        %gather3A_683 = arith.constant 1 : i32
        %gather3A_684 = arith.constant 0 : i32
        %gather3A_685 = arith.constant 0 : i32
        %gather3A_686 = arith.constant 0 : i32
        %gather3A_687 = tpu.memref_slice %arg11[%gather3A_683, %gather3A_684, %gather3A_685, %gather3A_686] : memref<2x2x1152x8xf32, #tpu.memory_space<vmem>> -> memref<1x1x1152x8xf32, #tpu.memory_space<vmem>>
        %gather3A_688 = tpu.memref_squeeze %gather3A_687 : memref<1x1x1152x8xf32, #tpu.memory_space<vmem>> -> memref<1152x8xf32, #tpu.memory_space<vmem>>
        %gather3A_689 = tpu.vector_load_idx %gather3A_688[%add3A_658, %add3A_682] : memref<1152x8xf32, #tpu.memory_space<vmem>>[vector<16xi32>, vector<16xi32>], vector<16xf32>,
        %mul3A_690 = arith.mulf %get3A_667, %gather3A_676 : vector<16xf32>
        %add3A_691 = arith.addf %broadcast_in_dim3A_660, %mul3A_690 : vector<16xf32>
        %mul3A_692 = arith.mulf %get3A_667, %gather3A_689 : vector<16xf32>
        %add3A_693 = arith.addf %broadcast_in_dim3A_662, %mul3A_692 : vector<16xf32>
        %get3A_694 = arith.constant 1 : i32
        %get3A_695 = arith.constant 1 : i32
        %get3A_696 = arith.index_cast %get3A_694 : i32 to index
        %get3A_697 = arith.index_cast %get3A_695 : i32 to index
        %get3A_698 = arith.index_cast %mul3A_656 : i32 to index
        %get3A_699 = tpu.vector_load %arg10[%get3A_696, %get3A_697, %get3A_698] {strides = array<i32>} : memref<2x8x1152xf32, #tpu.memory_space<vmem>>, vector<16xf32>,
        %add3A_700 = arith.constant 2 : i32
        %add3A_701 = vector.broadcast %add3A_700 : i32 to vector<16xi32>
        %add3A_702 = arith.addi %broadcast_in_dim3A_241, %add3A_701 : vector<16xi32>
        %gather3A_703 = arith.constant 1 : i32
        %gather3A_704 = arith.constant 0 : i32
        %gather3A_705 = arith.constant 0 : i32
        %gather3A_706 = arith.constant 0 : i32
        %gather3A_707 = tpu.memref_slice %arg11[%gather3A_703, %gather3A_704, %gather3A_705, %gather3A_706] : memref<2x2x1152x8xf32, #tpu.memory_space<vmem>> -> memref<1x1x1152x8xf32, #tpu.memory_space<vmem>>
        %gather3A_708 = tpu.memref_squeeze %gather3A_707 : memref<1x1x1152x8xf32, #tpu.memory_space<vmem>> -> memref<1152x8xf32, #tpu.memory_space<vmem>>
        %gather3A_709 = tpu.vector_load_idx %gather3A_708[%add3A_658, %add3A_702] : memref<1152x8xf32, #tpu.memory_space<vmem>>[vector<16xi32>, vector<16xi32>], vector<16xf32>,
        %add3A_710 = arith.constant 2 : i32
        %add3A_711 = vector.broadcast %add3A_710 : i32 to vector<16xi32>
        %add3A_712 = arith.addi %broadcast_in_dim3A_241, %add3A_711 : vector<16xi32>
        %add3A_713 = arith.constant 1 : i32
        %add3A_714 = vector.broadcast %add3A_713 : i32 to vector<16xi32>
        %add3A_715 = arith.addi %add3A_712, %add3A_714 : vector<16xi32>
        %gather3A_716 = arith.constant 1 : i32
        %gather3A_717 = arith.constant 0 : i32
        %gather3A_718 = arith.constant 0 : i32
        %gather3A_719 = arith.constant 0 : i32
        %gather3A_720 = tpu.memref_slice %arg11[%gather3A_716, %gather3A_717, %gather3A_718, %gather3A_719] : memref<2x2x1152x8xf32, #tpu.memory_space<vmem>> -> memref<1x1x1152x8xf32, #tpu.memory_space<vmem>>
        %gather3A_721 = tpu.memref_squeeze %gather3A_720 : memref<1x1x1152x8xf32, #tpu.memory_space<vmem>> -> memref<1152x8xf32, #tpu.memory_space<vmem>>
        %gather3A_722 = tpu.vector_load_idx %gather3A_721[%add3A_658, %add3A_715] : memref<1152x8xf32, #tpu.memory_space<vmem>>[vector<16xi32>, vector<16xi32>], vector<16xf32>,
        %mul3A_723 = arith.mulf %get3A_699, %gather3A_709 : vector<16xf32>
        %add3A_724 = arith.addf %add3A_691, %mul3A_723 : vector<16xf32>
        %mul3A_725 = arith.mulf %get3A_699, %gather3A_722 : vector<16xf32>
        %add3A_726 = arith.addf %add3A_693, %mul3A_725 : vector<16xf32>
        %get3A_727 = arith.constant 1 : i32
        %get3A_728 = arith.constant 2 : i32
        %get3A_729 = arith.index_cast %get3A_727 : i32 to index
        %get3A_730 = arith.index_cast %get3A_728 : i32 to index
        %get3A_731 = arith.index_cast %mul3A_656 : i32 to index
        %get3A_732 = tpu.vector_load %arg10[%get3A_729, %get3A_730, %get3A_731] {strides = array<i32>} : memref<2x8x1152xf32, #tpu.memory_space<vmem>>, vector<16xf32>,
        %add3A_733 = arith.constant 4 : i32
        %add3A_734 = vector.broadcast %add3A_733 : i32 to vector<16xi32>
        %add3A_735 = arith.addi %broadcast_in_dim3A_241, %add3A_734 : vector<16xi32>
        %gather3A_736 = arith.constant 1 : i32
        %gather3A_737 = arith.constant 0 : i32
        %gather3A_738 = arith.constant 0 : i32
        %gather3A_739 = arith.constant 0 : i32
        %gather3A_740 = tpu.memref_slice %arg11[%gather3A_736, %gather3A_737, %gather3A_738, %gather3A_739] : memref<2x2x1152x8xf32, #tpu.memory_space<vmem>> -> memref<1x1x1152x8xf32, #tpu.memory_space<vmem>>
        %gather3A_741 = tpu.memref_squeeze %gather3A_740 : memref<1x1x1152x8xf32, #tpu.memory_space<vmem>> -> memref<1152x8xf32, #tpu.memory_space<vmem>>
        %gather3A_742 = tpu.vector_load_idx %gather3A_741[%add3A_658, %add3A_735] : memref<1152x8xf32, #tpu.memory_space<vmem>>[vector<16xi32>, vector<16xi32>], vector<16xf32>,
        %add3A_743 = arith.constant 4 : i32
        %add3A_744 = vector.broadcast %add3A_743 : i32 to vector<16xi32>
        %add3A_745 = arith.addi %broadcast_in_dim3A_241, %add3A_744 : vector<16xi32>
        %add3A_746 = arith.constant 1 : i32
        %add3A_747 = vector.broadcast %add3A_746 : i32 to vector<16xi32>
        %add3A_748 = arith.addi %add3A_745, %add3A_747 : vector<16xi32>
        %gather3A_749 = arith.constant 1 : i32
        %gather3A_750 = arith.constant 0 : i32
        %gather3A_751 = arith.constant 0 : i32
        %gather3A_752 = arith.constant 0 : i32
        %gather3A_753 = tpu.memref_slice %arg11[%gather3A_749, %gather3A_750, %gather3A_751, %gather3A_752] : memref<2x2x1152x8xf32, #tpu.memory_space<vmem>> -> memref<1x1x1152x8xf32, #tpu.memory_space<vmem>>
        %gather3A_754 = tpu.memref_squeeze %gather3A_753 : memref<1x1x1152x8xf32, #tpu.memory_space<vmem>> -> memref<1152x8xf32, #tpu.memory_space<vmem>>
        %gather3A_755 = tpu.vector_load_idx %gather3A_754[%add3A_658, %add3A_748] : memref<1152x8xf32, #tpu.memory_space<vmem>>[vector<16xi32>, vector<16xi32>], vector<16xf32>,
        %mul3A_756 = arith.mulf %get3A_732, %gather3A_742 : vector<16xf32>
        %add3A_757 = arith.addf %add3A_724, %mul3A_756 : vector<16xf32>
        %mul3A_758 = arith.mulf %get3A_732, %gather3A_755 : vector<16xf32>
        %add3A_759 = arith.addf %add3A_726, %mul3A_758 : vector<16xf32>
        %get3A_760 = arith.constant 1 : i32
        %get3A_761 = arith.constant 3 : i32
        %get3A_762 = arith.index_cast %get3A_760 : i32 to index
        %get3A_763 = arith.index_cast %get3A_761 : i32 to index
        %get3A_764 = arith.index_cast %mul3A_656 : i32 to index
        %get3A_765 = tpu.vector_load %arg10[%get3A_762, %get3A_763, %get3A_764] {strides = array<i32>} : memref<2x8x1152xf32, #tpu.memory_space<vmem>>, vector<16xf32>,
        %add3A_766 = arith.constant 6 : i32
        %add3A_767 = vector.broadcast %add3A_766 : i32 to vector<16xi32>
        %add3A_768 = arith.addi %broadcast_in_dim3A_241, %add3A_767 : vector<16xi32>
        %gather3A_769 = arith.constant 1 : i32
        %gather3A_770 = arith.constant 0 : i32
        %gather3A_771 = arith.constant 0 : i32
        %gather3A_772 = arith.constant 0 : i32
        %gather3A_773 = tpu.memref_slice %arg11[%gather3A_769, %gather3A_770, %gather3A_771, %gather3A_772] : memref<2x2x1152x8xf32, #tpu.memory_space<vmem>> -> memref<1x1x1152x8xf32, #tpu.memory_space<vmem>>
        %gather3A_774 = tpu.memref_squeeze %gather3A_773 : memref<1x1x1152x8xf32, #tpu.memory_space<vmem>> -> memref<1152x8xf32, #tpu.memory_space<vmem>>
        %gather3A_775 = tpu.vector_load_idx %gather3A_774[%add3A_658, %add3A_768] : memref<1152x8xf32, #tpu.memory_space<vmem>>[vector<16xi32>, vector<16xi32>], vector<16xf32>,
        %add3A_776 = arith.constant 6 : i32
        %add3A_777 = vector.broadcast %add3A_776 : i32 to vector<16xi32>
        %add3A_778 = arith.addi %broadcast_in_dim3A_241, %add3A_777 : vector<16xi32>
        %add3A_779 = arith.constant 1 : i32
        %add3A_780 = vector.broadcast %add3A_779 : i32 to vector<16xi32>
        %add3A_781 = arith.addi %add3A_778, %add3A_780 : vector<16xi32>
        %gather3A_782 = arith.constant 1 : i32
        %gather3A_783 = arith.constant 0 : i32
        %gather3A_784 = arith.constant 0 : i32
        %gather3A_785 = arith.constant 0 : i32
        %gather3A_786 = tpu.memref_slice %arg11[%gather3A_782, %gather3A_783, %gather3A_784, %gather3A_785] : memref<2x2x1152x8xf32, #tpu.memory_space<vmem>> -> memref<1x1x1152x8xf32, #tpu.memory_space<vmem>>
        %gather3A_787 = tpu.memref_squeeze %gather3A_786 : memref<1x1x1152x8xf32, #tpu.memory_space<vmem>> -> memref<1152x8xf32, #tpu.memory_space<vmem>>
        %gather3A_788 = tpu.vector_load_idx %gather3A_787[%add3A_658, %add3A_781] : memref<1152x8xf32, #tpu.memory_space<vmem>>[vector<16xi32>, vector<16xi32>], vector<16xf32>,
        %mul3A_789 = arith.mulf %get3A_765, %gather3A_775 : vector<16xf32>
        %add3A_790 = arith.addf %add3A_757, %mul3A_789 : vector<16xf32>
        %mul3A_791 = arith.mulf %get3A_765, %gather3A_788 : vector<16xf32>
        %add3A_792 = arith.addf %add3A_759, %mul3A_791 : vector<16xf32>
        %get3A_793 = arith.constant 1 : i32
        %get3A_794 = arith.constant 4 : i32
        %get3A_795 = arith.index_cast %get3A_793 : i32 to index
        %get3A_796 = arith.index_cast %get3A_794 : i32 to index
        %get3A_797 = arith.index_cast %mul3A_656 : i32 to index
        %get3A_798 = tpu.vector_load %arg10[%get3A_795, %get3A_796, %get3A_797] {strides = array<i32>} : memref<2x8x1152xf32, #tpu.memory_space<vmem>>, vector<16xf32>,
        %add3A_799 = arith.constant 0 : i32
        %add3A_800 = vector.broadcast %add3A_799 : i32 to vector<16xi32>
        %add3A_801 = arith.addi %broadcast_in_dim3A_241, %add3A_800 : vector<16xi32>
        %gather3A_802 = arith.constant 1 : i32
        %gather3A_803 = arith.constant 1 : i32
        %gather3A_804 = arith.constant 0 : i32
        %gather3A_805 = arith.constant 0 : i32
        %gather3A_806 = tpu.memref_slice %arg11[%gather3A_802, %gather3A_803, %gather3A_804, %gather3A_805] : memref<2x2x1152x8xf32, #tpu.memory_space<vmem>> -> memref<1x1x1152x8xf32, #tpu.memory_space<vmem>>
        %gather3A_807 = tpu.memref_squeeze %gather3A_806 : memref<1x1x1152x8xf32, #tpu.memory_space<vmem>> -> memref<1152x8xf32, #tpu.memory_space<vmem>>
        %gather3A_808 = tpu.vector_load_idx %gather3A_807[%add3A_658, %add3A_801] : memref<1152x8xf32, #tpu.memory_space<vmem>>[vector<16xi32>, vector<16xi32>], vector<16xf32>,
        %add3A_809 = arith.constant 0 : i32
        %add3A_810 = vector.broadcast %add3A_809 : i32 to vector<16xi32>
        %add3A_811 = arith.addi %broadcast_in_dim3A_241, %add3A_810 : vector<16xi32>
        %add3A_812 = arith.constant 1 : i32
        %add3A_813 = vector.broadcast %add3A_812 : i32 to vector<16xi32>
        %add3A_814 = arith.addi %add3A_811, %add3A_813 : vector<16xi32>
        %gather3A_815 = arith.constant 1 : i32
        %gather3A_816 = arith.constant 1 : i32
        %gather3A_817 = arith.constant 0 : i32
        %gather3A_818 = arith.constant 0 : i32
        %gather3A_819 = tpu.memref_slice %arg11[%gather3A_815, %gather3A_816, %gather3A_817, %gather3A_818] : memref<2x2x1152x8xf32, #tpu.memory_space<vmem>> -> memref<1x1x1152x8xf32, #tpu.memory_space<vmem>>
        %gather3A_820 = tpu.memref_squeeze %gather3A_819 : memref<1x1x1152x8xf32, #tpu.memory_space<vmem>> -> memref<1152x8xf32, #tpu.memory_space<vmem>>
        %gather3A_821 = tpu.vector_load_idx %gather3A_820[%add3A_658, %add3A_814] : memref<1152x8xf32, #tpu.memory_space<vmem>>[vector<16xi32>, vector<16xi32>], vector<16xf32>,
        %mul3A_822 = arith.mulf %get3A_798, %gather3A_808 : vector<16xf32>
        %add3A_823 = arith.addf %add3A_790, %mul3A_822 : vector<16xf32>
        %mul3A_824 = arith.mulf %get3A_798, %gather3A_821 : vector<16xf32>
        %add3A_825 = arith.addf %add3A_792, %mul3A_824 : vector<16xf32>
        %get3A_826 = arith.constant 1 : i32
        %get3A_827 = arith.constant 5 : i32
        %get3A_828 = arith.index_cast %get3A_826 : i32 to index
        %get3A_829 = arith.index_cast %get3A_827 : i32 to index
        %get3A_830 = arith.index_cast %mul3A_656 : i32 to index
        %get3A_831 = tpu.vector_load %arg10[%get3A_828, %get3A_829, %get3A_830] {strides = array<i32>} : memref<2x8x1152xf32, #tpu.memory_space<vmem>>, vector<16xf32>,
        %add3A_832 = arith.constant 2 : i32
        %add3A_833 = vector.broadcast %add3A_832 : i32 to vector<16xi32>
        %add3A_834 = arith.addi %broadcast_in_dim3A_241, %add3A_833 : vector<16xi32>
        %gather3A_835 = arith.constant 1 : i32
        %gather3A_836 = arith.constant 1 : i32
        %gather3A_837 = arith.constant 0 : i32
        %gather3A_838 = arith.constant 0 : i32
        %gather3A_839 = tpu.memref_slice %arg11[%gather3A_835, %gather3A_836, %gather3A_837, %gather3A_838] : memref<2x2x1152x8xf32, #tpu.memory_space<vmem>> -> memref<1x1x1152x8xf32, #tpu.memory_space<vmem>>
        %gather3A_840 = tpu.memref_squeeze %gather3A_839 : memref<1x1x1152x8xf32, #tpu.memory_space<vmem>> -> memref<1152x8xf32, #tpu.memory_space<vmem>>
        %gather3A_841 = tpu.vector_load_idx %gather3A_840[%add3A_658, %add3A_834] : memref<1152x8xf32, #tpu.memory_space<vmem>>[vector<16xi32>, vector<16xi32>], vector<16xf32>,
        %add3A_842 = arith.constant 2 : i32
        %add3A_843 = vector.broadcast %add3A_842 : i32 to vector<16xi32>
        %add3A_844 = arith.addi %broadcast_in_dim3A_241, %add3A_843 : vector<16xi32>
        %add3A_845 = arith.constant 1 : i32
        %add3A_846 = vector.broadcast %add3A_845 : i32 to vector<16xi32>
        %add3A_847 = arith.addi %add3A_844, %add3A_846 : vector<16xi32>
        %gather3A_848 = arith.constant 1 : i32
        %gather3A_849 = arith.constant 1 : i32
        %gather3A_850 = arith.constant 0 : i32
        %gather3A_851 = arith.constant 0 : i32
        %gather3A_852 = tpu.memref_slice %arg11[%gather3A_848, %gather3A_849, %gather3A_850, %gather3A_851] : memref<2x2x1152x8xf32, #tpu.memory_space<vmem>> -> memref<1x1x1152x8xf32, #tpu.memory_space<vmem>>
        %gather3A_853 = tpu.memref_squeeze %gather3A_852 : memref<1x1x1152x8xf32, #tpu.memory_space<vmem>> -> memref<1152x8xf32, #tpu.memory_space<vmem>>
        %gather3A_854 = tpu.vector_load_idx %gather3A_853[%add3A_658, %add3A_847] : memref<1152x8xf32, #tpu.memory_space<vmem>>[vector<16xi32>, vector<16xi32>], vector<16xf32>,
        %mul3A_855 = arith.mulf %get3A_831, %gather3A_841 : vector<16xf32>
        %add3A_856 = arith.addf %add3A_823, %mul3A_855 : vector<16xf32>
        %mul3A_857 = arith.mulf %get3A_831, %gather3A_854 : vector<16xf32>
        %add3A_858 = arith.addf %add3A_825, %mul3A_857 : vector<16xf32>
        %get3A_859 = arith.constant 1 : i32
        %get3A_860 = arith.constant 6 : i32
        %get3A_861 = arith.index_cast %get3A_859 : i32 to index
        %get3A_862 = arith.index_cast %get3A_860 : i32 to index
        %get3A_863 = arith.index_cast %mul3A_656 : i32 to index
        %get3A_864 = tpu.vector_load %arg10[%get3A_861, %get3A_862, %get3A_863] {strides = array<i32>} : memref<2x8x1152xf32, #tpu.memory_space<vmem>>, vector<16xf32>,
        %add3A_865 = arith.constant 4 : i32
        %add3A_866 = vector.broadcast %add3A_865 : i32 to vector<16xi32>
        %add3A_867 = arith.addi %broadcast_in_dim3A_241, %add3A_866 : vector<16xi32>
        %gather3A_868 = arith.constant 1 : i32
        %gather3A_869 = arith.constant 1 : i32
        %gather3A_870 = arith.constant 0 : i32
        %gather3A_871 = arith.constant 0 : i32
        %gather3A_872 = tpu.memref_slice %arg11[%gather3A_868, %gather3A_869, %gather3A_870, %gather3A_871] : memref<2x2x1152x8xf32, #tpu.memory_space<vmem>> -> memref<1x1x1152x8xf32, #tpu.memory_space<vmem>>
        %gather3A_873 = tpu.memref_squeeze %gather3A_872 : memref<1x1x1152x8xf32, #tpu.memory_space<vmem>> -> memref<1152x8xf32, #tpu.memory_space<vmem>>
        %gather3A_874 = tpu.vector_load_idx %gather3A_873[%add3A_658, %add3A_867] : memref<1152x8xf32, #tpu.memory_space<vmem>>[vector<16xi32>, vector<16xi32>], vector<16xf32>,
        %add3A_875 = arith.constant 4 : i32
        %add3A_876 = vector.broadcast %add3A_875 : i32 to vector<16xi32>
        %add3A_877 = arith.addi %broadcast_in_dim3A_241, %add3A_876 : vector<16xi32>
        %add3A_878 = arith.constant 1 : i32
        %add3A_879 = vector.broadcast %add3A_878 : i32 to vector<16xi32>
        %add3A_880 = arith.addi %add3A_877, %add3A_879 : vector<16xi32>
        %gather3A_881 = arith.constant 1 : i32
        %gather3A_882 = arith.constant 1 : i32
        %gather3A_883 = arith.constant 0 : i32
        %gather3A_884 = arith.constant 0 : i32
        %gather3A_885 = tpu.memref_slice %arg11[%gather3A_881, %gather3A_882, %gather3A_883, %gather3A_884] : memref<2x2x1152x8xf32, #tpu.memory_space<vmem>> -> memref<1x1x1152x8xf32, #tpu.memory_space<vmem>>
        %gather3A_886 = tpu.memref_squeeze %gather3A_885 : memref<1x1x1152x8xf32, #tpu.memory_space<vmem>> -> memref<1152x8xf32, #tpu.memory_space<vmem>>
        %gather3A_887 = tpu.vector_load_idx %gather3A_886[%add3A_658, %add3A_880] : memref<1152x8xf32, #tpu.memory_space<vmem>>[vector<16xi32>, vector<16xi32>], vector<16xf32>,
        %mul3A_888 = arith.mulf %get3A_864, %gather3A_874 : vector<16xf32>
        %add3A_889 = arith.addf %add3A_856, %mul3A_888 : vector<16xf32>
        %mul3A_890 = arith.mulf %get3A_864, %gather3A_887 : vector<16xf32>
        %add3A_891 = arith.addf %add3A_858, %mul3A_890 : vector<16xf32>
        %get3A_892 = arith.constant 1 : i32
        %get3A_893 = arith.constant 7 : i32
        %get3A_894 = arith.index_cast %get3A_892 : i32 to index
        %get3A_895 = arith.index_cast %get3A_893 : i32 to index
        %get3A_896 = arith.index_cast %mul3A_656 : i32 to index
        %get3A_897 = tpu.vector_load %arg10[%get3A_894, %get3A_895, %get3A_896] {strides = array<i32>} : memref<2x8x1152xf32, #tpu.memory_space<vmem>>, vector<16xf32>,
        %add3A_898 = arith.constant 6 : i32
        %add3A_899 = vector.broadcast %add3A_898 : i32 to vector<16xi32>
        %add3A_900 = arith.addi %broadcast_in_dim3A_241, %add3A_899 : vector<16xi32>
        %gather3A_901 = arith.constant 1 : i32
        %gather3A_902 = arith.constant 1 : i32
        %gather3A_903 = arith.constant 0 : i32
        %gather3A_904 = arith.constant 0 : i32
        %gather3A_905 = tpu.memref_slice %arg11[%gather3A_901, %gather3A_902, %gather3A_903, %gather3A_904] : memref<2x2x1152x8xf32, #tpu.memory_space<vmem>> -> memref<1x1x1152x8xf32, #tpu.memory_space<vmem>>
        %gather3A_906 = tpu.memref_squeeze %gather3A_905 : memref<1x1x1152x8xf32, #tpu.memory_space<vmem>> -> memref<1152x8xf32, #tpu.memory_space<vmem>>
        %gather3A_907 = tpu.vector_load_idx %gather3A_906[%add3A_658, %add3A_900] : memref<1152x8xf32, #tpu.memory_space<vmem>>[vector<16xi32>, vector<16xi32>], vector<16xf32>,
        %add3A_908 = arith.constant 6 : i32
        %add3A_909 = vector.broadcast %add3A_908 : i32 to vector<16xi32>
        %add3A_910 = arith.addi %broadcast_in_dim3A_241, %add3A_909 : vector<16xi32>
        %add3A_911 = arith.constant 1 : i32
        %add3A_912 = vector.broadcast %add3A_911 : i32 to vector<16xi32>
        %add3A_913 = arith.addi %add3A_910, %add3A_912 : vector<16xi32>
        %gather3A_914 = arith.constant 1 : i32
        %gather3A_915 = arith.constant 1 : i32
        %gather3A_916 = arith.constant 0 : i32
        %gather3A_917 = arith.constant 0 : i32
        %gather3A_918 = tpu.memref_slice %arg11[%gather3A_914, %gather3A_915, %gather3A_916, %gather3A_917] : memref<2x2x1152x8xf32, #tpu.memory_space<vmem>> -> memref<1x1x1152x8xf32, #tpu.memory_space<vmem>>
        %gather3A_919 = tpu.memref_squeeze %gather3A_918 : memref<1x1x1152x8xf32, #tpu.memory_space<vmem>> -> memref<1152x8xf32, #tpu.memory_space<vmem>>
        %gather3A_920 = tpu.vector_load_idx %gather3A_919[%add3A_658, %add3A_913] : memref<1152x8xf32, #tpu.memory_space<vmem>>[vector<16xi32>, vector<16xi32>], vector<16xf32>,
        %mul3A_921 = arith.mulf %get3A_897, %gather3A_907 : vector<16xf32>
        %add3A_922 = arith.addf %add3A_889, %mul3A_921 : vector<16xf32>
        %mul3A_923 = arith.mulf %get3A_897, %gather3A_920 : vector<16xf32>
        %add3A_924 = arith.addf %add3A_891, %mul3A_923 : vector<16xf32>
        %mul3A_925 = arith.constant 256 : i32
        %mul3A_926 = arith.muli %select_n3A_636, %mul3A_925 : i32
        %add3A_927 = arith.addi %mul3A_926, %mul3A_654 : i32
        %swap3A = arith.constant 1 : i32
        %swap3A_928 = arith.index_cast %swap3A : i32 to index
        %swap3A_929 = arith.index_cast %add3A_927 : i32 to index
        %swap3A_930 = tpu.vector_load %arg12[%swap3A_928, %swap3A_929] {strides = array<i32>} : memref<2x3072xf32, #tpu.memory_space<vmem>>, vector<16xf32>,
        tpu.vector_store %arg12[%swap3A_928, %swap3A_929], %add3A_922 {strides = array<i32>} : memref<2x3072xf32, #tpu.memory_space<vmem>>, vector<16xf32>,
        %mul3A_931 = arith.constant 256 : i32
        %mul3A_932 = arith.muli %select_n3A_636, %mul3A_931 : i32
        %add3A_933 = arith.constant 128 : i32
        %add3A_934 = arith.addi %mul3A_932, %add3A_933 : i32
        %add3A_935 = arith.addi %add3A_934, %mul3A_654 : i32
        %swap3A_936 = arith.constant 1 : i32
        %swap3A_937 = arith.index_cast %swap3A_936 : i32 to index
        %swap3A_938 = arith.index_cast %add3A_935 : i32 to index
        %swap3A_939 = tpu.vector_load %arg12[%swap3A_937, %swap3A_938] {strides = array<i32>} : memref<2x3072xf32, #tpu.memory_space<vmem>>, vector<16xf32>,
        tpu.vector_store %arg12[%swap3A_937, %swap3A_938], %add3A_924 {strides = array<i32>} : memref<2x3072xf32, #tpu.memory_space<vmem>>, vector<16xf32>,
        %mul3A_940 = arith.constant 2 : i32
        %mul3A_941 = arith.muli %scan3A_610, %mul3A_940 : i32
        %add3A_942 = arith.constant 1 : i32
        %add3A_943 = arith.addi %mul3A_941, %add3A_942 : i32
        %jit3A_944 = arith.constant 6 : i32
        %div3A_945 = arith.divsi %add3A_943, %jit3A_944 : i32
        %sign3A_946 = arith.constant 0 : i32
        %sign3A_947 = arith.cmpi sgt, %add3A_943, %sign3A_946 : i32
        %sign3A_948 = arith.extui %sign3A_947 : i1 to i32
        %sign3A_949 = arith.constant 0 : i32
        %sign3A_950 = arith.cmpi slt, %add3A_943, %sign3A_949 : i32
        %sign3A_951 = arith.extui %sign3A_950 : i1 to i32
        %sign3A_952 = arith.subi %sign3A_948, %sign3A_951 : i32
        %sign3A_953 = arith.constant 0 : i32
        %sign3A_954 = arith.cmpi sgt, %jit3A_944, %sign3A_953 : i32
        %sign3A_955 = arith.extui %sign3A_954 : i1 to i32
        %sign3A_956 = arith.constant 0 : i32
        %sign3A_957 = arith.cmpi slt, %jit3A_944, %sign3A_956 : i32
        %sign3A_958 = arith.extui %sign3A_957 : i1 to i32
        %sign3A_959 = arith.subi %sign3A_955, %sign3A_958 : i32
        %ne3A_960 = arith.cmpi ne, %sign3A_952, %sign3A_959 : i32
        %rem3A_961 = arith.remsi %add3A_943, %jit3A_944 : i32
        %ne3A_962 = arith.constant 0 : i32
        %ne3A_963 = arith.cmpi ne, %rem3A_961, %ne3A_962 : i32
        %and3A_964 = arith.andi %ne3A_960, %ne3A_963 : i1
        %sub3A_965 = arith.constant 1 : i32
        %sub3A_966 = arith.subi %div3A_945, %sub3A_965 : i32
        %select_n3A_967 = arith.select %and3A_964, %sub3A_966, %div3A_945 : i32
        %jit3A_968 = arith.constant 6 : i32
        %eq3A_969 = arith.constant 0 : i32
        %eq3A_970 = arith.cmpi eq, %jit3A_968, %eq3A_969 : i32
        %jit3A_971 = arith.constant 1 : i32
        %select_n3A_972 = arith.select %eq3A_970, %jit3A_971, %jit3A_968 : i32
        %rem3A_973 = arith.remsi %add3A_943, %select_n3A_972 : i32
        %ne3A_974 = arith.constant 0 : i32
        %ne3A_975 = arith.cmpi ne, %rem3A_973, %ne3A_974 : i32
        %lt3A_976 = arith.constant 0 : i32
        %lt3A_977 = arith.cmpi slt, %rem3A_973, %lt3A_976 : i32
        %lt3A_978 = arith.constant 0 : i32
        %lt3A_979 = arith.cmpi slt, %select_n3A_972, %lt3A_978 : i32
        %ne3A_980 = arith.xori %lt3A_977, %lt3A_979 : i1
        %and3A_981 = arith.andi %ne3A_980, %ne3A_975 : i1
        %add3A_982 = arith.addi %rem3A_973, %select_n3A_972 : i32
        %select_n3A_983 = arith.select %and3A_981, %add3A_982, %rem3A_973 : i32
        %mul3A_984 = arith.constant 16 : i32
        %mul3A_985 = arith.muli %select_n3A_983, %mul3A_984 : i32
        %mul3A_986 = arith.constant 16 : i32
        %mul3A_987 = arith.muli %add3A_943, %mul3A_986 : i32
        %add3A_988 = vector.broadcast %mul3A_987 : i32 to vector<16xi32>
        %add3A_989 = arith.addi %add3A_988, %iota3A : vector<16xi32>
        %broadcast_in_dim3A_990 = arith.constant 0.000000e+00 : f32
        %broadcast_in_dim3A_991 = vector.broadcast %broadcast_in_dim3A_990 : f32 to vector<16xf32>
        %broadcast_in_dim3A_992 = arith.constant 0.000000e+00 : f32
        %broadcast_in_dim3A_993 = vector.broadcast %broadcast_in_dim3A_992 : f32 to vector<16xf32>
        %get3A_994 = arith.constant 1 : i32
        %get3A_995 = arith.constant 0 : i32
        %get3A_996 = arith.index_cast %get3A_994 : i32 to index
        %get3A_997 = arith.index_cast %get3A_995 : i32 to index
        %get3A_998 = arith.index_cast %mul3A_987 : i32 to index
        %get3A_999 = tpu.vector_load %arg10[%get3A_996, %get3A_997, %get3A_998] {strides = array<i32>} : memref<2x8x1152xf32, #tpu.memory_space<vmem>>, vector<16xf32>,
        %add3A_1000 = arith.constant 0 : i32
        %add3A_1001 = vector.broadcast %add3A_1000 : i32 to vector<16xi32>
        %add3A_1002 = arith.addi %broadcast_in_dim3A_241, %add3A_1001 : vector<16xi32>
        %gather3A_1003 = arith.constant 1 : i32
        %gather3A_1004 = arith.constant 0 : i32
        %gather3A_1005 = arith.constant 0 : i32
        %gather3A_1006 = arith.constant 0 : i32
        %gather3A_1007 = tpu.memref_slice %arg11[%gather3A_1003, %gather3A_1004, %gather3A_1005, %gather3A_1006] : memref<2x2x1152x8xf32, #tpu.memory_space<vmem>> -> memref<1x1x1152x8xf32, #tpu.memory_space<vmem>>
        %gather3A_1008 = tpu.memref_squeeze %gather3A_1007 : memref<1x1x1152x8xf32, #tpu.memory_space<vmem>> -> memref<1152x8xf32, #tpu.memory_space<vmem>>
        %gather3A_1009 = tpu.vector_load_idx %gather3A_1008[%add3A_989, %add3A_1002] : memref<1152x8xf32, #tpu.memory_space<vmem>>[vector<16xi32>, vector<16xi32>], vector<16xf32>,
        %add3A_1010 = arith.constant 0 : i32
        %add3A_1011 = vector.broadcast %add3A_1010 : i32 to vector<16xi32>
        %add3A_1012 = arith.addi %broadcast_in_dim3A_241, %add3A_1011 : vector<16xi32>
        %add3A_1013 = arith.constant 1 : i32
        %add3A_1014 = vector.broadcast %add3A_1013 : i32 to vector<16xi32>
        %add3A_1015 = arith.addi %add3A_1012, %add3A_1014 : vector<16xi32>
        %gather3A_1016 = arith.constant 1 : i32
        %gather3A_1017 = arith.constant 0 : i32
        %gather3A_1018 = arith.constant 0 : i32
        %gather3A_1019 = arith.constant 0 : i32
        %gather3A_1020 = tpu.memref_slice %arg11[%gather3A_1016, %gather3A_1017, %gather3A_1018, %gather3A_1019] : memref<2x2x1152x8xf32, #tpu.memory_space<vmem>> -> memref<1x1x1152x8xf32, #tpu.memory_space<vmem>>
        %gather3A_1021 = tpu.memref_squeeze %gather3A_1020 : memref<1x1x1152x8xf32, #tpu.memory_space<vmem>> -> memref<1152x8xf32, #tpu.memory_space<vmem>>
        %gather3A_1022 = tpu.vector_load_idx %gather3A_1021[%add3A_989, %add3A_1015] : memref<1152x8xf32, #tpu.memory_space<vmem>>[vector<16xi32>, vector<16xi32>], vector<16xf32>,
        %mul3A_1023 = arith.mulf %get3A_999, %gather3A_1009 : vector<16xf32>
        %add3A_1024 = arith.addf %broadcast_in_dim3A_991, %mul3A_1023 : vector<16xf32>
        %mul3A_1025 = arith.mulf %get3A_999, %gather3A_1022 : vector<16xf32>
        %add3A_1026 = arith.addf %broadcast_in_dim3A_993, %mul3A_1025 : vector<16xf32>
        %get3A_1027 = arith.constant 1 : i32
        %get3A_1028 = arith.constant 1 : i32
        %get3A_1029 = arith.index_cast %get3A_1027 : i32 to index
        %get3A_1030 = arith.index_cast %get3A_1028 : i32 to index
        %get3A_1031 = arith.index_cast %mul3A_987 : i32 to index
        %get3A_1032 = tpu.vector_load %arg10[%get3A_1029, %get3A_1030, %get3A_1031] {strides = array<i32>} : memref<2x8x1152xf32, #tpu.memory_space<vmem>>, vector<16xf32>,
        %add3A_1033 = arith.constant 2 : i32
        %add3A_1034 = vector.broadcast %add3A_1033 : i32 to vector<16xi32>
        %add3A_1035 = arith.addi %broadcast_in_dim3A_241, %add3A_1034 : vector<16xi32>
        %gather3A_1036 = arith.constant 1 : i32
        %gather3A_1037 = arith.constant 0 : i32
        %gather3A_1038 = arith.constant 0 : i32
        %gather3A_1039 = arith.constant 0 : i32
        %gather3A_1040 = tpu.memref_slice %arg11[%gather3A_1036, %gather3A_1037, %gather3A_1038, %gather3A_1039] : memref<2x2x1152x8xf32, #tpu.memory_space<vmem>> -> memref<1x1x1152x8xf32, #tpu.memory_space<vmem>>
        %gather3A_1041 = tpu.memref_squeeze %gather3A_1040 : memref<1x1x1152x8xf32, #tpu.memory_space<vmem>> -> memref<1152x8xf32, #tpu.memory_space<vmem>>
        %gather3A_1042 = tpu.vector_load_idx %gather3A_1041[%add3A_989, %add3A_1035] : memref<1152x8xf32, #tpu.memory_space<vmem>>[vector<16xi32>, vector<16xi32>], vector<16xf32>,
        %add3A_1043 = arith.constant 2 : i32
        %add3A_1044 = vector.broadcast %add3A_1043 : i32 to vector<16xi32>
        %add3A_1045 = arith.addi %broadcast_in_dim3A_241, %add3A_1044 : vector<16xi32>
        %add3A_1046 = arith.constant 1 : i32
        %add3A_1047 = vector.broadcast %add3A_1046 : i32 to vector<16xi32>
        %add3A_1048 = arith.addi %add3A_1045, %add3A_1047 : vector<16xi32>
        %gather3A_1049 = arith.constant 1 : i32
        %gather3A_1050 = arith.constant 0 : i32
        %gather3A_1051 = arith.constant 0 : i32
        %gather3A_1052 = arith.constant 0 : i32
        %gather3A_1053 = tpu.memref_slice %arg11[%gather3A_1049, %gather3A_1050, %gather3A_1051, %gather3A_1052] : memref<2x2x1152x8xf32, #tpu.memory_space<vmem>> -> memref<1x1x1152x8xf32, #tpu.memory_space<vmem>>
        %gather3A_1054 = tpu.memref_squeeze %gather3A_1053 : memref<1x1x1152x8xf32, #tpu.memory_space<vmem>> -> memref<1152x8xf32, #tpu.memory_space<vmem>>
        %gather3A_1055 = tpu.vector_load_idx %gather3A_1054[%add3A_989, %add3A_1048] : memref<1152x8xf32, #tpu.memory_space<vmem>>[vector<16xi32>, vector<16xi32>], vector<16xf32>,
        %mul3A_1056 = arith.mulf %get3A_1032, %gather3A_1042 : vector<16xf32>
        %add3A_1057 = arith.addf %add3A_1024, %mul3A_1056 : vector<16xf32>
        %mul3A_1058 = arith.mulf %get3A_1032, %gather3A_1055 : vector<16xf32>
        %add3A_1059 = arith.addf %add3A_1026, %mul3A_1058 : vector<16xf32>
        %get3A_1060 = arith.constant 1 : i32
        %get3A_1061 = arith.constant 2 : i32
        %get3A_1062 = arith.index_cast %get3A_1060 : i32 to index
        %get3A_1063 = arith.index_cast %get3A_1061 : i32 to index
        %get3A_1064 = arith.index_cast %mul3A_987 : i32 to index
        %get3A_1065 = tpu.vector_load %arg10[%get3A_1062, %get3A_1063, %get3A_1064] {strides = array<i32>} : memref<2x8x1152xf32, #tpu.memory_space<vmem>>, vector<16xf32>,
        %add3A_1066 = arith.constant 4 : i32
        %add3A_1067 = vector.broadcast %add3A_1066 : i32 to vector<16xi32>
        %add3A_1068 = arith.addi %broadcast_in_dim3A_241, %add3A_1067 : vector<16xi32>
        %gather3A_1069 = arith.constant 1 : i32
        %gather3A_1070 = arith.constant 0 : i32
        %gather3A_1071 = arith.constant 0 : i32
        %gather3A_1072 = arith.constant 0 : i32
        %gather3A_1073 = tpu.memref_slice %arg11[%gather3A_1069, %gather3A_1070, %gather3A_1071, %gather3A_1072] : memref<2x2x1152x8xf32, #tpu.memory_space<vmem>> -> memref<1x1x1152x8xf32, #tpu.memory_space<vmem>>
        %gather3A_1074 = tpu.memref_squeeze %gather3A_1073 : memref<1x1x1152x8xf32, #tpu.memory_space<vmem>> -> memref<1152x8xf32, #tpu.memory_space<vmem>>
        %gather3A_1075 = tpu.vector_load_idx %gather3A_1074[%add3A_989, %add3A_1068] : memref<1152x8xf32, #tpu.memory_space<vmem>>[vector<16xi32>, vector<16xi32>], vector<16xf32>,
        %add3A_1076 = arith.constant 4 : i32
        %add3A_1077 = vector.broadcast %add3A_1076 : i32 to vector<16xi32>
        %add3A_1078 = arith.addi %broadcast_in_dim3A_241, %add3A_1077 : vector<16xi32>
        %add3A_1079 = arith.constant 1 : i32
        %add3A_1080 = vector.broadcast %add3A_1079 : i32 to vector<16xi32>
        %add3A_1081 = arith.addi %add3A_1078, %add3A_1080 : vector<16xi32>
        %gather3A_1082 = arith.constant 1 : i32
        %gather3A_1083 = arith.constant 0 : i32
        %gather3A_1084 = arith.constant 0 : i32
        %gather3A_1085 = arith.constant 0 : i32
        %gather3A_1086 = tpu.memref_slice %arg11[%gather3A_1082, %gather3A_1083, %gather3A_1084, %gather3A_1085] : memref<2x2x1152x8xf32, #tpu.memory_space<vmem>> -> memref<1x1x1152x8xf32, #tpu.memory_space<vmem>>
        %gather3A_1087 = tpu.memref_squeeze %gather3A_1086 : memref<1x1x1152x8xf32, #tpu.memory_space<vmem>> -> memref<1152x8xf32, #tpu.memory_space<vmem>>
        %gather3A_1088 = tpu.vector_load_idx %gather3A_1087[%add3A_989, %add3A_1081] : memref<1152x8xf32, #tpu.memory_space<vmem>>[vector<16xi32>, vector<16xi32>], vector<16xf32>,
        %mul3A_1089 = arith.mulf %get3A_1065, %gather3A_1075 : vector<16xf32>
        %add3A_1090 = arith.addf %add3A_1057, %mul3A_1089 : vector<16xf32>
        %mul3A_1091 = arith.mulf %get3A_1065, %gather3A_1088 : vector<16xf32>
        %add3A_1092 = arith.addf %add3A_1059, %mul3A_1091 : vector<16xf32>
        %get3A_1093 = arith.constant 1 : i32
        %get3A_1094 = arith.constant 3 : i32
        %get3A_1095 = arith.index_cast %get3A_1093 : i32 to index
        %get3A_1096 = arith.index_cast %get3A_1094 : i32 to index
        %get3A_1097 = arith.index_cast %mul3A_987 : i32 to index
        %get3A_1098 = tpu.vector_load %arg10[%get3A_1095, %get3A_1096, %get3A_1097] {strides = array<i32>} : memref<2x8x1152xf32, #tpu.memory_space<vmem>>, vector<16xf32>,
        %add3A_1099 = arith.constant 6 : i32
        %add3A_1100 = vector.broadcast %add3A_1099 : i32 to vector<16xi32>
        %add3A_1101 = arith.addi %broadcast_in_dim3A_241, %add3A_1100 : vector<16xi32>
        %gather3A_1102 = arith.constant 1 : i32
        %gather3A_1103 = arith.constant 0 : i32
        %gather3A_1104 = arith.constant 0 : i32
        %gather3A_1105 = arith.constant 0 : i32
        %gather3A_1106 = tpu.memref_slice %arg11[%gather3A_1102, %gather3A_1103, %gather3A_1104, %gather3A_1105] : memref<2x2x1152x8xf32, #tpu.memory_space<vmem>> -> memref<1x1x1152x8xf32, #tpu.memory_space<vmem>>
        %gather3A_1107 = tpu.memref_squeeze %gather3A_1106 : memref<1x1x1152x8xf32, #tpu.memory_space<vmem>> -> memref<1152x8xf32, #tpu.memory_space<vmem>>
        %gather3A_1108 = tpu.vector_load_idx %gather3A_1107[%add3A_989, %add3A_1101] : memref<1152x8xf32, #tpu.memory_space<vmem>>[vector<16xi32>, vector<16xi32>], vector<16xf32>,
        %add3A_1109 = arith.constant 6 : i32
        %add3A_1110 = vector.broadcast %add3A_1109 : i32 to vector<16xi32>
        %add3A_1111 = arith.addi %broadcast_in_dim3A_241, %add3A_1110 : vector<16xi32>
        %add3A_1112 = arith.constant 1 : i32
        %add3A_1113 = vector.broadcast %add3A_1112 : i32 to vector<16xi32>
        %add3A_1114 = arith.addi %add3A_1111, %add3A_1113 : vector<16xi32>
        %gather3A_1115 = arith.constant 1 : i32
        %gather3A_1116 = arith.constant 0 : i32
        %gather3A_1117 = arith.constant 0 : i32
        %gather3A_1118 = arith.constant 0 : i32
        %gather3A_1119 = tpu.memref_slice %arg11[%gather3A_1115, %gather3A_1116, %gather3A_1117, %gather3A_1118] : memref<2x2x1152x8xf32, #tpu.memory_space<vmem>> -> memref<1x1x1152x8xf32, #tpu.memory_space<vmem>>
        %gather3A_1120 = tpu.memref_squeeze %gather3A_1119 : memref<1x1x1152x8xf32, #tpu.memory_space<vmem>> -> memref<1152x8xf32, #tpu.memory_space<vmem>>
        %gather3A_1121 = tpu.vector_load_idx %gather3A_1120[%add3A_989, %add3A_1114] : memref<1152x8xf32, #tpu.memory_space<vmem>>[vector<16xi32>, vector<16xi32>], vector<16xf32>,
        %mul3A_1122 = arith.mulf %get3A_1098, %gather3A_1108 : vector<16xf32>
        %add3A_1123 = arith.addf %add3A_1090, %mul3A_1122 : vector<16xf32>
        %mul3A_1124 = arith.mulf %get3A_1098, %gather3A_1121 : vector<16xf32>
        %add3A_1125 = arith.addf %add3A_1092, %mul3A_1124 : vector<16xf32>
        %get3A_1126 = arith.constant 1 : i32
        %get3A_1127 = arith.constant 4 : i32
        %get3A_1128 = arith.index_cast %get3A_1126 : i32 to index
        %get3A_1129 = arith.index_cast %get3A_1127 : i32 to index
        %get3A_1130 = arith.index_cast %mul3A_987 : i32 to index
        %get3A_1131 = tpu.vector_load %arg10[%get3A_1128, %get3A_1129, %get3A_1130] {strides = array<i32>} : memref<2x8x1152xf32, #tpu.memory_space<vmem>>, vector<16xf32>,
        %add3A_1132 = arith.constant 0 : i32
        %add3A_1133 = vector.broadcast %add3A_1132 : i32 to vector<16xi32>
        %add3A_1134 = arith.addi %broadcast_in_dim3A_241, %add3A_1133 : vector<16xi32>
        %gather3A_1135 = arith.constant 1 : i32
        %gather3A_1136 = arith.constant 1 : i32
        %gather3A_1137 = arith.constant 0 : i32
        %gather3A_1138 = arith.constant 0 : i32
        %gather3A_1139 = tpu.memref_slice %arg11[%gather3A_1135, %gather3A_1136, %gather3A_1137, %gather3A_1138] : memref<2x2x1152x8xf32, #tpu.memory_space<vmem>> -> memref<1x1x1152x8xf32, #tpu.memory_space<vmem>>
        %gather3A_1140 = tpu.memref_squeeze %gather3A_1139 : memref<1x1x1152x8xf32, #tpu.memory_space<vmem>> -> memref<1152x8xf32, #tpu.memory_space<vmem>>
        %gather3A_1141 = tpu.vector_load_idx %gather3A_1140[%add3A_989, %add3A_1134] : memref<1152x8xf32, #tpu.memory_space<vmem>>[vector<16xi32>, vector<16xi32>], vector<16xf32>,
        %add3A_1142 = arith.constant 0 : i32
        %add3A_1143 = vector.broadcast %add3A_1142 : i32 to vector<16xi32>
        %add3A_1144 = arith.addi %broadcast_in_dim3A_241, %add3A_1143 : vector<16xi32>
        %add3A_1145 = arith.constant 1 : i32
        %add3A_1146 = vector.broadcast %add3A_1145 : i32 to vector<16xi32>
        %add3A_1147 = arith.addi %add3A_1144, %add3A_1146 : vector<16xi32>
        %gather3A_1148 = arith.constant 1 : i32
        %gather3A_1149 = arith.constant 1 : i32
        %gather3A_1150 = arith.constant 0 : i32
        %gather3A_1151 = arith.constant 0 : i32
        %gather3A_1152 = tpu.memref_slice %arg11[%gather3A_1148, %gather3A_1149, %gather3A_1150, %gather3A_1151] : memref<2x2x1152x8xf32, #tpu.memory_space<vmem>> -> memref<1x1x1152x8xf32, #tpu.memory_space<vmem>>
        %gather3A_1153 = tpu.memref_squeeze %gather3A_1152 : memref<1x1x1152x8xf32, #tpu.memory_space<vmem>> -> memref<1152x8xf32, #tpu.memory_space<vmem>>
        %gather3A_1154 = tpu.vector_load_idx %gather3A_1153[%add3A_989, %add3A_1147] : memref<1152x8xf32, #tpu.memory_space<vmem>>[vector<16xi32>, vector<16xi32>], vector<16xf32>,
        %mul3A_1155 = arith.mulf %get3A_1131, %gather3A_1141 : vector<16xf32>
        %add3A_1156 = arith.addf %add3A_1123, %mul3A_1155 : vector<16xf32>
        %mul3A_1157 = arith.mulf %get3A_1131, %gather3A_1154 : vector<16xf32>
        %add3A_1158 = arith.addf %add3A_1125, %mul3A_1157 : vector<16xf32>
        %get3A_1159 = arith.constant 1 : i32
        %get3A_1160 = arith.constant 5 : i32
        %get3A_1161 = arith.index_cast %get3A_1159 : i32 to index
        %get3A_1162 = arith.index_cast %get3A_1160 : i32 to index
        %get3A_1163 = arith.index_cast %mul3A_987 : i32 to index
        %get3A_1164 = tpu.vector_load %arg10[%get3A_1161, %get3A_1162, %get3A_1163] {strides = array<i32>} : memref<2x8x1152xf32, #tpu.memory_space<vmem>>, vector<16xf32>,
        %add3A_1165 = arith.constant 2 : i32
        %add3A_1166 = vector.broadcast %add3A_1165 : i32 to vector<16xi32>
        %add3A_1167 = arith.addi %broadcast_in_dim3A_241, %add3A_1166 : vector<16xi32>
        %gather3A_1168 = arith.constant 1 : i32
        %gather3A_1169 = arith.constant 1 : i32
        %gather3A_1170 = arith.constant 0 : i32
        %gather3A_1171 = arith.constant 0 : i32
        %gather3A_1172 = tpu.memref_slice %arg11[%gather3A_1168, %gather3A_1169, %gather3A_1170, %gather3A_1171] : memref<2x2x1152x8xf32, #tpu.memory_space<vmem>> -> memref<1x1x1152x8xf32, #tpu.memory_space<vmem>>
        %gather3A_1173 = tpu.memref_squeeze %gather3A_1172 : memref<1x1x1152x8xf32, #tpu.memory_space<vmem>> -> memref<1152x8xf32, #tpu.memory_space<vmem>>
        %gather3A_1174 = tpu.vector_load_idx %gather3A_1173[%add3A_989, %add3A_1167] : memref<1152x8xf32, #tpu.memory_space<vmem>>[vector<16xi32>, vector<16xi32>], vector<16xf32>,
        %add3A_1175 = arith.constant 2 : i32
        %add3A_1176 = vector.broadcast %add3A_1175 : i32 to vector<16xi32>
        %add3A_1177 = arith.addi %broadcast_in_dim3A_241, %add3A_1176 : vector<16xi32>
        %add3A_1178 = arith.constant 1 : i32
        %add3A_1179 = vector.broadcast %add3A_1178 : i32 to vector<16xi32>
        %add3A_1180 = arith.addi %add3A_1177, %add3A_1179 : vector<16xi32>
        %gather3A_1181 = arith.constant 1 : i32
        %gather3A_1182 = arith.constant 1 : i32
        %gather3A_1183 = arith.constant 0 : i32
        %gather3A_1184 = arith.constant 0 : i32
        %gather3A_1185 = tpu.memref_slice %arg11[%gather3A_1181, %gather3A_1182, %gather3A_1183, %gather3A_1184] : memref<2x2x1152x8xf32, #tpu.memory_space<vmem>> -> memref<1x1x1152x8xf32, #tpu.memory_space<vmem>>
        %gather3A_1186 = tpu.memref_squeeze %gather3A_1185 : memref<1x1x1152x8xf32, #tpu.memory_space<vmem>> -> memref<1152x8xf32, #tpu.memory_space<vmem>>
        %gather3A_1187 = tpu.vector_load_idx %gather3A_1186[%add3A_989, %add3A_1180] : memref<1152x8xf32, #tpu.memory_space<vmem>>[vector<16xi32>, vector<16xi32>], vector<16xf32>,
        %mul3A_1188 = arith.mulf %get3A_1164, %gather3A_1174 : vector<16xf32>
        %add3A_1189 = arith.addf %add3A_1156, %mul3A_1188 : vector<16xf32>
        %mul3A_1190 = arith.mulf %get3A_1164, %gather3A_1187 : vector<16xf32>
        %add3A_1191 = arith.addf %add3A_1158, %mul3A_1190 : vector<16xf32>
        %get3A_1192 = arith.constant 1 : i32
        %get3A_1193 = arith.constant 6 : i32
        %get3A_1194 = arith.index_cast %get3A_1192 : i32 to index
        %get3A_1195 = arith.index_cast %get3A_1193 : i32 to index
        %get3A_1196 = arith.index_cast %mul3A_987 : i32 to index
        %get3A_1197 = tpu.vector_load %arg10[%get3A_1194, %get3A_1195, %get3A_1196] {strides = array<i32>} : memref<2x8x1152xf32, #tpu.memory_space<vmem>>, vector<16xf32>,
        %add3A_1198 = arith.constant 4 : i32
        %add3A_1199 = vector.broadcast %add3A_1198 : i32 to vector<16xi32>
        %add3A_1200 = arith.addi %broadcast_in_dim3A_241, %add3A_1199 : vector<16xi32>
        %gather3A_1201 = arith.constant 1 : i32
        %gather3A_1202 = arith.constant 1 : i32
        %gather3A_1203 = arith.constant 0 : i32
        %gather3A_1204 = arith.constant 0 : i32
        %gather3A_1205 = tpu.memref_slice %arg11[%gather3A_1201, %gather3A_1202, %gather3A_1203, %gather3A_1204] : memref<2x2x1152x8xf32, #tpu.memory_space<vmem>> -> memref<1x1x1152x8xf32, #tpu.memory_space<vmem>>
        %gather3A_1206 = tpu.memref_squeeze %gather3A_1205 : memref<1x1x1152x8xf32, #tpu.memory_space<vmem>> -> memref<1152x8xf32, #tpu.memory_space<vmem>>
        %gather3A_1207 = tpu.vector_load_idx %gather3A_1206[%add3A_989, %add3A_1200] : memref<1152x8xf32, #tpu.memory_space<vmem>>[vector<16xi32>, vector<16xi32>], vector<16xf32>,
        %add3A_1208 = arith.constant 4 : i32
        %add3A_1209 = vector.broadcast %add3A_1208 : i32 to vector<16xi32>
        %add3A_1210 = arith.addi %broadcast_in_dim3A_241, %add3A_1209 : vector<16xi32>
        %add3A_1211 = arith.constant 1 : i32
        %add3A_1212 = vector.broadcast %add3A_1211 : i32 to vector<16xi32>
        %add3A_1213 = arith.addi %add3A_1210, %add3A_1212 : vector<16xi32>
        %gather3A_1214 = arith.constant 1 : i32
        %gather3A_1215 = arith.constant 1 : i32
        %gather3A_1216 = arith.constant 0 : i32
        %gather3A_1217 = arith.constant 0 : i32
        %gather3A_1218 = tpu.memref_slice %arg11[%gather3A_1214, %gather3A_1215, %gather3A_1216, %gather3A_1217] : memref<2x2x1152x8xf32, #tpu.memory_space<vmem>> -> memref<1x1x1152x8xf32, #tpu.memory_space<vmem>>
        %gather3A_1219 = tpu.memref_squeeze %gather3A_1218 : memref<1x1x1152x8xf32, #tpu.memory_space<vmem>> -> memref<1152x8xf32, #tpu.memory_space<vmem>>
        %gather3A_1220 = tpu.vector_load_idx %gather3A_1219[%add3A_989, %add3A_1213] : memref<1152x8xf32, #tpu.memory_space<vmem>>[vector<16xi32>, vector<16xi32>], vector<16xf32>,
        %mul3A_1221 = arith.mulf %get3A_1197, %gather3A_1207 : vector<16xf32>
        %add3A_1222 = arith.addf %add3A_1189, %mul3A_1221 : vector<16xf32>
        %mul3A_1223 = arith.mulf %get3A_1197, %gather3A_1220 : vector<16xf32>
        %add3A_1224 = arith.addf %add3A_1191, %mul3A_1223 : vector<16xf32>
        %get3A_1225 = arith.constant 1 : i32
        %get3A_1226 = arith.constant 7 : i32
        %get3A_1227 = arith.index_cast %get3A_1225 : i32 to index
        %get3A_1228 = arith.index_cast %get3A_1226 : i32 to index
        %get3A_1229 = arith.index_cast %mul3A_987 : i32 to index
        %get3A_1230 = tpu.vector_load %arg10[%get3A_1227, %get3A_1228, %get3A_1229] {strides = array<i32>} : memref<2x8x1152xf32, #tpu.memory_space<vmem>>, vector<16xf32>,
        %add3A_1231 = arith.constant 6 : i32
        %add3A_1232 = vector.broadcast %add3A_1231 : i32 to vector<16xi32>
        %add3A_1233 = arith.addi %broadcast_in_dim3A_241, %add3A_1232 : vector<16xi32>
        %gather3A_1234 = arith.constant 1 : i32
        %gather3A_1235 = arith.constant 1 : i32
        %gather3A_1236 = arith.constant 0 : i32
        %gather3A_1237 = arith.constant 0 : i32
        %gather3A_1238 = tpu.memref_slice %arg11[%gather3A_1234, %gather3A_1235, %gather3A_1236, %gather3A_1237] : memref<2x2x1152x8xf32, #tpu.memory_space<vmem>> -> memref<1x1x1152x8xf32, #tpu.memory_space<vmem>>
        %gather3A_1239 = tpu.memref_squeeze %gather3A_1238 : memref<1x1x1152x8xf32, #tpu.memory_space<vmem>> -> memref<1152x8xf32, #tpu.memory_space<vmem>>
        %gather3A_1240 = tpu.vector_load_idx %gather3A_1239[%add3A_989, %add3A_1233] : memref<1152x8xf32, #tpu.memory_space<vmem>>[vector<16xi32>, vector<16xi32>], vector<16xf32>,
        %add3A_1241 = arith.constant 6 : i32
        %add3A_1242 = vector.broadcast %add3A_1241 : i32 to vector<16xi32>
        %add3A_1243 = arith.addi %broadcast_in_dim3A_241, %add3A_1242 : vector<16xi32>
        %add3A_1244 = arith.constant 1 : i32
        %add3A_1245 = vector.broadcast %add3A_1244 : i32 to vector<16xi32>
        %add3A_1246 = arith.addi %add3A_1243, %add3A_1245 : vector<16xi32>
        %gather3A_1247 = arith.constant 1 : i32
        %gather3A_1248 = arith.constant 1 : i32
        %gather3A_1249 = arith.constant 0 : i32
        %gather3A_1250 = arith.constant 0 : i32
        %gather3A_1251 = tpu.memref_slice %arg11[%gather3A_1247, %gather3A_1248, %gather3A_1249, %gather3A_1250] : memref<2x2x1152x8xf32, #tpu.memory_space<vmem>> -> memref<1x1x1152x8xf32, #tpu.memory_space<vmem>>
        %gather3A_1252 = tpu.memref_squeeze %gather3A_1251 : memref<1x1x1152x8xf32, #tpu.memory_space<vmem>> -> memref<1152x8xf32, #tpu.memory_space<vmem>>
        %gather3A_1253 = tpu.vector_load_idx %gather3A_1252[%add3A_989, %add3A_1246] : memref<1152x8xf32, #tpu.memory_space<vmem>>[vector<16xi32>, vector<16xi32>], vector<16xf32>,
        %mul3A_1254 = arith.mulf %get3A_1230, %gather3A_1240 : vector<16xf32>
        %add3A_1255 = arith.addf %add3A_1222, %mul3A_1254 : vector<16xf32>
        %mul3A_1256 = arith.mulf %get3A_1230, %gather3A_1253 : vector<16xf32>
        %add3A_1257 = arith.addf %add3A_1224, %mul3A_1256 : vector<16xf32>
        %mul3A_1258 = arith.constant 256 : i32
        %mul3A_1259 = arith.muli %select_n3A_967, %mul3A_1258 : i32
        %add3A_1260 = arith.addi %mul3A_1259, %mul3A_985 : i32
        %swap3A_1261 = arith.constant 1 : i32
        %swap3A_1262 = arith.index_cast %swap3A_1261 : i32 to index
        %swap3A_1263 = arith.index_cast %add3A_1260 : i32 to index
        %swap3A_1264 = tpu.vector_load %arg12[%swap3A_1262, %swap3A_1263] {strides = array<i32>} : memref<2x3072xf32, #tpu.memory_space<vmem>>, vector<16xf32>,
        tpu.vector_store %arg12[%swap3A_1262, %swap3A_1263], %add3A_1255 {strides = array<i32>} : memref<2x3072xf32, #tpu.memory_space<vmem>>, vector<16xf32>,
        %mul3A_1265 = arith.constant 256 : i32
        %mul3A_1266 = arith.muli %select_n3A_967, %mul3A_1265 : i32
        %add3A_1267 = arith.constant 128 : i32
        %add3A_1268 = arith.addi %mul3A_1266, %add3A_1267 : i32
        %add3A_1269 = arith.addi %add3A_1268, %mul3A_985 : i32
        %swap3A_1270 = arith.constant 1 : i32
        %swap3A_1271 = arith.index_cast %swap3A_1270 : i32 to index
        %swap3A_1272 = arith.index_cast %add3A_1269 : i32 to index
        %swap3A_1273 = tpu.vector_load %arg12[%swap3A_1271, %swap3A_1272] {strides = array<i32>} : memref<2x3072xf32, #tpu.memory_space<vmem>>, vector<16xf32>,
        tpu.vector_store %arg12[%swap3A_1271, %swap3A_1272], %add3A_1257 {strides = array<i32>} : memref<2x3072xf32, #tpu.memory_space<vmem>>, vector<16xf32>,
      }
      %scan3A_547 = arith.constant 36 : i32
      %mul3A_548 = arith.constant 6 : i32
      %mul3A_549 = arith.muli %arg1, %mul3A_548 : i32
      %jit3A_550 = arith.constant 8 : i32
      %div3A_551 = arith.divsi %add3A_536, %jit3A_550 : i32
      %sign3A_552 = arith.constant 0 : i32
      %sign3A_553 = arith.cmpi sgt, %add3A_536, %sign3A_552 : i32
      %sign3A_554 = arith.extui %sign3A_553 : i1 to i32
      %sign3A_555 = arith.constant 0 : i32
      %sign3A_556 = arith.cmpi slt, %add3A_536, %sign3A_555 : i32
      %sign3A_557 = arith.extui %sign3A_556 : i1 to i32
      %sign3A_558 = arith.subi %sign3A_554, %sign3A_557 : i32
      %sign3A_559 = arith.constant 0 : i32
      %sign3A_560 = arith.cmpi sgt, %jit3A_550, %sign3A_559 : i32
      %sign3A_561 = arith.extui %sign3A_560 : i1 to i32
      %sign3A_562 = arith.constant 0 : i32
      %sign3A_563 = arith.cmpi slt, %jit3A_550, %sign3A_562 : i32
      %sign3A_564 = arith.extui %sign3A_563 : i1 to i32
      %sign3A_565 = arith.subi %sign3A_561, %sign3A_564 : i32
      %ne3A_566 = arith.cmpi ne, %sign3A_558, %sign3A_565 : i32
      %rem3A_567 = arith.remsi %add3A_536, %jit3A_550 : i32
      %ne3A_568 = arith.constant 0 : i32
      %ne3A_569 = arith.cmpi ne, %rem3A_567, %ne3A_568 : i32
      %and3A_570 = arith.andi %ne3A_566, %ne3A_569 : i1
      %sub3A_571 = arith.constant 1 : i32
      %sub3A_572 = arith.subi %div3A_551, %sub3A_571 : i32
      %select_n3A_573 = arith.select %and3A_570, %sub3A_572, %div3A_551 : i32
      %add3A_574 = arith.addi %mul3A_549, %select_n3A_573 : i32
      %jit3A_575 = arith.constant 8 : i32
      %eq3A_576 = arith.constant 0 : i32
      %eq3A_577 = arith.cmpi eq, %jit3A_575, %eq3A_576 : i32
      %jit3A_578 = arith.constant 1 : i32
      %select_n3A_579 = arith.select %eq3A_577, %jit3A_578, %jit3A_575 : i32
      %rem3A_580 = arith.remsi %add3A_536, %select_n3A_579 : i32
      %ne3A_581 = arith.constant 0 : i32
      %ne3A_582 = arith.cmpi ne, %rem3A_580, %ne3A_581 : i32
      %lt3A_583 = arith.constant 0 : i32
      %lt3A_584 = arith.cmpi slt, %rem3A_580, %lt3A_583 : i32
      %lt3A_585 = arith.constant 0 : i32
      %lt3A_586 = arith.cmpi slt, %select_n3A_579, %lt3A_585 : i32
      %ne3A_587 = arith.xori %lt3A_584, %lt3A_586 : i1
      %and3A_588 = arith.andi %ne3A_587, %ne3A_582 : i1
      %add3A_589 = arith.addi %rem3A_580, %select_n3A_579 : i32
      %select_n3A_590 = arith.select %and3A_588, %add3A_589, %rem3A_580 : i32
      %mul3A_591 = arith.constant 12 : i32
      %mul3A_592 = arith.muli %select_n3A_590, %mul3A_591 : i32
      %mul3A_593 = arith.constant 96 : i32
      %mul3A_594 = arith.muli %arg0, %mul3A_593 : i32
      %add3A_595 = arith.addi %mul3A_594, %add3A_574 : i32
      %mul3A_596 = arith.constant 96 : i32
      %mul3A_597 = arith.muli %add3A_595, %mul3A_596 : i32
      %add3A_598 = arith.addi %mul3A_597, %mul3A_592 : i32
      %mul3A_599 = arith.constant 256 : i32
      %mul3A_600 = arith.muli %add3A_598, %mul3A_599 : i32
      %dma_start3A_601 = arith.constant 1 : i32
      %dma_start3A_602 = arith.constant 0 : i32
      %dma_start3A_603 = tpu.memref_slice %arg12[%dma_start3A_601, %dma_start3A_602] : memref<2x3072xf32, #tpu.memory_space<vmem>> -> memref<1x3072xf32, #tpu.memory_space<vmem>>
      %dma_start3A_604 = tpu.memref_squeeze %dma_start3A_603 : memref<1x3072xf32, #tpu.memory_space<vmem>> -> memref<3072xf32, #tpu.memory_space<vmem>>
      %dma_start3A_605 = tpu.memref_slice %arg4[%mul3A_600] : memref<4718592xf32, #tpu.memory_space<hbm>> -> memref<3072xf32, #tpu.memory_space<hbm>>
      %dma_start3A_606 = tpu.memref_slice %arg4[%mul3A_600] : memref<4718592xf32, #tpu.memory_space<hbm>> -> memref<3072xf32, #tpu.memory_space<hbm>>
      %dma_start3A_607 = arith.constant 0 : i32
      %dma_start3A_608 = tpu.memref_slice %arg12[%dma_start3A_601, %dma_start3A_607] : memref<2x3072xf32, #tpu.memory_space<vmem>> -> memref<1x3072xf32, #tpu.memory_space<vmem>>
      %dma_start3A_609 = tpu.memref_squeeze %dma_start3A_608 : memref<1x3072xf32, #tpu.memory_space<vmem>> -> memref<3072xf32, #tpu.memory_space<vmem>>
      tpu.enqueue_dma source(%dma_start3A_609 : memref<3072xf32, #tpu.memory_space<vmem>>) target(%dma_start3A_606 : memref<3072xf32, #tpu.memory_space<hbm>>) target_semaphore(%arg18 : memref<!tpu.dma_semaphore, #tpu.memory_space<semaphore_mem>>)
    }
    %scan3A_299 = arith.constant 24 : i32
    %dma_wait3A_300 = arith.constant 0 : i32
    %dma_wait3A_301 = arith.constant 0 : i32
    %dma_wait3A_302 = tpu.memref_slice %arg12[%dma_wait3A_300, %dma_wait3A_301] : memref<2x3072xf32, #tpu.memory_space<vmem>> -> memref<1x3072xf32, #tpu.memory_space<vmem>>
    %dma_wait3A_303 = tpu.memref_squeeze %dma_wait3A_302 : memref<1x3072xf32, #tpu.memory_space<vmem>> -> memref<3072xf32, #tpu.memory_space<vmem>>
    %dma_wait3A_304 = arith.constant 0 : i32
    %dma_wait3A_305 = tpu.memref_slice %arg4[%dma_wait3A_304] : memref<4718592xf32, #tpu.memory_space<hbm>> -> memref<3072xf32, #tpu.memory_space<hbm>>
    %dma_wait3A_306 = arith.constant 0 : i32
    %dma_wait3A_307 = tpu.memref_slice %arg4[%dma_wait3A_306] : memref<4718592xf32, #tpu.memory_space<hbm>> -> memref<3072xf32, #tpu.memory_space<hbm>>
    %dma_wait3A_308 = arith.constant 0 : i32
    %dma_wait3A_309 = tpu.memref_slice %arg12[%dma_wait3A_300, %dma_wait3A_308] : memref<2x3072xf32, #tpu.memory_space<vmem>> -> memref<1x3072xf32, #tpu.memory_space<vmem>>
    %dma_wait3A_310 = tpu.memref_squeeze %dma_wait3A_309 : memref<1x3072xf32, #tpu.memory_space<vmem>> -> memref<3072xf32, #tpu.memory_space<vmem>>
    tpu.wait_dma2 semaphore(%arg17 : memref<!tpu.dma_semaphore, #tpu.memory_space<semaphore_mem>>) src(%dma_wait3A_310 : memref<3072xf32, #tpu.memory_space<vmem>>) dst(%dma_wait3A_307 : memref<3072xf32, #tpu.memory_space<hbm>>)
    %dma_wait3A_311 = arith.constant 1 : i32
    %dma_wait3A_312 = arith.constant 0 : i32
    %dma_wait3A_313 = tpu.memref_slice %arg12[%dma_wait3A_311, %dma_wait3A_312] : memref<2x3072xf32, #tpu.memory_space<vmem>> -> memref<1x3072xf32, #tpu.memory_space<vmem>>
    %dma_wait3A_314 = tpu.memref_squeeze %dma_wait3A_313 : memref<1x3072xf32, #tpu.memory_space<vmem>> -> memref<3072xf32, #tpu.memory_space<vmem>>
    %dma_wait3A_315 = arith.constant 0 : i32
    %dma_wait3A_316 = tpu.memref_slice %arg4[%dma_wait3A_315] : memref<4718592xf32, #tpu.memory_space<hbm>> -> memref<3072xf32, #tpu.memory_space<hbm>>
    %dma_wait3A_317 = arith.constant 0 : i32
    %dma_wait3A_318 = tpu.memref_slice %arg4[%dma_wait3A_317] : memref<4718592xf32, #tpu.memory_space<hbm>> -> memref<3072xf32, #tpu.memory_space<hbm>>
    %dma_wait3A_319 = arith.constant 0 : i32
    %dma_wait3A_320 = tpu.memref_slice %arg12[%dma_wait3A_311, %dma_wait3A_319] : memref<2x3072xf32, #tpu.memory_space<vmem>> -> memref<1x3072xf32, #tpu.memory_space<vmem>>
    %dma_wait3A_321 = tpu.memref_squeeze %dma_wait3A_320 : memref<1x3072xf32, #tpu.memory_space<vmem>> -> memref<3072xf32, #tpu.memory_space<vmem>>
    tpu.wait_dma2 semaphore(%arg18 : memref<!tpu.dma_semaphore, #tpu.memory_space<semaphore_mem>>) src(%dma_wait3A_321 : memref<3072xf32, #tpu.memory_space<vmem>>) dst(%dma_wait3A_318 : memref<3072xf32, #tpu.memory_space<hbm>>)
    return
  }
}

</mosaic_0001>

<sc_bundles>
// kernel: kernel.3.cloned.1.call-start
scs
__scs_entry_jumppad:
0x0: {  	(pc) =	sbr.rel $0x88, $3  }
0x1: {  	(tag) =	ssettag $0x0;
	lr =	simm.s32 $0x1  }
0x2: {  	[smem:$0x3F9F] =	sst lr;
	_ =	strace $0xD0000000  }
0x3: {  	_ = 	snop  }
0x4: {  	_ = 	snop  }
0x5: {  	_ = 	snop  }
0x6: {  	_ = 	snop  }
0x7: {  	_ = 	snop  }
__scs_overlays_trampoline_lowered:
0x8: {  	[smem:$0x3FAE] =	sst s0  }
0x9: {  	[smem:$0x3FAF] =	sst s1  }
0xa: {  	[smem:$0x3FB0] =	sst s2  }
0xb: {  	[smem:$0x3FB1] =	sst s3  }
0xc: {  	[smem:$0x3FB2] =	sst s4  }
0xd: {  	[smem:$0x3FB3] =	sst s5  }
0xe: {  	[smem:$0x3FB4] =	sst s6  }
0xf: {  	[smem:$0x3FB5] =	sst s7  }
0x10: {  	[smem:$0x3FB6] =	sst s8  }
0x11: {  	[smem:$0x3FB7] =	sst s9;
	s0 =	simm.s32 @!p0 $0x0  }
0x12: {  	s1 =	sld [smem:$0x3F9D];
	s0 =	simm.s32 @p0 $0x1  }
0x13: {  	[smem:$0x3FB8] =	sst s0;
	s0 =	simm.s32 @!p1 $0x0  }
0x14: {  	s2 =	sld [smem:$0x3F9C];
	s0 =	simm.s32 @p1 $0x1  }
0x15: {  	[smem:$0x3FB9] =	sst s0;
	s0 =	simm.s32 @!p2 $0x0  }
0x16: {  	s3 =	sld [smem:$0x3FDB];
	s0 =	simm.s32 @p2 $0x1  }
0x17: {  	s4 =	simm.s32 $0x1BF5;
	[smem:$0x3FBB] =	sst s0  }
0x18: {  	s0 =	sld [smem:$0x3F9E];
	_ =	swait.ge [sflag:s4], $0x0  }
0x19: {  	s7 =	sld [smem:$0x3F9F]  }
0x1a: {  	s8 =	sadd.s32 $0xFFFFE003, lr  }
0x1b: {  	s9 =	sadd.s32 $0xFFFFFEF7, lr;
	s5 =	simm.s32 $0xFFFFFFFF;
	p2 =	slt.u32 s8, $0xFFFFF086  }
0x1c: {  	p1 =	slt.u32 s9, $0xF7A;
	s5 =	simm.s32 @!p2 $0x0  }
0x1d: {  	s5 =	simm.s32 @p1 $0x1;
	p0 =	seq.s32 s7, s2  }
0x1e: {  	s7 =	smul.u32 @!p0 $0xF7A, s2;
	p2 =	seq.s32 @!p0 s5, $0x0  }
0x1f: {  	s9 =	smul.u32 $0xF7A, s1;
	s8 =	simm.s32 @!p0 $0x1BF5;
	p2 =	por !p2, p0  }
0x20: {  	[sflag:s8] =	ssyncset.s32 @!p0 $0xFFFFF086;
	s6 =	sadd.s32 @!p0 s3, s7;
	s7 =	simm.s32 @!p0 $0x108  }
0x21: {  	s3 =	sadd.s32 s3, s9;
	s6 =	sadd.s32 @!p0 $0x88, s6;
	s7 =	simm.s32 @p2 $0x1082  }
0x22: {  	[simem:s7], [sflag:s8] =	dma.local @!p0 [hbm:s6], $0xF7A  }
0x23: {  	s9 =	sor.u32 $0xD0000000, s2;
	s6 =	simm.s32 $0x108;
	_ =	swait.ge @!p0 [sflag:s8], $0x0  }
0x24: {  	s3 =	sadd.s32 $0x88, s3;
	s6 =	simm.s32 @!p1 $0x1082;
	[sflag:s4] =	ssyncset.s32 $0xFFFFF086  }
0x25: {  	[simem:s6], [sflag:s4] =	dma.local [hbm:s3], $0xF7A  }
0x26: {  	[smem:$0x3F9F] =	sst s1;
	(tag) =	ssettag s2;
	_ =	strace s9  }
0x27: {  	s1 =	sld [smem:$0x3FAF]  }
0x28: {  	s2 =	sld [smem:$0x3FB0]  }
0x29: {  	s4 =	sld [smem:$0x3FB2]  }
0x2a: {  	p0 =	seq.s32 s5, $0x0;
	s5 =	sld [smem:$0x3FB3]  }
0x2b: {  	s6 =	sld [smem:$0x3FB4]  }
0x2c: {  	s7 =	sld [smem:$0x3FB5]  }
0x2d: {  	s3 =	simm.s32 $0x108;
	s8 =	sld [smem:$0x3FB6]  }
0x2e: {  	s3 =	simm.s32 @!p0 $0x1082;
	s9 =	sld [smem:$0x3FB7]  }
0x2f: {  	lr =	sadd.s32 s0, s3;
	s0 =	sld [smem:$0x3FAE]  }
0x30: {  	s3 =	sld [smem:$0x3FB1]  }
0x31: {  	[smem:$0x3FBA] =	sst s10  }
0x32: {  	s10 =	sld [smem:$0x3FB8];
	_ =	sdelay $0x3  }
0x33: {  	p0 =	seq.s32 s10, $0x1;
	s10 =	sld [smem:$0x3FBA];
	_ =	sdelay $0x3  }
0x34: {  	[smem:$0x3FBA] =	sst s10  }
0x35: {  	s10 =	sld [smem:$0x3FB9];
	_ =	sdelay $0x3  }
0x36: {  	p1 =	seq.s32 s10, $0x1;
	s10 =	sld [smem:$0x3FBA];
	_ =	sdelay $0x3  }
0x37: {  	[smem:$0x3FBA] =	sst s10  }
0x38: {  	s10 =	sld [smem:$0x3FBB]  }
0x39: {  	_ = 	snop;
	(pc) =	sbr.ind lr, $3  }
0x3a: {  	_ = 	snop  }
0x3b: {  	_ = 	snop  }
0x3c: {  	p2 =	seq.s32 s10, $0x1;
	s10 =	sld [smem:$0x3FBA]  }
0x3d: {  	_ =	shalt  }
0x3e: {  	_ =	shalt  }
0x3f: {  	_ =	shalt  }
0x40: {  	_ =	shalt  }
0x41: {  	_ =	shalt  }
0x42: {  	_ =	shalt  }
0x43: {  	_ =	shalt  }
0x44: {  	_ =	shalt  }
0x45: {  	_ =	shalt  }
0x46: {  	_ =	shalt  }
0x47: {  	_ =	shalt  }
0x48: {  	_ =	shalt  }
0x49: {  	_ =	shalt  }
0x4a: {  	_ =	shalt  }
0x4b: {  	_ =	shalt  }
0x4c: {  	_ =	shalt  }
0x4d: {  	_ =	shalt  }
0x4e: {  	_ =	shalt  }
0x4f: {  	_ =	shalt  }
0x50: {  	_ =	shalt  }
0x51: {  	_ =	shalt  }
0x52: {  	_ =	shalt  }
0x53: {  	_ =	shalt  }
0x54: {  	_ =	shalt  }
0x55: {  	_ =	shalt  }
0x56: {  	_ =	shalt  }
0x57: {  	_ =	shalt  }
0x58: {  	_ =	shalt  }
0x59: {  	_ =	shalt  }
0x5a: {  	_ =	shalt  }
0x5b: {  	_ =	shalt  }
0x5c: {  	_ =	shalt  }
0x5d: {  	_ =	shalt  }
0x5e: {  	_ =	shalt  }
0x5f: {  	_ =	shalt  }
0x60: {  	_ =	shalt  }
0x61: {  	_ =	shalt  }
0x62: {  	_ =	shalt  }
0x63: {  	_ =	shalt  }
0x64: {  	_ =	shalt  }
0x65: {  	_ =	shalt  }
0x66: {  	_ =	shalt  }
0x67: {  	_ =	shalt  }
0x68: {  	_ =	shalt  }
0x69: {  	_ =	shalt  }
0x6a: {  	_ =	shalt  }
0x6b: {  	_ =	shalt  }
0x6c: {  	_ =	shalt  }
0x6d: {  	_ =	shalt  }
0x6e: {  	_ =	shalt  }
0x6f: {  	_ =	shalt  }
0x70: {  	_ =	shalt  }
0x71: {  	_ =	shalt  }
0x72: {  	_ =	shalt  }
0x73: {  	_ =	shalt  }
0x74: {  	_ =	shalt  }
0x75: {  	_ =	shalt  }
0x76: {  	_ =	shalt  }
0x77: {  	_ =	shalt  }
0x78: {  	_ =	shalt  }
0x79: {  	_ =	shalt  }
0x7a: {  	_ =	shalt  }
0x7b: {  	_ =	shalt  }
0x7c: {  	_ =	shalt  }
0x7d: {  	_ =	shalt  }
0x7e: {  	_ =	shalt  }
0x7f: {  	_ =	shalt  }
0x80: {  	_ =	shalt  }
0x81: {  	_ =	shalt  }
0x82: {  	_ =	shalt  }
0x83: {  	_ =	shalt  }
0x84: {  	_ =	shalt  }
0x85: {  	_ =	shalt  }
0x86: {  	_ =	shalt  }
0x87: {  	_ =	shalt  }
.Lfunc_end0:
.L_simem_size_0:
called_computation_lowered:
.L_overlay_start_0:
0x88: {  	s2 =	sld [smem:$0x3FD9]  }
0x89: {  	s3 =	sld [smem:$0x3FFE];
	_ =	sdelay $0x1  }
0x8a: {  	s1 =	srdreg.scid  }
0x8b: {  	s0 =	sand.u32 $0x1, s1  }
0x8c: {  	s17 =	sshll.u32 s0, $0xA;
	s2 =	sadd.s32 s3, s2  }
0x8d: {  	s2 =	sadd.s32 s2, s17  }
0x8e: {  	[smem:$0x3FC6] =	sst s2  }
0x8f: {  	_ = 	snop  }
0x90: {  	s2 =	sld [smem:$0x3FD0];
	(tm) =	ssettm $0x1  }
0x91: {  	s18 =	sld [smem:$0x3FFB];
	_ =	sdelay $0x3  }
0x92: {  	_ =	strace s18  }
0x93: {  	s3 =	sld [smem:$0x3FFC];
	_ =	sdelay $0x3  }
0x94: {  	_ =	strace s3  }
0x95: {  	s3 =	sld [smem:$0x3FFD];
	_ =	sdelay $0x3  }
0x96: {  	_ =	strace s3  }
0x97: {  	_ =	strace $0x8FFFFFFF  }
0x98: {  	s19 =	sld [smem:$0x3FDB];
	_ =	sdelay $0x1  }
0x99: {  	s4 =	simm.s32 $_scs_section_size  }
0x9a: {  	s5 =	simm.s32 $_size__tile_overlayer_lowered;
	s6 =	simm.s32 $_tile_overlayer_lowered  }
0x9b: {  	s22 =	simm.s32 $0x1BFF;
	s21 =	sshll.u32 s6, $0x1;
	s3 =	sadd.s32 s4, s19  }
0x9c: {  	s7 =	simm.s32 $0x0;
	s20 =	sshll.u32 s5, $0x1;
	s5 =	sadd.s32 s21, s3  }
0x9d: {  	[timem:s7], [sflag:s22] =	dma.local [hbm:s5], s20  }
0x9e: {  	_ =	swait.ge [sflag:s22], s20  }
0x9f: {  	s4 =	ssub.s32 $0x0, s20;
	[sflag:s22] =	ssyncset.done $0x0  }
0xa0: {  	[sflag:s22] =	ssyncadd.s32 s4;
	_ =	sdelay $0x1  }
0xa1: {  	s23 =	simm.s32 $0x1B8B  }
0xa2: {  	_ =	swait.ge [sflag:s23], $0x1  }
0xa3: {  	[sflag:s23] =	ssyncset.done $0x0  }
0xa4: {  	s25 =	simm.s32 $0x1B8E;
	s24 =	sld [smem:$0x3FFE];
	[sflag:s23] =	ssyncadd.s32 $0xFFFFFFFF  }
0xa5: {  	s26 =	simm.s32 $execute0_lowered;
	[smem:$0x3FD2] =	sst s25  }
0xa6: {  	s5 =	sshll.u32 s26, $0x1;
	_ =	strace $0x80000046;
	[dreg:$0x1] =	wrdreg $0xFFFFFFFF  }
0xa7: {  	s28 =	simm.s32 $_size_execute0_lowered;
	s3 =	sadd.s32 s3, s5;
	[dreg:$0x0] =	wrdreg $0x0  }
0xa8: {  	s5 =	sshll.u32 s28, $0x1;
	[dreg:$0x2] =	wrdreg s3  }
0xa9: {  	[dreg:$0x3] =	wrdreg s5  }
0xaa: {  	[dreg:$0x4] =	wrdreg $0xC0  }
0xab: {  	_ =	task [dreg:s7], $0x5FFFF  }
0xac: {  	[dreg:$0x1] =	wrdreg $0xFFFFFFFF  }
0xad: {  	[dreg:$0x0] =	wrdreg $0x60  }
0xae: {  	[dreg:$0x2] =	wrdreg s2  }
0xaf: {  	[dreg:$0x3] =	wrdreg s24  }
0xb0: {  	[dreg:$0x4] =	wrdreg $0x9  }
0xb1: {  	_ =	task.clear_ibuf [dreg:s7], $0x5FFFF;
	_ =	strace $0x90000046  }
0xb2: {  	s29 =	simm.s32 $0x9;
	_ =	strace $0x80000048  }
0xb3: {  	_ =	swait.ge [sflag:s29], $0x1  }
0xb4: {  	[sflag:s29] =	ssyncadd.s32 $0xFFFFFFFF  }
0xb5: {  	_ =	strace $0x90000048  }
0xb6: {  	_ =	sfence  }
0xb7: {  	s30 =	sld [smem:$0x0];
	_ =	sdelay $0x2  }
0xb8: {  	s31 =	sshll.u32 s1, $0xD;
	s1 =	sshrl.u32 s1, $0x2  }
0xb9: {  	s3 =	sand.u32 $0x4000, s31;
	s1 =	sadd.s32 s1, s30  }
0xba: {  	s0 =	sor.u32 s3, s0;
	s1 =	sshll.u32 s1, $0x11  }
0xbb: {  	s0 =	sor.u32 s1, s0  }
0xbc: {  	s0 =	sadd.s32 $0x8F2B, s0  }
0xbd: {  	[sflag:s0] =	ssyncadd.remote.s32 $0x1  }
0xbe: {  	_ =	sfence.sel $0xFFFF  }
0xbf: {  	[dreg:$0x0] =	wrdreg $0xFFFFFFFF;
	(pc) =	sbr.abs _section_cstart, $3  }
0xc0: {  	[dreg:$0x1] =	wrdreg $0xFFFFFFFF  }
0xc1: {  	_ =	task.clear_ibuf [dreg:s7], $0x2FFFF;
	_ =	strace $0x9FFFFFFF  }
0xc2: {  	(tm) =	ssettm $0x7FFFFFFF  }
0xc3: {  	_ =	shalt  }
tec
execute0_lowered:
.L_overlay_start_1:
0x0: {  	(tag) =	ssettag $0x1  }
0x1: {  	s6 =	rddreg [dreg:$0x0];
	s0 =	srdreg.scid  }
0x2: {  	s2 =	stileid.u32;
	s1 =	rddreg [dreg:$0x1]  }
0x3: {  	s4 =	simm.s32 $0x0;
	s19 =	simm.s32 $0x7;
	s20 =	simm.s32 $0x1900  }
0x4: {  	s21 =	simm.s32 $0x6100;
	s29 =	simm.s32 $0x3;
	s30 =	simm.s32 $0x14B00  }
0x5: {  	s12 =	simm.s32 $0x1;
	s14 =	simm.s32 $0x2;
	s0 =	sand.u32 $0x1, s0  }
0x6: {  	s7 =	smul.u32 $0x6, s2;
	[smem:$0x7FF] =	sst s4;
	s11 =	sadd.s32 $0xA00, s1  }
0x7: {  	s18 =	sadd.s32 $0x300, s6;
	_ =	strace $0x80000047;
	[dreg:$0x5] =	wrdreg s11  }
0x8: {  	v0 =	vimm.s32 $0x80008000;
	s8 =	sadd.s32 $0x288A00, s1;
	s22 =	sadd.s32 $0xD9300, s1;
	[dreg:$0x8] =	wrdreg s18  }
0x9: {  	v0 =	vunpack.c.0.s8.s32 v0;
	s28 =	sadd.s32 $0xDA500, s1;
	s16 =	smul.u32 $0x60, s0;
	[dreg:$0xd] =	wrdreg s22  }
0xa: {  	s9 =	sadd.s32 $0xD8A00, s1;
	s23 =	ssub.s32 $0x2, s0;
	[dreg:$0xf] =	wrdreg s28  }
0xb: {  	vm0 =	vcmask $0xF00;
	vm11 =	vcmask $0x1310;
	s17 =	smul.u32 $0xD8000, s0;
	v0 =	vand.u32 $0xFF, v0;
	[dreg:$0x3] =	wrdreg s7;
	s10 =	sadd.s32 s7, s16  }
0xc: {  	vm12 =	vcmask $0x1B18;
	v2 =	vimm.s32 $0xA5A55050;
	s5 =	sshrl.u32 s23, $0x1;
	v1 =	vnsel vm0, $0x180, v0;
	[dreg:$0x4] =	wrdreg s16;
	s3 =	smul.u32 $0x9000, s10  }
0xd: {  	vm13 =	vcmask $0x2F20;
	v2 =	vunpack.c.l.s2.s4 v2;
	s2 =	ssub.s32 s23, s5;
	[dreg:$0x6] =	wrdreg s10;
	s10 =	smul.u32 $0x1200, s10;
	v1 =	vsel vm11, $0x100, v1  }
0xe: {  	vm14 =	vcmask $0x3330;
	vm15 =	vcmask $0x3B38;
	s23 =	simm.s32 $0x4;
	[dreg:$0x7] =	wrdreg s17;
	s31 =	smax.u32 s2, $0x1;
	v1 =	vsel vm12, $0x100, v1  }
0xf: {  	v4 =	vimm.s32 $0x5050404;
	[dreg:$0xc] =	wrdreg s31;
	s24 =	sshrl.u32 s3, $0x3;
	s25 =	sadd.s32 s11, s10;
	v0 =	vsel vm13, v0, v1;
	v1 =	vunpack.c.l.s4.s8 v2  }
0x10: {  	v7 =	vunpack.c.0.s8.s32 v4;
	v2 =	vimm.s32 $0x6060505;
	[dreg:$0x9] =	wrdreg s25;
	s0 =	sadd.s32 s11, s24;
	s25 =	sadd.s32 $0xD9C00, s1;
	v3 =	vsel vm14, $0x100, v0  }
0x11: {  	s3 =	simm.s32 $0x0;
	v0 =	vlaneseq.u32;
	v6 =	vunpack.c.0.s8.s32 v2;
	s26 =	sadd.s32 $0x600, s0;
	v5 =	vunpack.c.0.s8.s32 v1;
	[dreg:$0xe] =	wrdreg s25  }
0x12: {  	s1 =	simm.s32 $0x16F00;
	s0 =	sadd.s32 $0xC00, s0;
	v1 =	vmov s17;
	v2 =	vsel vm15, $0x100, v3;
	v3 =	vshrl.u32 v0, $0x3;
	[dreg:$0xa] =	wrdreg s26  }
0x13: {  	s24 =	simm.s32 $0x19300;
	[dreg:$0xb] =	wrdreg s0;
	s26 =	simm.s32 $0x1B700;
	v4 =	vand.u32 $0x3, v5;
	v5 =	vcombine.low v7, v6;
	v6 =	vand.u32 $0x7, v0  }
.LBB2_1:
0x14: {  	[dreg:$0x10] =	wrdreg s3;
	s0 =	simm.s32 $0x0  }
.LBB2_2:
0x15: {  	s3 =	sadd.s32 s7, s0  }
0x16: {  	s15 =	sadd.s32 s16, s3  }
0x17: {  	s2 =	smul.u32 $0xC00, s15;
	_ =	sdelay $0x1  }
0x18: {  	s5 =	sadd.s32 s6, s2  }
0x19: {  	[tilespmem:s4], [sflag:$0x7] =	stream.linear.gather [hbm4b:s5+s4], $0x1900, $0x38;
	[tilespmem:$0x1F300] =	vst v63  }
0x1a: {  	_ =	swait.ge [sflag:s19], $0x1900  }
0x1b: {  	p0 =	seq.s32 s0, $0x0;
	[sflag:s19] =	ssyncset.done $0x0  }
0x1c: {  	s5 =	simm.s32 @!p0 $0x3;
	[sflag:s19] =	ssyncadd.s32 $0xFFFFE700  }
0x1d: {  	_ =	swait.ge @!p0 [sflag:s5], $0x4800  }
0x1e: {  	[sflag:s5] =	ssyncset.done @!p0 $0x0  }
0x1f: {  	[sflag:s5] =	ssyncadd.s32 @!p0 $0xFFFFB800;
	s5 =	simm.s32 $0x0  }
.LBB2_3:
0x20: {  	s10 =	sshll.u32 s5, $0x1  }
0x21: {  	v7 =	vmov s10  }
0x22: {  	v7 =	vshll.u32 v7, $0x7  }
0x23: {  	v7 =	vadd.s32 v2, v7  }
0x24: {  	s31 =	simm.s32 $0x0;
	v9 =	vor.u32 v4, v7  }
0x25: {  	s11 =	smul.u32 $0x60, s5;
	v10 =	vor.u32 s31, v9;
	_ =	sdelay $0x1  }
0x26: {  	v8 =	vor.u32 s11, v3  }
0x27: {  	v11 =	vadd.s32 s31, v8  }
0x28: {  	v11 =	vshll.u32 v11, $0x3  }
0x29: {  	s11 =	simm.s32 $0x2;
	v11 =	vor.u32 v6, v11;
	v10 =	vld.idx.msk [tilespmem:v10+s4+$0x0], $0xffff  }
0x2a: {  	v12 =	vadd.s32 s11, v9;
	_ =	sdelay $0x2  }
0x2b: {  	s13 =	simm.s32 $0x4;
	v13 =	vadd.s32 s11, v8  }
0x2c: {  	[tilespmem:v11+s20+$0x0] =	vst.idx.msk $0xffff, v10;
	v11 =	vshll.u32 v13, $0x3;
	v13 =	vmov s13  }
0x2d: {  	v10 =	vor.u32 v5, v7;
	v12 =	vld.idx.msk [tilespmem:v12+s4+$0x0], $0xffff;
	v11 =	vor.u32 v6, v11;
	v13 =	vand.u32 $0x78, v13  }
0x2e: {  	v13 =	vor.u32 v13, v10;
	_ =	sdelay $0x1  }
0x2f: {  	s31 =	simm.s32 $0x6  }
0x30: {  	v14 =	vadd.s32 s13, v8;
	v15 =	vadd.s32 s31, v4  }
0x31: {  	[tilespmem:v11+s20+$0x0] =	vst.idx.msk $0xffff, v12;
	v11 =	vshll.u32 v14, $0x3;
	v12 =	vand.u32 $0xF8, v15  }
0x32: {  	v14 =	vand.u32 $0x7, v15;
	v13 =	vld.idx.msk [tilespmem:v13+s4+$0x0], $0xffff;
	v11 =	vor.u32 v6, v11;
	v12 =	vadd.s32 v7, v12  }
0x33: {  	v12 =	vor.u32 v14, v12;
	_ =	sdelay $0x2  }
0x34: {  	v14 =	vadd.s32 s31, v8  }
0x35: {  	[tilespmem:v11+s20+$0x0] =	vst.idx.msk $0xffff, v13;
	v13 =	vshll.u32 v14, $0x3  }
0x36: {  	s10 =	simm.s32 $0xE;
	s11 =	simm.s32 $0x16;
	s13 =	simm.s32 $0x8;
	v11 =	vld.idx.msk [tilespmem:v12+s4+$0x0], $0xffff;
	v12 =	vor.u32 v6, v13  }
.LBB2_4:
0x37: {  	p1 =	sne.s32 s11, $0x5E;
	v13 =	vor.u32 s13, v9;
	_ =	sdelay $0x3  }
0x38: {  	v14 =	vadd.s32 s13, v8;
	[tilespmem:v12+s20+$0x0] =	vst.idx.msk $0xffff, v11  }
0x39: {  	v12 =	vshll.u32 v14, $0x3;
	v11 =	vld.idx.msk [tilespmem:v13+s4+$0x0], $0xffff  }
0x3a: {  	s13 =	sadd.s32 $0xFFFFFFFC, s10;
	v12 =	vor.u32 v6, v12  }
0x3b: {  	v13 =	vadd.s32 s13, v9;
	_ =	sdelay $0x3  }
0x3c: {  	[tilespmem:v12+s20+$0x0] =	vst.idx.msk $0xffff, v11;
	v11 =	vadd.s32 s13, v8;
	s13 =	sadd.s32 $0xFFFFFFFE, s10  }
0x3d: {  	v12 =	vld.idx.msk [tilespmem:v13+s4+$0x0], $0xffff;
	v11 =	vshll.u32 v11, $0x3;
	v13 =	vmov s13  }
0x3e: {  	v11 =	vor.u32 v6, v11;
	v13 =	vand.u32 $0x78, v13  }
0x3f: {  	v13 =	vor.u32 v13, v10;
	_ =	sdelay $0x3  }
0x40: {  	[tilespmem:v11+s20+$0x0] =	vst.idx.msk $0xffff, v12;
	v11 =	vadd.s32 s13, v8;
	v12 =	vadd.s32 s10, v4  }
0x41: {  	v13 =	vld.idx.msk [tilespmem:v13+s4+$0x0], $0xffff;
	v11 =	vshll.u32 v11, $0x3;
	v14 =	vand.u32 $0xF8, v12  }
0x42: {  	v12 =	vand.u32 $0x7, v12;
	v11 =	vor.u32 v6, v11;
	v14 =	vadd.s32 v7, v14  }
0x43: {  	v12 =	vor.u32 v12, v14;
	_ =	sdelay $0x1  }
.Ltmp0:
0x44: {  	(pc) =	sbr.rel @p1 .LBB2_4-.Ltmp0, $4  }
0x45: {  	_ = 	snop  }
0x46: {  	[tilespmem:v11+s20+$0x0] =	vst.idx.msk $0xffff, v13;
	v13 =	vadd.s32 s10, v8;
	s10 =	smov.u32 s11  }
0x47: {  	v11 =	vld.idx.msk [tilespmem:v12+s4+$0x0], $0xffff;
	v12 =	vshll.u32 v13, $0x3  }
0x48: {  	s11 =	sadd.s32 $0x8, s11;
	s13 =	sadd.s32 $0xFFFFFFFA, s10;
	v12 =	vor.u32 v6, v12  }
0x49: {  	v13 =	vor.u32 s13, v9;
	_ =	sdelay $0x2  }
0x4a: {  	v14 =	vadd.s32 s13, v8  }
0x4b: {  	v54 =	vshll.u32 v14, $0x3;
	[tilespmem:v12+s20+$0x0] =	vst.idx.msk $0xffff, v11  }
0x4c: {  	s11 =	sadd.s32 $0xFFFFFFFC, s10;
	v11 =	vor.u32 v6, v54;
	v12 =	vld.idx.msk [tilespmem:v13+s4+$0x0], $0xffff  }
0x4d: {  	v55 =	vadd.s32 s11, v9;
	_ =	sdelay $0x2  }
0x4e: {  	s31 =	sadd.s32 $0xFFFFFFFE, s10;
	v56 =	vadd.s32 s11, v8  }
0x4f: {  	v58 =	vmov s31;
	v57 =	vshll.u32 v56, $0x3;
	[tilespmem:v11+s20+$0x0] =	vst.idx.msk $0xffff, v12  }
0x50: {  	v11 =	vor.u32 v6, v57;
	v12 =	vand.u32 $0x78, v58;
	v9 =	vld.idx.msk [tilespmem:v55+s4+$0x0], $0xffff  }
0x51: {  	v10 =	vor.u32 v12, v10;
	_ =	sdelay $0x2  }
0x52: {  	v60 =	vadd.s32 s10, v4;
	v59 =	vadd.s32 s31, v8  }
0x53: {  	v62 =	vand.u32 $0xF8, v60;
	v61 =	vshll.u32 v59, $0x3;
	[tilespmem:v11+s20+$0x0] =	vst.idx.msk $0xffff, v9  }
0x54: {  	v63 =	vand.u32 $0x7, v60;
	v7 =	vadd.s32 v7, v62;
	v9 =	vor.u32 v6, v61;
	v10 =	vld.idx.msk [tilespmem:v10+s4+$0x0], $0xffff  }
0x55: {  	v7 =	vor.u32 v63, v7;
	_ =	sdelay $0x2  }
0x56: {  	v8 =	vadd.s32 s10, v8  }
0x57: {  	s5 =	sadd.s32 $0x1, s5;
	v8 =	vshll.u32 v8, $0x3;
	[tilespmem:v9+s20+$0x0] =	vst.idx.msk $0xffff, v10  }
0x58: {  	p1 =	sne.s32 s5, $0x18;
	v8 =	vor.u32 v6, v8;
	v7 =	vld.idx.msk [tilespmem:v7+s4+$0x0], $0xffff  }
.Ltmp1:
0x59: {  	_ = 	snop;
	(pc) =	sbr.rel @p1 .LBB2_3-.Ltmp1, $2  }
0x5a: {  	_ =	sdelay $0x2  }
0x5b: {  	[tilespmem:v8+s20+$0x0] =	vst.idx.msk $0xffff, v7  }
0x5c: {  	s3 =	smul.u32 $0x2400, s3;
	_ =	sdelay $0x1  }
0x5d: {  	s13 =	sadd.s32 s17, s3  }
0x5e: {  	s3 =	sadd.s32 s9, s13  }
0x5f: {  	[hbm4b:s3+s4] =	stream.linear.scatter [tilespmem:s20], [sflag:$0x3], $0x4800, $0x38;
	[tilespmem:$0x1F300] =	vst v63  }
0x60: {  	s2 =	sadd.s32 s2, s18  }
0x61: {  	[tilespmem:s4], [sflag:$0x7] =	stream.linear.gather [hbm4b:s2+s4], $0x1900, $0x38;
	[tilespmem:$0x1F300] =	vst v63  }
0x62: {  	_ =	swait.ge [sflag:s19], $0x1900  }
0x63: {  	[sflag:s19] =	ssyncset.done $0x0  }
0x64: {  	s2 =	simm.s32 @!p0 $0x4;
	[sflag:s19] =	ssyncadd.s32 $0xFFFFE700  }
0x65: {  	_ =	swait.ge @!p0 [sflag:s2], $0x4800  }
0x66: {  	[sflag:s2] =	ssyncset.done @!p0 $0x0  }
0x67: {  	[sflag:s2] =	ssyncadd.s32 @!p0 $0xFFFFB800;
	s2 =	simm.s32 $0x0  }
.LBB2_7:
0x68: {  	s3 =	sshll.u32 s2, $0x1  }
0x69: {  	v7 =	vmov s3  }
0x6a: {  	v7 =	vshll.u32 v7, $0x7  }
0x6b: {  	v7 =	vadd.s32 v2, v7  }
0x6c: {  	s31 =	simm.s32 $0x0;
	v9 =	vor.u32 v4, v7  }
0x6d: {  	s5 =	smul.u32 $0x60, s2;
	v10 =	vor.u32 s31, v9;
	_ =	sdelay $0x1  }
0x6e: {  	v8 =	vor.u32 s5, v3  }
0x6f: {  	v11 =	vadd.s32 s31, v8  }
0x70: {  	v11 =	vshll.u32 v11, $0x3  }
0x71: {  	s10 =	simm.s32 $0x2;
	v11 =	vor.u32 v6, v11;
	v10 =	vld.idx.msk [tilespmem:v10+s4+$0x0], $0xffff  }
0x72: {  	v12 =	vadd.s32 s10, v9;
	_ =	sdelay $0x2  }
0x73: {  	s11 =	simm.s32 $0x4;
	v13 =	vadd.s32 s10, v8  }
0x74: {  	[tilespmem:v11+s21+$0x0] =	vst.idx.msk $0xffff, v10;
	v11 =	vshll.u32 v13, $0x3;
	v13 =	vmov s11  }
0x75: {  	v10 =	vor.u32 v5, v7;
	v12 =	vld.idx.msk [tilespmem:v12+s4+$0x0], $0xffff;
	v11 =	vor.u32 v6, v11;
	v13 =	vand.u32 $0x78, v13  }
0x76: {  	v13 =	vor.u32 v13, v10;
	_ =	sdelay $0x1  }
0x77: {  	s31 =	simm.s32 $0x6  }
0x78: {  	v14 =	vadd.s32 s11, v8;
	v15 =	vadd.s32 s31, v4  }
0x79: {  	[tilespmem:v11+s21+$0x0] =	vst.idx.msk $0xffff, v12;
	v11 =	vshll.u32 v14, $0x3;
	v12 =	vand.u32 $0xF8, v15  }
0x7a: {  	v14 =	vand.u32 $0x7, v15;
	v13 =	vld.idx.msk [tilespmem:v13+s4+$0x0], $0xffff;
	v11 =	vor.u32 v6, v11;
	v12 =	vadd.s32 v7, v12  }
0x7b: {  	v12 =	vor.u32 v14, v12;
	_ =	sdelay $0x2  }
0x7c: {  	v14 =	vadd.s32 s31, v8  }
0x7d: {  	[tilespmem:v11+s21+$0x0] =	vst.idx.msk $0xffff, v13;
	v13 =	vshll.u32 v14, $0x3  }
0x7e: {  	s3 =	simm.s32 $0xE;
	s5 =	simm.s32 $0x16;
	s10 =	simm.s32 $0x8;
	v11 =	vld.idx.msk [tilespmem:v12+s4+$0x0], $0xffff;
	v12 =	vor.u32 v6, v13  }
.LBB2_8:
0x7f: {  	p0 =	sne.s32 s5, $0x5E;
	v13 =	vor.u32 s10, v9;
	_ =	sdelay $0x3  }
0x80: {  	v14 =	vadd.s32 s10, v8;
	[tilespmem:v12+s21+$0x0] =	vst.idx.msk $0xffff, v11  }
0x81: {  	v12 =	vshll.u32 v14, $0x3;
	v11 =	vld.idx.msk [tilespmem:v13+s4+$0x0], $0xffff  }
0x82: {  	s10 =	sadd.s32 $0xFFFFFFFC, s3;
	v12 =	vor.u32 v6, v12  }
0x83: {  	v13 =	vadd.s32 s10, v9;
	_ =	sdelay $0x3  }
0x84: {  	[tilespmem:v12+s21+$0x0] =	vst.idx.msk $0xffff, v11;
	v11 =	vadd.s32 s10, v8;
	s10 =	sadd.s32 $0xFFFFFFFE, s3  }
0x85: {  	v12 =	vld.idx.msk [tilespmem:v13+s4+$0x0], $0xffff;
	v11 =	vshll.u32 v11, $0x3;
	v13 =	vmov s10  }
0x86: {  	v11 =	vor.u32 v6, v11;
	v13 =	vand.u32 $0x78, v13  }
0x87: {  	v13 =	vor.u32 v13, v10;
	_ =	sdelay $0x3  }
0x88: {  	[tilespmem:v11+s21+$0x0] =	vst.idx.msk $0xffff, v12;
	v11 =	vadd.s32 s10, v8;
	v12 =	vadd.s32 s3, v4  }
0x89: {  	v13 =	vld.idx.msk [tilespmem:v13+s4+$0x0], $0xffff;
	v11 =	vshll.u32 v11, $0x3;
	v14 =	vand.u32 $0xF8, v12  }
0x8a: {  	v12 =	vand.u32 $0x7, v12;
	v11 =	vor.u32 v6, v11;
	v14 =	vadd.s32 v7, v14  }
0x8b: {  	v12 =	vor.u32 v12, v14;
	_ =	sdelay $0x1  }
.Ltmp2:
0x8c: {  	(pc) =	sbr.rel @p0 .LBB2_8-.Ltmp2, $4  }
0x8d: {  	_ = 	snop  }
0x8e: {  	[tilespmem:v11+s21+$0x0] =	vst.idx.msk $0xffff, v13;
	v13 =	vadd.s32 s3, v8;
	s3 =	smov.u32 s5  }
0x8f: {  	v11 =	vld.idx.msk [tilespmem:v12+s4+$0x0], $0xffff;
	v12 =	vshll.u32 v13, $0x3  }
0x90: {  	s5 =	sadd.s32 $0x8, s5;
	s10 =	sadd.s32 $0xFFFFFFFA, s3;
	v12 =	vor.u32 v6, v12  }
0x91: {  	v13 =	vor.u32 s10, v9;
	_ =	sdelay $0x2  }
0x92: {  	v14 =	vadd.s32 s10, v8  }
0x93: {  	v54 =	vshll.u32 v14, $0x3;
	[tilespmem:v12+s21+$0x0] =	vst.idx.msk $0xffff, v11  }
0x94: {  	s5 =	sadd.s32 $0xFFFFFFFC, s3;
	v11 =	vor.u32 v6, v54;
	v12 =	vld.idx.msk [tilespmem:v13+s4+$0x0], $0xffff  }
0x95: {  	v55 =	vadd.s32 s5, v9;
	_ =	sdelay $0x2  }
0x96: {  	s31 =	sadd.s32 $0xFFFFFFFE, s3;
	v56 =	vadd.s32 s5, v8  }
0x97: {  	v58 =	vmov s31;
	v57 =	vshll.u32 v56, $0x3;
	[tilespmem:v11+s21+$0x0] =	vst.idx.msk $0xffff, v12  }
0x98: {  	v11 =	vor.u32 v6, v57;
	v12 =	vand.u32 $0x78, v58;
	v9 =	vld.idx.msk [tilespmem:v55+s4+$0x0], $0xffff  }
0x99: {  	v10 =	vor.u32 v12, v10;
	_ =	sdelay $0x2  }
0x9a: {  	v60 =	vadd.s32 s3, v4;
	v59 =	vadd.s32 s31, v8  }
0x9b: {  	v62 =	vand.u32 $0xF8, v60;
	v61 =	vshll.u32 v59, $0x3;
	[tilespmem:v11+s21+$0x0] =	vst.idx.msk $0xffff, v9  }
0x9c: {  	v63 =	vand.u32 $0x7, v60;
	v7 =	vadd.s32 v7, v62;
	v9 =	vor.u32 v6, v61;
	v10 =	vld.idx.msk [tilespmem:v10+s4+$0x0], $0xffff  }
0x9d: {  	v7 =	vor.u32 v63, v7;
	_ =	sdelay $0x2  }
0x9e: {  	v8 =	vadd.s32 s3, v8  }
0x9f: {  	s2 =	sadd.s32 $0x1, s2;
	v8 =	vshll.u32 v8, $0x3;
	[tilespmem:v9+s21+$0x0] =	vst.idx.msk $0xffff, v10  }
0xa0: {  	p0 =	sne.s32 s2, $0x18;
	v8 =	vor.u32 v6, v8;
	v7 =	vld.idx.msk [tilespmem:v7+s4+$0x0], $0xffff  }
.Ltmp3:
0xa1: {  	_ = 	snop;
	(pc) =	sbr.rel @p0 .LBB2_7-.Ltmp3, $2  }
0xa2: {  	_ =	sdelay $0x2  }
0xa3: {  	[tilespmem:v8+s21+$0x0] =	vst.idx.msk $0xffff, v7  }
0xa4: {  	s2 =	sadd.s32 s22, s13;
	s3 =	simm.s32 $0x0;
	s5 =	smul.u32 $0x6000, s15  }
0xa5: {  	[hbm4b:s2+s3] =	stream.linear.scatter [tilespmem:s21], [sflag:$0x4], $0x4800, $0x38;
	[tilespmem:$0x1F300] =	vst v63  }
0xa6: {  	s15 =	sshrl.u32 s5, $0x3  }
0xa7: {  	s2 =	sadd.s32 s6, s15  }
0xa8: {  	s31 =	sadd.s32 $0x600, s2  }
0xa9: {  	[tilespmem:s3], [sflag:$0x7] =	stream.linear.gather [hbm4b:s31+s3], $0x1900, $0x38;
	[tilespmem:$0x1F300] =	vst v63  }
0xaa: {  	_ =	swait.ge [sflag:s19], $0x1900  }
0xab: {  	[sflag:s19] =	ssyncset.done $0x0  }
0xac: {  	[sflag:s19] =	ssyncadd.s32 $0xFFFFE700  }
0xad: {  	_ =	swait.ge [sflag:s29], $0x4800  }
0xae: {  	[sflag:s29] =	ssyncset.done $0x0  }
0xaf: {  	[sflag:s29] =	ssyncadd.s32 $0xFFFFB800  }
.LBB2_11:
0xb0: {  	s5 =	sshll.u32 s3, $0x1  }
0xb1: {  	v7 =	vmov s5  }
0xb2: {  	v7 =	vshll.u32 v7, $0x7  }
0xb3: {  	v7 =	vadd.s32 v2, v7  }
0xb4: {  	s31 =	simm.s32 $0x0;
	v9 =	vor.u32 v4, v7  }
0xb5: {  	s10 =	smul.u32 $0x60, s3;
	v10 =	vor.u32 s31, v9;
	_ =	sdelay $0x1  }
0xb6: {  	v8 =	vor.u32 s10, v3  }
0xb7: {  	v11 =	vadd.s32 s31, v8  }
0xb8: {  	v11 =	vshll.u32 v11, $0x3  }
0xb9: {  	s11 =	simm.s32 $0x2;
	v11 =	vor.u32 v6, v11;
	v10 =	vld.idx.msk [tilespmem:v10+s4+$0x0], $0xffff  }
0xba: {  	v12 =	vadd.s32 s11, v9;
	_ =	sdelay $0x2  }
0xbb: {  	s15 =	simm.s32 $0x4;
	v13 =	vadd.s32 s11, v8  }
0xbc: {  	[tilespmem:v11+s20+$0x0] =	vst.idx.msk $0xffff, v10;
	v11 =	vshll.u32 v13, $0x3;
	v13 =	vmov s15  }
0xbd: {  	v10 =	vor.u32 v5, v7;
	v12 =	vld.idx.msk [tilespmem:v12+s4+$0x0], $0xffff;
	v11 =	vor.u32 v6, v11;
	v13 =	vand.u32 $0x78, v13  }
0xbe: {  	v13 =	vor.u32 v13, v10;
	_ =	sdelay $0x1  }
0xbf: {  	s31 =	simm.s32 $0x6  }
0xc0: {  	v14 =	vadd.s32 s15, v8;
	v15 =	vadd.s32 s31, v4  }
0xc1: {  	[tilespmem:v11+s20+$0x0] =	vst.idx.msk $0xffff, v12;
	v11 =	vshll.u32 v14, $0x3;
	v12 =	vand.u32 $0xF8, v15  }
0xc2: {  	v14 =	vand.u32 $0x7, v15;
	v13 =	vld.idx.msk [tilespmem:v13+s4+$0x0], $0xffff;
	v11 =	vor.u32 v6, v11;
	v12 =	vadd.s32 v7, v12  }
0xc3: {  	v12 =	vor.u32 v14, v12;
	_ =	sdelay $0x2  }
0xc4: {  	v14 =	vadd.s32 s31, v8  }
0xc5: {  	[tilespmem:v11+s20+$0x0] =	vst.idx.msk $0xffff, v13;
	v13 =	vshll.u32 v14, $0x3  }
0xc6: {  	s5 =	simm.s32 $0xE;
	s10 =	simm.s32 $0x16;
	s11 =	simm.s32 $0x8;
	v11 =	vld.idx.msk [tilespmem:v12+s4+$0x0], $0xffff;
	v12 =	vor.u32 v6, v13  }
.LBB2_12:
0xc7: {  	p0 =	sne.s32 s10, $0x5E;
	v13 =	vor.u32 s11, v9;
	_ =	sdelay $0x3  }
0xc8: {  	v14 =	vadd.s32 s11, v8;
	[tilespmem:v12+s20+$0x0] =	vst.idx.msk $0xffff, v11  }
0xc9: {  	v12 =	vshll.u32 v14, $0x3;
	v11 =	vld.idx.msk [tilespmem:v13+s4+$0x0], $0xffff  }
0xca: {  	s11 =	sadd.s32 $0xFFFFFFFC, s5;
	v12 =	vor.u32 v6, v12  }
0xcb: {  	v13 =	vadd.s32 s11, v9;
	_ =	sdelay $0x3  }
0xcc: {  	[tilespmem:v12+s20+$0x0] =	vst.idx.msk $0xffff, v11;
	v11 =	vadd.s32 s11, v8;
	s11 =	sadd.s32 $0xFFFFFFFE, s5  }
0xcd: {  	v12 =	vld.idx.msk [tilespmem:v13+s4+$0x0], $0xffff;
	v11 =	vshll.u32 v11, $0x3;
	v13 =	vmov s11  }
0xce: {  	v11 =	vor.u32 v6, v11;
	v13 =	vand.u32 $0x78, v13  }
0xcf: {  	v13 =	vor.u32 v13, v10;
	_ =	sdelay $0x3  }
0xd0: {  	[tilespmem:v11+s20+$0x0] =	vst.idx.msk $0xffff, v12;
	v11 =	vadd.s32 s11, v8;
	v12 =	vadd.s32 s5, v4  }
0xd1: {  	v13 =	vld.idx.msk [tilespmem:v13+s4+$0x0], $0xffff;
	v11 =	vshll.u32 v11, $0x3;
	v14 =	vand.u32 $0xF8, v12  }
0xd2: {  	v12 =	vand.u32 $0x7, v12;
	v11 =	vor.u32 v6, v11;
	v14 =	vadd.s32 v7, v14  }
0xd3: {  	v12 =	vor.u32 v12, v14;
	_ =	sdelay $0x1  }
.Ltmp4:
0xd4: {  	(pc) =	sbr.rel @p0 .LBB2_12-.Ltmp4, $4  }
0xd5: {  	_ = 	snop  }
0xd6: {  	[tilespmem:v11+s20+$0x0] =	vst.idx.msk $0xffff, v13;
	v13 =	vadd.s32 s5, v8;
	s5 =	smov.u32 s10  }
0xd7: {  	v11 =	vld.idx.msk [tilespmem:v12+s4+$0x0], $0xffff;
	v12 =	vshll.u32 v13, $0x3  }
0xd8: {  	s10 =	sadd.s32 $0x8, s10;
	s11 =	sadd.s32 $0xFFFFFFFA, s5;
	v12 =	vor.u32 v6, v12  }
0xd9: {  	v13 =	vor.u32 s11, v9;
	_ =	sdelay $0x2  }
0xda: {  	v14 =	vadd.s32 s11, v8  }
0xdb: {  	v54 =	vshll.u32 v14, $0x3;
	[tilespmem:v12+s20+$0x0] =	vst.idx.msk $0xffff, v11  }
0xdc: {  	s10 =	sadd.s32 $0xFFFFFFFC, s5;
	v11 =	vor.u32 v6, v54;
	v12 =	vld.idx.msk [tilespmem:v13+s4+$0x0], $0xffff  }
0xdd: {  	v55 =	vadd.s32 s10, v9;
	_ =	sdelay $0x2  }
0xde: {  	s31 =	sadd.s32 $0xFFFFFFFE, s5;
	v56 =	vadd.s32 s10, v8  }
0xdf: {  	v58 =	vmov s31;
	v57 =	vshll.u32 v56, $0x3;
	[tilespmem:v11+s20+$0x0] =	vst.idx.msk $0xffff, v12  }
0xe0: {  	v11 =	vor.u32 v6, v57;
	v12 =	vand.u32 $0x78, v58;
	v9 =	vld.idx.msk [tilespmem:v55+s4+$0x0], $0xffff  }
0xe1: {  	v10 =	vor.u32 v12, v10;
	_ =	sdelay $0x2  }
0xe2: {  	v60 =	vadd.s32 s5, v4;
	v59 =	vadd.s32 s31, v8  }
0xe3: {  	v62 =	vand.u32 $0xF8, v60;
	v61 =	vshll.u32 v59, $0x3;
	[tilespmem:v11+s20+$0x0] =	vst.idx.msk $0xffff, v9  }
0xe4: {  	v63 =	vand.u32 $0x7, v60;
	v7 =	vadd.s32 v7, v62;
	v9 =	vor.u32 v6, v61;
	v10 =	vld.idx.msk [tilespmem:v10+s4+$0x0], $0xffff  }
0xe5: {  	v7 =	vor.u32 v63, v7;
	_ =	sdelay $0x2  }
0xe6: {  	v8 =	vadd.s32 s5, v8  }
0xe7: {  	s3 =	sadd.s32 $0x1, s3;
	v8 =	vshll.u32 v8, $0x3;
	[tilespmem:v9+s20+$0x0] =	vst.idx.msk $0xffff, v10  }
0xe8: {  	p0 =	sne.s32 s3, $0x18;
	v8 =	vor.u32 v6, v8;
	v7 =	vld.idx.msk [tilespmem:v7+s4+$0x0], $0xffff  }
.Ltmp5:
0xe9: {  	_ = 	snop;
	(pc) =	sbr.rel @p0 .LBB2_11-.Ltmp5, $2  }
0xea: {  	_ =	sdelay $0x2  }
0xeb: {  	[tilespmem:v8+s20+$0x0] =	vst.idx.msk $0xffff, v7  }
0xec: {  	s5 =	sadd.s32 s25, s13;
	s3 =	simm.s32 $0x0  }
0xed: {  	[hbm4b:s5+s3] =	stream.linear.scatter [tilespmem:s20], [sflag:$0x3], $0x4800, $0x38;
	[tilespmem:$0x1F300] =	vst v63  }
0xee: {  	s2 =	sadd.s32 $0x900, s2  }
0xef: {  	[tilespmem:s3], [sflag:$0x7] =	stream.linear.gather [hbm4b:s2+s3], $0x1800, $0x38;
	[tilespmem:$0x1F300] =	vst v63  }
0xf0: {  	_ =	swait.ge [sflag:s19], $0x1800  }
0xf1: {  	[sflag:s19] =	ssyncset.done $0x0  }
0xf2: {  	[sflag:s19] =	ssyncadd.s32 $0xFFFFE800  }
0xf3: {  	_ =	swait.ge [sflag:s23], $0x4800  }
0xf4: {  	[sflag:s23] =	ssyncset.done $0x0  }
0xf5: {  	[sflag:s23] =	ssyncadd.s32 $0xFFFFB800  }
.LBB2_15:
0xf6: {  	s2 =	sshll.u32 s3, $0x1  }
0xf7: {  	v7 =	vmov s2  }
0xf8: {  	v7 =	vshll.u32 v7, $0x7  }
0xf9: {  	v7 =	vadd.s32 v2, v7  }
0xfa: {  	s10 =	simm.s32 $0x0;
	v9 =	vor.u32 v4, v7  }
0xfb: {  	s5 =	smul.u32 $0x60, s3;
	v10 =	vor.u32 s10, v9;
	_ =	sdelay $0x1  }
0xfc: {  	v8 =	vor.u32 s5, v3  }
0xfd: {  	v11 =	vadd.s32 s10, v8  }
0xfe: {  	v11 =	vshll.u32 v11, $0x3  }
0xff: {  	s11 =	simm.s32 $0x2;
	v11 =	vor.u32 v6, v11;
	v10 =	vld.idx.msk [tilespmem:v10+s4+$0x0], $0xffff  }
0x100: {  	v12 =	vadd.s32 s11, v9;
	_ =	sdelay $0x2  }
0x101: {  	s15 =	simm.s32 $0x4;
	v13 =	vadd.s32 s11, v8  }
0x102: {  	[tilespmem:v11+s21+$0x0] =	vst.idx.msk $0xffff, v10;
	v11 =	vshll.u32 v13, $0x3;
	v13 =	vmov s15  }
0x103: {  	v10 =	vor.u32 v5, v7;
	v12 =	vld.idx.msk [tilespmem:v12+s4+$0x0], $0xffff;
	v11 =	vor.u32 v6, v11;
	v13 =	vand.u32 $0x78, v13  }
0x104: {  	v13 =	vor.u32 v13, v10;
	_ =	sdelay $0x1  }
0x105: {  	s31 =	simm.s32 $0x6  }
0x106: {  	v15 =	vadd.s32 s31, v4;
	v14 =	vadd.s32 s15, v8  }
0x107: {  	[tilespmem:v11+s21+$0x0] =	vst.idx.msk $0xffff, v12;
	v11 =	vshll.u32 v14, $0x3;
	v12 =	vand.u32 $0xF8, v15  }
0x108: {  	v14 =	vand.u32 $0x7, v15;
	v13 =	vld.idx.msk [tilespmem:v13+s4+$0x0], $0xffff;
	v11 =	vor.u32 v6, v11;
	v12 =	vadd.s32 v7, v12  }
0x109: {  	v12 =	vor.u32 v14, v12;
	_ =	sdelay $0x2  }
0x10a: {  	v14 =	vadd.s32 s31, v8  }
0x10b: {  	[tilespmem:v11+s21+$0x0] =	vst.idx.msk $0xffff, v13;
	v13 =	vshll.u32 v14, $0x3  }
0x10c: {  	s2 =	simm.s32 $0xE;
	s5 =	simm.s32 $0x16;
	s10 =	simm.s32 $0x8;
	v11 =	vld.idx.msk [tilespmem:v12+s4+$0x0], $0xffff;
	v12 =	vor.u32 v6, v13  }
.LBB2_16:
0x10d: {  	p0 =	sne.s32 s5, $0x5E;
	v13 =	vor.u32 s10, v9;
	_ =	sdelay $0x3  }
0x10e: {  	v14 =	vadd.s32 s10, v8;
	[tilespmem:v12+s21+$0x0] =	vst.idx.msk $0xffff, v11  }
0x10f: {  	v12 =	vshll.u32 v14, $0x3;
	v11 =	vld.idx.msk [tilespmem:v13+s4+$0x0], $0xffff  }
0x110: {  	s10 =	sadd.s32 $0xFFFFFFFC, s2;
	v12 =	vor.u32 v6, v12  }
0x111: {  	v13 =	vadd.s32 s10, v9;
	_ =	sdelay $0x3  }
0x112: {  	[tilespmem:v12+s21+$0x0] =	vst.idx.msk $0xffff, v11;
	v11 =	vadd.s32 s10, v8;
	s10 =	sadd.s32 $0xFFFFFFFE, s2  }
0x113: {  	v12 =	vld.idx.msk [tilespmem:v13+s4+$0x0], $0xffff;
	v11 =	vshll.u32 v11, $0x3;
	v13 =	vmov s10  }
0x114: {  	v11 =	vor.u32 v6, v11;
	v13 =	vand.u32 $0x78, v13  }
0x115: {  	v13 =	vor.u32 v13, v10;
	_ =	sdelay $0x3  }
0x116: {  	[tilespmem:v11+s21+$0x0] =	vst.idx.msk $0xffff, v12;
	v11 =	vadd.s32 s10, v8;
	v12 =	vadd.s32 s2, v4  }
0x117: {  	v13 =	vld.idx.msk [tilespmem:v13+s4+$0x0], $0xffff;
	v11 =	vshll.u32 v11, $0x3;
	v14 =	vand.u32 $0xF8, v12  }
0x118: {  	v12 =	vand.u32 $0x7, v12;
	v11 =	vor.u32 v6, v11;
	v14 =	vadd.s32 v7, v14  }
0x119: {  	v12 =	vor.u32 v12, v14;
	_ =	sdelay $0x1  }
.Ltmp6:
0x11a: {  	(pc) =	sbr.rel @p0 .LBB2_16-.Ltmp6, $4  }
0x11b: {  	_ = 	snop  }
0x11c: {  	[tilespmem:v11+s21+$0x0] =	vst.idx.msk $0xffff, v13;
	v13 =	vadd.s32 s2, v8;
	s2 =	smov.u32 s5  }
0x11d: {  	v11 =	vld.idx.msk [tilespmem:v12+s4+$0x0], $0xffff;
	v12 =	vshll.u32 v13, $0x3  }
0x11e: {  	s5 =	sadd.s32 $0x8, s5;
	s10 =	sadd.s32 $0xFFFFFFFA, s2;
	v12 =	vor.u32 v6, v12  }
0x11f: {  	v13 =	vor.u32 s10, v9;
	_ =	sdelay $0x2  }
0x120: {  	v14 =	vadd.s32 s10, v8  }
0x121: {  	v54 =	vshll.u32 v14, $0x3;
	[tilespmem:v12+s21+$0x0] =	vst.idx.msk $0xffff, v11  }
0x122: {  	s5 =	sadd.s32 $0xFFFFFFFC, s2;
	v11 =	vor.u32 v6, v54;
	v12 =	vld.idx.msk [tilespmem:v13+s4+$0x0], $0xffff  }
0x123: {  	v55 =	vadd.s32 s5, v9;
	_ =	sdelay $0x2  }
0x124: {  	s31 =	sadd.s32 $0xFFFFFFFE, s2;
	v56 =	vadd.s32 s5, v8  }
0x125: {  	v58 =	vmov s31;
	v57 =	vshll.u32 v56, $0x3;
	[tilespmem:v11+s21+$0x0] =	vst.idx.msk $0xffff, v12  }
0x126: {  	v11 =	vor.u32 v6, v57;
	v12 =	vand.u32 $0x78, v58;
	v9 =	vld.idx.msk [tilespmem:v55+s4+$0x0], $0xffff  }
0x127: {  	v10 =	vor.u32 v12, v10;
	_ =	sdelay $0x2  }
0x128: {  	v60 =	vadd.s32 s2, v4;
	v59 =	vadd.s32 s31, v8  }
0x129: {  	v62 =	vand.u32 $0xF8, v60;
	v61 =	vshll.u32 v59, $0x3;
	[tilespmem:v11+s21+$0x0] =	vst.idx.msk $0xffff, v9  }
0x12a: {  	v63 =	vand.u32 $0x7, v60;
	v7 =	vadd.s32 v7, v62;
	v9 =	vor.u32 v6, v61;
	v10 =	vld.idx.msk [tilespmem:v10+s4+$0x0], $0xffff  }
0x12b: {  	v7 =	vor.u32 v63, v7;
	_ =	sdelay $0x2  }
0x12c: {  	v8 =	vadd.s32 s2, v8  }
0x12d: {  	s3 =	sadd.s32 $0x1, s3;
	v8 =	vshll.u32 v8, $0x3;
	[tilespmem:v9+s21+$0x0] =	vst.idx.msk $0xffff, v10  }
0x12e: {  	p0 =	sne.s32 s3, $0x18;
	v8 =	vor.u32 v6, v8;
	v7 =	vld.idx.msk [tilespmem:v7+s4+$0x0], $0xffff  }
.Ltmp7:
0x12f: {  	_ = 	snop;
	(pc) =	sbr.rel @p0 .LBB2_15-.Ltmp7, $2  }
0x130: {  	_ =	sdelay $0x2  }
0x131: {  	[tilespmem:v8+s21+$0x0] =	vst.idx.msk $0xffff, v7  }
0x132: {  	s0 =	sadd.s32 $0x1, s0  }
0x133: {  	p0 =	sne.s32 s0, $0x6  }
.Ltmp8:
0x134: {  	_ = 	snop;
	(pc) =	sbr.rel @p0 .LBB2_2-.Ltmp8, $3  }
0x135: {  	_ =	sdelay $0x1  }
0x136: {  	s2 =	sadd.s32 s28, s13  }
0x137: {  	[hbm4b:s2+s4] =	stream.linear.scatter [tilespmem:s21], [sflag:$0x4], $0x4800, $0x38;
	[tilespmem:$0x1F300] =	vst v63  }
0x138: {  	_ =	swait.ge [sflag:s29], $0x4800  }
0x139: {  	[sflag:s29] =	ssyncset.done $0x0  }
0x13a: {  	[sflag:s29] =	ssyncadd.s32 $0xFFFFB800  }
0x13b: {  	_ =	swait.ge [sflag:s23], $0x4800  }
0x13c: {  	[sflag:s23] =	ssyncset.done $0x0  }
0x13d: {  	[sflag:s23] =	ssyncadd.s32 $0xFFFFB800  }
0x13e: {  	[bflag:$0x0] =	sbarrier.arrive $0xFFFF  }
0x13f: {  	s0 =	simm.s32 $0x0;
	s3 =	simm.s32 $0xA900;
	s2 =	rddreg [dreg:$0x9]  }
0x140: {  	[tilespmem:s3], [sflag:$0x7] =	stream.linear.gather [hbm4b:s2+s0], $0x1800, $0x38;
	[tilespmem:$0x1F300] =	vst v63  }
0x141: {  	s11 =	smul.u32 $0xAB, s0;
	_ =	swait.ge [sflag:s19], $0x1800  }
0x142: {  	s22 =	simm.s32 $0xC100;
	s25 =	smul.u32 $0xAB, s0;
	[sflag:s19] =	ssyncset.done $0x0  }
0x143: {  	s28 =	sshrl.u32 s11, $0xA;
	s18 =	rddreg [dreg:$0xa];
	[sflag:s19] =	ssyncadd.s32 $0xFFFFE800  }
0x144: {  	[tilespmem:s22], [sflag:$0x7] =	stream.linear.gather [hbm4b:s18+s0], $0x1800, $0x38;
	[tilespmem:$0x1F300] =	vst v63  }
0x145: {  	s3 =	smul.u32 $0x6, s28;
	_ =	swait.ge [sflag:s19], $0x1800  }
0x146: {  	s6 =	simm.s32 $0xD900;
	s2 =	sshrl.u32 s25, $0x2;
	[sflag:s19] =	ssyncset.done $0x0  }
0x147: {  	s3 =	ssub.s32 $0x0, s3;
	s5 =	rddreg [dreg:$0xb];
	[sflag:s19] =	ssyncadd.s32 $0xFFFFE800  }
0x148: {  	[tilespmem:s6], [sflag:$0x7] =	stream.linear.gather [hbm4b:s5+s0], $0x1800, $0x38;
	[tilespmem:$0x1F300] =	vst v63  }
0x149: {  	s29 =	sand.u32 $0x3F80, s2;
	s3 =	sshll.u32 s3, $0x4;
	_ =	swait.ge [sflag:s19], $0x1800  }
0x14a: {  	s2 =	sadd.s32 $0xD900, s29;
	s3 =	sand.u32 $0xF0, s3;
	[sflag:s19] =	ssyncset.done $0x0  }
0x14b: {  	s10 =	sadd.s32 $0xC100, s29;
	s13 =	sor.u32 s3, s2;
	[sflag:s19] =	ssyncadd.s32 $0xFFFFE800  }
0x14c: {  	s15 =	sor.u32 s3, s10;
	s5 =	sadd.s32 $0xA900, s29;
	v7 =	vld [tilespmem:s13+$0x0]  }
0x14d: {  	s3 =	sor.u32 s3, s5;
	v8 =	vld [tilespmem:s15+$0x0]  }
0x14e: {  	v9 =	vld [tilespmem:s3+$0x0];
	_ =	sdelay $0x3  }
0x14f: {  	v10 =	vtrunc.f32 v7  }
0x150: {  	v11 =	vtrunc.f32 v8;
	v12 =	vtrunc.f32 v9  }
0x151: {  	v10 =	vcvt.f32.s32 v10;
	v11 =	vcvt.f32.s32 v11  }
0x152: {  	v12 =	vcvt.f32.s32 v12  }
0x153: {  	vm0 =	vlt.s32 v10, $0x5E;
	vm1 =	vlt.s32 v11, $0x5E  }
0x154: {  	vm15 =	vlt.s32 v12, $0x5E;
	v10 =	vnsel vm0, $0x5E, v10;
	v11 =	vnsel vm1, $0x5E, v11  }
0x155: {  	v12 =	vnsel vm15, $0x5E, v12;
	v13 =	vcvt.s32.f32 v10;
	v14 =	vcvt.s32.f32 v11  }
0x156: {  	v15 =	vcvt.s32.f32 v12  }
0x157: {  	v12 =	vmul.u32 $0x2400, v12;
	v7 =	vsub.f32 v7, v13;
	v8 =	vsub.f32 v8, v14  }
0x158: {  	v11 =	vmul.u32 $0x60, v11;
	v9 =	vsub.f32 v9, v15  }
0x159: {  	v12 =	vadd.s32 v1, v12;
	v58 =	vsub.f32 $1.000000000e+00, v8;
	v59 =	vsub.f32 $1.000000000e+00, v7  }
0x15a: {  	v11 =	vadd.s32 v11, v12;
	v60 =	vmul.f32 v7, v8  }
0x15b: {  	s3 =	simm.s32 $0xF590;
	v10 =	vadd.s32 v10, v11;
	v11 =	vsub.f32 $1.000000000e+00, v9;
	v61 =	vmul.f32 v59, v58  }
0x15c: {  	[tilespmem:s3+$0xFFFFFB70] =	vst v10;
	v10 =	vadd.s32 $0x2400, v10;
	v8 =	vmul.f32 v59, v8;
	v62 =	vmul.f32 v60, v9  }
0x15d: {  	s11 =	sadd.s32 $0xAB, s11;
	s13 =	simm.s32 $0x11500;
	[tilespmem:s3+$0xFFFFFFF0] =	vst v10;
	v10 =	vmul.f32 v61, v11  }
0x15e: {  	s11 =	sshrl.u32 s11, $0xA;
	v7 =	vmul.f32 v7, v58;
	v63 =	vmul.f32 v8, v9;
	[tilespmem:s13+$0xD80] =	vst v62  }
0x15f: {  	s11 =	smul.u32 $0x6, s11;
	v8 =	vmul.f32 v8, v11;
	[tilespmem:s13+$0xFFFFEE00] =	vst v10  }
0x160: {  	v10 =	vmul.f32 v7, v11;
	[tilespmem:s13+$0x900] =	vst v63  }
0x161: {  	s11 =	ssub.s32 $0x0, s11;
	v7 =	vmul.f32 v7, v9;
	[tilespmem:s13+$0xFFFFF700] =	vst v8  }
0x162: {  	s11 =	sshll.u32 s11, $0x4;
	v8 =	vmul.f32 v60, v11;
	[tilespmem:s13+$0xFFFFF280] =	vst v10  }
0x163: {  	s11 =	sadd.s32 $0x10, s11;
	v9 =	vmul.f32 v61, v9;
	[tilespmem:s13+$0x480] =	vst v7  }
0x164: {  	s11 =	sand.u32 $0xF0, s11;
	[tilespmem:s13+$0xFFFFFB80] =	vst v8  }
0x165: {  	s31 =	sadd.s32 s11, s10;
	[tilespmem:s13+$0x0] =	vst v9  }
0x166: {  	s10 =	simm.s32 $0x1;
	s2 =	sadd.s32 s11, s2;
	v8 =	vld [tilespmem:s31+$0x0]  }
0x167: {  	s11 =	sor.u32 s11, s5;
	s5 =	simm.s32 $0xF590;
	v7 =	vld [tilespmem:s2+$0x0];
	s2 =	simm.s32 $0x11500  }
.LBB2_20:
0x168: {  	v9 =	vld [tilespmem:s11+$0x0];
	s0 =	sadd.s32 $0x2, s0;
	s3 =	sadd.s32 $0x20, s3;
	s13 =	sadd.s32 $0x20, s13  }
0x169: {  	p0 =	sne.s32 s10, $0x23;
	s11 =	smov.u32 s10;
	s10 =	sadd.s32 $0x1, s10  }
0x16a: {  	_ = 	snop  }
0x16b: {  	v10 =	vtrunc.f32 v8  }
0x16c: {  	v10 =	vcvt.f32.s32 v10;
	v11 =	vtrunc.f32 v7  }
0x16d: {  	v12 =	vtrunc.f32 v9;
	v11 =	vcvt.f32.s32 v11  }
0x16e: {  	s15 =	smul.u32 $0xAB, s0;
	v12 =	vcvt.f32.s32 v12;
	vm0 =	vlt.s32 v10, $0x5E  }
0x16f: {  	v10 =	vnsel vm0, $0x5E, v10;
	vm0 =	vlt.s32 v11, $0x5E  }
0x170: {  	s11 =	smul.u32 $0xAB, s11;
	s16 =	sshrl.u32 s15, $0xA;
	s15 =	sadd.s32 $0xAB, s15;
	vm1 =	vlt.s32 v12, $0x5E;
	v11 =	vnsel vm0, $0x5E, v11;
	v13 =	vcvt.s32.f32 v10  }
0x171: {  	s16 =	smul.u32 $0x6, s16;
	s15 =	sshrl.u32 s15, $0xA;
	v10 =	vmul.u32 $0x60, v10;
	v12 =	vnsel vm1, $0x5E, v12;
	v14 =	vcvt.s32.f32 v11  }
0x172: {  	s11 =	sshrl.u32 s11, $0x2;
	s15 =	smul.u32 $0x6, s15;
	v15 =	vcvt.s32.f32 v12;
	v8 =	vsub.f32 v8, v13;
	v12 =	vmul.u32 $0x2400, v12  }
0x173: {  	s11 =	sand.u32 $0x3F80, s11;
	s16 =	ssub.s32 s0, s16;
	v7 =	vsub.f32 v7, v14  }
0x174: {  	s17 =	sadd.s32 $0xD900, s11;
	s16 =	sshll.u32 s16, $0x4;
	s15 =	ssub.s32 s0, s15;
	v9 =	vsub.f32 v9, v15;
	v12 =	vadd.s32 v1, v12  }
0x175: {  	s18 =	sadd.s32 $0xA900, s11;
	s25 =	sadd.s32 $0xC100, s11;
	s16 =	sand.u32 $0xF0, s16;
	v13 =	vsub.f32 $1.000000000e+00, v8;
	v14 =	vsub.f32 $1.000000000e+00, v7;
	v10 =	vadd.s32 v10, v12  }
0x176: {  	s29 =	sor.u32 s16, s18;
	s31 =	sor.u32 s16, s25;
	s6 =	sor.u32 s16, s17;
	v12 =	vsub.f32 $1.000000000e+00, v9;
	v10 =	vadd.s32 v11, v10;
	v11 =	vmul.f32 v7, v8  }
0x177: {  	s11 =	sshll.u32 s15, $0x4;
	v7 =	vmul.f32 v7, v13;
	[tilespmem:s5+$0xFFFFFB80] =	vst v10;
	v10 =	vadd.s32 $0x2400, v10;
	v15 =	vmul.f32 v14, v13  }
0x178: {  	s11 =	sadd.s32 $0x10, s11;
	v8 =	vmul.f32 v14, v8;
	[tilespmem:s5+$0x0] =	vst v10;
	v10 =	vmul.f32 v11, v9;
	s5 =	smov.u32 s3  }
0x179: {  	s15 =	sand.u32 $0xF0, s11;
	v13 =	vmul.f32 v15, v12;
	v14 =	vmul.f32 v15, v9  }
0x17a: {  	s11 =	sor.u32 s15, s18;
	s16 =	sadd.s32 s15, s25;
	s15 =	sadd.s32 s15, s17;
	v15 =	vmul.f32 v7, v12;
	v7 =	vmul.f32 v7, v9;
	[tilespmem:s2+$0xD90] =	vst v10  }
0x17b: {  	v10 =	vmul.f32 v8, v12;
	v8 =	vmul.f32 v8, v9;
	[tilespmem:s2+$0xFFFFEE10] =	vst v13  }
0x17c: {  	[tilespmem:s2+$0x490] =	vst v7;
	v7 =	vmul.f32 v11, v12  }
0x17d: {  	[tilespmem:s2+$0xFFFFF710] =	vst v10  }
0x17e: {  	[tilespmem:s2+$0x910] =	vst v8  }
0x17f: {  	[tilespmem:s2+$0xFFFFFB90] =	vst v7  }
0x180: {  	[tilespmem:s2+$0x10] =	vst v14  }
0x181: {  	[tilespmem:s2+$0xFFFFF290] =	vst v15;
	s2 =	smov.u32 s13  }
0x182: {  	v7 =	vld [tilespmem:s6+$0x0]  }
0x183: {  	v8 =	vld [tilespmem:s31+$0x0]  }
0x184: {  	v9 =	vld [tilespmem:s29+$0x0];
	_ =	sdelay $0x2  }
0x185: {  	v10 =	vtrunc.f32 v7  }
0x186: {  	v11 =	vtrunc.f32 v8;
	v10 =	vcvt.f32.s32 v10  }
0x187: {  	v12 =	vtrunc.f32 v9;
	v11 =	vcvt.f32.s32 v11  }
0x188: {  	v12 =	vcvt.f32.s32 v12;
	vm0 =	vlt.s32 v10, $0x5E  }
0x189: {  	vm1 =	vlt.s32 v11, $0x5E;
	v10 =	vnsel vm0, $0x5E, v10  }
0x18a: {  	vm0 =	vlt.s32 v12, $0x5E;
	v11 =	vnsel vm1, $0x5E, v11;
	v13 =	vcvt.s32.f32 v10  }
0x18b: {  	v12 =	vnsel vm0, $0x5E, v12;
	v14 =	vcvt.s32.f32 v11  }
0x18c: {  	v15 =	vcvt.s32.f32 v12;
	v7 =	vsub.f32 v7, v13;
	v12 =	vmul.u32 $0x2400, v12  }
0x18d: {  	v11 =	vmul.u32 $0x60, v11;
	v8 =	vsub.f32 v8, v14  }
0x18e: {  	v9 =	vsub.f32 v9, v15;
	v12 =	vadd.s32 v1, v12  }
0x18f: {  	v14 =	vsub.f32 $1.000000000e+00, v7;
	v13 =	vsub.f32 $1.000000000e+00, v8;
	v11 =	vadd.s32 v11, v12  }
0x190: {  	v10 =	vadd.s32 v10, v11;
	v11 =	vmul.f32 v7, v8  }
0x191: {  	v12 =	vsub.f32 $1.000000000e+00, v9;
	[tilespmem:s3+$0xFFFFFB70] =	vst v10;
	v15 =	vmul.f32 v14, v13;
	v7 =	vmul.f32 v7, v13  }
0x192: {  	v8 =	vmul.f32 v14, v8;
	v10 =	vadd.s32 $0x2400, v10;
	v13 =	vmul.f32 v11, v9  }
0x193: {  	[tilespmem:s3+$0xFFFFFFF0] =	vst v10;
	v10 =	vmul.f32 v15, v12;
	v14 =	vmul.f32 v15, v9  }
0x194: {  	v16 =	vmul.f32 v8, v9;
	v15 =	vmul.f32 v7, v12;
	[tilespmem:s13+$0xD80] =	vst v13  }
0x195: {  	v8 =	vmul.f32 v8, v12;
	[tilespmem:s13+$0xFFFFEE00] =	vst v10;
	v10 =	vmul.f32 v11, v12  }
0x196: {  	v7 =	vmul.f32 v7, v9;
	[tilespmem:s13+$0x900] =	vst v16  }
0x197: {  	[tilespmem:s13+$0xFFFFF700] =	vst v8  }
0x198: {  	[tilespmem:s13+$0xFFFFF280] =	vst v15  }
.Ltmp9:
0x199: {  	[tilespmem:s13+$0x480] =	vst v7;
	(pc) =	sbr.rel @p0 .LBB2_20-.Ltmp9, $4  }
0x19a: {  	[tilespmem:s13+$0xFFFFFB80] =	vst v10  }
0x19b: {  	[tilespmem:s13+$0x0] =	vst v14  }
0x19c: {  	v8 =	vld [tilespmem:s16+$0x0]  }
0x19d: {  	v7 =	vld [tilespmem:s15+$0x0]  }
0x19e: {  	v9 =	vld [tilespmem:s11+$0x0];
	_ =	sdelay $0x2  }
0x19f: {  	v10 =	vtrunc.f32 v8  }
0x1a0: {  	v10 =	vcvt.f32.s32 v10;
	v11 =	vtrunc.f32 v7  }
0x1a1: {  	v12 =	vtrunc.f32 v9;
	v11 =	vcvt.f32.s32 v11  }
0x1a2: {  	v12 =	vcvt.f32.s32 v12;
	vm0 =	vlt.s32 v10, $0x5E  }
0x1a3: {  	vm1 =	vlt.s32 v11, $0x5E;
	v10 =	vnsel vm0, $0x5E, v10  }
0x1a4: {  	vm15 =	vlt.s32 v12, $0x5E;
	v11 =	vnsel vm1, $0x5E, v11;
	v13 =	vcvt.s32.f32 v10  }
0x1a5: {  	v12 =	vnsel vm15, $0x5E, v12;
	v14 =	vcvt.s32.f32 v11  }
0x1a6: {  	v15 =	vcvt.s32.f32 v12;
	v8 =	vsub.f32 v8, v13;
	v12 =	vmul.u32 $0x2400, v12  }
0x1a7: {  	v10 =	vmul.u32 $0x60, v10;
	v7 =	vsub.f32 v7, v14  }
0x1a8: {  	v12 =	vadd.s32 v1, v12;
	v13 =	vsub.f32 $1.000000000e+00, v8  }
0x1a9: {  	v9 =	vsub.f32 v9, v15;
	v10 =	vadd.s32 v10, v12;
	v58 =	vmul.f32 v7, v8  }
0x1aa: {  	v14 =	vsub.f32 $1.000000000e+00, v7;
	v10 =	vadd.s32 v11, v10;
	v7 =	vmul.f32 v7, v13  }
0x1ab: {  	v15 =	vsub.f32 $1.000000000e+00, v9;
	[tilespmem:s5+$0xFFFFFB80] =	vst v10;
	v10 =	vadd.s32 $0x2400, v10;
	v60 =	vmul.f32 v58, v9  }
0x1ac: {  	[tilespmem:s5+$0x0] =	vst v10;
	v62 =	vmul.f32 v7, v9  }
0x1ad: {  	v59 =	vmul.f32 v14, v13;
	v12 =	vmul.f32 v58, v15;
	[tilespmem:s2+$0xD90] =	vst v60  }
0x1ae: {  	v8 =	vmul.f32 v14, v8;
	v7 =	vmul.f32 v7, v15;
	[tilespmem:s2+$0x490] =	vst v62  }
0x1af: {  	v61 =	vmul.f32 v59, v15;
	[tilespmem:s2+$0xFFFFFB90] =	vst v12  }
0x1b0: {  	v63 =	vmul.f32 v8, v15;
	[tilespmem:s2+$0xFFFFF290] =	vst v7  }
0x1b1: {  	v8 =	vmul.f32 v8, v9;
	[tilespmem:s2+$0xFFFFEE10] =	vst v61  }
0x1b2: {  	v9 =	vmul.f32 v59, v9;
	[tilespmem:s2+$0xFFFFF710] =	vst v63  }
0x1b3: {  	[tilespmem:s2+$0x910] =	vst v8  }
0x1b4: {  	s0 =	simm.s32 $0x480;
	s25 =	simm.s32 $0xF100;
	[tilespmem:s2+$0x10] =	vst v9  }
0x1b5: {  	[tilespmem:s30], [sflag:$0x1] =	stream.indirect.gather [hbm4b:s9+s0], $0x8, s25, s0, $0xb8;
	[tilespmem:$0x1F300] =	vst v63  }
0x1b6: {  	s28 =	simm.s32 $0xF580;
	s29 =	simm.s32 $0x0;
	s31 =	simm.s32 $0x0  }
0x1b7: {  	[tilespmem:s1], [sflag:$0x1] =	stream.indirect.gather [hbm4b:s9+s0], $0x8, s28, s0, $0xb8;
	[tilespmem:$0x1F300] =	vst v63  }
.LBB2_22:
0x1b8: {  	s0 =	sshllo.u32 s31, $0x1;
	s6 =	smul.u32 $0xAB, s29  }
0x1b9: {  	s3 =	smul.u32 $0xAB, s29;
	s2 =	sand.u32 $0x3, s0  }
0x1ba: {  	s13 =	smul.u32 $0xC, s2;
	s25 =	sshrl.u32 s6, $0xA  }
0x1bb: {  	s3 =	sshrl.u32 s3, $0x9;
	s2 =	smul.u32 $0x6, s25  }
0x1bc: {  	s3 =	sand.u32 $0x7F, s3  }
0x1bd: {  	s3 =	sadd.s32 s3, s13;
	s2 =	ssub.s32 $0x0, s2  }
0x1be: {  	s3 =	sshll.u32 s3, $0x7;
	s2 =	sshll.u32 s2, $0x4  }
0x1bf: {  	s5 =	sadd.s32 $0xC100, s3;
	s2 =	sand.u32 $0xF0, s2  }
0x1c0: {  	s10 =	sadd.s32 $0xD900, s3;
	s11 =	sor.u32 s2, s5  }
0x1c1: {  	s3 =	sadd.s32 $0xA900, s3;
	s28 =	sor.u32 s2, s10;
	v7 =	vld [tilespmem:s11+$0x0]  }
0x1c2: {  	s2 =	sor.u32 s2, s3;
	v8 =	vld [tilespmem:s28+$0x0]  }
0x1c3: {  	v9 =	vld [tilespmem:s2+$0x0];
	_ =	sdelay $0x2  }
0x1c4: {  	v10 =	vtrunc.f32 v7  }
0x1c5: {  	v11 =	vtrunc.f32 v8;
	v10 =	vcvt.f32.s32 v10  }
0x1c6: {  	v12 =	vtrunc.f32 v9;
	v11 =	vcvt.f32.s32 v11  }
0x1c7: {  	v12 =	vcvt.f32.s32 v12;
	vm0 =	vlt.s32 v10, $0x5E  }
0x1c8: {  	vm12 =	vlt.s32 v11, $0x5E;
	v10 =	vnsel vm0, $0x5E, v10  }
0x1c9: {  	vm1 =	vlt.s32 v12, $0x5E;
	v11 =	vnsel vm12, $0x5E, v11;
	v13 =	vcvt.s32.f32 v10  }
0x1ca: {  	v12 =	vnsel vm1, $0x5E, v12;
	v14 =	vcvt.s32.f32 v11  }
0x1cb: {  	v15 =	vcvt.s32.f32 v12;
	v12 =	vmul.u32 $0x2400, v12;
	v7 =	vsub.f32 v7, v13  }
0x1cc: {  	v10 =	vmul.u32 $0x60, v10;
	v8 =	vsub.f32 v8, v14  }
0x1cd: {  	v12 =	vadd.s32 v1, v12;
	v9 =	vsub.f32 v9, v15;
	v13 =	vsub.f32 $1.000000000e+00, v7  }
0x1ce: {  	v10 =	vadd.s32 v10, v12;
	v14 =	vsub.f32 $1.000000000e+00, v8;
	v12 =	vmul.f32 v8, v7  }
0x1cf: {  	s15 =	simm.s32 $0xFE90;
	v10 =	vadd.s32 v11, v10;
	v11 =	vsub.f32 $1.000000000e+00, v9;
	v8 =	vmul.f32 v8, v13  }
0x1d0: {  	[tilespmem:s15+$0xFFFFFB70] =	vst v10;
	v10 =	vadd.s32 $0x2400, v10;
	v15 =	vmul.f32 v12, v9  }
0x1d1: {  	s6 =	sadd.s32 $0xAB, s6;
	s2 =	simm.s32 $0x14690;
	v7 =	vmul.f32 v14, v7;
	[tilespmem:s15+$0xFFFFFFF0] =	vst v10;
	v10 =	vmul.f32 v8, v11  }
0x1d2: {  	s6 =	sshrl.u32 s6, $0xA;
	v13 =	vmul.f32 v14, v13;
	v8 =	vmul.f32 v8, v9;
	[tilespmem:s2+$0xFFFFFFF0] =	vst v15  }
0x1d3: {  	s6 =	smul.u32 $0x6, s6;
	v14 =	vmul.f32 v7, v9;
	[tilespmem:s2+$0xFFFFE4F0] =	vst v10  }
0x1d4: {  	v9 =	vmul.f32 v13, v9;
	[tilespmem:s2+$0xFFFFF6F0] =	vst v8  }
0x1d5: {  	s6 =	ssub.s32 $0x0, s6;
	v7 =	vmul.f32 v7, v11;
	[tilespmem:s2+$0xFFFFFB70] =	vst v14  }
0x1d6: {  	s6 =	sshll.u32 s6, $0x4;
	v10 =	vmul.f32 v13, v11;
	[tilespmem:s2+$0xFFFFF270] =	vst v9  }
0x1d7: {  	s6 =	sadd.s32 $0x10, s6;
	v8 =	vmul.f32 v12, v11;
	[tilespmem:s2+$0xFFFFE970] =	vst v7  }
0x1d8: {  	s6 =	sand.u32 $0xF0, s6;
	[tilespmem:s2+$0xFFFFE070] =	vst v10  }
0x1d9: {  	s5 =	sadd.s32 s6, s5;
	[tilespmem:s2+$0xFFFFEDF0] =	vst v8  }
0x1da: {  	s10 =	sadd.s32 s6, s10;
	v10 =	vld [tilespmem:s5+$0x0]  }
0x1db: {  	s3 =	sor.u32 s6, s3;
	v8 =	vld [tilespmem:s10+$0x0]  }
0x1dc: {  	v7 =	vld [tilespmem:s3+$0x0];
	_ =	sdelay $0x2  }
0x1dd: {  	v9 =	vtrunc.f32 v10  }
0x1de: {  	v11 =	vtrunc.f32 v8;
	v9 =	vcvt.f32.s32 v9  }
0x1df: {  	v12 =	vtrunc.f32 v7;
	v11 =	vcvt.f32.s32 v11  }
0x1e0: {  	v12 =	vcvt.f32.s32 v12;
	vm13 =	vlt.s32 v9, $0x5E  }
0x1e1: {  	vm14 =	vlt.s32 v11, $0x5E;
	v14 =	vnsel vm13, $0x5E, v9  }
0x1e2: {  	vm15 =	vlt.s32 v12, $0x5E;
	v9 =	vnsel vm14, $0x5E, v11;
	v15 =	vcvt.s32.f32 v14  }
0x1e3: {  	s25 =	sshll.u32 s31, $0x1;
	s11 =	simm.s32 $0x0;
	v16 =	vnsel vm15, $0x5E, v12;
	v13 =	vcvt.s32.f32 v9;
	v11 =	vmul.u32 $0x60, v14  }
0x1e4: {  	s10 =	simm.s32 $0x1;
	s5 =	simm.s32 $0xFE90;
	s3 =	simm.s32 $0x14690;
	v12 =	vcvt.s32.f32 v16;
	v14 =	vmul.u32 $0x2400, v16;
	v10 =	vsub.f32 v10, v15  }
.LBB2_23:
0x1e5: {  	v8 =	vsub.f32 v8, v13;
	s2 =	sadd.s32 $0x20, s2;
	s11 =	sadd.s32 $0x2, s11;
	s15 =	sadd.s32 $0x20, s15  }
0x1e6: {  	p0 =	sne.s32 s10, $0x23;
	s6 =	smov.u32 s10;
	s10 =	sadd.s32 $0x1, s10;
	v7 =	vsub.f32 v7, v12;
	v12 =	vadd.s32 v1, v14  }
0x1e7: {  	v13 =	vsub.f32 $1.000000000e+00, v10;
	v14 =	vsub.f32 $1.000000000e+00, v8;
	v11 =	vadd.s32 v11, v12  }
0x1e8: {  	v9 =	vadd.s32 v9, v11;
	v11 =	vmul.f32 v8, v10  }
0x1e9: {  	v12 =	vsub.f32 $1.000000000e+00, v7;
	v8 =	vmul.f32 v8, v13;
	[tilespmem:s5+$0xFFFFFB80] =	vst v9;
	v15 =	vmul.f32 v14, v13  }
0x1ea: {  	v9 =	vadd.s32 $0x2400, v9;
	v10 =	vmul.f32 v14, v10;
	v13 =	vmul.f32 v11, v7  }
0x1eb: {  	s16 =	smul.u32 $0xAB, s11;
	[tilespmem:s5+$0x0] =	vst v9;
	v9 =	vmul.f32 v15, v12;
	v14 =	vmul.f32 v15, v7;
	s5 =	smov.u32 s15  }
0x1ec: {  	s6 =	smul.u32 $0xAB, s6;
	v15 =	vmul.f32 v8, v12;
	v16 =	vmul.f32 v10, v7;
	[tilespmem:s3+$0x0] =	vst v13  }
0x1ed: {  	s17 =	sshrl.u32 s16, $0xA;
	s16 =	sadd.s32 $0xAB, s16;
	v7 =	vmul.f32 v8, v7;
	v8 =	vmul.f32 v10, v12;
	[tilespmem:s3+$0xFFFFE080] =	vst v9  }
0x1ee: {  	s6 =	sshrl.u32 s6, $0x9;
	s17 =	smul.u32 $0x6, s17;
	s16 =	sshrl.u32 s16, $0xA;
	v9 =	vmul.f32 v11, v12;
	[tilespmem:s3+$0xFFFFFB80] =	vst v16  }
0x1ef: {  	s6 =	sand.u32 $0x7F, s6;
	s16 =	smul.u32 $0x6, s16;
	[tilespmem:s3+$0xFFFFF700] =	vst v7  }
0x1f0: {  	s6 =	sadd.s32 s6, s13;
	s17 =	ssub.s32 s11, s17;
	[tilespmem:s3+$0xFFFFE980] =	vst v8  }
0x1f1: {  	s6 =	sshll.u32 s6, $0x7;
	s17 =	sshll.u32 s17, $0x4;
	s16 =	ssub.s32 s11, s16;
	[tilespmem:s3+$0xFFFFE500] =	vst v15  }
0x1f2: {  	s18 =	sadd.s32 $0xA900, s6;
	s7 =	sadd.s32 $0xC100, s6;
	s17 =	sand.u32 $0xF0, s17;
	[tilespmem:s3+$0xFFFFEE00] =	vst v9  }
0x1f3: {  	s6 =	sadd.s32 $0xD900, s6;
	s28 =	sor.u32 s17, s18;
	s22 =	sor.u32 s17, s7;
	[tilespmem:s3+$0xFFFFF280] =	vst v14  }
0x1f4: {  	s16 =	sshll.u32 s16, $0x4;
	s17 =	sor.u32 s17, s6;
	s3 =	smov.u32 s2;
	v7 =	vld [tilespmem:s22+$0x0]  }
0x1f5: {  	s16 =	sadd.s32 $0x10, s16;
	v8 =	vld [tilespmem:s17+$0x0]  }
0x1f6: {  	s17 =	sand.u32 $0xF0, s16;
	v9 =	vld [tilespmem:s28+$0x0]  }
0x1f7: {  	s16 =	sor.u32 s17, s18;
	s18 =	sadd.s32 s17, s7;
	s17 =	sadd.s32 s17, s6  }
0x1f8: {  	_ = 	snop  }
0x1f9: {  	v10 =	vtrunc.f32 v7  }
0x1fa: {  	v10 =	vcvt.f32.s32 v10;
	v11 =	vtrunc.f32 v8  }
0x1fb: {  	v12 =	vtrunc.f32 v9;
	v11 =	vcvt.f32.s32 v11  }
0x1fc: {  	v12 =	vcvt.f32.s32 v12;
	vm0 =	vlt.s32 v10, $0x5E  }
0x1fd: {  	v10 =	vnsel vm0, $0x5E, v10;
	vm0 =	vlt.s32 v11, $0x5E  }
0x1fe: {  	vm1 =	vlt.s32 v12, $0x5E;
	v11 =	vnsel vm0, $0x5E, v11;
	v13 =	vcvt.s32.f32 v10  }
0x1ff: {  	v12 =	vnsel vm1, $0x5E, v12;
	v14 =	vcvt.s32.f32 v11  }
0x200: {  	v15 =	vcvt.s32.f32 v12;
	v7 =	vsub.f32 v7, v13;
	v12 =	vmul.u32 $0x2400, v12  }
0x201: {  	v10 =	vmul.u32 $0x60, v10;
	v8 =	vsub.f32 v8, v14  }
0x202: {  	v13 =	vsub.f32 $1.000000000e+00, v7;
	v12 =	vadd.s32 v1, v12  }
0x203: {  	v9 =	vsub.f32 v9, v15;
	v14 =	vsub.f32 $1.000000000e+00, v8;
	v10 =	vadd.s32 v10, v12  }
0x204: {  	v10 =	vadd.s32 v11, v10;
	v11 =	vmul.f32 v8, v13;
	v8 =	vmul.f32 v8, v7  }
0x205: {  	v12 =	vsub.f32 $1.000000000e+00, v9;
	[tilespmem:s15+$0xFFFFFB70] =	vst v10;
	v13 =	vmul.f32 v14, v13;
	v7 =	vmul.f32 v14, v7  }
0x206: {  	v10 =	vadd.s32 $0x2400, v10;
	v14 =	vmul.f32 v11, v9;
	v15 =	vmul.f32 v8, v9  }
0x207: {  	v11 =	vmul.f32 v11, v12;
	[tilespmem:s15+$0xFFFFFFF0] =	vst v10;
	v10 =	vmul.f32 v13, v12  }
0x208: {  	v16 =	vmul.f32 v7, v12;
	v7 =	vmul.f32 v7, v9;
	[tilespmem:s2+$0xFFFFFFF0] =	vst v15  }
0x209: {  	v8 =	vmul.f32 v8, v12;
	v9 =	vmul.f32 v13, v9;
	[tilespmem:s2+$0xFFFFE4F0] =	vst v11  }
0x20a: {  	[tilespmem:s2+$0xFFFFF6F0] =	vst v14  }
0x20b: {  	[tilespmem:s2+$0xFFFFFB70] =	vst v7  }
0x20c: {  	[tilespmem:s2+$0xFFFFE070] =	vst v10  }
0x20d: {  	[tilespmem:s2+$0xFFFFEDF0] =	vst v8  }
0x20e: {  	[tilespmem:s2+$0xFFFFF270] =	vst v9  }
0x20f: {  	[tilespmem:s2+$0xFFFFE970] =	vst v16  }
0x210: {  	v10 =	vld [tilespmem:s18+$0x0]  }
0x211: {  	v8 =	vld [tilespmem:s17+$0x0]  }
0x212: {  	v7 =	vld [tilespmem:s16+$0x0];
	_ =	sdelay $0x2  }
0x213: {  	v9 =	vtrunc.f32 v10  }
0x214: {  	v9 =	vcvt.f32.s32 v9;
	v11 =	vtrunc.f32 v8  }
0x215: {  	v12 =	vtrunc.f32 v7;
	v11 =	vcvt.f32.s32 v11  }
.Ltmp10:
0x216: {  	v12 =	vcvt.f32.s32 v12;
	vm0 =	vlt.s32 v9, $0x5E;
	(pc) =	sbr.rel @p0 .LBB2_23-.Ltmp10, $4  }
0x217: {  	v14 =	vnsel vm0, $0x5E, v9;
	vm0 =	vlt.s32 v11, $0x5E  }
0x218: {  	vm1 =	vlt.s32 v12, $0x5E;
	v9 =	vnsel vm0, $0x5E, v11;
	v15 =	vcvt.s32.f32 v14  }
0x219: {  	v11 =	vmul.u32 $0x60, v14;
	v16 =	vnsel vm1, $0x5E, v12;
	v13 =	vcvt.s32.f32 v9  }
0x21a: {  	v12 =	vcvt.s32.f32 v16;
	v10 =	vsub.f32 v10, v15;
	v14 =	vmul.u32 $0x2400, v16  }
0x21b: {  	v8 =	vsub.f32 v8, v13  }
0x21c: {  	v7 =	vsub.f32 v7, v12  }
0x21d: {  	v12 =	vadd.s32 v1, v14;
	v13 =	vsub.f32 $1.000000000e+00, v10;
	v14 =	vsub.f32 $1.000000000e+00, v8  }
0x21e: {  	v11 =	vadd.s32 v11, v12;
	v12 =	vmul.f32 v8, v10  }
0x21f: {  	v9 =	vadd.s32 v9, v11;
	v11 =	vsub.f32 $1.000000000e+00, v7;
	v15 =	vmul.f32 v14, v13  }
0x220: {  	[tilespmem:s5+$0xFFFFFB80] =	vst v9;
	v9 =	vadd.s32 $0x2400, v9;
	v10 =	vmul.f32 v14, v10;
	v14 =	vmul.f32 v12, v7  }
0x221: {  	[tilespmem:s5+$0x0] =	vst v9;
	v9 =	vmul.f32 v15, v11  }
0x222: {  	v8 =	vmul.f32 v8, v13;
	v13 =	vmul.f32 v10, v7;
	[tilespmem:s3+$0x0] =	vst v14  }
0x223: {  	v10 =	vmul.f32 v10, v11;
	[tilespmem:s3+$0xFFFFE080] =	vst v9  }
0x224: {  	v9 =	vmul.f32 v8, v7;
	[tilespmem:s3+$0xFFFFFB80] =	vst v13  }
0x225: {  	v8 =	vmul.f32 v8, v11;
	[tilespmem:s3+$0xFFFFE980] =	vst v10  }
0x226: {  	v7 =	vmul.f32 v15, v7;
	[tilespmem:s3+$0xFFFFF700] =	vst v9  }
0x227: {  	v9 =	vmul.f32 v12, v11;
	[tilespmem:s3+$0xFFFFE500] =	vst v8  }
0x228: {  	[tilespmem:s3+$0xFFFFF280] =	vst v7  }
0x229: {  	s2 =	simm.s32 $0x480;
	s13 =	simm.s32 $0xFA00;
	[tilespmem:s3+$0xFFFFEE00] =	vst v9  }
0x22a: {  	[tilespmem:s24], [sflag:$0x2] =	stream.indirect.gather [hbm4b:s9+s2], $0x8, s13, s2, $0xb8;
	[tilespmem:$0x1F300] =	vst v63  }
0x22b: {  	s15 =	simm.s32 $0xFE80  }
0x22c: {  	[tilespmem:s26], [sflag:$0x2] =	stream.indirect.gather [hbm4b:s9+s2], $0x8, s15, s2, $0xb8;
	[tilespmem:$0x1F300] =	vst v63  }
0x22d: {  	_ =	swait.ge [sflag:s12], $0x2400  }
0x22e: {  	[sflag:s12] =	ssyncset.done $0x0  }
0x22f: {  	[sflag:s12] =	ssyncadd.s32 $0xFFFFDC00  }
0x230: {  	_ =	swait.ge [sflag:s12], $0x2400  }
0x231: {  	p0 =	seq.s32 s31, $0x0;
	[sflag:s12] =	ssyncset.done $0x0  }
0x232: {  	s2 =	simm.s32 @!p0 $0x5;
	[sflag:s12] =	ssyncadd.s32 $0xFFFFDC00  }
0x233: {  	_ =	swait.ge @!p0 [sflag:s2], $0xC00  }
0x234: {  	[sflag:s2] =	ssyncset.done @!p0 $0x0  }
0x235: {  	s13 =	simm.s32 $0x11500;
	[sflag:s2] =	ssyncadd.s32 @!p0 $0xFFFFF400  }
0x236: {  	s15 =	simm.s32 $0x0;
	v8 =	vld [tilespmem:s13+$0xD80]  }
0x237: {  	v7 =	vmul.u32 $0x8, v0;
	v9 =	vmov s15;
	v10 =	vld [tilespmem:s13+$0x900]  }
0x238: {  	v9 =	vshll.u32 v9, $0x3;
	v11 =	vld [tilespmem:s13+$0x480]  }
0x239: {  	v9 =	vor.u32 v7, v9;
	v12 =	vld [tilespmem:s13+$0x0]  }
0x23a: {  	v13 =	vor.u32 $0x1, v9;
	v14 =	vld [tilespmem:s13+$0xFFFFFB80]  }
0x23b: {  	v15 =	vor.u32 $0x2, v9;
	v16 =	vld [tilespmem:s13+$0xFFFFF700]  }
0x23c: {  	v17 =	vor.u32 $0x3, v9;
	v18 =	vld [tilespmem:s13+$0xFFFFF280]  }
0x23d: {  	v19 =	vor.u32 $0x4, v9;
	v20 =	vld [tilespmem:s13+$0xFFFFEE00]  }
0x23e: {  	v21 =	vor.u32 $0x5, v9;
	v22 =	vld.idx.msk [tilespmem:v9+s30+$0x0], $0xffff  }
0x23f: {  	v23 =	vor.u32 $0x6, v9;
	v24 =	vld.idx.msk [tilespmem:v13+s30+$0x0], $0xffff  }
0x240: {  	v25 =	vor.u32 $0x7, v9;
	v26 =	vld.idx.msk [tilespmem:v15+s30+$0x0], $0xffff  }
0x241: {  	v27 =	vld.idx.msk [tilespmem:v17+s30+$0x0], $0xffff  }
0x242: {  	v28 =	vld.idx.msk [tilespmem:v19+s30+$0x0], $0xffff  }
0x243: {  	v29 =	vld.idx.msk [tilespmem:v21+s30+$0x0], $0xffff;
	v22 =	vmul.f32 v22, v20  }
0x244: {  	v30 =	vld.idx.msk [tilespmem:v23+s30+$0x0], $0xffff;
	v20 =	vmul.f32 v24, v20  }
0x245: {  	v53 =	vld.idx.msk [tilespmem:v25+s30+$0x0], $0xffff;
	v26 =	vmul.f32 v26, v18;
	v22 =	vadd.f32 $0.0e+00, v22  }
0x246: {  	v9 =	vld.idx.msk [tilespmem:v9+s1+$0x0], $0xffff;
	v18 =	vmul.f32 v27, v18;
	v20 =	vadd.f32 $0.0e+00, v20  }
0x247: {  	v13 =	vld.idx.msk [tilespmem:v13+s1+$0x0], $0xffff;
	v54 =	vmul.f32 v28, v16;
	v22 =	vadd.f32 v26, v22  }
0x248: {  	v15 =	vld.idx.msk [tilespmem:v15+s1+$0x0], $0xffff;
	v16 =	vmul.f32 v29, v16;
	v18 =	vadd.f32 v18, v20  }
0x249: {  	v17 =	vld.idx.msk [tilespmem:v17+s1+$0x0], $0xffff;
	v20 =	vadd.f32 v54, v22;
	v22 =	vmul.f32 v30, v14  }
0x24a: {  	v19 =	vld.idx.msk [tilespmem:v19+s1+$0x0], $0xffff;
	v16 =	vadd.f32 v16, v18;
	v14 =	vmul.f32 v53, v14  }
0x24b: {  	v9 =	vmul.f32 v9, v12;
	v18 =	vld.idx.msk [tilespmem:v21+s1+$0x0], $0xffff;
	v20 =	vadd.f32 v22, v20  }
0x24c: {  	s16 =	smul.u32 $0xAB, s15;
	v12 =	vmul.f32 v13, v12;
	v21 =	vld.idx.msk [tilespmem:v23+s1+$0x0], $0xffff;
	v14 =	vadd.f32 v14, v16  }
0x24d: {  	v13 =	vld.idx.msk [tilespmem:v25+s1+$0x0], $0xffff;
	v15 =	vmul.f32 v15, v11;
	v9 =	vadd.f32 v9, v20  }
0x24e: {  	s17 =	smul.u32 $0xAB, s15;
	s18 =	sshrl.u32 s16, $0xA;
	v11 =	vmul.f32 v17, v11;
	v12 =	vadd.f32 v12, v14  }
0x24f: {  	s6 =	simm.s32 $0x10;
	s5 =	smul.u32 $0x6, s18;
	v14 =	vmul.f32 v19, v10;
	v9 =	vadd.f32 v15, v9  }
0x250: {  	v10 =	vmul.f32 v18, v10;
	v11 =	vadd.f32 v11, v12;
	v12 =	vmov s6  }
0x251: {  	s3 =	sshrl.u32 s17, $0x1;
	s5 =	ssub.s32 $0x0, s5;
	v12 =	vshll.u32 v12, $0x3;
	v9 =	vadd.f32 v14, v9;
	v14 =	vmul.f32 v21, v8  }
0x252: {  	s3 =	sand.u32 $0x7F00, s3;
	s5 =	sshll.u32 s5, $0x4;
	v10 =	vadd.f32 v10, v11;
	v8 =	vmul.f32 v13, v8;
	v11 =	vor.u32 v7, v12  }
0x253: {  	s10 =	sadd.s32 $0x1DB00, s3;
	s5 =	sand.u32 $0xF0, s5;
	v9 =	vadd.f32 v14, v9  }
0x254: {  	s11 =	sadd.s32 $0x1DB80, s3;
	s22 =	sor.u32 s5, s10;
	v16 =	vor.u32 $0x6, v11;
	v8 =	vadd.f32 v8, v10  }
0x255: {  	s3 =	sor.u32 s5, s11;
	[tilespmem:s22+$0x0] =	vst v9  }
0x256: {  	v12 =	vor.u32 $0x4, v11;
	[tilespmem:s3+$0x0] =	vst v8  }
0x257: {  	v15 =	vld.idx.msk [tilespmem:v11+s1+$0x0], $0xffff  }
0x258: {  	v14 =	vld [tilespmem:s13+$0xFFFFFB90]  }
0x259: {  	v19 =	vor.u32 $0x3, v11;
	v17 =	vld.idx.msk [tilespmem:v16+s30+$0x0], $0xffff  }
0x25a: {  	v22 =	vor.u32 $0x1, v11;
	v13 =	vld [tilespmem:s13+$0xFFFFF710]  }
0x25b: {  	v18 =	vld.idx.msk [tilespmem:v12+s30+$0x0], $0xffff  }
0x25c: {  	v56 =	vld [tilespmem:s13+$0xFFFFF290]  }
0x25d: {  	v57 =	vld [tilespmem:s13+$0xFFFFEE10]  }
0x25e: {  	v58 =	vld.idx.msk [tilespmem:v19+s30+$0x0], $0xffff  }
0x25f: {  	v59 =	vld.idx.msk [tilespmem:v22+s30+$0x0], $0xffff  }
0x260: {  	v10 =	vor.u32 $0x2, v11;
	v9 =	vor.u32 $0x5, v11;
	v8 =	vor.u32 $0x7, v11;
	v11 =	vld.idx.msk [tilespmem:v11+s30+$0x0], $0xffff  }
0x261: {  	v61 =	vld [tilespmem:s13+$0x490]  }
0x262: {  	v19 =	vld.idx.msk [tilespmem:v19+s1+$0x0], $0xffff  }
0x263: {  	v31 =	vld.idx.msk [tilespmem:v12+s1+$0x0], $0xffff  }
0x264: {  	v32 =	vld [tilespmem:s13+$0x910]  }
0x265: {  	v20 =	vld.idx.msk [tilespmem:v9+s30+$0x0], $0xffff  }
0x266: {  	v21 =	vld.idx.msk [tilespmem:v8+s30+$0x0], $0xffff  }
0x267: {  	v55 =	vld.idx.msk [tilespmem:v10+s30+$0x0], $0xffff  }
0x268: {  	v23 =	vld.idx.msk [tilespmem:v9+s1+$0x0], $0xffff  }
0x269: {  	s2 =	sadd.s32 $0xAB, s16;
	v9 =	vld [tilespmem:s13+$0x10];
	v12 =	vmul.f32 v18, v13  }
0x26a: {  	s2 =	sshrl.u32 s2, $0xA;
	v60 =	vld.idx.msk [tilespmem:v10+s1+$0x0], $0xffff;
	v11 =	vmul.f32 v11, v57;
	v18 =	vmul.f32 v59, v57  }
0x26b: {  	s2 =	smul.u32 $0x6, s2;
	v13 =	vmul.f32 v20, v13;
	v10 =	vmul.f32 v21, v14  }
0x26c: {  	v20 =	vadd.f32 $0.0e+00, v11;
	v14 =	vmul.f32 v17, v14;
	v17 =	vmul.f32 v55, v56  }
0x26d: {  	s28 =	ssub.s32 $0x0, s2;
	v62 =	vmul.f32 v58, v56;
	v63 =	vadd.f32 $0.0e+00, v18;
	v18 =	vmul.f32 v19, v61  }
0x26e: {  	s5 =	simm.s32 $0x0;
	s3 =	sshll.u32 s28, $0x4;
	v19 =	vmul.f32 v31, v32;
	v15 =	vmul.f32 v15, v9;
	v21 =	vadd.f32 v17, v20;
	v20 =	vld.idx.msk [tilespmem:v22+s1+$0x0], $0xffff  }
0x26f: {  	s2 =	simm.s32 $0x1;
	s16 =	sadd.s32 $0x10, s3;
	s3 =	simm.s32 $0x11500;
	v11 =	vld.idx.msk [tilespmem:v16+s1+$0x0], $0xffff;
	v16 =	vmul.f32 v60, v61;
	v22 =	vadd.f32 v62, v63;
	v17 =	vmul.f32 v23, v32  }
.LBB2_25:
0x270: {  	v12 =	vadd.f32 v12, v21;
	s15 =	sadd.s32 $0x20, s15;
	s5 =	sadd.s32 $0x2, s5;
	s13 =	sadd.s32 $0x20, s13  }
0x271: {  	p1 =	sne.s32 s2, $0x23;
	s17 =	smov.u32 s2;
	s2 =	sadd.s32 $0x1, s2;
	v13 =	vadd.f32 v13, v22  }
0x272: {  	v12 =	vadd.f32 v14, v12;
	v14 =	vld [tilespmem:s3+$0xD90];
	s3 =	smov.u32 s13  }
0x273: {  	v9 =	vmul.f32 v20, v9;
	v10 =	vadd.f32 v10, v13;
	v8 =	vld.idx.msk [tilespmem:v8+s1+$0x0], $0xffff  }
0x274: {  	v12 =	vadd.f32 v15, v12  }
0x275: {  	v9 =	vadd.f32 v9, v10  }
0x276: {  	v10 =	vadd.f32 v16, v12  }
0x277: {  	v9 =	vadd.f32 v18, v9  }
0x278: {  	v11 =	vmul.f32 v11, v14;
	v10 =	vadd.f32 v19, v10  }
0x279: {  	v8 =	vmul.f32 v8, v14;
	v9 =	vadd.f32 v17, v9  }
0x27a: {  	s6 =	sand.u32 $0xF0, s16;
	v10 =	vadd.f32 v11, v10  }
0x27b: {  	s7 =	sor.u32 s6, s10;
	v8 =	vadd.f32 v8, v9  }
0x27c: {  	s6 =	sadd.s32 s6, s11;
	[tilespmem:s7+$0x0] =	vst v10  }
0x27d: {  	[tilespmem:s6+$0x0] =	vst v8  }
0x27e: {  	v8 =	vld [tilespmem:s13+$0xD80]  }
0x27f: {  	v9 =	vmov s15;
	v10 =	vld [tilespmem:s13+$0x900]  }
0x280: {  	v9 =	vshll.u32 v9, $0x3;
	v11 =	vld [tilespmem:s13+$0x480]  }
0x281: {  	v9 =	vor.u32 v7, v9;
	v12 =	vld [tilespmem:s13+$0x0]  }
0x282: {  	v13 =	vor.u32 $0x1, v9;
	v14 =	vor.u32 $0x2, v9;
	v15 =	vor.u32 $0x4, v9;
	v16 =	vld [tilespmem:s13+$0xFFFFFB80]  }
0x283: {  	v17 =	vor.u32 $0x3, v9;
	v19 =	vor.u32 $0x5, v9;
	v20 =	vor.u32 $0x6, v9;
	v18 =	vld [tilespmem:s13+$0xFFFFF700]  }
0x284: {  	v22 =	vor.u32 $0x7, v9;
	v21 =	vld [tilespmem:s13+$0xFFFFF280]  }
0x285: {  	v23 =	vld [tilespmem:s13+$0xFFFFEE00]  }
0x286: {  	v24 =	vld.idx.msk [tilespmem:v9+s30+$0x0], $0xffff  }
0x287: {  	v25 =	vld.idx.msk [tilespmem:v13+s30+$0x0], $0xffff  }
0x288: {  	v26 =	vld.idx.msk [tilespmem:v14+s30+$0x0], $0xffff  }
0x289: {  	v27 =	vld.idx.msk [tilespmem:v17+s30+$0x0], $0xffff  }
0x28a: {  	v28 =	vld.idx.msk [tilespmem:v15+s30+$0x0], $0xffff  }
0x28b: {  	v29 =	vld.idx.msk [tilespmem:v19+s30+$0x0], $0xffff  }
0x28c: {  	v24 =	vmul.f32 v24, v23;
	v30 =	vld.idx.msk [tilespmem:v20+s30+$0x0], $0xffff  }
0x28d: {  	v23 =	vmul.f32 v25, v23;
	v25 =	vld.idx.msk [tilespmem:v22+s30+$0x0], $0xffff  }
0x28e: {  	v24 =	vadd.f32 $0.0e+00, v24;
	v26 =	vmul.f32 v26, v21;
	v9 =	vld.idx.msk [tilespmem:v9+s1+$0x0], $0xffff  }
0x28f: {  	v23 =	vadd.f32 $0.0e+00, v23;
	v21 =	vmul.f32 v27, v21;
	v13 =	vld.idx.msk [tilespmem:v13+s1+$0x0], $0xffff  }
0x290: {  	v24 =	vadd.f32 v26, v24;
	v26 =	vmul.f32 v28, v18;
	v14 =	vld.idx.msk [tilespmem:v14+s1+$0x0], $0xffff  }
0x291: {  	v21 =	vadd.f32 v21, v23;
	v18 =	vmul.f32 v29, v18;
	v17 =	vld.idx.msk [tilespmem:v17+s1+$0x0], $0xffff  }
0x292: {  	v23 =	vadd.f32 v26, v24;
	v24 =	vmul.f32 v30, v16;
	v15 =	vld.idx.msk [tilespmem:v15+s1+$0x0], $0xffff  }
0x293: {  	v18 =	vadd.f32 v18, v21;
	v16 =	vmul.f32 v25, v16;
	v19 =	vld.idx.msk [tilespmem:v19+s1+$0x0], $0xffff  }
0x294: {  	v21 =	vadd.f32 v24, v23;
	v9 =	vmul.f32 v9, v12;
	v20 =	vld.idx.msk [tilespmem:v20+s1+$0x0], $0xffff  }
0x295: {  	s6 =	smul.u32 $0xAB, s5;
	v16 =	vadd.f32 v16, v18;
	v12 =	vmul.f32 v13, v12;
	v13 =	vld.idx.msk [tilespmem:v22+s1+$0x0], $0xffff  }
0x296: {  	v9 =	vadd.f32 v9, v21;
	v14 =	vmul.f32 v14, v11  }
0x297: {  	s7 =	smul.u32 $0xAB, s17;
	s10 =	sshrl.u32 s6, $0xA;
	s6 =	sadd.s32 $0xAB, s6;
	v12 =	vadd.f32 v12, v16;
	v11 =	vmul.f32 v17, v11  }
0x298: {  	s11 =	sadd.s32 $0x10, s15;
	s10 =	smul.u32 $0x6, s10;
	s6 =	sshrl.u32 s6, $0xA;
	v9 =	vadd.f32 v14, v9;
	v14 =	vmul.f32 v15, v10  }
0x299: {  	s7 =	sshrl.u32 s7, $0x1;
	s6 =	smul.u32 $0x6, s6;
	v11 =	vadd.f32 v11, v12;
	v10 =	vmul.f32 v19, v10;
	v12 =	vmov s11  }
0x29a: {  	s7 =	sand.u32 $0x7F00, s7;
	s10 =	ssub.s32 s5, s10;
	v9 =	vadd.f32 v14, v9;
	v14 =	vmul.f32 v20, v8;
	v12 =	vshll.u32 v12, $0x3  }
0x29b: {  	s10 =	sshll.u32 s10, $0x4;
	s6 =	ssub.s32 s5, s6;
	v10 =	vadd.f32 v10, v11;
	v8 =	vmul.f32 v13, v8;
	v11 =	vor.u32 v7, v12  }
0x29c: {  	s17 =	sand.u32 $0xF0, s10;
	s10 =	sadd.s32 $0x1DB00, s7;
	s6 =	sshll.u32 s6, $0x4;
	v9 =	vadd.f32 v14, v9  }
0x29d: {  	s18 =	sor.u32 s17, s10;
	s16 =	sadd.s32 $0x10, s6;
	s11 =	sadd.s32 $0x1DB80, s7;
	v16 =	vor.u32 $0x6, v11;
	v8 =	vadd.f32 v8, v10  }
0x29e: {  	s6 =	sor.u32 s17, s11;
	[tilespmem:s18+$0x0] =	vst v9  }
0x29f: {  	v15 =	vor.u32 $0x4, v11;
	[tilespmem:s6+$0x0] =	vst v8  }
0x2a0: {  	v9 =	vor.u32 $0x5, v11;
	v17 =	vld.idx.msk [tilespmem:v11+s1+$0x0], $0xffff  }
0x2a1: {  	v14 =	vld [tilespmem:s13+$0xFFFFFB90]  }
0x2a2: {  	v8 =	vor.u32 $0x7, v11;
	v18 =	vld.idx.msk [tilespmem:v16+s30+$0x0], $0xffff  }
0x2a3: {  	v19 =	vor.u32 $0x2, v11;
	v13 =	vld [tilespmem:s13+$0xFFFFF710]  }
0x2a4: {  	v12 =	vld.idx.msk [tilespmem:v15+s30+$0x0], $0xffff  }
0x2a5: {  	v23 =	vld.idx.msk [tilespmem:v9+s1+$0x0], $0xffff  }
0x2a6: {  	v20 =	vor.u32 $0x3, v11;
	v21 =	vld.idx.msk [tilespmem:v9+s30+$0x0], $0xffff  }
0x2a7: {  	v22 =	vor.u32 $0x1, v11;
	v9 =	vld.idx.msk [tilespmem:v8+s30+$0x0], $0xffff  }
0x2a8: {  	v24 =	vld.idx.msk [tilespmem:v19+s30+$0x0], $0xffff  }
0x2a9: {  	v25 =	vld [tilespmem:s13+$0xFFFFF290]  }
0x2aa: {  	v26 =	vld [tilespmem:s13+$0xFFFFEE10]  }
0x2ab: {  	v27 =	vld.idx.msk [tilespmem:v20+s30+$0x0], $0xffff  }
0x2ac: {  	v28 =	vld.idx.msk [tilespmem:v22+s30+$0x0], $0xffff  }
0x2ad: {  	v10 =	vmul.f32 v9, v14;
	v11 =	vld.idx.msk [tilespmem:v11+s30+$0x0], $0xffff  }
0x2ae: {  	v12 =	vmul.f32 v12, v13;
	v9 =	vld [tilespmem:s13+$0x10]  }
0x2af: {  	v13 =	vmul.f32 v21, v13;
	v19 =	vld.idx.msk [tilespmem:v19+s1+$0x0], $0xffff  }
0x2b0: {  	v14 =	vmul.f32 v18, v14;
	v18 =	vld [tilespmem:s13+$0x490]  }
0x2b1: {  	v27 =	vmul.f32 v27, v25;
	v29 =	vld.idx.msk [tilespmem:v20+s1+$0x0], $0xffff  }
0x2b2: {  	v21 =	vmul.f32 v24, v25;
	v24 =	vld.idx.msk [tilespmem:v15+s1+$0x0], $0xffff  }
0x2b3: {  	v20 =	vmul.f32 v11, v26;
	v15 =	vmul.f32 v17, v9;
	v17 =	vld [tilespmem:s13+$0x910]  }
.Ltmp11:
0x2b4: {  	v25 =	vmul.f32 v28, v26;
	v11 =	vld.idx.msk [tilespmem:v16+s1+$0x0], $0xffff;
	(pc) =	sbr.rel @p1 .LBB2_25-.Ltmp11, $4  }
0x2b5: {  	v26 =	vadd.f32 $0.0e+00, v20;
	v16 =	vmul.f32 v19, v18  }
0x2b6: {  	v19 =	vadd.f32 $0.0e+00, v25;
	v20 =	vld.idx.msk [tilespmem:v22+s1+$0x0], $0xffff  }
0x2b7: {  	v21 =	vadd.f32 v21, v26;
	v18 =	vmul.f32 v29, v18  }
0x2b8: {  	v22 =	vadd.f32 v27, v19;
	v19 =	vmul.f32 v24, v17;
	v17 =	vmul.f32 v23, v17  }
0x2b9: {  	v12 =	vadd.f32 v12, v21  }
0x2ba: {  	v13 =	vadd.f32 v13, v22  }
0x2bb: {  	v12 =	vadd.f32 v14, v12  }
0x2bc: {  	v62 =	vld [tilespmem:s3+$0xD90];
	v9 =	vmul.f32 v20, v9;
	v10 =	vadd.f32 v10, v13  }
0x2bd: {  	v8 =	vld.idx.msk [tilespmem:v8+s1+$0x0], $0xffff;
	v12 =	vadd.f32 v15, v12  }
0x2be: {  	s2 =	sshrl.u32 s31, $0x2;
	s17 =	rddreg [dreg:$0x6];
	v9 =	vadd.f32 v9, v10  }
0x2bf: {  	s2 =	sadd.s32 s2, s17;
	v63 =	vadd.f32 v16, v12  }
0x2c0: {  	s18 =	sand.u32 $0x6, s25;
	s13 =	smul.u32 $0x60, s2;
	v9 =	vadd.f32 v18, v9  }
0x2c1: {  	s2 =	smul.u32 $0xC, s18;
	v11 =	vmul.f32 v11, v62;
	v10 =	vadd.f32 v19, v63  }
0x2c2: {  	p1 =	seq.s32 s31, $0x17;
	v8 =	vmul.f32 v8, v62;
	v9 =	vadd.f32 v17, v9  }
.Ltmp12:
0x2c3: {  	s22 =	sand.u32 $0xF0, s16;
	s2 =	sadd.s32 s2, s13;
	v10 =	vadd.f32 v11, v10;
	(pc) =	sbr.rel @p1 .LBB2_30-.Ltmp12, $4  }
0x2c4: {  	s5 =	sor.u32 s22, s10;
	s2 =	sshll.u32 s2, $0x5;
	v8 =	vadd.f32 v8, v9  }
0x2c5: {  	s3 =	sadd.s32 s22, s11;
	s2 =	sand.u32 $0x1FFFFF00, s2;
	[tilespmem:s5+$0x0] =	vst v10  }
0x2c6: {  	s28 =	simm.s32 $0x1DB00;
	s2 =	sadd.s32 s8, s2;
	[tilespmem:s3+$0x0] =	vst v8  }
0x2c7: {  	[hbm4b:s2+s4] =	stream.linear.scatter [tilespmem:s28], [sflag:$0x5], $0xC00, $0x38;
	[tilespmem:$0x1F300] =	vst v63  }
0x2c8: {  	s2 =	sadd.s32 $0x2, s25  }
0x2c9: {  	s3 =	sand.u32 $0x2, s2  }
0x2ca: {  	p1 =	sne.s32 s3, $0x0  }
0x2cb: {  	s6 =	rddreg [dreg:$0x6];
	s5 =	sshrl.u32 @!p1 s2, $0x3  }
0x2cc: {  	s2 =	sshll.u32 @!p1 s2, $0x1D;
	s5 =	sadd.s32 @!p1 s5, s6  }
0x2cd: {  	s2 =	sshra.s32 @!p1 s2, $0x1F;
	s5 =	smul.u32 @!p1 $0x120, s5  }
0x2ce: {  	s2 =	sand.u32 @!p1 $0x30, s2  }
0x2cf: {  	s2 =	sadd.s32 @!p1 s2, s5  }
0x2d0: {  	s5 =	sshll.u32 @!p1 s2, $0x4  }
0x2d1: {  	s11 =	rddreg [dreg:$0x5];
	s5 =	sand.u32 @!p1 $0x1FFFFF00, s5  }
0x2d2: {  	s7 =	simm.s32 @!p1 $0xA900;
	s6 =	simm.s32 @!p1 $0x0;
	s5 =	sadd.s32 @!p1 s11, s5  }
0x2d3: {  	[tilespmem:s7], [sflag:$0x7] =	stream.linear.gather @!p1 [hbm4b:s5+s6], $0x1800, $0x38;
	[tilespmem:$0x1F300] =	vst v63  }
0x2d4: {  	s15 =	simm.s32 $0x0;
	s2 =	sshll.u32 @!p1 s2, $0x7;
	s5 =	simm.s32 @!p1 $0x7  }
0x2d5: {  	s18 =	smul.u32 $0xAB, s15;
	s7 =	sadd.s32 @!p1 $0x3000, s2;
	_ =	swait.ge @!p1 [sflag:s5], $0x1800  }
0x2d6: {  	s10 =	simm.s32 @!p1 $0xC100;
	s7 =	sshrl.u32 @!p1 s7, $0x3;
	[sflag:s5] =	ssyncset.done @!p1 $0x0  }
0x2d7: {  	s2 =	sadd.s32 @!p1 $0x6000, s2;
	s7 =	sadd.s32 @!p1 s11, s7;
	[sflag:s5] =	ssyncadd.s32 @!p1 $0xFFFFE800  }
0x2d8: {  	[tilespmem:s10], [sflag:$0x7] =	stream.linear.gather @!p1 [hbm4b:s7+s6], $0x1800, $0x38;
	[tilespmem:$0x1F300] =	vst v63  }
0x2d9: {  	s2 =	sshrl.u32 @!p1 s2, $0x3;
	s10 =	smul.u32 $0xAB, s15;
	_ =	swait.ge @!p1 [sflag:s5], $0x1800  }
0x2da: {  	s25 =	smul.u32 $0xC, s3;
	s2 =	sadd.s32 @!p1 s11, s2;
	[sflag:s5] =	ssyncset.done @!p1 $0x0  }
0x2db: {  	s7 =	simm.s32 @!p1 $0xD900;
	s22 =	sshrl.u32 s10, $0xA;
	[sflag:s5] =	ssyncadd.s32 @!p1 $0xFFFFE800  }
0x2dc: {  	[tilespmem:s7], [sflag:$0x7] =	stream.linear.gather @!p1 [hbm4b:s2+s6], $0x1800, $0x38;
	[tilespmem:$0x1F300] =	vst v63  }
0x2dd: {  	s3 =	smul.u32 $0x6, s22;
	s2 =	sshrl.u32 s18, $0x9  }
0x2de: {  	s2 =	sand.u32 $0x7F, s2  }
0x2df: {  	s3 =	ssub.s32 $0x0, s3;
	s2 =	sadd.s32 s2, s25  }
0x2e0: {  	_ =	swait.ge @!p1 [sflag:s5], $0x1800;
	s3 =	sshll.u32 s3, $0x4;
	s2 =	sshll.u32 s2, $0x7  }
0x2e1: {  	[sflag:s5] =	ssyncset.done @!p1 $0x0;
	s3 =	sand.u32 $0xF0, s3;
	s28 =	sadd.s32 $0xC100, s2  }
0x2e2: {  	[sflag:s5] =	ssyncadd.s32 @!p1 $0xFFFFE800;
	s16 =	sadd.s32 $0xD900, s2;
	s11 =	sor.u32 s3, s28  }
0x2e3: {  	s17 =	sadd.s32 $0xA900, s2;
	s18 =	sor.u32 s3, s16;
	v8 =	vld [tilespmem:s11+$0x0]  }
0x2e4: {  	s3 =	sor.u32 s3, s17;
	v9 =	vld [tilespmem:s18+$0x0]  }
0x2e5: {  	v10 =	vld [tilespmem:s3+$0x0];
	_ =	sdelay $0x2  }
0x2e6: {  	v11 =	vtrunc.f32 v8  }
0x2e7: {  	v12 =	vtrunc.f32 v9;
	v11 =	vcvt.f32.s32 v11  }
0x2e8: {  	v13 =	vtrunc.f32 v10;
	v12 =	vcvt.f32.s32 v12  }
0x2e9: {  	v13 =	vcvt.f32.s32 v13;
	vm0 =	vlt.s32 v11, $0x5E  }
0x2ea: {  	vm12 =	vlt.s32 v12, $0x5E;
	v11 =	vnsel vm0, $0x5E, v11  }
0x2eb: {  	vm1 =	vlt.s32 v13, $0x5E;
	v12 =	vnsel vm12, $0x5E, v12;
	v14 =	vcvt.s32.f32 v11  }
0x2ec: {  	v13 =	vnsel vm1, $0x5E, v13;
	v15 =	vcvt.s32.f32 v12  }
0x2ed: {  	v16 =	vcvt.s32.f32 v13;
	v13 =	vmul.u32 $0x2400, v13;
	v8 =	vsub.f32 v8, v14  }
0x2ee: {  	v11 =	vmul.u32 $0x60, v11;
	v9 =	vsub.f32 v9, v15  }
0x2ef: {  	v13 =	vadd.s32 v1, v13;
	v10 =	vsub.f32 v10, v16;
	v14 =	vsub.f32 $1.000000000e+00, v8  }
0x2f0: {  	v11 =	vadd.s32 v11, v13;
	v15 =	vsub.f32 $1.000000000e+00, v9;
	v13 =	vmul.f32 v9, v8  }
0x2f1: {  	s2 =	simm.s32 $0xF590;
	v11 =	vadd.s32 v12, v11;
	v12 =	vsub.f32 $1.000000000e+00, v10;
	v9 =	vmul.f32 v9, v14  }
0x2f2: {  	[tilespmem:s2+$0xFFFFFB70] =	vst v11;
	v11 =	vadd.s32 $0x2400, v11;
	v16 =	vmul.f32 v13, v10  }
0x2f3: {  	s6 =	sadd.s32 $0xAB, s10;
	s3 =	simm.s32 $0x11500;
	v8 =	vmul.f32 v15, v8;
	[tilespmem:s2+$0xFFFFFFF0] =	vst v11;
	v11 =	vmul.f32 v9, v12  }
0x2f4: {  	s6 =	sshrl.u32 s6, $0xA;
	v14 =	vmul.f32 v15, v14;
	v9 =	vmul.f32 v9, v10;
	[tilespmem:s3+$0xD80] =	vst v16  }
0x2f5: {  	s6 =	smul.u32 $0x6, s6;
	v15 =	vmul.f32 v8, v10;
	[tilespmem:s3+$0xFFFFF280] =	vst v11  }
0x2f6: {  	v10 =	vmul.f32 v14, v10;
	[tilespmem:s3+$0x480] =	vst v9  }
0x2f7: {  	s6 =	ssub.s32 $0x0, s6;
	v8 =	vmul.f32 v8, v12;
	[tilespmem:s3+$0x900] =	vst v15  }
0x2f8: {  	s6 =	sshll.u32 s6, $0x4;
	v11 =	vmul.f32 v14, v12;
	[tilespmem:s3+$0x0] =	vst v10  }
0x2f9: {  	s6 =	sadd.s32 $0x10, s6;
	v9 =	vmul.f32 v13, v12;
	[tilespmem:s3+$0xFFFFF700] =	vst v8  }
0x2fa: {  	s6 =	sand.u32 $0xF0, s6;
	[tilespmem:s3+$0xFFFFEE00] =	vst v11  }
0x2fb: {  	s22 =	sadd.s32 s6, s28;
	[tilespmem:s3+$0xFFFFFB80] =	vst v9  }
0x2fc: {  	s28 =	sadd.s32 s6, s16;
	v11 =	vld [tilespmem:s22+$0x0]  }
0x2fd: {  	s5 =	sor.u32 s6, s17;
	v9 =	vld [tilespmem:s28+$0x0]  }
0x2fe: {  	v8 =	vld [tilespmem:s5+$0x0];
	_ =	sdelay $0x2  }
0x2ff: {  	v10 =	vtrunc.f32 v11  }
0x300: {  	v12 =	vtrunc.f32 v9;
	v10 =	vcvt.f32.s32 v10  }
0x301: {  	v13 =	vtrunc.f32 v8;
	v12 =	vcvt.f32.s32 v12  }
0x302: {  	v13 =	vcvt.f32.s32 v13;
	vm13 =	vlt.s32 v10, $0x5E  }
0x303: {  	vm14 =	vlt.s32 v12, $0x5E;
	v15 =	vnsel vm13, $0x5E, v10  }
0x304: {  	vm15 =	vlt.s32 v13, $0x5E;
	v10 =	vnsel vm14, $0x5E, v12;
	v16 =	vcvt.s32.f32 v15  }
0x305: {  	v17 =	vnsel vm15, $0x5E, v13;
	v14 =	vcvt.s32.f32 v10;
	v12 =	vmul.u32 $0x60, v15  }
0x306: {  	s10 =	simm.s32 $0xF590;
	s11 =	simm.s32 $0x1;
	s5 =	simm.s32 $0x11500;
	v13 =	vcvt.s32.f32 v17;
	v15 =	vmul.u32 $0x2400, v17;
	v11 =	vsub.f32 v11, v16  }
.LBB2_28:
0x307: {  	v9 =	vsub.f32 v9, v14;
	s15 =	sadd.s32 $0x2, s15;
	s2 =	sadd.s32 $0x20, s2;
	s3 =	sadd.s32 $0x20, s3  }
0x308: {  	p1 =	sne.s32 s11, $0x23;
	s6 =	smov.u32 s11;
	s11 =	sadd.s32 $0x1, s11;
	v8 =	vsub.f32 v8, v13;
	v13 =	vadd.s32 v1, v15  }
0x309: {  	v14 =	vsub.f32 $1.000000000e+00, v11;
	v15 =	vsub.f32 $1.000000000e+00, v9;
	v12 =	vadd.s32 v12, v13  }
0x30a: {  	v10 =	vadd.s32 v10, v12;
	v12 =	vmul.f32 v9, v11  }
0x30b: {  	v13 =	vsub.f32 $1.000000000e+00, v8;
	v9 =	vmul.f32 v9, v14;
	[tilespmem:s10+$0xFFFFFB80] =	vst v10;
	v16 =	vmul.f32 v15, v14  }
0x30c: {  	v10 =	vadd.s32 $0x2400, v10;
	v11 =	vmul.f32 v15, v11;
	v14 =	vmul.f32 v12, v8  }
0x30d: {  	s7 =	smul.u32 $0xAB, s15;
	[tilespmem:s10+$0x0] =	vst v10;
	v10 =	vmul.f32 v16, v13;
	v15 =	vmul.f32 v16, v8;
	s10 =	smov.u32 s2  }
0x30e: {  	s6 =	smul.u32 $0xAB, s6;
	v16 =	vmul.f32 v9, v13;
	v17 =	vmul.f32 v11, v8;
	[tilespmem:s5+$0xD90] =	vst v14  }
0x30f: {  	s16 =	sshrl.u32 s7, $0xA;
	s7 =	sadd.s32 $0xAB, s7;
	v8 =	vmul.f32 v9, v8;
	v9 =	vmul.f32 v11, v13;
	[tilespmem:s5+$0xFFFFEE10] =	vst v10  }
0x310: {  	s6 =	sshrl.u32 s6, $0x9;
	s16 =	smul.u32 $0x6, s16;
	s7 =	sshrl.u32 s7, $0xA;
	v10 =	vmul.f32 v12, v13;
	[tilespmem:s5+$0x910] =	vst v17  }
0x311: {  	s6 =	sand.u32 $0x7F, s6;
	s7 =	smul.u32 $0x6, s7;
	[tilespmem:s5+$0x490] =	vst v8  }
0x312: {  	s6 =	sadd.s32 s6, s25;
	s16 =	ssub.s32 s15, s16;
	[tilespmem:s5+$0xFFFFF710] =	vst v9  }
0x313: {  	s6 =	sshll.u32 s6, $0x7;
	s16 =	sshll.u32 s16, $0x4;
	s7 =	ssub.s32 s15, s7;
	[tilespmem:s5+$0xFFFFF290] =	vst v16  }
0x314: {  	s17 =	sadd.s32 $0xA900, s6;
	s18 =	sadd.s32 $0xC100, s6;
	s16 =	sand.u32 $0xF0, s16;
	[tilespmem:s5+$0xFFFFFB90] =	vst v10  }
0x315: {  	s6 =	sadd.s32 $0xD900, s6;
	s22 =	sor.u32 s16, s17;
	s28 =	sor.u32 s16, s18;
	[tilespmem:s5+$0x10] =	vst v15  }
0x316: {  	s7 =	sshll.u32 s7, $0x4;
	s16 =	sor.u32 s16, s6;
	s5 =	smov.u32 s3;
	v8 =	vld [tilespmem:s28+$0x0]  }
0x317: {  	s7 =	sadd.s32 $0x10, s7;
	v9 =	vld [tilespmem:s16+$0x0]  }
0x318: {  	s7 =	sand.u32 $0xF0, s7;
	v10 =	vld [tilespmem:s22+$0x0]  }
0x319: {  	s18 =	sadd.s32 s7, s18;
	s16 =	sor.u32 s7, s17;
	s17 =	sadd.s32 s7, s6  }
0x31a: {  	_ = 	snop  }
0x31b: {  	v11 =	vtrunc.f32 v8  }
0x31c: {  	v11 =	vcvt.f32.s32 v11;
	v12 =	vtrunc.f32 v9  }
0x31d: {  	v13 =	vtrunc.f32 v10;
	v12 =	vcvt.f32.s32 v12  }
0x31e: {  	v13 =	vcvt.f32.s32 v13;
	vm0 =	vlt.s32 v11, $0x5E  }
0x31f: {  	v11 =	vnsel vm0, $0x5E, v11;
	vm0 =	vlt.s32 v12, $0x5E  }
0x320: {  	vm1 =	vlt.s32 v13, $0x5E;
	v12 =	vnsel vm0, $0x5E, v12;
	v14 =	vcvt.s32.f32 v11  }
0x321: {  	v13 =	vnsel vm1, $0x5E, v13;
	v15 =	vcvt.s32.f32 v12  }
0x322: {  	v16 =	vcvt.s32.f32 v13;
	v8 =	vsub.f32 v8, v14;
	v13 =	vmul.u32 $0x2400, v13  }
0x323: {  	v11 =	vmul.u32 $0x60, v11;
	v9 =	vsub.f32 v9, v15  }
0x324: {  	v14 =	vsub.f32 $1.000000000e+00, v8;
	v13 =	vadd.s32 v1, v13  }
0x325: {  	v10 =	vsub.f32 v10, v16;
	v15 =	vsub.f32 $1.000000000e+00, v9;
	v11 =	vadd.s32 v11, v13  }
0x326: {  	v11 =	vadd.s32 v12, v11;
	v12 =	vmul.f32 v9, v14;
	v9 =	vmul.f32 v9, v8  }
0x327: {  	v13 =	vsub.f32 $1.000000000e+00, v10;
	[tilespmem:s2+$0xFFFFFB70] =	vst v11;
	v14 =	vmul.f32 v15, v14;
	v8 =	vmul.f32 v15, v8  }
0x328: {  	v11 =	vadd.s32 $0x2400, v11;
	v15 =	vmul.f32 v12, v10;
	v16 =	vmul.f32 v9, v10  }
0x329: {  	v12 =	vmul.f32 v12, v13;
	[tilespmem:s2+$0xFFFFFFF0] =	vst v11;
	v11 =	vmul.f32 v14, v13  }
0x32a: {  	v17 =	vmul.f32 v8, v13;
	v8 =	vmul.f32 v8, v10;
	[tilespmem:s3+$0xD80] =	vst v16  }
0x32b: {  	v9 =	vmul.f32 v9, v13;
	v10 =	vmul.f32 v14, v10;
	[tilespmem:s3+$0xFFFFF280] =	vst v12  }
0x32c: {  	[tilespmem:s3+$0x480] =	vst v15  }
0x32d: {  	[tilespmem:s3+$0x900] =	vst v8  }
0x32e: {  	[tilespmem:s3+$0xFFFFEE00] =	vst v11  }
0x32f: {  	[tilespmem:s3+$0xFFFFFB80] =	vst v9  }
0x330: {  	[tilespmem:s3+$0x0] =	vst v10  }
0x331: {  	[tilespmem:s3+$0xFFFFF700] =	vst v17  }
0x332: {  	v11 =	vld [tilespmem:s18+$0x0]  }
0x333: {  	v9 =	vld [tilespmem:s17+$0x0]  }
0x334: {  	v8 =	vld [tilespmem:s16+$0x0];
	_ =	sdelay $0x2  }
0x335: {  	v10 =	vtrunc.f32 v11  }
0x336: {  	v10 =	vcvt.f32.s32 v10;
	v12 =	vtrunc.f32 v9  }
0x337: {  	v13 =	vtrunc.f32 v8;
	v12 =	vcvt.f32.s32 v12  }
.Ltmp13:
0x338: {  	v13 =	vcvt.f32.s32 v13;
	vm0 =	vlt.s32 v10, $0x5E;
	(pc) =	sbr.rel @p1 .LBB2_28-.Ltmp13, $4  }
0x339: {  	v15 =	vnsel vm0, $0x5E, v10;
	vm0 =	vlt.s32 v12, $0x5E  }
0x33a: {  	vm1 =	vlt.s32 v13, $0x5E;
	v10 =	vnsel vm0, $0x5E, v12;
	v16 =	vcvt.s32.f32 v15  }
0x33b: {  	v12 =	vmul.u32 $0x60, v15;
	v17 =	vnsel vm1, $0x5E, v13;
	v14 =	vcvt.s32.f32 v10  }
0x33c: {  	v13 =	vcvt.s32.f32 v17;
	v11 =	vsub.f32 v11, v16;
	v15 =	vmul.u32 $0x2400, v17  }
0x33d: {  	v9 =	vsub.f32 v9, v14  }
0x33e: {  	v53 =	vadd.s32 v1, v15;
	v54 =	vsub.f32 $1.000000000e+00, v11  }
0x33f: {  	v8 =	vsub.f32 v8, v13;
	v12 =	vadd.s32 v12, v53;
	v56 =	vmul.f32 v9, v11  }
0x340: {  	v55 =	vsub.f32 $1.000000000e+00, v9;
	v10 =	vadd.s32 v10, v12;
	v9 =	vmul.f32 v9, v54  }
0x341: {  	v57 =	vsub.f32 $1.000000000e+00, v8;
	[tilespmem:s10+$0xFFFFFB80] =	vst v10;
	v10 =	vadd.s32 $0x2400, v10;
	v59 =	vmul.f32 v56, v8  }
0x342: {  	[tilespmem:s10+$0x0] =	vst v10;
	v62 =	vmul.f32 v9, v8  }
0x343: {  	v16 =	vmul.f32 v55, v54;
	v9 =	vmul.f32 v9, v57;
	[tilespmem:s5+$0xD90] =	vst v59  }
0x344: {  	v58 =	vmul.f32 v55, v11;
	v63 =	vmul.f32 v56, v57;
	[tilespmem:s5+$0x490] =	vst v62  }
0x345: {  	v60 =	vmul.f32 v16, v57;
	[tilespmem:s5+$0xFFFFF290] =	vst v9  }
0x346: {  	v61 =	vmul.f32 v58, v8;
	[tilespmem:s5+$0xFFFFFB90] =	vst v63  }
0x347: {  	v11 =	vmul.f32 v58, v57;
	[tilespmem:s5+$0xFFFFEE10] =	vst v60  }
0x348: {  	v8 =	vmul.f32 v16, v8;
	[tilespmem:s5+$0x910] =	vst v61  }
0x349: {  	[tilespmem:s5+$0xFFFFF710] =	vst v11  }
0x34a: {  	s2 =	simm.s32 $0x480;
	s3 =	simm.s32 $0xF100;
	[tilespmem:s5+$0x10] =	vst v8  }
0x34b: {  	[tilespmem:s30], [sflag:$0x1] =	stream.indirect.gather [hbm4b:s9+s2], $0x8, s3, s2, $0xb8;
	[tilespmem:$0x1F300] =	vst v63  }
0x34c: {  	s28 =	simm.s32 $0xF580  }
0x34d: {  	[tilespmem:s1], [sflag:$0x1] =	stream.indirect.gather [hbm4b:s9+s2], $0x8, s28, s2, $0xb8;
	[tilespmem:$0x1F300] =	vst v63  }
.LBB2_30:
0x34e: {  	_ =	swait.ge [sflag:s14], $0x2400  }
0x34f: {  	[sflag:s14] =	ssyncset.done $0x0  }
0x350: {  	[sflag:s14] =	ssyncadd.s32 $0xFFFFDC00  }
0x351: {  	_ =	swait.ge [sflag:s14], $0x2400  }
0x352: {  	[sflag:s14] =	ssyncset.done $0x0  }
0x353: {  	s2 =	simm.s32 @!p0 $0x6;
	[sflag:s14] =	ssyncadd.s32 $0xFFFFDC00  }
0x354: {  	_ =	swait.ge @!p0 [sflag:s2], $0xC00  }
0x355: {  	s3 =	simm.s32 $0x0;
	s5 =	simm.s32 $0x0;
	[sflag:s2] =	ssyncset.done @!p0 $0x0  }
0x356: {  	s10 =	simm.s32 $0x0;
	[sflag:s2] =	ssyncadd.s32 @!p0 $0xFFFFF400;
	s2 =	simm.s32 $0x14690  }
.LBB2_31:
0x357: {  	v11 =	vld [tilespmem:s2+$0xFFFFE070]  }
0x358: {  	v8 =	vmov s5;
	v16 =	vld [tilespmem:s2+$0xFFFFE4F0]  }
0x359: {  	v21 =	vld [tilespmem:s2+$0xFFFFE970];
	v8 =	vshll.u32 v8, $0x3  }
0x35a: {  	v25 =	vld [tilespmem:s2+$0xFFFFEDF0];
	v8 =	vor.u32 v7, v8  }
0x35b: {  	v28 =	vld [tilespmem:s2+$0xFFFFF270];
	v9 =	vor.u32 $0x1, v8  }
0x35c: {  	v48 =	vld [tilespmem:s2+$0xFFFFF6F0];
	v10 =	vor.u32 $0x2, v8  }
0x35d: {  	v51 =	vld [tilespmem:s2+$0xFFFFFB70];
	v12 =	vor.u32 $0x3, v8  }
0x35e: {  	v54 =	vld [tilespmem:s2+$0xFFFFFFF0];
	v15 =	vor.u32 $0x4, v8  }
0x35f: {  	v17 =	vor.u32 $0x5, v8;
	v13 =	vld.idx.msk [tilespmem:v8+s24+$0x0], $0xffff  }
0x360: {  	v20 =	vor.u32 $0x6, v8;
	v14 =	vld.idx.msk [tilespmem:v9+s24+$0x0], $0xffff  }
0x361: {  	v22 =	vor.u32 $0x7, v8;
	v18 =	vld.idx.msk [tilespmem:v10+s24+$0x0], $0xffff  }
0x362: {  	v19 =	vld.idx.msk [tilespmem:v12+s24+$0x0], $0xffff  }
0x363: {  	v23 =	vld.idx.msk [tilespmem:v15+s24+$0x0], $0xffff  }
0x364: {  	v24 =	vld.idx.msk [tilespmem:v17+s24+$0x0], $0xffff;
	v13 =	vmul.f32 v13, v11  }
0x365: {  	v26 =	vld.idx.msk [tilespmem:v20+s24+$0x0], $0xffff;
	v11 =	vmul.f32 v14, v11  }
0x366: {  	v27 =	vld.idx.msk [tilespmem:v22+s24+$0x0], $0xffff;
	v47 =	vmul.f32 v18, v16;
	v13 =	vadd.f32 $0.0e+00, v13  }
0x367: {  	v8 =	vld.idx.msk [tilespmem:v8+s26+$0x0], $0xffff;
	v16 =	vmul.f32 v19, v16;
	v11 =	vadd.f32 $0.0e+00, v11  }
0x368: {  	v9 =	vld.idx.msk [tilespmem:v9+s26+$0x0], $0xffff;
	v49 =	vmul.f32 v23, v21;
	v13 =	vadd.f32 v47, v13  }
0x369: {  	v10 =	vld.idx.msk [tilespmem:v10+s26+$0x0], $0xffff;
	v50 =	vmul.f32 v24, v21;
	v11 =	vadd.f32 v16, v11  }
0x36a: {  	v12 =	vld.idx.msk [tilespmem:v12+s26+$0x0], $0xffff;
	v52 =	vmul.f32 v26, v25;
	v13 =	vadd.f32 v49, v13  }
0x36b: {  	v15 =	vld.idx.msk [tilespmem:v15+s26+$0x0], $0xffff;
	v53 =	vmul.f32 v27, v25;
	v11 =	vadd.f32 v50, v11  }
0x36c: {  	v17 =	vld.idx.msk [tilespmem:v17+s26+$0x0], $0xffff;
	v8 =	vmul.f32 v8, v28;
	v13 =	vadd.f32 v52, v13  }
0x36d: {  	s11 =	smul.u32 $0xAB, s3;
	v55 =	vld.idx.msk [tilespmem:v20+s26+$0x0], $0xffff;
	v9 =	vmul.f32 v9, v28;
	v11 =	vadd.f32 v53, v11  }
0x36e: {  	v56 =	vld.idx.msk [tilespmem:v22+s26+$0x0], $0xffff;
	v10 =	vmul.f32 v10, v48;
	v8 =	vadd.f32 v8, v13  }
0x36f: {  	s6 =	smul.u32 $0xAB, s10;
	s7 =	sshrl.u32 s11, $0xA;
	v57 =	vmul.f32 v12, v48;
	v9 =	vadd.f32 v9, v11  }
0x370: {  	s7 =	smul.u32 $0x6, s7;
	v58 =	vmul.f32 v15, v51;
	v8 =	vadd.f32 v10, v8  }
0x371: {  	s15 =	sadd.s32 $0x10, s5;
	v59 =	vmul.f32 v17, v51;
	v9 =	vadd.f32 v57, v9  }
0x372: {  	v60 =	vmov s15;
	s6 =	sshrl.u32 s6, $0x1;
	s7 =	ssub.s32 s3, s7;
	v61 =	vmul.f32 v55, v54;
	v8 =	vadd.f32 v58, v8  }
0x373: {  	s6 =	sand.u32 $0x7F00, s6;
	s7 =	sshll.u32 s7, $0x4;
	v62 =	vmul.f32 v56, v54;
	v12 =	vshll.u32 v60, $0x3;
	v9 =	vadd.f32 v59, v9  }
0x374: {  	s25 =	sadd.s32 $0x1DB00, s6;
	s7 =	sand.u32 $0xF0, s7;
	v63 =	vor.u32 v7, v12;
	v8 =	vadd.f32 v61, v8  }
0x375: {  	s6 =	sor.u32 s7, s25;
	v32 =	vor.u32 $0x1, v63;
	v9 =	vadd.f32 v62, v9  }
0x376: {  	[tilespmem:s6+$0xC00] =	vst v8  }
0x377: {  	v12 =	vor.u32 $0x3, v63;
	[tilespmem:s6+$0xC80] =	vst v9  }
0x378: {  	v9 =	vld [tilespmem:s2+$0xFFFFE080]  }
0x379: {  	v35 =	vor.u32 $0x4, v63;
	v33 =	vld.idx.msk [tilespmem:v63+s24+$0x0], $0xffff  }
0x37a: {  	v37 =	vor.u32 $0x5, v63;
	v34 =	vld.idx.msk [tilespmem:v32+s24+$0x0], $0xffff  }
0x37b: {  	v36 =	vld [tilespmem:s2+$0xFFFFE500]  }
0x37c: {  	v40 =	vor.u32 $0x6, v63;
	v39 =	vld.idx.msk [tilespmem:v12+s24+$0x0], $0xffff  }
0x37d: {  	v42 =	vor.u32 $0x7, v63;
	v41 =	vld [tilespmem:s2+$0xFFFFE980]  }
0x37e: {  	v8 =	vor.u32 $0x2, v63;
	v43 =	vld.idx.msk [tilespmem:v35+s24+$0x0], $0xffff  }
0x37f: {  	v44 =	vld.idx.msk [tilespmem:v37+s24+$0x0], $0xffff  }
0x380: {  	v45 =	vld [tilespmem:s2+$0xFFFFEE00]  }
0x381: {  	v46 =	vld.idx.msk [tilespmem:v40+s24+$0x0], $0xffff  }
0x382: {  	v47 =	vld.idx.msk [tilespmem:v42+s24+$0x0], $0xffff  }
0x383: {  	v38 =	vld.idx.msk [tilespmem:v8+s24+$0x0], $0xffff  }
0x384: {  	v48 =	vld [tilespmem:s2+$0xFFFFF280]  }
0x385: {  	v10 =	vld.idx.msk [tilespmem:v63+s26+$0x0], $0xffff;
	v13 =	vmul.f32 v33, v9;
	v9 =	vmul.f32 v34, v9  }
0x386: {  	v11 =	vld.idx.msk [tilespmem:v32+s26+$0x0], $0xffff  }
0x387: {  	v50 =	vld [tilespmem:s2+$0xFFFFF700];
	v16 =	vmul.f32 v39, v36;
	v9 =	vadd.f32 $0.0e+00, v9  }
0x388: {  	v12 =	vld.idx.msk [tilespmem:v12+s26+$0x0], $0xffff;
	v13 =	vadd.f32 $0.0e+00, v13;
	v49 =	vmul.f32 v38, v36  }
0x389: {  	v53 =	vld [tilespmem:s2+$0xFFFFFB80];
	v52 =	vmul.f32 v44, v41;
	v9 =	vadd.f32 v16, v9  }
0x38a: {  	v15 =	vld.idx.msk [tilespmem:v35+s26+$0x0], $0xffff;
	v51 =	vmul.f32 v43, v41;
	v13 =	vadd.f32 v49, v13  }
0x38b: {  	v8 =	vld.idx.msk [tilespmem:v8+s26+$0x0], $0xffff;
	v55 =	vmul.f32 v47, v45;
	v9 =	vadd.f32 v52, v9  }
0x38c: {  	v17 =	vld.idx.msk [tilespmem:v37+s26+$0x0], $0xffff;
	v54 =	vmul.f32 v46, v45;
	v13 =	vadd.f32 v51, v13  }
0x38d: {  	v56 =	vld [tilespmem:s2+$0x0];
	v11 =	vmul.f32 v11, v48;
	v9 =	vadd.f32 v55, v9  }
0x38e: {  	s28 =	sadd.s32 $0xAB, s11;
	v58 =	vld.idx.msk [tilespmem:v42+s26+$0x0], $0xffff;
	v10 =	vmul.f32 v10, v48;
	v13 =	vadd.f32 v54, v13  }
0x38f: {  	s6 =	sshrl.u32 s28, $0xA;
	v57 =	vld.idx.msk [tilespmem:v40+s26+$0x0], $0xffff;
	v59 =	vmul.f32 v12, v50;
	v9 =	vadd.f32 v11, v9  }
0x390: {  	s6 =	smul.u32 $0x6, s6;
	v8 =	vmul.f32 v8, v50;
	v10 =	vadd.f32 v10, v13  }
0x391: {  	v61 =	vmul.f32 v17, v53;
	v9 =	vadd.f32 v59, v9  }
0x392: {  	s6 =	ssub.s32 s3, s6;
	v60 =	vmul.f32 v15, v53;
	v8 =	vadd.f32 v8, v10  }
0x393: {  	p0 =	sne.s32 s10, $0x23;
	s6 =	sshll.u32 s6, $0x4;
	v63 =	vmul.f32 v58, v56;
	v9 =	vadd.f32 v61, v9  }
.Ltmp14:
0x394: {  	s6 =	sadd.s32 $0x10, s6;
	v62 =	vmul.f32 v57, v56;
	v8 =	vadd.f32 v60, v8;
	(pc) =	sbr.rel @p0 .LBB2_31-.Ltmp14, $4  }
0x395: {  	s6 =	sand.u32 $0xF0, s6;
	v9 =	vadd.f32 v63, v9  }
0x396: {  	s6 =	sor.u32 s6, s25;
	v8 =	vadd.f32 v62, v8  }
0x397: {  	s5 =	sadd.s32 $0x20, s5;
	[tilespmem:s6+$0xC80] =	vst v9  }
0x398: {  	s10 =	sadd.s32 $0x1, s10;
	s2 =	sadd.s32 $0x20, s2;
	s3 =	sadd.s32 $0x2, s3;
	[tilespmem:s6+$0xC00] =	vst v8  }
0x399: {  	s0 =	sand.u32 $0x7, s0  }
0x39a: {  	s31 =	sadd.s32 $0x1, s31;
	s0 =	smul.u32 $0xC, s0  }
0x39b: {  	p0 =	sne.s32 s31, $0x18  }
.Ltmp15:
0x39c: {  	s0 =	sadd.s32 s0, s13;
	(pc) =	sbr.rel @p0 .LBB2_22-.Ltmp15, $4  }
0x39d: {  	s0 =	sshll.u32 s0, $0x5  }
0x39e: {  	s0 =	sand.u32 $0x1FFFFF80, s0  }
0x39f: {  	s2 =	simm.s32 $0x1E700;
	s0 =	sadd.s32 s8, s0  }
0x3a0: {  	[hbm4b:s0+s4] =	stream.linear.scatter [tilespmem:s2], [sflag:$0x6], $0xC00, $0x38;
	[tilespmem:$0x1F300] =	vst v63  }
0x3a1: {  	s0 =	simm.s32 $0x5  }
0x3a2: {  	_ =	swait.ge [sflag:s0], $0xC00  }
0x3a3: {  	[sflag:s0] =	ssyncset.done $0x0  }
0x3a4: {  	s2 =	simm.s32 $0x6;
	[sflag:s0] =	ssyncadd.s32 $0xFFFFF400  }
0x3a5: {  	_ =	swait.ge [sflag:s2], $0xC00  }
0x3a6: {  	s3 =	rddreg [dreg:$0x10]  }
0x3a7: {  	s31 =	rddreg [dreg:$0xc]  }
0x3a8: {  	s7 =	rddreg [dreg:$0x3]  }
0x3a9: {  	s16 =	rddreg [dreg:$0x4];
	s3 =	sadd.s32 $0x1, s3  }
0x3aa: {  	s17 =	rddreg [dreg:$0x7];
	p0 =	sne.s32 s3, s31  }
.Ltmp16:
0x3ab: {  	s18 =	rddreg [dreg:$0x8];
	(pc) =	sbr.rel @p0 .LBB2_1-.Ltmp16, $4  }
0x3ac: {  	s22 =	rddreg [dreg:$0xd]  }
0x3ad: {  	[sflag:s2] =	ssyncset.done $0x0;
	s25 =	rddreg [dreg:$0xe]  }
0x3ae: {  	s28 =	rddreg [dreg:$0xf];
	[sflag:s2] =	ssyncadd.s32 $0xFFFFF400  }
0x3af: {  	s29 =	simm.s32 $0x3;
	s6 =	rddreg [dreg:$0x0]  }
0x3b0: {  	_ =	sfence.sel $0x180000  }
0x3b1: {  	[bflag:$0x0] =	sbarrier.arrive $0xFFFF  }
0x3b2: {  	_ =	strace $0x90000047  }
0x3b3: {  	s0 =	stileid.u32;
	[bflag:$0x2] =	sbarrier.arrive $0xFFFF  }
0x3b4: {  	p0 =	sne.s32 s0, $0x0;
	s0 =	rddreg [dreg:$0x2]  }
0x3b5: {  	s0 =	sadd.s32 @!p0 $0x100000, s0  }
0x3b6: {  	[sflag:s0] =	ssyncadd.tile.s32 @!p0 $0x1;
	_ =	shalt  }
.Lfunc_end2:
_tile_overlayer_lowered:
.L_overlay_start_2:
0x3b7: {  	(tag) =	ssettag $0x2  }
0x3b8: {  	s0 =	rddreg [dreg:$0x0];
	s2 =	stileid.u32  }
0x3b9: {  	s1 =	rddreg [dreg:$0x1];
	p0 =	sne.s32 s2, $0x0  }
0x3ba: {  	s3 =	rddreg [dreg:$0x2];
	[bflag:$0x3] =	sbarrier.arrive $0xFFFF;
	s2 =	simm.s32 @!p0 $0x1C07  }
0x3bb: {  	[timem:s3], [sflag:s2] =	dma.local @!p0 [hbm:s0], s1  }
0x3bc: {  	s0 =	simm.s32 @!p0 $0x7  }
0x3bd: {  	_ =	swait.ge @!p0 [sflag:s0], s1  }
0x3be: {  	s1 =	ssub.s32 @!p0 $0x0, s1;
	[sflag:s0] =	ssyncset.done @!p0 $0x0  }
0x3bf: {  	[sflag:s0] =	ssyncadd.s32 @!p0 s1  }
0x3c0: {  	[bflag:$0x3] =	sbarrier.arrive $0xFFFF  }
0x3c1: {  	_ =	shalt  }

</sc_bundles>
